<compile_context>
chip_gen: v7x
topology: tpu7x:2x2x1
jax: 0.10.2.dev20260603
libtpu: 0.0.44.dev20260713+nightly
codegen_flags: <defaults>
</compile_context>

<pallas_src>
import jax
import jax.numpy as jnp
from jax import lax
from jax.experimental import pallas as pl
from jax.experimental.pallas import tpu as pltpu
from jax.experimental.pallas import tpu_sc as plsc

_NUM_ITEM = 1000000
_EMB = 32
_NEG = 4
_OUT_D = 2 * _EMB + 1

_NC = 2
_NS = 16
_NW = _NC * _NS

_DMA_ROWS = 128
_CHUNK = 512
_DPC = _CHUNK // _DMA_ROWS
_NBUF = 3


def _build_sc_call(total_rows):
    rows_per_w = total_rows // _NW
    n_chunks = rows_per_w // _CHUNK

    mesh = plsc.VectorSubcoreMesh(
        core_axis_name="c", subcore_axis_name="s",
        num_cores=_NC, num_subcores=_NS)

    def body(nu_hbm, ni_hbm, ue_hbm, ie_hbm, out_hbm, idx_u, idx_i, *bufs):
        u_v = bufs[0:_NBUF]
        i_v = bufs[_NBUF:2 * _NBUF]
        d_v = bufs[2 * _NBUF:3 * _NBUF]
        gsem = bufs[3 * _NBUF:4 * _NBUF]
        wsem = bufs[4 * _NBUF:5 * _NBUF]

        wid = lax.axis_index("s") * _NC + lax.axis_index("c")
        pltpu.sync_copy(nu_hbm.at[pl.ds(wid * rows_per_w, rows_per_w)], idx_u)
        pltpu.sync_copy(ni_hbm.at[pl.ds(wid * rows_per_w, rows_per_w)], idx_i)

        def fire(c):
            b = c % _NBUF
            cps = []
            for k in range(_DPC):
                off = c * _CHUNK + k * _DMA_ROWS
                dst = pl.ds(k * _DMA_ROWS, _DMA_ROWS)
                cps.append(pltpu.async_copy(
                    ue_hbm.at[idx_u.at[pl.ds(off, _DMA_ROWS)]],
                    u_v[b].at[dst], gsem[b]))
                cps.append(pltpu.async_copy(
                    ie_hbm.at[idx_i.at[pl.ds(off, _DMA_ROWS)]],
                    i_v[b].at[dst], gsem[b]))
            return cps

        lanes = lax.iota(jnp.int32, 16)
        zeros16 = jnp.zeros((16,), jnp.int32)

        gath = {0: fire(0), 1: fire(1)}
        writes = {}
        for c in range(n_chunks):
            b = c % _NBUF
            for g in gath.pop(c):
                g.wait()
            if c + 2 < n_chunks:
                if c - 1 >= 0:
                    for w in writes.pop(c - 1):
                        w.wait()
                gath[c + 2] = fire(c + 2)

            def grp(g, _, ub=u_v[b], ib=i_v[b], db=d_v[b]):
                rows = g * 16 + lanes
                acc = jnp.zeros((16,), jnp.float32)
                for cc in range(_EMB):
                    colv = jnp.full((16,), cc, jnp.int32)
                    acc = acc + (plsc.load_gather(ub, [rows, colv]) *
                                 plsc.load_gather(ib, [rows, colv]))
                plsc.store_scatter(db, [rows, zeros16], acc)
                return 0

            lax.fori_loop(0, _CHUNK // 16, grp, 0)

            base = wid * rows_per_w + c * _CHUNK
            rows_sl = pl.ds(base, _CHUNK)
            writes[c] = [
                pltpu.async_copy(
                    u_v[b], out_hbm.at[rows_sl, pl.ds(0, _EMB)], wsem[b]),
                pltpu.async_copy(
                    i_v[b], out_hbm.at[rows_sl, pl.ds(_EMB, _EMB)], wsem[b]),
                pltpu.async_copy(
                    d_v[b], out_hbm.at[rows_sl, pl.ds(2 * _EMB, 1)], wsem[b]),
            ]
        for c in sorted(writes):
            for w in writes[c]:
                w.wait()

    scratch = (
        [pltpu.VMEM((_CHUNK, _EMB), jnp.float32) for _ in range(_NBUF)] +
        [pltpu.VMEM((_CHUNK, _EMB), jnp.float32) for _ in range(_NBUF)] +
        [pltpu.VMEM((_CHUNK, 1), jnp.float32) for _ in range(_NBUF)] +
        [pltpu.SemaphoreType.DMA for _ in range(2 * _NBUF)]
    )

    return pl.kernel(
        body,
        out_type=jax.ShapeDtypeStruct((total_rows, _OUT_D), jnp.float32),
        mesh=mesh,
        compiler_params=pltpu.CompilerParams(
            needs_layout_passes=False, use_tc_tiling_on_sc=False),
        scratch_types=[
            pltpu.VMEM((rows_per_w,), jnp.int32),
            pltpu.VMEM((rows_per_w,), jnp.int32),
        ] + scratch,
    )


def kernel(user, item, user_emb, item_emb):
    B = user.shape[0]
    total = B * (1 + _NEG)
    neg_item = jax.random.randint(
        jax.random.key(42), (B * _NEG,), 0, _NUM_ITEM, dtype=jnp.int32)
    new_user = jnp.concatenate([user, jnp.repeat(user, _NEG)], axis=0)
    new_item = jnp.concatenate([item, neg_item], axis=0)

    call = _build_sc_call(total)
    return call(new_user, new_item, user_emb, item_emb)

# --- scband reference (transcript-rebuilt; emitter-appended) ---
"""Pipeline reference for scband-model-18391049961739 (READ-ONLY COPY).

The authoritative reference and input builder live on the scoring server;
editing this copy changes nothing except your own understanding.
"""

import jax, jax.numpy as jnp
import numpy as np

NUM_USER = 1000000
NUM_ITEM = 1000000
EMB_SIZE = 32
NEG_SIZE = 4
BATCH = 16384


def setup_inputs(seed: int = 0) -> dict:
    key = jax.random.key(seed)
    k1, k2, k3, k4 = jax.random.split(key, 4)
    user = jax.random.randint(k1, (BATCH,), 0, NUM_USER, dtype=jnp.int64 if jax.config.jax_enable_x64 else jnp.int32).astype(jnp.int32)
    item = jax.random.randint(k2, (BATCH,), 0, NUM_ITEM, dtype=jnp.int32)
    user_emb = jax.random.normal(k3, (NUM_USER, EMB_SIZE), dtype=jnp.float32)
    item_emb = jax.random.normal(k4, (NUM_ITEM, EMB_SIZE), dtype=jnp.float32)
    return {"user": user, "item": item, "user_emb": user_emb, "item_emb": item_emb}


def _neg_sample(user, item):
    # Faithful translation of Model.neg_sample: original (user,item) pairs labelled 1,
    # followed by neg_size random negatives per user labelled 0.
    # np.random.choice is replaced by a deterministic jax PRNG draw.
    B = user.shape[0]
    neg_item = jax.random.randint(jax.random.key(42), (B * NEG_SIZE,), 0, NUM_ITEM, dtype=jnp.int32)
    new_user = jnp.concatenate([user, jnp.repeat(user, NEG_SIZE)], axis=0)
    new_item = jnp.concatenate([item, neg_item], axis=0)
    labels = jnp.concatenate([jnp.ones((B,), dtype=jnp.int32), jnp.zeros((B * NEG_SIZE,), dtype=jnp.int32)], axis=0)
    return new_user, new_item, labels


def reference(user, item, user_emb, item_emb):
    new_user, new_item, labels = _neg_sample(user, item)
    user_latent = jnp.take(user_emb, new_user, axis=0)
    item_latent = jnp.take(item_emb, new_item, axis=0)
    user_item_dot = jnp.sum(user_latent * item_latent, axis=-1, keepdims=True)
    vec = jnp.concatenate([user_latent, item_latent, user_item_dot], axis=-1)
    return vec

if __name__ == "__main__":
    import jax
    _d = setup_inputs()
    print(jax.jit(kernel)(*tuple(_d.values())))

</pallas_src>

<mosaic_0001>
#map = affine_map<(d0, d1) -> (0)>
#map1 = affine_map<(d0, d1) -> (0, 0)>
module attributes {stable_mosaic.version = 14 : i64} {
  func.func @body(%arg0: i32, %arg1: i32, %arg2: memref<81920xi32, #tpu.memory_space<hbm>>, %arg3: memref<81920xi32, #tpu.memory_space<hbm>>, %arg4: memref<1000000x32xf32, #tpu.memory_space<hbm>>, %arg5: memref<1000000x32xf32, #tpu.memory_space<hbm>>, %arg6: memref<81920x65xf32, #tpu.memory_space<hbm>>, %arg7: memref<2560xi32, #tpu.memory_space<vmem>>, %arg8: memref<2560xi32, #tpu.memory_space<vmem>>, %arg9: memref<512x32xf32, #tpu.memory_space<vmem>>, %arg10: memref<512x32xf32, #tpu.memory_space<vmem>>, %arg11: memref<512x32xf32, #tpu.memory_space<vmem>>, %arg12: memref<512x32xf32, #tpu.memory_space<vmem>>, %arg13: memref<512x32xf32, #tpu.memory_space<vmem>>, %arg14: memref<512x32xf32, #tpu.memory_space<vmem>>, %arg15: memref<512x1xf32, #tpu.memory_space<vmem>>, %arg16: memref<512x1xf32, #tpu.memory_space<vmem>>, %arg17: memref<512x1xf32, #tpu.memory_space<vmem>>, %arg18: memref<!tpu.dma_semaphore, #tpu.memory_space<semaphore_mem>>, %arg19: memref<!tpu.dma_semaphore, #tpu.memory_space<semaphore_mem>>, %arg20: memref<!tpu.dma_semaphore, #tpu.memory_space<semaphore_mem>>, %arg21: memref<!tpu.dma_semaphore, #tpu.memory_space<semaphore_mem>>, %arg22: memref<!tpu.dma_semaphore, #tpu.memory_space<semaphore_mem>>, %arg23: memref<!tpu.dma_semaphore, #tpu.memory_space<semaphore_mem>>) attributes {dimension_semantics = [#tpu.dimension_semantics<core_parallel>, #tpu.dimension_semantics<subcore_parallel>], iteration_bounds = array<i64: 2, 16>, scalar_prefetch = 0 : i64, scratch_operands = 17 : i64, tpu.core_type = #tpu.core_type<sc_vector_subcore>, window_params = [{transform_indices = #map}, {transform_indices = #map}, {transform_indices = #map1}, {transform_indices = #map1}, {transform_indices = #map1}]} {
    %mul3A = arith.constant 2 : i32
    %mul3A_0 = arith.muli %arg1, %mul3A : i32
    %add3A = arith.addi %mul3A_0, %arg0 : i32
    %mul3A_1 = arith.constant 2560 : i32
    %mul3A_2 = arith.muli %add3A, %mul3A_1 : i32
    "tpu.region"() ({
      %run_scoped3A = tpu.sem_alloc : memref<!tpu.dma_semaphore, #tpu.memory_space<semaphore_mem>>
      %dma_start3A_818 = tpu.memref_slice %arg2[%mul3A_2] : memref<81920xi32, #tpu.memory_space<hbm>> -> memref<2560xi32, #tpu.memory_space<hbm>>
      %dma_start3A_819 = tpu.memref_slice %arg2[%mul3A_2] : memref<81920xi32, #tpu.memory_space<hbm>> -> memref<2560xi32, #tpu.memory_space<hbm>>
      tpu.enqueue_dma source(%dma_start3A_819 : memref<2560xi32, #tpu.memory_space<hbm>>) target(%arg7 : memref<2560xi32, #tpu.memory_space<vmem>>) target_semaphore(%run_scoped3A : memref<!tpu.dma_semaphore, #tpu.memory_space<semaphore_mem>>)
      %dma_wait3A_820 = tpu.memref_slice %arg2[%mul3A_2] : memref<81920xi32, #tpu.memory_space<hbm>> -> memref<2560xi32, #tpu.memory_space<hbm>>
      %dma_wait3A_821 = tpu.memref_slice %arg2[%mul3A_2] : memref<81920xi32, #tpu.memory_space<hbm>> -> memref<2560xi32, #tpu.memory_space<hbm>>
      tpu.wait_dma2 semaphore(%run_scoped3A : memref<!tpu.dma_semaphore, #tpu.memory_space<semaphore_mem>>) src(%dma_wait3A_821 : memref<2560xi32, #tpu.memory_space<hbm>>) dst(%arg7 : memref<2560xi32, #tpu.memory_space<vmem>>)
      tpu.yield
    }) : () -> ()
    %mul3A_3 = arith.constant 2560 : i32
    %mul3A_4 = arith.muli %add3A, %mul3A_3 : i32
    "tpu.region"() ({
      %run_scoped3A = tpu.sem_alloc : memref<!tpu.dma_semaphore, #tpu.memory_space<semaphore_mem>>
      %dma_start3A_818 = tpu.memref_slice %arg3[%mul3A_4] : memref<81920xi32, #tpu.memory_space<hbm>> -> memref<2560xi32, #tpu.memory_space<hbm>>
      %dma_start3A_819 = tpu.memref_slice %arg3[%mul3A_4] : memref<81920xi32, #tpu.memory_space<hbm>> -> memref<2560xi32, #tpu.memory_space<hbm>>
      tpu.enqueue_dma source(%dma_start3A_819 : memref<2560xi32, #tpu.memory_space<hbm>>) target(%arg8 : memref<2560xi32, #tpu.memory_space<vmem>>) target_semaphore(%run_scoped3A : memref<!tpu.dma_semaphore, #tpu.memory_space<semaphore_mem>>)
      %dma_wait3A_820 = tpu.memref_slice %arg3[%mul3A_4] : memref<81920xi32, #tpu.memory_space<hbm>> -> memref<2560xi32, #tpu.memory_space<hbm>>
      %dma_wait3A_821 = tpu.memref_slice %arg3[%mul3A_4] : memref<81920xi32, #tpu.memory_space<hbm>> -> memref<2560xi32, #tpu.memory_space<hbm>>
      tpu.wait_dma2 semaphore(%run_scoped3A : memref<!tpu.dma_semaphore, #tpu.memory_space<semaphore_mem>>) src(%dma_wait3A_821 : memref<2560xi32, #tpu.memory_space<hbm>>) dst(%arg8 : memref<2560xi32, #tpu.memory_space<vmem>>)
      tpu.yield
    }) : () -> ()
    %iota3A = tpu.iota {dimensions = array<i32: 0>} : vector<16xi32>
    %broadcast_in_dim3A = arith.constant 0 : i32
    %broadcast_in_dim3A_5 = vector.broadcast %broadcast_in_dim3A : i32 to vector<16xi32>
    %dma_start3A = arith.constant 0 : i32
    %dma_start3A_6 = arith.constant 0 : i32
    %dma_start3A_7 = tpu.memref_slice %arg9[%dma_start3A, %dma_start3A_6] : memref<512x32xf32, #tpu.memory_space<vmem>> -> memref<128x32xf32, #tpu.memory_space<vmem>>
    %dma_start3A_8 = arith.constant 0 : i32
    %dma_start3A_9 = tpu.memref_slice %arg7[%dma_start3A_8] : memref<2560xi32, #tpu.memory_space<vmem>> -> memref<128xi32, #tpu.memory_space<vmem>>
    %dma_start3A_10 = arith.constant 0 : i32
    %dma_start3A_11 = arith.constant 0 : i32
    %dma_start3A_12 = tpu.memref_slice %arg4[%dma_start3A_10, %dma_start3A_11] : memref<1000000x32xf32, #tpu.memory_space<hbm>> -> memref<1000000x32xf32, #tpu.memory_space<hbm>>
    tpu.enqueue_indirect_dma source(%dma_start3A_12 : memref<1000000x32xf32, #tpu.memory_space<hbm>>) target(%dma_start3A_7 : memref<128x32xf32, #tpu.memory_space<vmem>>) offsets(%dma_start3A_9 : memref<128xi32, #tpu.memory_space<vmem>>) semaphore(%arg18 : memref<!tpu.dma_semaphore, #tpu.memory_space<semaphore_mem>>)
    %dma_start3A_13 = arith.constant 0 : i32
    %dma_start3A_14 = arith.constant 0 : i32
    %dma_start3A_15 = tpu.memref_slice %arg12[%dma_start3A_13, %dma_start3A_14] : memref<512x32xf32, #tpu.memory_space<vmem>> -> memref<128x32xf32, #tpu.memory_space<vmem>>
    %dma_start3A_16 = arith.constant 0 : i32
    %dma_start3A_17 = tpu.memref_slice %arg8[%dma_start3A_16] : memref<2560xi32, #tpu.memory_space<vmem>> -> memref<128xi32, #tpu.memory_space<vmem>>
    %dma_start3A_18 = arith.constant 0 : i32
    %dma_start3A_19 = arith.constant 0 : i32
    %dma_start3A_20 = tpu.memref_slice %arg5[%dma_start3A_18, %dma_start3A_19] : memref<1000000x32xf32, #tpu.memory_space<hbm>> -> memref<1000000x32xf32, #tpu.memory_space<hbm>>
    tpu.enqueue_indirect_dma source(%dma_start3A_20 : memref<1000000x32xf32, #tpu.memory_space<hbm>>) target(%dma_start3A_15 : memref<128x32xf32, #tpu.memory_space<vmem>>) offsets(%dma_start3A_17 : memref<128xi32, #tpu.memory_space<vmem>>) semaphore(%arg18 : memref<!tpu.dma_semaphore, #tpu.memory_space<semaphore_mem>>)
    %dma_start3A_21 = arith.constant 128 : i32
    %dma_start3A_22 = arith.constant 0 : i32
    %dma_start3A_23 = tpu.memref_slice %arg9[%dma_start3A_21, %dma_start3A_22] : memref<512x32xf32, #tpu.memory_space<vmem>> -> memref<128x32xf32, #tpu.memory_space<vmem>>
    %dma_start3A_24 = arith.constant 128 : i32
    %dma_start3A_25 = tpu.memref_slice %arg7[%dma_start3A_24] : memref<2560xi32, #tpu.memory_space<vmem>> -> memref<128xi32, #tpu.memory_space<vmem>>
    %dma_start3A_26 = arith.constant 0 : i32
    %dma_start3A_27 = arith.constant 0 : i32
    %dma_start3A_28 = tpu.memref_slice %arg4[%dma_start3A_26, %dma_start3A_27] : memref<1000000x32xf32, #tpu.memory_space<hbm>> -> memref<1000000x32xf32, #tpu.memory_space<hbm>>
    tpu.enqueue_indirect_dma source(%dma_start3A_28 : memref<1000000x32xf32, #tpu.memory_space<hbm>>) target(%dma_start3A_23 : memref<128x32xf32, #tpu.memory_space<vmem>>) offsets(%dma_start3A_25 : memref<128xi32, #tpu.memory_space<vmem>>) semaphore(%arg18 : memref<!tpu.dma_semaphore, #tpu.memory_space<semaphore_mem>>)
    %dma_start3A_29 = arith.constant 128 : i32
    %dma_start3A_30 = arith.constant 0 : i32
    %dma_start3A_31 = tpu.memref_slice %arg12[%dma_start3A_29, %dma_start3A_30] : memref<512x32xf32, #tpu.memory_space<vmem>> -> memref<128x32xf32, #tpu.memory_space<vmem>>
    %dma_start3A_32 = arith.constant 128 : i32
    %dma_start3A_33 = tpu.memref_slice %arg8[%dma_start3A_32] : memref<2560xi32, #tpu.memory_space<vmem>> -> memref<128xi32, #tpu.memory_space<vmem>>
    %dma_start3A_34 = arith.constant 0 : i32
    %dma_start3A_35 = arith.constant 0 : i32
    %dma_start3A_36 = tpu.memref_slice %arg5[%dma_start3A_34, %dma_start3A_35] : memref<1000000x32xf32, #tpu.memory_space<hbm>> -> memref<1000000x32xf32, #tpu.memory_space<hbm>>
    tpu.enqueue_indirect_dma source(%dma_start3A_36 : memref<1000000x32xf32, #tpu.memory_space<hbm>>) target(%dma_start3A_31 : memref<128x32xf32, #tpu.memory_space<vmem>>) offsets(%dma_start3A_33 : memref<128xi32, #tpu.memory_space<vmem>>) semaphore(%arg18 : memref<!tpu.dma_semaphore, #tpu.memory_space<semaphore_mem>>)
    %dma_start3A_37 = arith.constant 256 : i32
    %dma_start3A_38 = arith.constant 0 : i32
    %dma_start3A_39 = tpu.memref_slice %arg9[%dma_start3A_37, %dma_start3A_38] : memref<512x32xf32, #tpu.memory_space<vmem>> -> memref<128x32xf32, #tpu.memory_space<vmem>>
    %dma_start3A_40 = arith.constant 256 : i32
    %dma_start3A_41 = tpu.memref_slice %arg7[%dma_start3A_40] : memref<2560xi32, #tpu.memory_space<vmem>> -> memref<128xi32, #tpu.memory_space<vmem>>
    %dma_start3A_42 = arith.constant 0 : i32
    %dma_start3A_43 = arith.constant 0 : i32
    %dma_start3A_44 = tpu.memref_slice %arg4[%dma_start3A_42, %dma_start3A_43] : memref<1000000x32xf32, #tpu.memory_space<hbm>> -> memref<1000000x32xf32, #tpu.memory_space<hbm>>
    tpu.enqueue_indirect_dma source(%dma_start3A_44 : memref<1000000x32xf32, #tpu.memory_space<hbm>>) target(%dma_start3A_39 : memref<128x32xf32, #tpu.memory_space<vmem>>) offsets(%dma_start3A_41 : memref<128xi32, #tpu.memory_space<vmem>>) semaphore(%arg18 : memref<!tpu.dma_semaphore, #tpu.memory_space<semaphore_mem>>)
    %dma_start3A_45 = arith.constant 256 : i32
    %dma_start3A_46 = arith.constant 0 : i32
    %dma_start3A_47 = tpu.memref_slice %arg12[%dma_start3A_45, %dma_start3A_46] : memref<512x32xf32, #tpu.memory_space<vmem>> -> memref<128x32xf32, #tpu.memory_space<vmem>>
    %dma_start3A_48 = arith.constant 256 : i32
    %dma_start3A_49 = tpu.memref_slice %arg8[%dma_start3A_48] : memref<2560xi32, #tpu.memory_space<vmem>> -> memref<128xi32, #tpu.memory_space<vmem>>
    %dma_start3A_50 = arith.constant 0 : i32
    %dma_start3A_51 = arith.constant 0 : i32
    %dma_start3A_52 = tpu.memref_slice %arg5[%dma_start3A_50, %dma_start3A_51] : memref<1000000x32xf32, #tpu.memory_space<hbm>> -> memref<1000000x32xf32, #tpu.memory_space<hbm>>
    tpu.enqueue_indirect_dma source(%dma_start3A_52 : memref<1000000x32xf32, #tpu.memory_space<hbm>>) target(%dma_start3A_47 : memref<128x32xf32, #tpu.memory_space<vmem>>) offsets(%dma_start3A_49 : memref<128xi32, #tpu.memory_space<vmem>>) semaphore(%arg18 : memref<!tpu.dma_semaphore, #tpu.memory_space<semaphore_mem>>)
    %dma_start3A_53 = arith.constant 384 : i32
    %dma_start3A_54 = arith.constant 0 : i32
    %dma_start3A_55 = tpu.memref_slice %arg9[%dma_start3A_53, %dma_start3A_54] : memref<512x32xf32, #tpu.memory_space<vmem>> -> memref<128x32xf32, #tpu.memory_space<vmem>>
    %dma_start3A_56 = arith.constant 384 : i32
    %dma_start3A_57 = tpu.memref_slice %arg7[%dma_start3A_56] : memref<2560xi32, #tpu.memory_space<vmem>> -> memref<128xi32, #tpu.memory_space<vmem>>
    %dma_start3A_58 = arith.constant 0 : i32
    %dma_start3A_59 = arith.constant 0 : i32
    %dma_start3A_60 = tpu.memref_slice %arg4[%dma_start3A_58, %dma_start3A_59] : memref<1000000x32xf32, #tpu.memory_space<hbm>> -> memref<1000000x32xf32, #tpu.memory_space<hbm>>
    tpu.enqueue_indirect_dma source(%dma_start3A_60 : memref<1000000x32xf32, #tpu.memory_space<hbm>>) target(%dma_start3A_55 : memref<128x32xf32, #tpu.memory_space<vmem>>) offsets(%dma_start3A_57 : memref<128xi32, #tpu.memory_space<vmem>>) semaphore(%arg18 : memref<!tpu.dma_semaphore, #tpu.memory_space<semaphore_mem>>)
    %dma_start3A_61 = arith.constant 384 : i32
    %dma_start3A_62 = arith.constant 0 : i32
    %dma_start3A_63 = tpu.memref_slice %arg12[%dma_start3A_61, %dma_start3A_62] : memref<512x32xf32, #tpu.memory_space<vmem>> -> memref<128x32xf32, #tpu.memory_space<vmem>>
    %dma_start3A_64 = arith.constant 384 : i32
    %dma_start3A_65 = tpu.memref_slice %arg8[%dma_start3A_64] : memref<2560xi32, #tpu.memory_space<vmem>> -> memref<128xi32, #tpu.memory_space<vmem>>
    %dma_start3A_66 = arith.constant 0 : i32
    %dma_start3A_67 = arith.constant 0 : i32
    %dma_start3A_68 = tpu.memref_slice %arg5[%dma_start3A_66, %dma_start3A_67] : memref<1000000x32xf32, #tpu.memory_space<hbm>> -> memref<1000000x32xf32, #tpu.memory_space<hbm>>
    tpu.enqueue_indirect_dma source(%dma_start3A_68 : memref<1000000x32xf32, #tpu.memory_space<hbm>>) target(%dma_start3A_63 : memref<128x32xf32, #tpu.memory_space<vmem>>) offsets(%dma_start3A_65 : memref<128xi32, #tpu.memory_space<vmem>>) semaphore(%arg18 : memref<!tpu.dma_semaphore, #tpu.memory_space<semaphore_mem>>)
    %dma_start3A_69 = arith.constant 0 : i32
    %dma_start3A_70 = arith.constant 0 : i32
    %dma_start3A_71 = tpu.memref_slice %arg10[%dma_start3A_69, %dma_start3A_70] : memref<512x32xf32, #tpu.memory_space<vmem>> -> memref<128x32xf32, #tpu.memory_space<vmem>>
    %dma_start3A_72 = arith.constant 512 : i32
    %dma_start3A_73 = tpu.memref_slice %arg7[%dma_start3A_72] : memref<2560xi32, #tpu.memory_space<vmem>> -> memref<128xi32, #tpu.memory_space<vmem>>
    %dma_start3A_74 = arith.constant 0 : i32
    %dma_start3A_75 = arith.constant 0 : i32
    %dma_start3A_76 = tpu.memref_slice %arg4[%dma_start3A_74, %dma_start3A_75] : memref<1000000x32xf32, #tpu.memory_space<hbm>> -> memref<1000000x32xf32, #tpu.memory_space<hbm>>
    tpu.enqueue_indirect_dma source(%dma_start3A_76 : memref<1000000x32xf32, #tpu.memory_space<hbm>>) target(%dma_start3A_71 : memref<128x32xf32, #tpu.memory_space<vmem>>) offsets(%dma_start3A_73 : memref<128xi32, #tpu.memory_space<vmem>>) semaphore(%arg19 : memref<!tpu.dma_semaphore, #tpu.memory_space<semaphore_mem>>)
    %dma_start3A_77 = arith.constant 0 : i32
    %dma_start3A_78 = arith.constant 0 : i32
    %dma_start3A_79 = tpu.memref_slice %arg13[%dma_start3A_77, %dma_start3A_78] : memref<512x32xf32, #tpu.memory_space<vmem>> -> memref<128x32xf32, #tpu.memory_space<vmem>>
    %dma_start3A_80 = arith.constant 512 : i32
    %dma_start3A_81 = tpu.memref_slice %arg8[%dma_start3A_80] : memref<2560xi32, #tpu.memory_space<vmem>> -> memref<128xi32, #tpu.memory_space<vmem>>
    %dma_start3A_82 = arith.constant 0 : i32
    %dma_start3A_83 = arith.constant 0 : i32
    %dma_start3A_84 = tpu.memref_slice %arg5[%dma_start3A_82, %dma_start3A_83] : memref<1000000x32xf32, #tpu.memory_space<hbm>> -> memref<1000000x32xf32, #tpu.memory_space<hbm>>
    tpu.enqueue_indirect_dma source(%dma_start3A_84 : memref<1000000x32xf32, #tpu.memory_space<hbm>>) target(%dma_start3A_79 : memref<128x32xf32, #tpu.memory_space<vmem>>) offsets(%dma_start3A_81 : memref<128xi32, #tpu.memory_space<vmem>>) semaphore(%arg19 : memref<!tpu.dma_semaphore, #tpu.memory_space<semaphore_mem>>)
    %dma_start3A_85 = arith.constant 128 : i32
    %dma_start3A_86 = arith.constant 0 : i32
    %dma_start3A_87 = tpu.memref_slice %arg10[%dma_start3A_85, %dma_start3A_86] : memref<512x32xf32, #tpu.memory_space<vmem>> -> memref<128x32xf32, #tpu.memory_space<vmem>>
    %dma_start3A_88 = arith.constant 640 : i32
    %dma_start3A_89 = tpu.memref_slice %arg7[%dma_start3A_88] : memref<2560xi32, #tpu.memory_space<vmem>> -> memref<128xi32, #tpu.memory_space<vmem>>
    %dma_start3A_90 = arith.constant 0 : i32
    %dma_start3A_91 = arith.constant 0 : i32
    %dma_start3A_92 = tpu.memref_slice %arg4[%dma_start3A_90, %dma_start3A_91] : memref<1000000x32xf32, #tpu.memory_space<hbm>> -> memref<1000000x32xf32, #tpu.memory_space<hbm>>
    tpu.enqueue_indirect_dma source(%dma_start3A_92 : memref<1000000x32xf32, #tpu.memory_space<hbm>>) target(%dma_start3A_87 : memref<128x32xf32, #tpu.memory_space<vmem>>) offsets(%dma_start3A_89 : memref<128xi32, #tpu.memory_space<vmem>>) semaphore(%arg19 : memref<!tpu.dma_semaphore, #tpu.memory_space<semaphore_mem>>)
    %dma_start3A_93 = arith.constant 128 : i32
    %dma_start3A_94 = arith.constant 0 : i32
    %dma_start3A_95 = tpu.memref_slice %arg13[%dma_start3A_93, %dma_start3A_94] : memref<512x32xf32, #tpu.memory_space<vmem>> -> memref<128x32xf32, #tpu.memory_space<vmem>>
    %dma_start3A_96 = arith.constant 640 : i32
    %dma_start3A_97 = tpu.memref_slice %arg8[%dma_start3A_96] : memref<2560xi32, #tpu.memory_space<vmem>> -> memref<128xi32, #tpu.memory_space<vmem>>
    %dma_start3A_98 = arith.constant 0 : i32
    %dma_start3A_99 = arith.constant 0 : i32
    %dma_start3A_100 = tpu.memref_slice %arg5[%dma_start3A_98, %dma_start3A_99] : memref<1000000x32xf32, #tpu.memory_space<hbm>> -> memref<1000000x32xf32, #tpu.memory_space<hbm>>
    tpu.enqueue_indirect_dma source(%dma_start3A_100 : memref<1000000x32xf32, #tpu.memory_space<hbm>>) target(%dma_start3A_95 : memref<128x32xf32, #tpu.memory_space<vmem>>) offsets(%dma_start3A_97 : memref<128xi32, #tpu.memory_space<vmem>>) semaphore(%arg19 : memref<!tpu.dma_semaphore, #tpu.memory_space<semaphore_mem>>)
    %dma_start3A_101 = arith.constant 256 : i32
    %dma_start3A_102 = arith.constant 0 : i32
    %dma_start3A_103 = tpu.memref_slice %arg10[%dma_start3A_101, %dma_start3A_102] : memref<512x32xf32, #tpu.memory_space<vmem>> -> memref<128x32xf32, #tpu.memory_space<vmem>>
    %dma_start3A_104 = arith.constant 768 : i32
    %dma_start3A_105 = tpu.memref_slice %arg7[%dma_start3A_104] : memref<2560xi32, #tpu.memory_space<vmem>> -> memref<128xi32, #tpu.memory_space<vmem>>
    %dma_start3A_106 = arith.constant 0 : i32
    %dma_start3A_107 = arith.constant 0 : i32
    %dma_start3A_108 = tpu.memref_slice %arg4[%dma_start3A_106, %dma_start3A_107] : memref<1000000x32xf32, #tpu.memory_space<hbm>> -> memref<1000000x32xf32, #tpu.memory_space<hbm>>
    tpu.enqueue_indirect_dma source(%dma_start3A_108 : memref<1000000x32xf32, #tpu.memory_space<hbm>>) target(%dma_start3A_103 : memref<128x32xf32, #tpu.memory_space<vmem>>) offsets(%dma_start3A_105 : memref<128xi32, #tpu.memory_space<vmem>>) semaphore(%arg19 : memref<!tpu.dma_semaphore, #tpu.memory_space<semaphore_mem>>)
    %dma_start3A_109 = arith.constant 256 : i32
    %dma_start3A_110 = arith.constant 0 : i32
    %dma_start3A_111 = tpu.memref_slice %arg13[%dma_start3A_109, %dma_start3A_110] : memref<512x32xf32, #tpu.memory_space<vmem>> -> memref<128x32xf32, #tpu.memory_space<vmem>>
    %dma_start3A_112 = arith.constant 768 : i32
    %dma_start3A_113 = tpu.memref_slice %arg8[%dma_start3A_112] : memref<2560xi32, #tpu.memory_space<vmem>> -> memref<128xi32, #tpu.memory_space<vmem>>
    %dma_start3A_114 = arith.constant 0 : i32
    %dma_start3A_115 = arith.constant 0 : i32
    %dma_start3A_116 = tpu.memref_slice %arg5[%dma_start3A_114, %dma_start3A_115] : memref<1000000x32xf32, #tpu.memory_space<hbm>> -> memref<1000000x32xf32, #tpu.memory_space<hbm>>
    tpu.enqueue_indirect_dma source(%dma_start3A_116 : memref<1000000x32xf32, #tpu.memory_space<hbm>>) target(%dma_start3A_111 : memref<128x32xf32, #tpu.memory_space<vmem>>) offsets(%dma_start3A_113 : memref<128xi32, #tpu.memory_space<vmem>>) semaphore(%arg19 : memref<!tpu.dma_semaphore, #tpu.memory_space<semaphore_mem>>)
    %dma_start3A_117 = arith.constant 384 : i32
    %dma_start3A_118 = arith.constant 0 : i32
    %dma_start3A_119 = tpu.memref_slice %arg10[%dma_start3A_117, %dma_start3A_118] : memref<512x32xf32, #tpu.memory_space<vmem>> -> memref<128x32xf32, #tpu.memory_space<vmem>>
    %dma_start3A_120 = arith.constant 896 : i32
    %dma_start3A_121 = tpu.memref_slice %arg7[%dma_start3A_120] : memref<2560xi32, #tpu.memory_space<vmem>> -> memref<128xi32, #tpu.memory_space<vmem>>
    %dma_start3A_122 = arith.constant 0 : i32
    %dma_start3A_123 = arith.constant 0 : i32
    %dma_start3A_124 = tpu.memref_slice %arg4[%dma_start3A_122, %dma_start3A_123] : memref<1000000x32xf32, #tpu.memory_space<hbm>> -> memref<1000000x32xf32, #tpu.memory_space<hbm>>
    tpu.enqueue_indirect_dma source(%dma_start3A_124 : memref<1000000x32xf32, #tpu.memory_space<hbm>>) target(%dma_start3A_119 : memref<128x32xf32, #tpu.memory_space<vmem>>) offsets(%dma_start3A_121 : memref<128xi32, #tpu.memory_space<vmem>>) semaphore(%arg19 : memref<!tpu.dma_semaphore, #tpu.memory_space<semaphore_mem>>)
    %dma_start3A_125 = arith.constant 384 : i32
    %dma_start3A_126 = arith.constant 0 : i32
    %dma_start3A_127 = tpu.memref_slice %arg13[%dma_start3A_125, %dma_start3A_126] : memref<512x32xf32, #tpu.memory_space<vmem>> -> memref<128x32xf32, #tpu.memory_space<vmem>>
    %dma_start3A_128 = arith.constant 896 : i32
    %dma_start3A_129 = tpu.memref_slice %arg8[%dma_start3A_128] : memref<2560xi32, #tpu.memory_space<vmem>> -> memref<128xi32, #tpu.memory_space<vmem>>
    %dma_start3A_130 = arith.constant 0 : i32
    %dma_start3A_131 = arith.constant 0 : i32
    %dma_start3A_132 = tpu.memref_slice %arg5[%dma_start3A_130, %dma_start3A_131] : memref<1000000x32xf32, #tpu.memory_space<hbm>> -> memref<1000000x32xf32, #tpu.memory_space<hbm>>
    tpu.enqueue_indirect_dma source(%dma_start3A_132 : memref<1000000x32xf32, #tpu.memory_space<hbm>>) target(%dma_start3A_127 : memref<128x32xf32, #tpu.memory_space<vmem>>) offsets(%dma_start3A_129 : memref<128xi32, #tpu.memory_space<vmem>>) semaphore(%arg19 : memref<!tpu.dma_semaphore, #tpu.memory_space<semaphore_mem>>)
    %dma_wait3A = arith.constant 0 : i32
    %dma_wait3A_133 = arith.constant 0 : i32
    %dma_wait3A_134 = tpu.memref_slice %arg9[%dma_wait3A, %dma_wait3A_133] : memref<512x32xf32, #tpu.memory_space<vmem>> -> memref<128x32xf32, #tpu.memory_space<vmem>>
    %dma_wait3A_135 = arith.constant 0 : i32
    %dma_wait3A_136 = tpu.memref_slice %arg7[%dma_wait3A_135] : memref<2560xi32, #tpu.memory_space<vmem>> -> memref<128xi32, #tpu.memory_space<vmem>>
    %dma_wait3A_137 = arith.constant 0 : i32
    %dma_wait3A_138 = arith.constant 0 : i32
    %dma_wait3A_139 = tpu.memref_slice %arg4[%dma_wait3A_137, %dma_wait3A_138] : memref<1000000x32xf32, #tpu.memory_space<hbm>> -> memref<1000000x32xf32, #tpu.memory_space<hbm>>
    tpu.wait_indirect_dma semaphore(%arg18 : memref<!tpu.dma_semaphore, #tpu.memory_space<semaphore_mem>>) src(%dma_wait3A_139 : memref<1000000x32xf32, #tpu.memory_space<hbm>>) dst(%dma_wait3A_134 : memref<128x32xf32, #tpu.memory_space<vmem>>)
    %dma_wait3A_140 = arith.constant 0 : i32
    %dma_wait3A_141 = arith.constant 0 : i32
    %dma_wait3A_142 = tpu.memref_slice %arg12[%dma_wait3A_140, %dma_wait3A_141] : memref<512x32xf32, #tpu.memory_space<vmem>> -> memref<128x32xf32, #tpu.memory_space<vmem>>
    %dma_wait3A_143 = arith.constant 0 : i32
    %dma_wait3A_144 = tpu.memref_slice %arg8[%dma_wait3A_143] : memref<2560xi32, #tpu.memory_space<vmem>> -> memref<128xi32, #tpu.memory_space<vmem>>
    %dma_wait3A_145 = arith.constant 0 : i32
    %dma_wait3A_146 = arith.constant 0 : i32
    %dma_wait3A_147 = tpu.memref_slice %arg5[%dma_wait3A_145, %dma_wait3A_146] : memref<1000000x32xf32, #tpu.memory_space<hbm>> -> memref<1000000x32xf32, #tpu.memory_space<hbm>>
    tpu.wait_indirect_dma semaphore(%arg18 : memref<!tpu.dma_semaphore, #tpu.memory_space<semaphore_mem>>) src(%dma_wait3A_147 : memref<1000000x32xf32, #tpu.memory_space<hbm>>) dst(%dma_wait3A_142 : memref<128x32xf32, #tpu.memory_space<vmem>>)
    %dma_wait3A_148 = arith.constant 128 : i32
    %dma_wait3A_149 = arith.constant 0 : i32
    %dma_wait3A_150 = tpu.memref_slice %arg9[%dma_wait3A_148, %dma_wait3A_149] : memref<512x32xf32, #tpu.memory_space<vmem>> -> memref<128x32xf32, #tpu.memory_space<vmem>>
    %dma_wait3A_151 = arith.constant 128 : i32
    %dma_wait3A_152 = tpu.memref_slice %arg7[%dma_wait3A_151] : memref<2560xi32, #tpu.memory_space<vmem>> -> memref<128xi32, #tpu.memory_space<vmem>>
    %dma_wait3A_153 = arith.constant 0 : i32
    %dma_wait3A_154 = arith.constant 0 : i32
    %dma_wait3A_155 = tpu.memref_slice %arg4[%dma_wait3A_153, %dma_wait3A_154] : memref<1000000x32xf32, #tpu.memory_space<hbm>> -> memref<1000000x32xf32, #tpu.memory_space<hbm>>
    tpu.wait_indirect_dma semaphore(%arg18 : memref<!tpu.dma_semaphore, #tpu.memory_space<semaphore_mem>>) src(%dma_wait3A_155 : memref<1000000x32xf32, #tpu.memory_space<hbm>>) dst(%dma_wait3A_150 : memref<128x32xf32, #tpu.memory_space<vmem>>)
    %dma_wait3A_156 = arith.constant 128 : i32
    %dma_wait3A_157 = arith.constant 0 : i32
    %dma_wait3A_158 = tpu.memref_slice %arg12[%dma_wait3A_156, %dma_wait3A_157] : memref<512x32xf32, #tpu.memory_space<vmem>> -> memref<128x32xf32, #tpu.memory_space<vmem>>
    %dma_wait3A_159 = arith.constant 128 : i32
    %dma_wait3A_160 = tpu.memref_slice %arg8[%dma_wait3A_159] : memref<2560xi32, #tpu.memory_space<vmem>> -> memref<128xi32, #tpu.memory_space<vmem>>
    %dma_wait3A_161 = arith.constant 0 : i32
    %dma_wait3A_162 = arith.constant 0 : i32
    %dma_wait3A_163 = tpu.memref_slice %arg5[%dma_wait3A_161, %dma_wait3A_162] : memref<1000000x32xf32, #tpu.memory_space<hbm>> -> memref<1000000x32xf32, #tpu.memory_space<hbm>>
    tpu.wait_indirect_dma semaphore(%arg18 : memref<!tpu.dma_semaphore, #tpu.memory_space<semaphore_mem>>) src(%dma_wait3A_163 : memref<1000000x32xf32, #tpu.memory_space<hbm>>) dst(%dma_wait3A_158 : memref<128x32xf32, #tpu.memory_space<vmem>>)
    %dma_wait3A_164 = arith.constant 256 : i32
    %dma_wait3A_165 = arith.constant 0 : i32
    %dma_wait3A_166 = tpu.memref_slice %arg9[%dma_wait3A_164, %dma_wait3A_165] : memref<512x32xf32, #tpu.memory_space<vmem>> -> memref<128x32xf32, #tpu.memory_space<vmem>>
    %dma_wait3A_167 = arith.constant 256 : i32
    %dma_wait3A_168 = tpu.memref_slice %arg7[%dma_wait3A_167] : memref<2560xi32, #tpu.memory_space<vmem>> -> memref<128xi32, #tpu.memory_space<vmem>>
    %dma_wait3A_169 = arith.constant 0 : i32
    %dma_wait3A_170 = arith.constant 0 : i32
    %dma_wait3A_171 = tpu.memref_slice %arg4[%dma_wait3A_169, %dma_wait3A_170] : memref<1000000x32xf32, #tpu.memory_space<hbm>> -> memref<1000000x32xf32, #tpu.memory_space<hbm>>
    tpu.wait_indirect_dma semaphore(%arg18 : memref<!tpu.dma_semaphore, #tpu.memory_space<semaphore_mem>>) src(%dma_wait3A_171 : memref<1000000x32xf32, #tpu.memory_space<hbm>>) dst(%dma_wait3A_166 : memref<128x32xf32, #tpu.memory_space<vmem>>)
    %dma_wait3A_172 = arith.constant 256 : i32
    %dma_wait3A_173 = arith.constant 0 : i32
    %dma_wait3A_174 = tpu.memref_slice %arg12[%dma_wait3A_172, %dma_wait3A_173] : memref<512x32xf32, #tpu.memory_space<vmem>> -> memref<128x32xf32, #tpu.memory_space<vmem>>
    %dma_wait3A_175 = arith.constant 256 : i32
    %dma_wait3A_176 = tpu.memref_slice %arg8[%dma_wait3A_175] : memref<2560xi32, #tpu.memory_space<vmem>> -> memref<128xi32, #tpu.memory_space<vmem>>
    %dma_wait3A_177 = arith.constant 0 : i32
    %dma_wait3A_178 = arith.constant 0 : i32
    %dma_wait3A_179 = tpu.memref_slice %arg5[%dma_wait3A_177, %dma_wait3A_178] : memref<1000000x32xf32, #tpu.memory_space<hbm>> -> memref<1000000x32xf32, #tpu.memory_space<hbm>>
    tpu.wait_indirect_dma semaphore(%arg18 : memref<!tpu.dma_semaphore, #tpu.memory_space<semaphore_mem>>) src(%dma_wait3A_179 : memref<1000000x32xf32, #tpu.memory_space<hbm>>) dst(%dma_wait3A_174 : memref<128x32xf32, #tpu.memory_space<vmem>>)
    %dma_wait3A_180 = arith.constant 384 : i32
    %dma_wait3A_181 = arith.constant 0 : i32
    %dma_wait3A_182 = tpu.memref_slice %arg9[%dma_wait3A_180, %dma_wait3A_181] : memref<512x32xf32, #tpu.memory_space<vmem>> -> memref<128x32xf32, #tpu.memory_space<vmem>>
    %dma_wait3A_183 = arith.constant 384 : i32
    %dma_wait3A_184 = tpu.memref_slice %arg7[%dma_wait3A_183] : memref<2560xi32, #tpu.memory_space<vmem>> -> memref<128xi32, #tpu.memory_space<vmem>>
    %dma_wait3A_185 = arith.constant 0 : i32
    %dma_wait3A_186 = arith.constant 0 : i32
    %dma_wait3A_187 = tpu.memref_slice %arg4[%dma_wait3A_185, %dma_wait3A_186] : memref<1000000x32xf32, #tpu.memory_space<hbm>> -> memref<1000000x32xf32, #tpu.memory_space<hbm>>
    tpu.wait_indirect_dma semaphore(%arg18 : memref<!tpu.dma_semaphore, #tpu.memory_space<semaphore_mem>>) src(%dma_wait3A_187 : memref<1000000x32xf32, #tpu.memory_space<hbm>>) dst(%dma_wait3A_182 : memref<128x32xf32, #tpu.memory_space<vmem>>)
    %dma_wait3A_188 = arith.constant 384 : i32
    %dma_wait3A_189 = arith.constant 0 : i32
    %dma_wait3A_190 = tpu.memref_slice %arg12[%dma_wait3A_188, %dma_wait3A_189] : memref<512x32xf32, #tpu.memory_space<vmem>> -> memref<128x32xf32, #tpu.memory_space<vmem>>
    %dma_wait3A_191 = arith.constant 384 : i32
    %dma_wait3A_192 = tpu.memref_slice %arg8[%dma_wait3A_191] : memref<2560xi32, #tpu.memory_space<vmem>> -> memref<128xi32, #tpu.memory_space<vmem>>
    %dma_wait3A_193 = arith.constant 0 : i32
    %dma_wait3A_194 = arith.constant 0 : i32
    %dma_wait3A_195 = tpu.memref_slice %arg5[%dma_wait3A_193, %dma_wait3A_194] : memref<1000000x32xf32, #tpu.memory_space<hbm>> -> memref<1000000x32xf32, #tpu.memory_space<hbm>>
    tpu.wait_indirect_dma semaphore(%arg18 : memref<!tpu.dma_semaphore, #tpu.memory_space<semaphore_mem>>) src(%dma_wait3A_195 : memref<1000000x32xf32, #tpu.memory_space<hbm>>) dst(%dma_wait3A_190 : memref<128x32xf32, #tpu.memory_space<vmem>>)
    %dma_start3A_196 = arith.constant 0 : i32
    %dma_start3A_197 = arith.constant 0 : i32
    %dma_start3A_198 = tpu.memref_slice %arg11[%dma_start3A_196, %dma_start3A_197] : memref<512x32xf32, #tpu.memory_space<vmem>> -> memref<128x32xf32, #tpu.memory_space<vmem>>
    %dma_start3A_199 = arith.constant 1024 : i32
    %dma_start3A_200 = tpu.memref_slice %arg7[%dma_start3A_199] : memref<2560xi32, #tpu.memory_space<vmem>> -> memref<128xi32, #tpu.memory_space<vmem>>
    %dma_start3A_201 = arith.constant 0 : i32
    %dma_start3A_202 = arith.constant 0 : i32
    %dma_start3A_203 = tpu.memref_slice %arg4[%dma_start3A_201, %dma_start3A_202] : memref<1000000x32xf32, #tpu.memory_space<hbm>> -> memref<1000000x32xf32, #tpu.memory_space<hbm>>
    tpu.enqueue_indirect_dma source(%dma_start3A_203 : memref<1000000x32xf32, #tpu.memory_space<hbm>>) target(%dma_start3A_198 : memref<128x32xf32, #tpu.memory_space<vmem>>) offsets(%dma_start3A_200 : memref<128xi32, #tpu.memory_space<vmem>>) semaphore(%arg20 : memref<!tpu.dma_semaphore, #tpu.memory_space<semaphore_mem>>)
    %dma_start3A_204 = arith.constant 0 : i32
    %dma_start3A_205 = arith.constant 0 : i32
    %dma_start3A_206 = tpu.memref_slice %arg14[%dma_start3A_204, %dma_start3A_205] : memref<512x32xf32, #tpu.memory_space<vmem>> -> memref<128x32xf32, #tpu.memory_space<vmem>>
    %dma_start3A_207 = arith.constant 1024 : i32
    %dma_start3A_208 = tpu.memref_slice %arg8[%dma_start3A_207] : memref<2560xi32, #tpu.memory_space<vmem>> -> memref<128xi32, #tpu.memory_space<vmem>>
    %dma_start3A_209 = arith.constant 0 : i32
    %dma_start3A_210 = arith.constant 0 : i32
    %dma_start3A_211 = tpu.memref_slice %arg5[%dma_start3A_209, %dma_start3A_210] : memref<1000000x32xf32, #tpu.memory_space<hbm>> -> memref<1000000x32xf32, #tpu.memory_space<hbm>>
    tpu.enqueue_indirect_dma source(%dma_start3A_211 : memref<1000000x32xf32, #tpu.memory_space<hbm>>) target(%dma_start3A_206 : memref<128x32xf32, #tpu.memory_space<vmem>>) offsets(%dma_start3A_208 : memref<128xi32, #tpu.memory_space<vmem>>) semaphore(%arg20 : memref<!tpu.dma_semaphore, #tpu.memory_space<semaphore_mem>>)
    %dma_start3A_212 = arith.constant 128 : i32
    %dma_start3A_213 = arith.constant 0 : i32
    %dma_start3A_214 = tpu.memref_slice %arg11[%dma_start3A_212, %dma_start3A_213] : memref<512x32xf32, #tpu.memory_space<vmem>> -> memref<128x32xf32, #tpu.memory_space<vmem>>
    %dma_start3A_215 = arith.constant 1152 : i32
    %dma_start3A_216 = tpu.memref_slice %arg7[%dma_start3A_215] : memref<2560xi32, #tpu.memory_space<vmem>> -> memref<128xi32, #tpu.memory_space<vmem>>
    %dma_start3A_217 = arith.constant 0 : i32
    %dma_start3A_218 = arith.constant 0 : i32
    %dma_start3A_219 = tpu.memref_slice %arg4[%dma_start3A_217, %dma_start3A_218] : memref<1000000x32xf32, #tpu.memory_space<hbm>> -> memref<1000000x32xf32, #tpu.memory_space<hbm>>
    tpu.enqueue_indirect_dma source(%dma_start3A_219 : memref<1000000x32xf32, #tpu.memory_space<hbm>>) target(%dma_start3A_214 : memref<128x32xf32, #tpu.memory_space<vmem>>) offsets(%dma_start3A_216 : memref<128xi32, #tpu.memory_space<vmem>>) semaphore(%arg20 : memref<!tpu.dma_semaphore, #tpu.memory_space<semaphore_mem>>)
    %dma_start3A_220 = arith.constant 128 : i32
    %dma_start3A_221 = arith.constant 0 : i32
    %dma_start3A_222 = tpu.memref_slice %arg14[%dma_start3A_220, %dma_start3A_221] : memref<512x32xf32, #tpu.memory_space<vmem>> -> memref<128x32xf32, #tpu.memory_space<vmem>>
    %dma_start3A_223 = arith.constant 1152 : i32
    %dma_start3A_224 = tpu.memref_slice %arg8[%dma_start3A_223] : memref<2560xi32, #tpu.memory_space<vmem>> -> memref<128xi32, #tpu.memory_space<vmem>>
    %dma_start3A_225 = arith.constant 0 : i32
    %dma_start3A_226 = arith.constant 0 : i32
    %dma_start3A_227 = tpu.memref_slice %arg5[%dma_start3A_225, %dma_start3A_226] : memref<1000000x32xf32, #tpu.memory_space<hbm>> -> memref<1000000x32xf32, #tpu.memory_space<hbm>>
    tpu.enqueue_indirect_dma source(%dma_start3A_227 : memref<1000000x32xf32, #tpu.memory_space<hbm>>) target(%dma_start3A_222 : memref<128x32xf32, #tpu.memory_space<vmem>>) offsets(%dma_start3A_224 : memref<128xi32, #tpu.memory_space<vmem>>) semaphore(%arg20 : memref<!tpu.dma_semaphore, #tpu.memory_space<semaphore_mem>>)
    %dma_start3A_228 = arith.constant 256 : i32
    %dma_start3A_229 = arith.constant 0 : i32
    %dma_start3A_230 = tpu.memref_slice %arg11[%dma_start3A_228, %dma_start3A_229] : memref<512x32xf32, #tpu.memory_space<vmem>> -> memref<128x32xf32, #tpu.memory_space<vmem>>
    %dma_start3A_231 = arith.constant 1280 : i32
    %dma_start3A_232 = tpu.memref_slice %arg7[%dma_start3A_231] : memref<2560xi32, #tpu.memory_space<vmem>> -> memref<128xi32, #tpu.memory_space<vmem>>
    %dma_start3A_233 = arith.constant 0 : i32
    %dma_start3A_234 = arith.constant 0 : i32
    %dma_start3A_235 = tpu.memref_slice %arg4[%dma_start3A_233, %dma_start3A_234] : memref<1000000x32xf32, #tpu.memory_space<hbm>> -> memref<1000000x32xf32, #tpu.memory_space<hbm>>
    tpu.enqueue_indirect_dma source(%dma_start3A_235 : memref<1000000x32xf32, #tpu.memory_space<hbm>>) target(%dma_start3A_230 : memref<128x32xf32, #tpu.memory_space<vmem>>) offsets(%dma_start3A_232 : memref<128xi32, #tpu.memory_space<vmem>>) semaphore(%arg20 : memref<!tpu.dma_semaphore, #tpu.memory_space<semaphore_mem>>)
    %dma_start3A_236 = arith.constant 256 : i32
    %dma_start3A_237 = arith.constant 0 : i32
    %dma_start3A_238 = tpu.memref_slice %arg14[%dma_start3A_236, %dma_start3A_237] : memref<512x32xf32, #tpu.memory_space<vmem>> -> memref<128x32xf32, #tpu.memory_space<vmem>>
    %dma_start3A_239 = arith.constant 1280 : i32
    %dma_start3A_240 = tpu.memref_slice %arg8[%dma_start3A_239] : memref<2560xi32, #tpu.memory_space<vmem>> -> memref<128xi32, #tpu.memory_space<vmem>>
    %dma_start3A_241 = arith.constant 0 : i32
    %dma_start3A_242 = arith.constant 0 : i32
    %dma_start3A_243 = tpu.memref_slice %arg5[%dma_start3A_241, %dma_start3A_242] : memref<1000000x32xf32, #tpu.memory_space<hbm>> -> memref<1000000x32xf32, #tpu.memory_space<hbm>>
    tpu.enqueue_indirect_dma source(%dma_start3A_243 : memref<1000000x32xf32, #tpu.memory_space<hbm>>) target(%dma_start3A_238 : memref<128x32xf32, #tpu.memory_space<vmem>>) offsets(%dma_start3A_240 : memref<128xi32, #tpu.memory_space<vmem>>) semaphore(%arg20 : memref<!tpu.dma_semaphore, #tpu.memory_space<semaphore_mem>>)
    %dma_start3A_244 = arith.constant 384 : i32
    %dma_start3A_245 = arith.constant 0 : i32
    %dma_start3A_246 = tpu.memref_slice %arg11[%dma_start3A_244, %dma_start3A_245] : memref<512x32xf32, #tpu.memory_space<vmem>> -> memref<128x32xf32, #tpu.memory_space<vmem>>
    %dma_start3A_247 = arith.constant 1408 : i32
    %dma_start3A_248 = tpu.memref_slice %arg7[%dma_start3A_247] : memref<2560xi32, #tpu.memory_space<vmem>> -> memref<128xi32, #tpu.memory_space<vmem>>
    %dma_start3A_249 = arith.constant 0 : i32
    %dma_start3A_250 = arith.constant 0 : i32
    %dma_start3A_251 = tpu.memref_slice %arg4[%dma_start3A_249, %dma_start3A_250] : memref<1000000x32xf32, #tpu.memory_space<hbm>> -> memref<1000000x32xf32, #tpu.memory_space<hbm>>
    tpu.enqueue_indirect_dma source(%dma_start3A_251 : memref<1000000x32xf32, #tpu.memory_space<hbm>>) target(%dma_start3A_246 : memref<128x32xf32, #tpu.memory_space<vmem>>) offsets(%dma_start3A_248 : memref<128xi32, #tpu.memory_space<vmem>>) semaphore(%arg20 : memref<!tpu.dma_semaphore, #tpu.memory_space<semaphore_mem>>)
    %dma_start3A_252 = arith.constant 384 : i32
    %dma_start3A_253 = arith.constant 0 : i32
    %dma_start3A_254 = tpu.memref_slice %arg14[%dma_start3A_252, %dma_start3A_253] : memref<512x32xf32, #tpu.memory_space<vmem>> -> memref<128x32xf32, #tpu.memory_space<vmem>>
    %dma_start3A_255 = arith.constant 1408 : i32
    %dma_start3A_256 = tpu.memref_slice %arg8[%dma_start3A_255] : memref<2560xi32, #tpu.memory_space<vmem>> -> memref<128xi32, #tpu.memory_space<vmem>>
    %dma_start3A_257 = arith.constant 0 : i32
    %dma_start3A_258 = arith.constant 0 : i32
    %dma_start3A_259 = tpu.memref_slice %arg5[%dma_start3A_257, %dma_start3A_258] : memref<1000000x32xf32, #tpu.memory_space<hbm>> -> memref<1000000x32xf32, #tpu.memory_space<hbm>>
    tpu.enqueue_indirect_dma source(%dma_start3A_259 : memref<1000000x32xf32, #tpu.memory_space<hbm>>) target(%dma_start3A_254 : memref<128x32xf32, #tpu.memory_space<vmem>>) offsets(%dma_start3A_256 : memref<128xi32, #tpu.memory_space<vmem>>) semaphore(%arg20 : memref<!tpu.dma_semaphore, #tpu.memory_space<semaphore_mem>>)
    %scan3A = arith.constant 0 : i32
    %scan3A_260 = arith.constant 0 : i32
    %scan3A_261 = arith.constant 32 : i32
    %scan3A_262 = arith.addi %scan3A_260, %scan3A_261 : i32
    %scan3A_263 = arith.constant 1 : i32
    %scan3A_264 = scf.for %scan3A_818 = %scan3A_260 to %scan3A_262 step %scan3A_263 iter_args(%scan3A_819 = %scan3A) -> (i32)  : i32 {
      %mul3A_820 = arith.constant 16 : i32
      %mul3A_821 = arith.muli %scan3A_818, %mul3A_820 : i32
      %add3A_822 = vector.broadcast %mul3A_821 : i32 to vector<16xi32>
      %add3A_823 = arith.addi %add3A_822, %iota3A : vector<16xi32>
      %broadcast_in_dim3A_824 = arith.constant 0.000000e+00 : f32
      %broadcast_in_dim3A_825 = vector.broadcast %broadcast_in_dim3A_824 : f32 to vector<16xf32>
      %broadcast_in_dim3A_826 = arith.constant 0 : i32
      %broadcast_in_dim3A_827 = vector.broadcast %broadcast_in_dim3A_826 : i32 to vector<16xi32>
      %gather3A = tpu.vector_load_idx %arg9[%add3A_823, %broadcast_in_dim3A_827] : memref<512x32xf32, #tpu.memory_space<vmem>>[vector<16xi32>, vector<16xi32>], vector<16xf32>,
      %gather3A_828 = tpu.vector_load_idx %arg12[%add3A_823, %broadcast_in_dim3A_827] : memref<512x32xf32, #tpu.memory_space<vmem>>[vector<16xi32>, vector<16xi32>], vector<16xf32>,
      %mul3A_829 = arith.mulf %gather3A, %gather3A_828 : vector<16xf32>
      %add3A_830 = arith.addf %broadcast_in_dim3A_825, %mul3A_829 : vector<16xf32>
      %broadcast_in_dim3A_831 = arith.constant 1 : i32
      %broadcast_in_dim3A_832 = vector.broadcast %broadcast_in_dim3A_831 : i32 to vector<16xi32>
      %gather3A_833 = tpu.vector_load_idx %arg9[%add3A_823, %broadcast_in_dim3A_832] : memref<512x32xf32, #tpu.memory_space<vmem>>[vector<16xi32>, vector<16xi32>], vector<16xf32>,
      %gather3A_834 = tpu.vector_load_idx %arg12[%add3A_823, %broadcast_in_dim3A_832] : memref<512x32xf32, #tpu.memory_space<vmem>>[vector<16xi32>, vector<16xi32>], vector<16xf32>,
      %mul3A_835 = arith.mulf %gather3A_833, %gather3A_834 : vector<16xf32>
      %add3A_836 = arith.addf %add3A_830, %mul3A_835 : vector<16xf32>
      %broadcast_in_dim3A_837 = arith.constant 2 : i32
      %broadcast_in_dim3A_838 = vector.broadcast %broadcast_in_dim3A_837 : i32 to vector<16xi32>
      %gather3A_839 = tpu.vector_load_idx %arg9[%add3A_823, %broadcast_in_dim3A_838] : memref<512x32xf32, #tpu.memory_space<vmem>>[vector<16xi32>, vector<16xi32>], vector<16xf32>,
      %gather3A_840 = tpu.vector_load_idx %arg12[%add3A_823, %broadcast_in_dim3A_838] : memref<512x32xf32, #tpu.memory_space<vmem>>[vector<16xi32>, vector<16xi32>], vector<16xf32>,
      %mul3A_841 = arith.mulf %gather3A_839, %gather3A_840 : vector<16xf32>
      %add3A_842 = arith.addf %add3A_836, %mul3A_841 : vector<16xf32>
      %broadcast_in_dim3A_843 = arith.constant 3 : i32
      %broadcast_in_dim3A_844 = vector.broadcast %broadcast_in_dim3A_843 : i32 to vector<16xi32>
      %gather3A_845 = tpu.vector_load_idx %arg9[%add3A_823, %broadcast_in_dim3A_844] : memref<512x32xf32, #tpu.memory_space<vmem>>[vector<16xi32>, vector<16xi32>], vector<16xf32>,
      %gather3A_846 = tpu.vector_load_idx %arg12[%add3A_823, %broadcast_in_dim3A_844] : memref<512x32xf32, #tpu.memory_space<vmem>>[vector<16xi32>, vector<16xi32>], vector<16xf32>,
      %mul3A_847 = arith.mulf %gather3A_845, %gather3A_846 : vector<16xf32>
      %add3A_848 = arith.addf %add3A_842, %mul3A_847 : vector<16xf32>
      %broadcast_in_dim3A_849 = arith.constant 4 : i32
      %broadcast_in_dim3A_850 = vector.broadcast %broadcast_in_dim3A_849 : i32 to vector<16xi32>
      %gather3A_851 = tpu.vector_load_idx %arg9[%add3A_823, %broadcast_in_dim3A_850] : memref<512x32xf32, #tpu.memory_space<vmem>>[vector<16xi32>, vector<16xi32>], vector<16xf32>,
      %gather3A_852 = tpu.vector_load_idx %arg12[%add3A_823, %broadcast_in_dim3A_850] : memref<512x32xf32, #tpu.memory_space<vmem>>[vector<16xi32>, vector<16xi32>], vector<16xf32>,
      %mul3A_853 = arith.mulf %gather3A_851, %gather3A_852 : vector<16xf32>
      %add3A_854 = arith.addf %add3A_848, %mul3A_853 : vector<16xf32>
      %broadcast_in_dim3A_855 = arith.constant 5 : i32
      %broadcast_in_dim3A_856 = vector.broadcast %broadcast_in_dim3A_855 : i32 to vector<16xi32>
      %gather3A_857 = tpu.vector_load_idx %arg9[%add3A_823, %broadcast_in_dim3A_856] : memref<512x32xf32, #tpu.memory_space<vmem>>[vector<16xi32>, vector<16xi32>], vector<16xf32>,
      %gather3A_858 = tpu.vector_load_idx %arg12[%add3A_823, %broadcast_in_dim3A_856] : memref<512x32xf32, #tpu.memory_space<vmem>>[vector<16xi32>, vector<16xi32>], vector<16xf32>,
      %mul3A_859 = arith.mulf %gather3A_857, %gather3A_858 : vector<16xf32>
      %add3A_860 = arith.addf %add3A_854, %mul3A_859 : vector<16xf32>
      %broadcast_in_dim3A_861 = arith.constant 6 : i32
      %broadcast_in_dim3A_862 = vector.broadcast %broadcast_in_dim3A_861 : i32 to vector<16xi32>
      %gather3A_863 = tpu.vector_load_idx %arg9[%add3A_823, %broadcast_in_dim3A_862] : memref<512x32xf32, #tpu.memory_space<vmem>>[vector<16xi32>, vector<16xi32>], vector<16xf32>,
      %gather3A_864 = tpu.vector_load_idx %arg12[%add3A_823, %broadcast_in_dim3A_862] : memref<512x32xf32, #tpu.memory_space<vmem>>[vector<16xi32>, vector<16xi32>], vector<16xf32>,
      %mul3A_865 = arith.mulf %gather3A_863, %gather3A_864 : vector<16xf32>
      %add3A_866 = arith.addf %add3A_860, %mul3A_865 : vector<16xf32>
      %broadcast_in_dim3A_867 = arith.constant 7 : i32
      %broadcast_in_dim3A_868 = vector.broadcast %broadcast_in_dim3A_867 : i32 to vector<16xi32>
      %gather3A_869 = tpu.vector_load_idx %arg9[%add3A_823, %broadcast_in_dim3A_868] : memref<512x32xf32, #tpu.memory_space<vmem>>[vector<16xi32>, vector<16xi32>], vector<16xf32>,
      %gather3A_870 = tpu.vector_load_idx %arg12[%add3A_823, %broadcast_in_dim3A_868] : memref<512x32xf32, #tpu.memory_space<vmem>>[vector<16xi32>, vector<16xi32>], vector<16xf32>,
      %mul3A_871 = arith.mulf %gather3A_869, %gather3A_870 : vector<16xf32>
      %add3A_872 = arith.addf %add3A_866, %mul3A_871 : vector<16xf32>
      %broadcast_in_dim3A_873 = arith.constant 8 : i32
      %broadcast_in_dim3A_874 = vector.broadcast %broadcast_in_dim3A_873 : i32 to vector<16xi32>
      %gather3A_875 = tpu.vector_load_idx %arg9[%add3A_823, %broadcast_in_dim3A_874] : memref<512x32xf32, #tpu.memory_space<vmem>>[vector<16xi32>, vector<16xi32>], vector<16xf32>,
      %gather3A_876 = tpu.vector_load_idx %arg12[%add3A_823, %broadcast_in_dim3A_874] : memref<512x32xf32, #tpu.memory_space<vmem>>[vector<16xi32>, vector<16xi32>], vector<16xf32>,
      %mul3A_877 = arith.mulf %gather3A_875, %gather3A_876 : vector<16xf32>
      %add3A_878 = arith.addf %add3A_872, %mul3A_877 : vector<16xf32>
      %broadcast_in_dim3A_879 = arith.constant 9 : i32
      %broadcast_in_dim3A_880 = vector.broadcast %broadcast_in_dim3A_879 : i32 to vector<16xi32>
      %gather3A_881 = tpu.vector_load_idx %arg9[%add3A_823, %broadcast_in_dim3A_880] : memref<512x32xf32, #tpu.memory_space<vmem>>[vector<16xi32>, vector<16xi32>], vector<16xf32>,
      %gather3A_882 = tpu.vector_load_idx %arg12[%add3A_823, %broadcast_in_dim3A_880] : memref<512x32xf32, #tpu.memory_space<vmem>>[vector<16xi32>, vector<16xi32>], vector<16xf32>,
      %mul3A_883 = arith.mulf %gather3A_881, %gather3A_882 : vector<16xf32>
      %add3A_884 = arith.addf %add3A_878, %mul3A_883 : vector<16xf32>
      %broadcast_in_dim3A_885 = arith.constant 10 : i32
      %broadcast_in_dim3A_886 = vector.broadcast %broadcast_in_dim3A_885 : i32 to vector<16xi32>
      %gather3A_887 = tpu.vector_load_idx %arg9[%add3A_823, %broadcast_in_dim3A_886] : memref<512x32xf32, #tpu.memory_space<vmem>>[vector<16xi32>, vector<16xi32>], vector<16xf32>,
      %gather3A_888 = tpu.vector_load_idx %arg12[%add3A_823, %broadcast_in_dim3A_886] : memref<512x32xf32, #tpu.memory_space<vmem>>[vector<16xi32>, vector<16xi32>], vector<16xf32>,
      %mul3A_889 = arith.mulf %gather3A_887, %gather3A_888 : vector<16xf32>
      %add3A_890 = arith.addf %add3A_884, %mul3A_889 : vector<16xf32>
      %broadcast_in_dim3A_891 = arith.constant 11 : i32
      %broadcast_in_dim3A_892 = vector.broadcast %broadcast_in_dim3A_891 : i32 to vector<16xi32>
      %gather3A_893 = tpu.vector_load_idx %arg9[%add3A_823, %broadcast_in_dim3A_892] : memref<512x32xf32, #tpu.memory_space<vmem>>[vector<16xi32>, vector<16xi32>], vector<16xf32>,
      %gather3A_894 = tpu.vector_load_idx %arg12[%add3A_823, %broadcast_in_dim3A_892] : memref<512x32xf32, #tpu.memory_space<vmem>>[vector<16xi32>, vector<16xi32>], vector<16xf32>,
      %mul3A_895 = arith.mulf %gather3A_893, %gather3A_894 : vector<16xf32>
      %add3A_896 = arith.addf %add3A_890, %mul3A_895 : vector<16xf32>
      %broadcast_in_dim3A_897 = arith.constant 12 : i32
      %broadcast_in_dim3A_898 = vector.broadcast %broadcast_in_dim3A_897 : i32 to vector<16xi32>
      %gather3A_899 = tpu.vector_load_idx %arg9[%add3A_823, %broadcast_in_dim3A_898] : memref<512x32xf32, #tpu.memory_space<vmem>>[vector<16xi32>, vector<16xi32>], vector<16xf32>,
      %gather3A_900 = tpu.vector_load_idx %arg12[%add3A_823, %broadcast_in_dim3A_898] : memref<512x32xf32, #tpu.memory_space<vmem>>[vector<16xi32>, vector<16xi32>], vector<16xf32>,
      %mul3A_901 = arith.mulf %gather3A_899, %gather3A_900 : vector<16xf32>
      %add3A_902 = arith.addf %add3A_896, %mul3A_901 : vector<16xf32>
      %broadcast_in_dim3A_903 = arith.constant 13 : i32
      %broadcast_in_dim3A_904 = vector.broadcast %broadcast_in_dim3A_903 : i32 to vector<16xi32>
      %gather3A_905 = tpu.vector_load_idx %arg9[%add3A_823, %broadcast_in_dim3A_904] : memref<512x32xf32, #tpu.memory_space<vmem>>[vector<16xi32>, vector<16xi32>], vector<16xf32>,
      %gather3A_906 = tpu.vector_load_idx %arg12[%add3A_823, %broadcast_in_dim3A_904] : memref<512x32xf32, #tpu.memory_space<vmem>>[vector<16xi32>, vector<16xi32>], vector<16xf32>,
      %mul3A_907 = arith.mulf %gather3A_905, %gather3A_906 : vector<16xf32>
      %add3A_908 = arith.addf %add3A_902, %mul3A_907 : vector<16xf32>
      %broadcast_in_dim3A_909 = arith.constant 14 : i32
      %broadcast_in_dim3A_910 = vector.broadcast %broadcast_in_dim3A_909 : i32 to vector<16xi32>
      %gather3A_911 = tpu.vector_load_idx %arg9[%add3A_823, %broadcast_in_dim3A_910] : memref<512x32xf32, #tpu.memory_space<vmem>>[vector<16xi32>, vector<16xi32>], vector<16xf32>,
      %gather3A_912 = tpu.vector_load_idx %arg12[%add3A_823, %broadcast_in_dim3A_910] : memref<512x32xf32, #tpu.memory_space<vmem>>[vector<16xi32>, vector<16xi32>], vector<16xf32>,
      %mul3A_913 = arith.mulf %gather3A_911, %gather3A_912 : vector<16xf32>
      %add3A_914 = arith.addf %add3A_908, %mul3A_913 : vector<16xf32>
      %broadcast_in_dim3A_915 = arith.constant 15 : i32
      %broadcast_in_dim3A_916 = vector.broadcast %broadcast_in_dim3A_915 : i32 to vector<16xi32>
      %gather3A_917 = tpu.vector_load_idx %arg9[%add3A_823, %broadcast_in_dim3A_916] : memref<512x32xf32, #tpu.memory_space<vmem>>[vector<16xi32>, vector<16xi32>], vector<16xf32>,
      %gather3A_918 = tpu.vector_load_idx %arg12[%add3A_823, %broadcast_in_dim3A_916] : memref<512x32xf32, #tpu.memory_space<vmem>>[vector<16xi32>, vector<16xi32>], vector<16xf32>,
      %mul3A_919 = arith.mulf %gather3A_917, %gather3A_918 : vector<16xf32>
      %add3A_920 = arith.addf %add3A_914, %mul3A_919 : vector<16xf32>
      %broadcast_in_dim3A_921 = arith.constant 16 : i32
      %broadcast_in_dim3A_922 = vector.broadcast %broadcast_in_dim3A_921 : i32 to vector<16xi32>
      %gather3A_923 = tpu.vector_load_idx %arg9[%add3A_823, %broadcast_in_dim3A_922] : memref<512x32xf32, #tpu.memory_space<vmem>>[vector<16xi32>, vector<16xi32>], vector<16xf32>,
      %gather3A_924 = tpu.vector_load_idx %arg12[%add3A_823, %broadcast_in_dim3A_922] : memref<512x32xf32, #tpu.memory_space<vmem>>[vector<16xi32>, vector<16xi32>], vector<16xf32>,
      %mul3A_925 = arith.mulf %gather3A_923, %gather3A_924 : vector<16xf32>
      %add3A_926 = arith.addf %add3A_920, %mul3A_925 : vector<16xf32>
      %broadcast_in_dim3A_927 = arith.constant 17 : i32
      %broadcast_in_dim3A_928 = vector.broadcast %broadcast_in_dim3A_927 : i32 to vector<16xi32>
      %gather3A_929 = tpu.vector_load_idx %arg9[%add3A_823, %broadcast_in_dim3A_928] : memref<512x32xf32, #tpu.memory_space<vmem>>[vector<16xi32>, vector<16xi32>], vector<16xf32>,
      %gather3A_930 = tpu.vector_load_idx %arg12[%add3A_823, %broadcast_in_dim3A_928] : memref<512x32xf32, #tpu.memory_space<vmem>>[vector<16xi32>, vector<16xi32>], vector<16xf32>,
      %mul3A_931 = arith.mulf %gather3A_929, %gather3A_930 : vector<16xf32>
      %add3A_932 = arith.addf %add3A_926, %mul3A_931 : vector<16xf32>
      %broadcast_in_dim3A_933 = arith.constant 18 : i32
      %broadcast_in_dim3A_934 = vector.broadcast %broadcast_in_dim3A_933 : i32 to vector<16xi32>
      %gather3A_935 = tpu.vector_load_idx %arg9[%add3A_823, %broadcast_in_dim3A_934] : memref<512x32xf32, #tpu.memory_space<vmem>>[vector<16xi32>, vector<16xi32>], vector<16xf32>,
      %gather3A_936 = tpu.vector_load_idx %arg12[%add3A_823, %broadcast_in_dim3A_934] : memref<512x32xf32, #tpu.memory_space<vmem>>[vector<16xi32>, vector<16xi32>], vector<16xf32>,
      %mul3A_937 = arith.mulf %gather3A_935, %gather3A_936 : vector<16xf32>
      %add3A_938 = arith.addf %add3A_932, %mul3A_937 : vector<16xf32>
      %broadcast_in_dim3A_939 = arith.constant 19 : i32
      %broadcast_in_dim3A_940 = vector.broadcast %broadcast_in_dim3A_939 : i32 to vector<16xi32>
      %gather3A_941 = tpu.vector_load_idx %arg9[%add3A_823, %broadcast_in_dim3A_940] : memref<512x32xf32, #tpu.memory_space<vmem>>[vector<16xi32>, vector<16xi32>], vector<16xf32>,
      %gather3A_942 = tpu.vector_load_idx %arg12[%add3A_823, %broadcast_in_dim3A_940] : memref<512x32xf32, #tpu.memory_space<vmem>>[vector<16xi32>, vector<16xi32>], vector<16xf32>,
      %mul3A_943 = arith.mulf %gather3A_941, %gather3A_942 : vector<16xf32>
      %add3A_944 = arith.addf %add3A_938, %mul3A_943 : vector<16xf32>
      %broadcast_in_dim3A_945 = arith.constant 20 : i32
      %broadcast_in_dim3A_946 = vector.broadcast %broadcast_in_dim3A_945 : i32 to vector<16xi32>
      %gather3A_947 = tpu.vector_load_idx %arg9[%add3A_823, %broadcast_in_dim3A_946] : memref<512x32xf32, #tpu.memory_space<vmem>>[vector<16xi32>, vector<16xi32>], vector<16xf32>,
      %gather3A_948 = tpu.vector_load_idx %arg12[%add3A_823, %broadcast_in_dim3A_946] : memref<512x32xf32, #tpu.memory_space<vmem>>[vector<16xi32>, vector<16xi32>], vector<16xf32>,
      %mul3A_949 = arith.mulf %gather3A_947, %gather3A_948 : vector<16xf32>
      %add3A_950 = arith.addf %add3A_944, %mul3A_949 : vector<16xf32>
      %broadcast_in_dim3A_951 = arith.constant 21 : i32
      %broadcast_in_dim3A_952 = vector.broadcast %broadcast_in_dim3A_951 : i32 to vector<16xi32>
      %gather3A_953 = tpu.vector_load_idx %arg9[%add3A_823, %broadcast_in_dim3A_952] : memref<512x32xf32, #tpu.memory_space<vmem>>[vector<16xi32>, vector<16xi32>], vector<16xf32>,
      %gather3A_954 = tpu.vector_load_idx %arg12[%add3A_823, %broadcast_in_dim3A_952] : memref<512x32xf32, #tpu.memory_space<vmem>>[vector<16xi32>, vector<16xi32>], vector<16xf32>,
      %mul3A_955 = arith.mulf %gather3A_953, %gather3A_954 : vector<16xf32>
      %add3A_956 = arith.addf %add3A_950, %mul3A_955 : vector<16xf32>
      %broadcast_in_dim3A_957 = arith.constant 22 : i32
      %broadcast_in_dim3A_958 = vector.broadcast %broadcast_in_dim3A_957 : i32 to vector<16xi32>
      %gather3A_959 = tpu.vector_load_idx %arg9[%add3A_823, %broadcast_in_dim3A_958] : memref<512x32xf32, #tpu.memory_space<vmem>>[vector<16xi32>, vector<16xi32>], vector<16xf32>,
      %gather3A_960 = tpu.vector_load_idx %arg12[%add3A_823, %broadcast_in_dim3A_958] : memref<512x32xf32, #tpu.memory_space<vmem>>[vector<16xi32>, vector<16xi32>], vector<16xf32>,
      %mul3A_961 = arith.mulf %gather3A_959, %gather3A_960 : vector<16xf32>
      %add3A_962 = arith.addf %add3A_956, %mul3A_961 : vector<16xf32>
      %broadcast_in_dim3A_963 = arith.constant 23 : i32
      %broadcast_in_dim3A_964 = vector.broadcast %broadcast_in_dim3A_963 : i32 to vector<16xi32>
      %gather3A_965 = tpu.vector_load_idx %arg9[%add3A_823, %broadcast_in_dim3A_964] : memref<512x32xf32, #tpu.memory_space<vmem>>[vector<16xi32>, vector<16xi32>], vector<16xf32>,
      %gather3A_966 = tpu.vector_load_idx %arg12[%add3A_823, %broadcast_in_dim3A_964] : memref<512x32xf32, #tpu.memory_space<vmem>>[vector<16xi32>, vector<16xi32>], vector<16xf32>,
      %mul3A_967 = arith.mulf %gather3A_965, %gather3A_966 : vector<16xf32>
      %add3A_968 = arith.addf %add3A_962, %mul3A_967 : vector<16xf32>
      %broadcast_in_dim3A_969 = arith.constant 24 : i32
      %broadcast_in_dim3A_970 = vector.broadcast %broadcast_in_dim3A_969 : i32 to vector<16xi32>
      %gather3A_971 = tpu.vector_load_idx %arg9[%add3A_823, %broadcast_in_dim3A_970] : memref<512x32xf32, #tpu.memory_space<vmem>>[vector<16xi32>, vector<16xi32>], vector<16xf32>,
      %gather3A_972 = tpu.vector_load_idx %arg12[%add3A_823, %broadcast_in_dim3A_970] : memref<512x32xf32, #tpu.memory_space<vmem>>[vector<16xi32>, vector<16xi32>], vector<16xf32>,
      %mul3A_973 = arith.mulf %gather3A_971, %gather3A_972 : vector<16xf32>
      %add3A_974 = arith.addf %add3A_968, %mul3A_973 : vector<16xf32>
      %broadcast_in_dim3A_975 = arith.constant 25 : i32
      %broadcast_in_dim3A_976 = vector.broadcast %broadcast_in_dim3A_975 : i32 to vector<16xi32>
      %gather3A_977 = tpu.vector_load_idx %arg9[%add3A_823, %broadcast_in_dim3A_976] : memref<512x32xf32, #tpu.memory_space<vmem>>[vector<16xi32>, vector<16xi32>], vector<16xf32>,
      %gather3A_978 = tpu.vector_load_idx %arg12[%add3A_823, %broadcast_in_dim3A_976] : memref<512x32xf32, #tpu.memory_space<vmem>>[vector<16xi32>, vector<16xi32>], vector<16xf32>,
      %mul3A_979 = arith.mulf %gather3A_977, %gather3A_978 : vector<16xf32>
      %add3A_980 = arith.addf %add3A_974, %mul3A_979 : vector<16xf32>
      %broadcast_in_dim3A_981 = arith.constant 26 : i32
      %broadcast_in_dim3A_982 = vector.broadcast %broadcast_in_dim3A_981 : i32 to vector<16xi32>
      %gather3A_983 = tpu.vector_load_idx %arg9[%add3A_823, %broadcast_in_dim3A_982] : memref<512x32xf32, #tpu.memory_space<vmem>>[vector<16xi32>, vector<16xi32>], vector<16xf32>,
      %gather3A_984 = tpu.vector_load_idx %arg12[%add3A_823, %broadcast_in_dim3A_982] : memref<512x32xf32, #tpu.memory_space<vmem>>[vector<16xi32>, vector<16xi32>], vector<16xf32>,
      %mul3A_985 = arith.mulf %gather3A_983, %gather3A_984 : vector<16xf32>
      %add3A_986 = arith.addf %add3A_980, %mul3A_985 : vector<16xf32>
      %broadcast_in_dim3A_987 = arith.constant 27 : i32
      %broadcast_in_dim3A_988 = vector.broadcast %broadcast_in_dim3A_987 : i32 to vector<16xi32>
      %gather3A_989 = tpu.vector_load_idx %arg9[%add3A_823, %broadcast_in_dim3A_988] : memref<512x32xf32, #tpu.memory_space<vmem>>[vector<16xi32>, vector<16xi32>], vector<16xf32>,
      %gather3A_990 = tpu.vector_load_idx %arg12[%add3A_823, %broadcast_in_dim3A_988] : memref<512x32xf32, #tpu.memory_space<vmem>>[vector<16xi32>, vector<16xi32>], vector<16xf32>,
      %mul3A_991 = arith.mulf %gather3A_989, %gather3A_990 : vector<16xf32>
      %add3A_992 = arith.addf %add3A_986, %mul3A_991 : vector<16xf32>
      %broadcast_in_dim3A_993 = arith.constant 28 : i32
      %broadcast_in_dim3A_994 = vector.broadcast %broadcast_in_dim3A_993 : i32 to vector<16xi32>
      %gather3A_995 = tpu.vector_load_idx %arg9[%add3A_823, %broadcast_in_dim3A_994] : memref<512x32xf32, #tpu.memory_space<vmem>>[vector<16xi32>, vector<16xi32>], vector<16xf32>,
      %gather3A_996 = tpu.vector_load_idx %arg12[%add3A_823, %broadcast_in_dim3A_994] : memref<512x32xf32, #tpu.memory_space<vmem>>[vector<16xi32>, vector<16xi32>], vector<16xf32>,
      %mul3A_997 = arith.mulf %gather3A_995, %gather3A_996 : vector<16xf32>
      %add3A_998 = arith.addf %add3A_992, %mul3A_997 : vector<16xf32>
      %broadcast_in_dim3A_999 = arith.constant 29 : i32
      %broadcast_in_dim3A_1000 = vector.broadcast %broadcast_in_dim3A_999 : i32 to vector<16xi32>
      %gather3A_1001 = tpu.vector_load_idx %arg9[%add3A_823, %broadcast_in_dim3A_1000] : memref<512x32xf32, #tpu.memory_space<vmem>>[vector<16xi32>, vector<16xi32>], vector<16xf32>,
      %gather3A_1002 = tpu.vector_load_idx %arg12[%add3A_823, %broadcast_in_dim3A_1000] : memref<512x32xf32, #tpu.memory_space<vmem>>[vector<16xi32>, vector<16xi32>], vector<16xf32>,
      %mul3A_1003 = arith.mulf %gather3A_1001, %gather3A_1002 : vector<16xf32>
      %add3A_1004 = arith.addf %add3A_998, %mul3A_1003 : vector<16xf32>
      %broadcast_in_dim3A_1005 = arith.constant 30 : i32
      %broadcast_in_dim3A_1006 = vector.broadcast %broadcast_in_dim3A_1005 : i32 to vector<16xi32>
      %gather3A_1007 = tpu.vector_load_idx %arg9[%add3A_823, %broadcast_in_dim3A_1006] : memref<512x32xf32, #tpu.memory_space<vmem>>[vector<16xi32>, vector<16xi32>], vector<16xf32>,
      %gather3A_1008 = tpu.vector_load_idx %arg12[%add3A_823, %broadcast_in_dim3A_1006] : memref<512x32xf32, #tpu.memory_space<vmem>>[vector<16xi32>, vector<16xi32>], vector<16xf32>,
      %mul3A_1009 = arith.mulf %gather3A_1007, %gather3A_1008 : vector<16xf32>
      %add3A_1010 = arith.addf %add3A_1004, %mul3A_1009 : vector<16xf32>
      %broadcast_in_dim3A_1011 = arith.constant 31 : i32
      %broadcast_in_dim3A_1012 = vector.broadcast %broadcast_in_dim3A_1011 : i32 to vector<16xi32>
      %gather3A_1013 = tpu.vector_load_idx %arg9[%add3A_823, %broadcast_in_dim3A_1012] : memref<512x32xf32, #tpu.memory_space<vmem>>[vector<16xi32>, vector<16xi32>], vector<16xf32>,
      %gather3A_1014 = tpu.vector_load_idx %arg12[%add3A_823, %broadcast_in_dim3A_1012] : memref<512x32xf32, #tpu.memory_space<vmem>>[vector<16xi32>, vector<16xi32>], vector<16xf32>,
      %mul3A_1015 = arith.mulf %gather3A_1013, %gather3A_1014 : vector<16xf32>
      %add3A_1016 = arith.addf %add3A_1010, %mul3A_1015 : vector<16xf32>
      tpu.vector_store_idx %arg15[%add3A_823, %broadcast_in_dim3A_5], %add3A_1016 : memref<512x1xf32, #tpu.memory_space<vmem>>[vector<16xi32>, vector<16xi32>], vector<16xf32>,
      %scan3A_1017 = arith.constant 0 : i32
      scf.yield %scan3A_1017 : i32
    }
    %scan3A_265 = arith.constant 32 : i32
    %mul3A_266 = arith.constant 2560 : i32
    %mul3A_267 = arith.muli %add3A, %mul3A_266 : i32
    %add3A_268 = arith.constant 0 : i32
    %add3A_269 = arith.addi %mul3A_267, %add3A_268 : i32
    %dma_start3A_270 = arith.constant 0 : i32
    %dma_start3A_271 = tpu.memref_slice %arg6[%add3A_269, %dma_start3A_270] : memref<81920x65xf32, #tpu.memory_space<hbm>> -> memref<512x32xf32, #tpu.memory_space<hbm>>
    %dma_start3A_272 = arith.constant 0 : i32
    %dma_start3A_273 = tpu.memref_slice %arg6[%add3A_269, %dma_start3A_272] : memref<81920x65xf32, #tpu.memory_space<hbm>> -> memref<512x32xf32, #tpu.memory_space<hbm>>
    tpu.enqueue_dma source(%arg9 : memref<512x32xf32, #tpu.memory_space<vmem>>) target(%dma_start3A_273 : memref<512x32xf32, #tpu.memory_space<hbm>>) target_semaphore(%arg21 : memref<!tpu.dma_semaphore, #tpu.memory_space<semaphore_mem>>)
    %dma_start3A_274 = arith.constant 32 : i32
    %dma_start3A_275 = tpu.memref_slice %arg6[%add3A_269, %dma_start3A_274] : memref<81920x65xf32, #tpu.memory_space<hbm>> -> memref<512x32xf32, #tpu.memory_space<hbm>>
    %dma_start3A_276 = arith.constant 32 : i32
    %dma_start3A_277 = tpu.memref_slice %arg6[%add3A_269, %dma_start3A_276] : memref<81920x65xf32, #tpu.memory_space<hbm>> -> memref<512x32xf32, #tpu.memory_space<hbm>>
    tpu.enqueue_dma source(%arg12 : memref<512x32xf32, #tpu.memory_space<vmem>>) target(%dma_start3A_277 : memref<512x32xf32, #tpu.memory_space<hbm>>) target_semaphore(%arg21 : memref<!tpu.dma_semaphore, #tpu.memory_space<semaphore_mem>>)
    %dma_start3A_278 = arith.constant 64 : i32
    %dma_start3A_279 = tpu.memref_slice %arg6[%add3A_269, %dma_start3A_278] : memref<81920x65xf32, #tpu.memory_space<hbm>> -> memref<512x1xf32, #tpu.memory_space<hbm>>
    %dma_start3A_280 = arith.constant 64 : i32
    %dma_start3A_281 = tpu.memref_slice %arg6[%add3A_269, %dma_start3A_280] : memref<81920x65xf32, #tpu.memory_space<hbm>> -> memref<512x1xf32, #tpu.memory_space<hbm>>
    tpu.enqueue_dma source(%arg15 : memref<512x1xf32, #tpu.memory_space<vmem>>) target(%dma_start3A_281 : memref<512x1xf32, #tpu.memory_space<hbm>>) target_semaphore(%arg21 : memref<!tpu.dma_semaphore, #tpu.memory_space<semaphore_mem>>)
    %dma_wait3A_282 = arith.constant 0 : i32
    %dma_wait3A_283 = arith.constant 0 : i32
    %dma_wait3A_284 = tpu.memref_slice %arg10[%dma_wait3A_282, %dma_wait3A_283] : memref<512x32xf32, #tpu.memory_space<vmem>> -> memref<128x32xf32, #tpu.memory_space<vmem>>
    %dma_wait3A_285 = arith.constant 512 : i32
    %dma_wait3A_286 = tpu.memref_slice %arg7[%dma_wait3A_285] : memref<2560xi32, #tpu.memory_space<vmem>> -> memref<128xi32, #tpu.memory_space<vmem>>
    %dma_wait3A_287 = arith.constant 0 : i32
    %dma_wait3A_288 = arith.constant 0 : i32
    %dma_wait3A_289 = tpu.memref_slice %arg4[%dma_wait3A_287, %dma_wait3A_288] : memref<1000000x32xf32, #tpu.memory_space<hbm>> -> memref<1000000x32xf32, #tpu.memory_space<hbm>>
    tpu.wait_indirect_dma semaphore(%arg19 : memref<!tpu.dma_semaphore, #tpu.memory_space<semaphore_mem>>) src(%dma_wait3A_289 : memref<1000000x32xf32, #tpu.memory_space<hbm>>) dst(%dma_wait3A_284 : memref<128x32xf32, #tpu.memory_space<vmem>>)
    %dma_wait3A_290 = arith.constant 0 : i32
    %dma_wait3A_291 = arith.constant 0 : i32
    %dma_wait3A_292 = tpu.memref_slice %arg13[%dma_wait3A_290, %dma_wait3A_291] : memref<512x32xf32, #tpu.memory_space<vmem>> -> memref<128x32xf32, #tpu.memory_space<vmem>>
    %dma_wait3A_293 = arith.constant 512 : i32
    %dma_wait3A_294 = tpu.memref_slice %arg8[%dma_wait3A_293] : memref<2560xi32, #tpu.memory_space<vmem>> -> memref<128xi32, #tpu.memory_space<vmem>>
    %dma_wait3A_295 = arith.constant 0 : i32
    %dma_wait3A_296 = arith.constant 0 : i32
    %dma_wait3A_297 = tpu.memref_slice %arg5[%dma_wait3A_295, %dma_wait3A_296] : memref<1000000x32xf32, #tpu.memory_space<hbm>> -> memref<1000000x32xf32, #tpu.memory_space<hbm>>
    tpu.wait_indirect_dma semaphore(%arg19 : memref<!tpu.dma_semaphore, #tpu.memory_space<semaphore_mem>>) src(%dma_wait3A_297 : memref<1000000x32xf32, #tpu.memory_space<hbm>>) dst(%dma_wait3A_292 : memref<128x32xf32, #tpu.memory_space<vmem>>)
    %dma_wait3A_298 = arith.constant 128 : i32
    %dma_wait3A_299 = arith.constant 0 : i32
    %dma_wait3A_300 = tpu.memref_slice %arg10[%dma_wait3A_298, %dma_wait3A_299] : memref<512x32xf32, #tpu.memory_space<vmem>> -> memref<128x32xf32, #tpu.memory_space<vmem>>
    %dma_wait3A_301 = arith.constant 640 : i32
    %dma_wait3A_302 = tpu.memref_slice %arg7[%dma_wait3A_301] : memref<2560xi32, #tpu.memory_space<vmem>> -> memref<128xi32, #tpu.memory_space<vmem>>
    %dma_wait3A_303 = arith.constant 0 : i32
    %dma_wait3A_304 = arith.constant 0 : i32
    %dma_wait3A_305 = tpu.memref_slice %arg4[%dma_wait3A_303, %dma_wait3A_304] : memref<1000000x32xf32, #tpu.memory_space<hbm>> -> memref<1000000x32xf32, #tpu.memory_space<hbm>>
    tpu.wait_indirect_dma semaphore(%arg19 : memref<!tpu.dma_semaphore, #tpu.memory_space<semaphore_mem>>) src(%dma_wait3A_305 : memref<1000000x32xf32, #tpu.memory_space<hbm>>) dst(%dma_wait3A_300 : memref<128x32xf32, #tpu.memory_space<vmem>>)
    %dma_wait3A_306 = arith.constant 128 : i32
    %dma_wait3A_307 = arith.constant 0 : i32
    %dma_wait3A_308 = tpu.memref_slice %arg13[%dma_wait3A_306, %dma_wait3A_307] : memref<512x32xf32, #tpu.memory_space<vmem>> -> memref<128x32xf32, #tpu.memory_space<vmem>>
    %dma_wait3A_309 = arith.constant 640 : i32
    %dma_wait3A_310 = tpu.memref_slice %arg8[%dma_wait3A_309] : memref<2560xi32, #tpu.memory_space<vmem>> -> memref<128xi32, #tpu.memory_space<vmem>>
    %dma_wait3A_311 = arith.constant 0 : i32
    %dma_wait3A_312 = arith.constant 0 : i32
    %dma_wait3A_313 = tpu.memref_slice %arg5[%dma_wait3A_311, %dma_wait3A_312] : memref<1000000x32xf32, #tpu.memory_space<hbm>> -> memref<1000000x32xf32, #tpu.memory_space<hbm>>
    tpu.wait_indirect_dma semaphore(%arg19 : memref<!tpu.dma_semaphore, #tpu.memory_space<semaphore_mem>>) src(%dma_wait3A_313 : memref<1000000x32xf32, #tpu.memory_space<hbm>>) dst(%dma_wait3A_308 : memref<128x32xf32, #tpu.memory_space<vmem>>)
    %dma_wait3A_314 = arith.constant 256 : i32
    %dma_wait3A_315 = arith.constant 0 : i32
    %dma_wait3A_316 = tpu.memref_slice %arg10[%dma_wait3A_314, %dma_wait3A_315] : memref<512x32xf32, #tpu.memory_space<vmem>> -> memref<128x32xf32, #tpu.memory_space<vmem>>
    %dma_wait3A_317 = arith.constant 768 : i32
    %dma_wait3A_318 = tpu.memref_slice %arg7[%dma_wait3A_317] : memref<2560xi32, #tpu.memory_space<vmem>> -> memref<128xi32, #tpu.memory_space<vmem>>
    %dma_wait3A_319 = arith.constant 0 : i32
    %dma_wait3A_320 = arith.constant 0 : i32
    %dma_wait3A_321 = tpu.memref_slice %arg4[%dma_wait3A_319, %dma_wait3A_320] : memref<1000000x32xf32, #tpu.memory_space<hbm>> -> memref<1000000x32xf32, #tpu.memory_space<hbm>>
    tpu.wait_indirect_dma semaphore(%arg19 : memref<!tpu.dma_semaphore, #tpu.memory_space<semaphore_mem>>) src(%dma_wait3A_321 : memref<1000000x32xf32, #tpu.memory_space<hbm>>) dst(%dma_wait3A_316 : memref<128x32xf32, #tpu.memory_space<vmem>>)
    %dma_wait3A_322 = arith.constant 256 : i32
    %dma_wait3A_323 = arith.constant 0 : i32
    %dma_wait3A_324 = tpu.memref_slice %arg13[%dma_wait3A_322, %dma_wait3A_323] : memref<512x32xf32, #tpu.memory_space<vmem>> -> memref<128x32xf32, #tpu.memory_space<vmem>>
    %dma_wait3A_325 = arith.constant 768 : i32
    %dma_wait3A_326 = tpu.memref_slice %arg8[%dma_wait3A_325] : memref<2560xi32, #tpu.memory_space<vmem>> -> memref<128xi32, #tpu.memory_space<vmem>>
    %dma_wait3A_327 = arith.constant 0 : i32
    %dma_wait3A_328 = arith.constant 0 : i32
    %dma_wait3A_329 = tpu.memref_slice %arg5[%dma_wait3A_327, %dma_wait3A_328] : memref<1000000x32xf32, #tpu.memory_space<hbm>> -> memref<1000000x32xf32, #tpu.memory_space<hbm>>
    tpu.wait_indirect_dma semaphore(%arg19 : memref<!tpu.dma_semaphore, #tpu.memory_space<semaphore_mem>>) src(%dma_wait3A_329 : memref<1000000x32xf32, #tpu.memory_space<hbm>>) dst(%dma_wait3A_324 : memref<128x32xf32, #tpu.memory_space<vmem>>)
    %dma_wait3A_330 = arith.constant 384 : i32
    %dma_wait3A_331 = arith.constant 0 : i32
    %dma_wait3A_332 = tpu.memref_slice %arg10[%dma_wait3A_330, %dma_wait3A_331] : memref<512x32xf32, #tpu.memory_space<vmem>> -> memref<128x32xf32, #tpu.memory_space<vmem>>
    %dma_wait3A_333 = arith.constant 896 : i32
    %dma_wait3A_334 = tpu.memref_slice %arg7[%dma_wait3A_333] : memref<2560xi32, #tpu.memory_space<vmem>> -> memref<128xi32, #tpu.memory_space<vmem>>
    %dma_wait3A_335 = arith.constant 0 : i32
    %dma_wait3A_336 = arith.constant 0 : i32
    %dma_wait3A_337 = tpu.memref_slice %arg4[%dma_wait3A_335, %dma_wait3A_336] : memref<1000000x32xf32, #tpu.memory_space<hbm>> -> memref<1000000x32xf32, #tpu.memory_space<hbm>>
    tpu.wait_indirect_dma semaphore(%arg19 : memref<!tpu.dma_semaphore, #tpu.memory_space<semaphore_mem>>) src(%dma_wait3A_337 : memref<1000000x32xf32, #tpu.memory_space<hbm>>) dst(%dma_wait3A_332 : memref<128x32xf32, #tpu.memory_space<vmem>>)
    %dma_wait3A_338 = arith.constant 384 : i32
    %dma_wait3A_339 = arith.constant 0 : i32
    %dma_wait3A_340 = tpu.memref_slice %arg13[%dma_wait3A_338, %dma_wait3A_339] : memref<512x32xf32, #tpu.memory_space<vmem>> -> memref<128x32xf32, #tpu.memory_space<vmem>>
    %dma_wait3A_341 = arith.constant 896 : i32
    %dma_wait3A_342 = tpu.memref_slice %arg8[%dma_wait3A_341] : memref<2560xi32, #tpu.memory_space<vmem>> -> memref<128xi32, #tpu.memory_space<vmem>>
    %dma_wait3A_343 = arith.constant 0 : i32
    %dma_wait3A_344 = arith.constant 0 : i32
    %dma_wait3A_345 = tpu.memref_slice %arg5[%dma_wait3A_343, %dma_wait3A_344] : memref<1000000x32xf32, #tpu.memory_space<hbm>> -> memref<1000000x32xf32, #tpu.memory_space<hbm>>
    tpu.wait_indirect_dma semaphore(%arg19 : memref<!tpu.dma_semaphore, #tpu.memory_space<semaphore_mem>>) src(%dma_wait3A_345 : memref<1000000x32xf32, #tpu.memory_space<hbm>>) dst(%dma_wait3A_340 : memref<128x32xf32, #tpu.memory_space<vmem>>)
    %dma_wait3A_346 = arith.constant 0 : i32
    %dma_wait3A_347 = tpu.memref_slice %arg6[%add3A_269, %dma_wait3A_346] : memref<81920x65xf32, #tpu.memory_space<hbm>> -> memref<512x32xf32, #tpu.memory_space<hbm>>
    %dma_wait3A_348 = arith.constant 0 : i32
    %dma_wait3A_349 = tpu.memref_slice %arg6[%add3A_269, %dma_wait3A_348] : memref<81920x65xf32, #tpu.memory_space<hbm>> -> memref<512x32xf32, #tpu.memory_space<hbm>>
    tpu.wait_dma2 semaphore(%arg21 : memref<!tpu.dma_semaphore, #tpu.memory_space<semaphore_mem>>) src(%arg9 : memref<512x32xf32, #tpu.memory_space<vmem>>) dst(%dma_wait3A_349 : memref<512x32xf32, #tpu.memory_space<hbm>>)
    %dma_wait3A_350 = arith.constant 32 : i32
    %dma_wait3A_351 = tpu.memref_slice %arg6[%add3A_269, %dma_wait3A_350] : memref<81920x65xf32, #tpu.memory_space<hbm>> -> memref<512x32xf32, #tpu.memory_space<hbm>>
    %dma_wait3A_352 = arith.constant 32 : i32
    %dma_wait3A_353 = tpu.memref_slice %arg6[%add3A_269, %dma_wait3A_352] : memref<81920x65xf32, #tpu.memory_space<hbm>> -> memref<512x32xf32, #tpu.memory_space<hbm>>
    tpu.wait_dma2 semaphore(%arg21 : memref<!tpu.dma_semaphore, #tpu.memory_space<semaphore_mem>>) src(%arg12 : memref<512x32xf32, #tpu.memory_space<vmem>>) dst(%dma_wait3A_353 : memref<512x32xf32, #tpu.memory_space<hbm>>)
    %dma_wait3A_354 = arith.constant 64 : i32
    %dma_wait3A_355 = tpu.memref_slice %arg6[%add3A_269, %dma_wait3A_354] : memref<81920x65xf32, #tpu.memory_space<hbm>> -> memref<512x1xf32, #tpu.memory_space<hbm>>
    %dma_wait3A_356 = arith.constant 64 : i32
    %dma_wait3A_357 = tpu.memref_slice %arg6[%add3A_269, %dma_wait3A_356] : memref<81920x65xf32, #tpu.memory_space<hbm>> -> memref<512x1xf32, #tpu.memory_space<hbm>>
    tpu.wait_dma2 semaphore(%arg21 : memref<!tpu.dma_semaphore, #tpu.memory_space<semaphore_mem>>) src(%arg15 : memref<512x1xf32, #tpu.memory_space<vmem>>) dst(%dma_wait3A_357 : memref<512x1xf32, #tpu.memory_space<hbm>>)
    %dma_start3A_358 = arith.constant 0 : i32
    %dma_start3A_359 = arith.constant 0 : i32
    %dma_start3A_360 = tpu.memref_slice %arg9[%dma_start3A_358, %dma_start3A_359] : memref<512x32xf32, #tpu.memory_space<vmem>> -> memref<128x32xf32, #tpu.memory_space<vmem>>
    %dma_start3A_361 = arith.constant 1536 : i32
    %dma_start3A_362 = tpu.memref_slice %arg7[%dma_start3A_361] : memref<2560xi32, #tpu.memory_space<vmem>> -> memref<128xi32, #tpu.memory_space<vmem>>
    %dma_start3A_363 = arith.constant 0 : i32
    %dma_start3A_364 = arith.constant 0 : i32
    %dma_start3A_365 = tpu.memref_slice %arg4[%dma_start3A_363, %dma_start3A_364] : memref<1000000x32xf32, #tpu.memory_space<hbm>> -> memref<1000000x32xf32, #tpu.memory_space<hbm>>
    tpu.enqueue_indirect_dma source(%dma_start3A_365 : memref<1000000x32xf32, #tpu.memory_space<hbm>>) target(%dma_start3A_360 : memref<128x32xf32, #tpu.memory_space<vmem>>) offsets(%dma_start3A_362 : memref<128xi32, #tpu.memory_space<vmem>>) semaphore(%arg18 : memref<!tpu.dma_semaphore, #tpu.memory_space<semaphore_mem>>)
    %dma_start3A_366 = arith.constant 0 : i32
    %dma_start3A_367 = arith.constant 0 : i32
    %dma_start3A_368 = tpu.memref_slice %arg12[%dma_start3A_366, %dma_start3A_367] : memref<512x32xf32, #tpu.memory_space<vmem>> -> memref<128x32xf32, #tpu.memory_space<vmem>>
    %dma_start3A_369 = arith.constant 1536 : i32
    %dma_start3A_370 = tpu.memref_slice %arg8[%dma_start3A_369] : memref<2560xi32, #tpu.memory_space<vmem>> -> memref<128xi32, #tpu.memory_space<vmem>>
    %dma_start3A_371 = arith.constant 0 : i32
    %dma_start3A_372 = arith.constant 0 : i32
    %dma_start3A_373 = tpu.memref_slice %arg5[%dma_start3A_371, %dma_start3A_372] : memref<1000000x32xf32, #tpu.memory_space<hbm>> -> memref<1000000x32xf32, #tpu.memory_space<hbm>>
    tpu.enqueue_indirect_dma source(%dma_start3A_373 : memref<1000000x32xf32, #tpu.memory_space<hbm>>) target(%dma_start3A_368 : memref<128x32xf32, #tpu.memory_space<vmem>>) offsets(%dma_start3A_370 : memref<128xi32, #tpu.memory_space<vmem>>) semaphore(%arg18 : memref<!tpu.dma_semaphore, #tpu.memory_space<semaphore_mem>>)
    %dma_start3A_374 = arith.constant 128 : i32
    %dma_start3A_375 = arith.constant 0 : i32
    %dma_start3A_376 = tpu.memref_slice %arg9[%dma_start3A_374, %dma_start3A_375] : memref<512x32xf32, #tpu.memory_space<vmem>> -> memref<128x32xf32, #tpu.memory_space<vmem>>
    %dma_start3A_377 = arith.constant 1664 : i32
    %dma_start3A_378 = tpu.memref_slice %arg7[%dma_start3A_377] : memref<2560xi32, #tpu.memory_space<vmem>> -> memref<128xi32, #tpu.memory_space<vmem>>
    %dma_start3A_379 = arith.constant 0 : i32
    %dma_start3A_380 = arith.constant 0 : i32
    %dma_start3A_381 = tpu.memref_slice %arg4[%dma_start3A_379, %dma_start3A_380] : memref<1000000x32xf32, #tpu.memory_space<hbm>> -> memref<1000000x32xf32, #tpu.memory_space<hbm>>
    tpu.enqueue_indirect_dma source(%dma_start3A_381 : memref<1000000x32xf32, #tpu.memory_space<hbm>>) target(%dma_start3A_376 : memref<128x32xf32, #tpu.memory_space<vmem>>) offsets(%dma_start3A_378 : memref<128xi32, #tpu.memory_space<vmem>>) semaphore(%arg18 : memref<!tpu.dma_semaphore, #tpu.memory_space<semaphore_mem>>)
    %dma_start3A_382 = arith.constant 128 : i32
    %dma_start3A_383 = arith.constant 0 : i32
    %dma_start3A_384 = tpu.memref_slice %arg12[%dma_start3A_382, %dma_start3A_383] : memref<512x32xf32, #tpu.memory_space<vmem>> -> memref<128x32xf32, #tpu.memory_space<vmem>>
    %dma_start3A_385 = arith.constant 1664 : i32
    %dma_start3A_386 = tpu.memref_slice %arg8[%dma_start3A_385] : memref<2560xi32, #tpu.memory_space<vmem>> -> memref<128xi32, #tpu.memory_space<vmem>>
    %dma_start3A_387 = arith.constant 0 : i32
    %dma_start3A_388 = arith.constant 0 : i32
    %dma_start3A_389 = tpu.memref_slice %arg5[%dma_start3A_387, %dma_start3A_388] : memref<1000000x32xf32, #tpu.memory_space<hbm>> -> memref<1000000x32xf32, #tpu.memory_space<hbm>>
    tpu.enqueue_indirect_dma source(%dma_start3A_389 : memref<1000000x32xf32, #tpu.memory_space<hbm>>) target(%dma_start3A_384 : memref<128x32xf32, #tpu.memory_space<vmem>>) offsets(%dma_start3A_386 : memref<128xi32, #tpu.memory_space<vmem>>) semaphore(%arg18 : memref<!tpu.dma_semaphore, #tpu.memory_space<semaphore_mem>>)
    %dma_start3A_390 = arith.constant 256 : i32
    %dma_start3A_391 = arith.constant 0 : i32
    %dma_start3A_392 = tpu.memref_slice %arg9[%dma_start3A_390, %dma_start3A_391] : memref<512x32xf32, #tpu.memory_space<vmem>> -> memref<128x32xf32, #tpu.memory_space<vmem>>
    %dma_start3A_393 = arith.constant 1792 : i32
    %dma_start3A_394 = tpu.memref_slice %arg7[%dma_start3A_393] : memref<2560xi32, #tpu.memory_space<vmem>> -> memref<128xi32, #tpu.memory_space<vmem>>
    %dma_start3A_395 = arith.constant 0 : i32
    %dma_start3A_396 = arith.constant 0 : i32
    %dma_start3A_397 = tpu.memref_slice %arg4[%dma_start3A_395, %dma_start3A_396] : memref<1000000x32xf32, #tpu.memory_space<hbm>> -> memref<1000000x32xf32, #tpu.memory_space<hbm>>
    tpu.enqueue_indirect_dma source(%dma_start3A_397 : memref<1000000x32xf32, #tpu.memory_space<hbm>>) target(%dma_start3A_392 : memref<128x32xf32, #tpu.memory_space<vmem>>) offsets(%dma_start3A_394 : memref<128xi32, #tpu.memory_space<vmem>>) semaphore(%arg18 : memref<!tpu.dma_semaphore, #tpu.memory_space<semaphore_mem>>)
    %dma_start3A_398 = arith.constant 256 : i32
    %dma_start3A_399 = arith.constant 0 : i32
    %dma_start3A_400 = tpu.memref_slice %arg12[%dma_start3A_398, %dma_start3A_399] : memref<512x32xf32, #tpu.memory_space<vmem>> -> memref<128x32xf32, #tpu.memory_space<vmem>>
    %dma_start3A_401 = arith.constant 1792 : i32
    %dma_start3A_402 = tpu.memref_slice %arg8[%dma_start3A_401] : memref<2560xi32, #tpu.memory_space<vmem>> -> memref<128xi32, #tpu.memory_space<vmem>>
    %dma_start3A_403 = arith.constant 0 : i32
    %dma_start3A_404 = arith.constant 0 : i32
    %dma_start3A_405 = tpu.memref_slice %arg5[%dma_start3A_403, %dma_start3A_404] : memref<1000000x32xf32, #tpu.memory_space<hbm>> -> memref<1000000x32xf32, #tpu.memory_space<hbm>>
    tpu.enqueue_indirect_dma source(%dma_start3A_405 : memref<1000000x32xf32, #tpu.memory_space<hbm>>) target(%dma_start3A_400 : memref<128x32xf32, #tpu.memory_space<vmem>>) offsets(%dma_start3A_402 : memref<128xi32, #tpu.memory_space<vmem>>) semaphore(%arg18 : memref<!tpu.dma_semaphore, #tpu.memory_space<semaphore_mem>>)
    %dma_start3A_406 = arith.constant 384 : i32
    %dma_start3A_407 = arith.constant 0 : i32
    %dma_start3A_408 = tpu.memref_slice %arg9[%dma_start3A_406, %dma_start3A_407] : memref<512x32xf32, #tpu.memory_space<vmem>> -> memref<128x32xf32, #tpu.memory_space<vmem>>
    %dma_start3A_409 = arith.constant 1920 : i32
    %dma_start3A_410 = tpu.memref_slice %arg7[%dma_start3A_409] : memref<2560xi32, #tpu.memory_space<vmem>> -> memref<128xi32, #tpu.memory_space<vmem>>
    %dma_start3A_411 = arith.constant 0 : i32
    %dma_start3A_412 = arith.constant 0 : i32
    %dma_start3A_413 = tpu.memref_slice %arg4[%dma_start3A_411, %dma_start3A_412] : memref<1000000x32xf32, #tpu.memory_space<hbm>> -> memref<1000000x32xf32, #tpu.memory_space<hbm>>
    tpu.enqueue_indirect_dma source(%dma_start3A_413 : memref<1000000x32xf32, #tpu.memory_space<hbm>>) target(%dma_start3A_408 : memref<128x32xf32, #tpu.memory_space<vmem>>) offsets(%dma_start3A_410 : memref<128xi32, #tpu.memory_space<vmem>>) semaphore(%arg18 : memref<!tpu.dma_semaphore, #tpu.memory_space<semaphore_mem>>)
    %dma_start3A_414 = arith.constant 384 : i32
    %dma_start3A_415 = arith.constant 0 : i32
    %dma_start3A_416 = tpu.memref_slice %arg12[%dma_start3A_414, %dma_start3A_415] : memref<512x32xf32, #tpu.memory_space<vmem>> -> memref<128x32xf32, #tpu.memory_space<vmem>>
    %dma_start3A_417 = arith.constant 1920 : i32
    %dma_start3A_418 = tpu.memref_slice %arg8[%dma_start3A_417] : memref<2560xi32, #tpu.memory_space<vmem>> -> memref<128xi32, #tpu.memory_space<vmem>>
    %dma_start3A_419 = arith.constant 0 : i32
    %dma_start3A_420 = arith.constant 0 : i32
    %dma_start3A_421 = tpu.memref_slice %arg5[%dma_start3A_419, %dma_start3A_420] : memref<1000000x32xf32, #tpu.memory_space<hbm>> -> memref<1000000x32xf32, #tpu.memory_space<hbm>>
    tpu.enqueue_indirect_dma source(%dma_start3A_421 : memref<1000000x32xf32, #tpu.memory_space<hbm>>) target(%dma_start3A_416 : memref<128x32xf32, #tpu.memory_space<vmem>>) offsets(%dma_start3A_418 : memref<128xi32, #tpu.memory_space<vmem>>) semaphore(%arg18 : memref<!tpu.dma_semaphore, #tpu.memory_space<semaphore_mem>>)
    %scan3A_422 = arith.constant 0 : i32
    %scan3A_423 = arith.constant 0 : i32
    %scan3A_424 = arith.constant 32 : i32
    %scan3A_425 = arith.addi %scan3A_423, %scan3A_424 : i32
    %scan3A_426 = arith.constant 1 : i32
    %scan3A_427 = scf.for %scan3A_818 = %scan3A_423 to %scan3A_425 step %scan3A_426 iter_args(%scan3A_819 = %scan3A_422) -> (i32)  : i32 {
      %mul3A_820 = arith.constant 16 : i32
      %mul3A_821 = arith.muli %scan3A_818, %mul3A_820 : i32
      %add3A_822 = vector.broadcast %mul3A_821 : i32 to vector<16xi32>
      %add3A_823 = arith.addi %add3A_822, %iota3A : vector<16xi32>
      %broadcast_in_dim3A_824 = arith.constant 0.000000e+00 : f32
      %broadcast_in_dim3A_825 = vector.broadcast %broadcast_in_dim3A_824 : f32 to vector<16xf32>
      %broadcast_in_dim3A_826 = arith.constant 0 : i32
      %broadcast_in_dim3A_827 = vector.broadcast %broadcast_in_dim3A_826 : i32 to vector<16xi32>
      %gather3A = tpu.vector_load_idx %arg10[%add3A_823, %broadcast_in_dim3A_827] : memref<512x32xf32, #tpu.memory_space<vmem>>[vector<16xi32>, vector<16xi32>], vector<16xf32>,
      %gather3A_828 = tpu.vector_load_idx %arg13[%add3A_823, %broadcast_in_dim3A_827] : memref<512x32xf32, #tpu.memory_space<vmem>>[vector<16xi32>, vector<16xi32>], vector<16xf32>,
      %mul3A_829 = arith.mulf %gather3A, %gather3A_828 : vector<16xf32>
      %add3A_830 = arith.addf %broadcast_in_dim3A_825, %mul3A_829 : vector<16xf32>
      %broadcast_in_dim3A_831 = arith.constant 1 : i32
      %broadcast_in_dim3A_832 = vector.broadcast %broadcast_in_dim3A_831 : i32 to vector<16xi32>
      %gather3A_833 = tpu.vector_load_idx %arg10[%add3A_823, %broadcast_in_dim3A_832] : memref<512x32xf32, #tpu.memory_space<vmem>>[vector<16xi32>, vector<16xi32>], vector<16xf32>,
      %gather3A_834 = tpu.vector_load_idx %arg13[%add3A_823, %broadcast_in_dim3A_832] : memref<512x32xf32, #tpu.memory_space<vmem>>[vector<16xi32>, vector<16xi32>], vector<16xf32>,
      %mul3A_835 = arith.mulf %gather3A_833, %gather3A_834 : vector<16xf32>
      %add3A_836 = arith.addf %add3A_830, %mul3A_835 : vector<16xf32>
      %broadcast_in_dim3A_837 = arith.constant 2 : i32
      %broadcast_in_dim3A_838 = vector.broadcast %broadcast_in_dim3A_837 : i32 to vector<16xi32>
      %gather3A_839 = tpu.vector_load_idx %arg10[%add3A_823, %broadcast_in_dim3A_838] : memref<512x32xf32, #tpu.memory_space<vmem>>[vector<16xi32>, vector<16xi32>], vector<16xf32>,
      %gather3A_840 = tpu.vector_load_idx %arg13[%add3A_823, %broadcast_in_dim3A_838] : memref<512x32xf32, #tpu.memory_space<vmem>>[vector<16xi32>, vector<16xi32>], vector<16xf32>,
      %mul3A_841 = arith.mulf %gather3A_839, %gather3A_840 : vector<16xf32>
      %add3A_842 = arith.addf %add3A_836, %mul3A_841 : vector<16xf32>
      %broadcast_in_dim3A_843 = arith.constant 3 : i32
      %broadcast_in_dim3A_844 = vector.broadcast %broadcast_in_dim3A_843 : i32 to vector<16xi32>
      %gather3A_845 = tpu.vector_load_idx %arg10[%add3A_823, %broadcast_in_dim3A_844] : memref<512x32xf32, #tpu.memory_space<vmem>>[vector<16xi32>, vector<16xi32>], vector<16xf32>,
      %gather3A_846 = tpu.vector_load_idx %arg13[%add3A_823, %broadcast_in_dim3A_844] : memref<512x32xf32, #tpu.memory_space<vmem>>[vector<16xi32>, vector<16xi32>], vector<16xf32>,
      %mul3A_847 = arith.mulf %gather3A_845, %gather3A_846 : vector<16xf32>
      %add3A_848 = arith.addf %add3A_842, %mul3A_847 : vector<16xf32>
      %broadcast_in_dim3A_849 = arith.constant 4 : i32
      %broadcast_in_dim3A_850 = vector.broadcast %broadcast_in_dim3A_849 : i32 to vector<16xi32>
      %gather3A_851 = tpu.vector_load_idx %arg10[%add3A_823, %broadcast_in_dim3A_850] : memref<512x32xf32, #tpu.memory_space<vmem>>[vector<16xi32>, vector<16xi32>], vector<16xf32>,
      %gather3A_852 = tpu.vector_load_idx %arg13[%add3A_823, %broadcast_in_dim3A_850] : memref<512x32xf32, #tpu.memory_space<vmem>>[vector<16xi32>, vector<16xi32>], vector<16xf32>,
      %mul3A_853 = arith.mulf %gather3A_851, %gather3A_852 : vector<16xf32>
      %add3A_854 = arith.addf %add3A_848, %mul3A_853 : vector<16xf32>
      %broadcast_in_dim3A_855 = arith.constant 5 : i32
      %broadcast_in_dim3A_856 = vector.broadcast %broadcast_in_dim3A_855 : i32 to vector<16xi32>
      %gather3A_857 = tpu.vector_load_idx %arg10[%add3A_823, %broadcast_in_dim3A_856] : memref<512x32xf32, #tpu.memory_space<vmem>>[vector<16xi32>, vector<16xi32>], vector<16xf32>,
      %gather3A_858 = tpu.vector_load_idx %arg13[%add3A_823, %broadcast_in_dim3A_856] : memref<512x32xf32, #tpu.memory_space<vmem>>[vector<16xi32>, vector<16xi32>], vector<16xf32>,
      %mul3A_859 = arith.mulf %gather3A_857, %gather3A_858 : vector<16xf32>
      %add3A_860 = arith.addf %add3A_854, %mul3A_859 : vector<16xf32>
      %broadcast_in_dim3A_861 = arith.constant 6 : i32
      %broadcast_in_dim3A_862 = vector.broadcast %broadcast_in_dim3A_861 : i32 to vector<16xi32>
      %gather3A_863 = tpu.vector_load_idx %arg10[%add3A_823, %broadcast_in_dim3A_862] : memref<512x32xf32, #tpu.memory_space<vmem>>[vector<16xi32>, vector<16xi32>], vector<16xf32>,
      %gather3A_864 = tpu.vector_load_idx %arg13[%add3A_823, %broadcast_in_dim3A_862] : memref<512x32xf32, #tpu.memory_space<vmem>>[vector<16xi32>, vector<16xi32>], vector<16xf32>,
      %mul3A_865 = arith.mulf %gather3A_863, %gather3A_864 : vector<16xf32>
      %add3A_866 = arith.addf %add3A_860, %mul3A_865 : vector<16xf32>
      %broadcast_in_dim3A_867 = arith.constant 7 : i32
      %broadcast_in_dim3A_868 = vector.broadcast %broadcast_in_dim3A_867 : i32 to vector<16xi32>
      %gather3A_869 = tpu.vector_load_idx %arg10[%add3A_823, %broadcast_in_dim3A_868] : memref<512x32xf32, #tpu.memory_space<vmem>>[vector<16xi32>, vector<16xi32>], vector<16xf32>,
      %gather3A_870 = tpu.vector_load_idx %arg13[%add3A_823, %broadcast_in_dim3A_868] : memref<512x32xf32, #tpu.memory_space<vmem>>[vector<16xi32>, vector<16xi32>], vector<16xf32>,
      %mul3A_871 = arith.mulf %gather3A_869, %gather3A_870 : vector<16xf32>
      %add3A_872 = arith.addf %add3A_866, %mul3A_871 : vector<16xf32>
      %broadcast_in_dim3A_873 = arith.constant 8 : i32
      %broadcast_in_dim3A_874 = vector.broadcast %broadcast_in_dim3A_873 : i32 to vector<16xi32>
      %gather3A_875 = tpu.vector_load_idx %arg10[%add3A_823, %broadcast_in_dim3A_874] : memref<512x32xf32, #tpu.memory_space<vmem>>[vector<16xi32>, vector<16xi32>], vector<16xf32>,
      %gather3A_876 = tpu.vector_load_idx %arg13[%add3A_823, %broadcast_in_dim3A_874] : memref<512x32xf32, #tpu.memory_space<vmem>>[vector<16xi32>, vector<16xi32>], vector<16xf32>,
      %mul3A_877 = arith.mulf %gather3A_875, %gather3A_876 : vector<16xf32>
      %add3A_878 = arith.addf %add3A_872, %mul3A_877 : vector<16xf32>
      %broadcast_in_dim3A_879 = arith.constant 9 : i32
      %broadcast_in_dim3A_880 = vector.broadcast %broadcast_in_dim3A_879 : i32 to vector<16xi32>
      %gather3A_881 = tpu.vector_load_idx %arg10[%add3A_823, %broadcast_in_dim3A_880] : memref<512x32xf32, #tpu.memory_space<vmem>>[vector<16xi32>, vector<16xi32>], vector<16xf32>,
      %gather3A_882 = tpu.vector_load_idx %arg13[%add3A_823, %broadcast_in_dim3A_880] : memref<512x32xf32, #tpu.memory_space<vmem>>[vector<16xi32>, vector<16xi32>], vector<16xf32>,
      %mul3A_883 = arith.mulf %gather3A_881, %gather3A_882 : vector<16xf32>
      %add3A_884 = arith.addf %add3A_878, %mul3A_883 : vector<16xf32>
      %broadcast_in_dim3A_885 = arith.constant 10 : i32
      %broadcast_in_dim3A_886 = vector.broadcast %broadcast_in_dim3A_885 : i32 to vector<16xi32>
      %gather3A_887 = tpu.vector_load_idx %arg10[%add3A_823, %broadcast_in_dim3A_886] : memref<512x32xf32, #tpu.memory_space<vmem>>[vector<16xi32>, vector<16xi32>], vector<16xf32>,
      %gather3A_888 = tpu.vector_load_idx %arg13[%add3A_823, %broadcast_in_dim3A_886] : memref<512x32xf32, #tpu.memory_space<vmem>>[vector<16xi32>, vector<16xi32>], vector<16xf32>,
      %mul3A_889 = arith.mulf %gather3A_887, %gather3A_888 : vector<16xf32>
      %add3A_890 = arith.addf %add3A_884, %mul3A_889 : vector<16xf32>
      %broadcast_in_dim3A_891 = arith.constant 11 : i32
      %broadcast_in_dim3A_892 = vector.broadcast %broadcast_in_dim3A_891 : i32 to vector<16xi32>
      %gather3A_893 = tpu.vector_load_idx %arg10[%add3A_823, %broadcast_in_dim3A_892] : memref<512x32xf32, #tpu.memory_space<vmem>>[vector<16xi32>, vector<16xi32>], vector<16xf32>,
      %gather3A_894 = tpu.vector_load_idx %arg13[%add3A_823, %broadcast_in_dim3A_892] : memref<512x32xf32, #tpu.memory_space<vmem>>[vector<16xi32>, vector<16xi32>], vector<16xf32>,
      %mul3A_895 = arith.mulf %gather3A_893, %gather3A_894 : vector<16xf32>
      %add3A_896 = arith.addf %add3A_890, %mul3A_895 : vector<16xf32>
      %broadcast_in_dim3A_897 = arith.constant 12 : i32
      %broadcast_in_dim3A_898 = vector.broadcast %broadcast_in_dim3A_897 : i32 to vector<16xi32>
      %gather3A_899 = tpu.vector_load_idx %arg10[%add3A_823, %broadcast_in_dim3A_898] : memref<512x32xf32, #tpu.memory_space<vmem>>[vector<16xi32>, vector<16xi32>], vector<16xf32>,
      %gather3A_900 = tpu.vector_load_idx %arg13[%add3A_823, %broadcast_in_dim3A_898] : memref<512x32xf32, #tpu.memory_space<vmem>>[vector<16xi32>, vector<16xi32>], vector<16xf32>,
      %mul3A_901 = arith.mulf %gather3A_899, %gather3A_900 : vector<16xf32>
      %add3A_902 = arith.addf %add3A_896, %mul3A_901 : vector<16xf32>
      %broadcast_in_dim3A_903 = arith.constant 13 : i32
      %broadcast_in_dim3A_904 = vector.broadcast %broadcast_in_dim3A_903 : i32 to vector<16xi32>
      %gather3A_905 = tpu.vector_load_idx %arg10[%add3A_823, %broadcast_in_dim3A_904] : memref<512x32xf32, #tpu.memory_space<vmem>>[vector<16xi32>, vector<16xi32>], vector<16xf32>,
      %gather3A_906 = tpu.vector_load_idx %arg13[%add3A_823, %broadcast_in_dim3A_904] : memref<512x32xf32, #tpu.memory_space<vmem>>[vector<16xi32>, vector<16xi32>], vector<16xf32>,
      %mul3A_907 = arith.mulf %gather3A_905, %gather3A_906 : vector<16xf32>
      %add3A_908 = arith.addf %add3A_902, %mul3A_907 : vector<16xf32>
      %broadcast_in_dim3A_909 = arith.constant 14 : i32
      %broadcast_in_dim3A_910 = vector.broadcast %broadcast_in_dim3A_909 : i32 to vector<16xi32>
      %gather3A_911 = tpu.vector_load_idx %arg10[%add3A_823, %broadcast_in_dim3A_910] : memref<512x32xf32, #tpu.memory_space<vmem>>[vector<16xi32>, vector<16xi32>], vector<16xf32>,
      %gather3A_912 = tpu.vector_load_idx %arg13[%add3A_823, %broadcast_in_dim3A_910] : memref<512x32xf32, #tpu.memory_space<vmem>>[vector<16xi32>, vector<16xi32>], vector<16xf32>,
      %mul3A_913 = arith.mulf %gather3A_911, %gather3A_912 : vector<16xf32>
      %add3A_914 = arith.addf %add3A_908, %mul3A_913 : vector<16xf32>
      %broadcast_in_dim3A_915 = arith.constant 15 : i32
      %broadcast_in_dim3A_916 = vector.broadcast %broadcast_in_dim3A_915 : i32 to vector<16xi32>
      %gather3A_917 = tpu.vector_load_idx %arg10[%add3A_823, %broadcast_in_dim3A_916] : memref<512x32xf32, #tpu.memory_space<vmem>>[vector<16xi32>, vector<16xi32>], vector<16xf32>,
      %gather3A_918 = tpu.vector_load_idx %arg13[%add3A_823, %broadcast_in_dim3A_916] : memref<512x32xf32, #tpu.memory_space<vmem>>[vector<16xi32>, vector<16xi32>], vector<16xf32>,
      %mul3A_919 = arith.mulf %gather3A_917, %gather3A_918 : vector<16xf32>
      %add3A_920 = arith.addf %add3A_914, %mul3A_919 : vector<16xf32>
      %broadcast_in_dim3A_921 = arith.constant 16 : i32
      %broadcast_in_dim3A_922 = vector.broadcast %broadcast_in_dim3A_921 : i32 to vector<16xi32>
      %gather3A_923 = tpu.vector_load_idx %arg10[%add3A_823, %broadcast_in_dim3A_922] : memref<512x32xf32, #tpu.memory_space<vmem>>[vector<16xi32>, vector<16xi32>], vector<16xf32>,
      %gather3A_924 = tpu.vector_load_idx %arg13[%add3A_823, %broadcast_in_dim3A_922] : memref<512x32xf32, #tpu.memory_space<vmem>>[vector<16xi32>, vector<16xi32>], vector<16xf32>,
      %mul3A_925 = arith.mulf %gather3A_923, %gather3A_924 : vector<16xf32>
      %add3A_926 = arith.addf %add3A_920, %mul3A_925 : vector<16xf32>
      %broadcast_in_dim3A_927 = arith.constant 17 : i32
      %broadcast_in_dim3A_928 = vector.broadcast %broadcast_in_dim3A_927 : i32 to vector<16xi32>
      %gather3A_929 = tpu.vector_load_idx %arg10[%add3A_823, %broadcast_in_dim3A_928] : memref<512x32xf32, #tpu.memory_space<vmem>>[vector<16xi32>, vector<16xi32>], vector<16xf32>,
      %gather3A_930 = tpu.vector_load_idx %arg13[%add3A_823, %broadcast_in_dim3A_928] : memref<512x32xf32, #tpu.memory_space<vmem>>[vector<16xi32>, vector<16xi32>], vector<16xf32>,
      %mul3A_931 = arith.mulf %gather3A_929, %gather3A_930 : vector<16xf32>
      %add3A_932 = arith.addf %add3A_926, %mul3A_931 : vector<16xf32>
      %broadcast_in_dim3A_933 = arith.constant 18 : i32
      %broadcast_in_dim3A_934 = vector.broadcast %broadcast_in_dim3A_933 : i32 to vector<16xi32>
      %gather3A_935 = tpu.vector_load_idx %arg10[%add3A_823, %broadcast_in_dim3A_934] : memref<512x32xf32, #tpu.memory_space<vmem>>[vector<16xi32>, vector<16xi32>], vector<16xf32>,
      %gather3A_936 = tpu.vector_load_idx %arg13[%add3A_823, %broadcast_in_dim3A_934] : memref<512x32xf32, #tpu.memory_space<vmem>>[vector<16xi32>, vector<16xi32>], vector<16xf32>,
      %mul3A_937 = arith.mulf %gather3A_935, %gather3A_936 : vector<16xf32>
      %add3A_938 = arith.addf %add3A_932, %mul3A_937 : vector<16xf32>
      %broadcast_in_dim3A_939 = arith.constant 19 : i32
      %broadcast_in_dim3A_940 = vector.broadcast %broadcast_in_dim3A_939 : i32 to vector<16xi32>
      %gather3A_941 = tpu.vector_load_idx %arg10[%add3A_823, %broadcast_in_dim3A_940] : memref<512x32xf32, #tpu.memory_space<vmem>>[vector<16xi32>, vector<16xi32>], vector<16xf32>,
      %gather3A_942 = tpu.vector_load_idx %arg13[%add3A_823, %broadcast_in_dim3A_940] : memref<512x32xf32, #tpu.memory_space<vmem>>[vector<16xi32>, vector<16xi32>], vector<16xf32>,
      %mul3A_943 = arith.mulf %gather3A_941, %gather3A_942 : vector<16xf32>
      %add3A_944 = arith.addf %add3A_938, %mul3A_943 : vector<16xf32>
      %broadcast_in_dim3A_945 = arith.constant 20 : i32
      %broadcast_in_dim3A_946 = vector.broadcast %broadcast_in_dim3A_945 : i32 to vector<16xi32>
      %gather3A_947 = tpu.vector_load_idx %arg10[%add3A_823, %broadcast_in_dim3A_946] : memref<512x32xf32, #tpu.memory_space<vmem>>[vector<16xi32>, vector<16xi32>], vector<16xf32>,
      %gather3A_948 = tpu.vector_load_idx %arg13[%add3A_823, %broadcast_in_dim3A_946] : memref<512x32xf32, #tpu.memory_space<vmem>>[vector<16xi32>, vector<16xi32>], vector<16xf32>,
      %mul3A_949 = arith.mulf %gather3A_947, %gather3A_948 : vector<16xf32>
      %add3A_950 = arith.addf %add3A_944, %mul3A_949 : vector<16xf32>
      %broadcast_in_dim3A_951 = arith.constant 21 : i32
      %broadcast_in_dim3A_952 = vector.broadcast %broadcast_in_dim3A_951 : i32 to vector<16xi32>
      %gather3A_953 = tpu.vector_load_idx %arg10[%add3A_823, %broadcast_in_dim3A_952] : memref<512x32xf32, #tpu.memory_space<vmem>>[vector<16xi32>, vector<16xi32>], vector<16xf32>,
      %gather3A_954 = tpu.vector_load_idx %arg13[%add3A_823, %broadcast_in_dim3A_952] : memref<512x32xf32, #tpu.memory_space<vmem>>[vector<16xi32>, vector<16xi32>], vector<16xf32>,
      %mul3A_955 = arith.mulf %gather3A_953, %gather3A_954 : vector<16xf32>
      %add3A_956 = arith.addf %add3A_950, %mul3A_955 : vector<16xf32>
      %broadcast_in_dim3A_957 = arith.constant 22 : i32
      %broadcast_in_dim3A_958 = vector.broadcast %broadcast_in_dim3A_957 : i32 to vector<16xi32>
      %gather3A_959 = tpu.vector_load_idx %arg10[%add3A_823, %broadcast_in_dim3A_958] : memref<512x32xf32, #tpu.memory_space<vmem>>[vector<16xi32>, vector<16xi32>], vector<16xf32>,
      %gather3A_960 = tpu.vector_load_idx %arg13[%add3A_823, %broadcast_in_dim3A_958] : memref<512x32xf32, #tpu.memory_space<vmem>>[vector<16xi32>, vector<16xi32>], vector<16xf32>,
      %mul3A_961 = arith.mulf %gather3A_959, %gather3A_960 : vector<16xf32>
      %add3A_962 = arith.addf %add3A_956, %mul3A_961 : vector<16xf32>
      %broadcast_in_dim3A_963 = arith.constant 23 : i32
      %broadcast_in_dim3A_964 = vector.broadcast %broadcast_in_dim3A_963 : i32 to vector<16xi32>
      %gather3A_965 = tpu.vector_load_idx %arg10[%add3A_823, %broadcast_in_dim3A_964] : memref<512x32xf32, #tpu.memory_space<vmem>>[vector<16xi32>, vector<16xi32>], vector<16xf32>,
      %gather3A_966 = tpu.vector_load_idx %arg13[%add3A_823, %broadcast_in_dim3A_964] : memref<512x32xf32, #tpu.memory_space<vmem>>[vector<16xi32>, vector<16xi32>], vector<16xf32>,
      %mul3A_967 = arith.mulf %gather3A_965, %gather3A_966 : vector<16xf32>
      %add3A_968 = arith.addf %add3A_962, %mul3A_967 : vector<16xf32>
      %broadcast_in_dim3A_969 = arith.constant 24 : i32
      %broadcast_in_dim3A_970 = vector.broadcast %broadcast_in_dim3A_969 : i32 to vector<16xi32>
      %gather3A_971 = tpu.vector_load_idx %arg10[%add3A_823, %broadcast_in_dim3A_970] : memref<512x32xf32, #tpu.memory_space<vmem>>[vector<16xi32>, vector<16xi32>], vector<16xf32>,
      %gather3A_972 = tpu.vector_load_idx %arg13[%add3A_823, %broadcast_in_dim3A_970] : memref<512x32xf32, #tpu.memory_space<vmem>>[vector<16xi32>, vector<16xi32>], vector<16xf32>,
      %mul3A_973 = arith.mulf %gather3A_971, %gather3A_972 : vector<16xf32>
      %add3A_974 = arith.addf %add3A_968, %mul3A_973 : vector<16xf32>
      %broadcast_in_dim3A_975 = arith.constant 25 : i32
      %broadcast_in_dim3A_976 = vector.broadcast %broadcast_in_dim3A_975 : i32 to vector<16xi32>
      %gather3A_977 = tpu.vector_load_idx %arg10[%add3A_823, %broadcast_in_dim3A_976] : memref<512x32xf32, #tpu.memory_space<vmem>>[vector<16xi32>, vector<16xi32>], vector<16xf32>,
      %gather3A_978 = tpu.vector_load_idx %arg13[%add3A_823, %broadcast_in_dim3A_976] : memref<512x32xf32, #tpu.memory_space<vmem>>[vector<16xi32>, vector<16xi32>], vector<16xf32>,
      %mul3A_979 = arith.mulf %gather3A_977, %gather3A_978 : vector<16xf32>
      %add3A_980 = arith.addf %add3A_974, %mul3A_979 : vector<16xf32>
      %broadcast_in_dim3A_981 = arith.constant 26 : i32
      %broadcast_in_dim3A_982 = vector.broadcast %broadcast_in_dim3A_981 : i32 to vector<16xi32>
      %gather3A_983 = tpu.vector_load_idx %arg10[%add3A_823, %broadcast_in_dim3A_982] : memref<512x32xf32, #tpu.memory_space<vmem>>[vector<16xi32>, vector<16xi32>], vector<16xf32>,
      %gather3A_984 = tpu.vector_load_idx %arg13[%add3A_823, %broadcast_in_dim3A_982] : memref<512x32xf32, #tpu.memory_space<vmem>>[vector<16xi32>, vector<16xi32>], vector<16xf32>,
      %mul3A_985 = arith.mulf %gather3A_983, %gather3A_984 : vector<16xf32>
      %add3A_986 = arith.addf %add3A_980, %mul3A_985 : vector<16xf32>
      %broadcast_in_dim3A_987 = arith.constant 27 : i32
      %broadcast_in_dim3A_988 = vector.broadcast %broadcast_in_dim3A_987 : i32 to vector<16xi32>
      %gather3A_989 = tpu.vector_load_idx %arg10[%add3A_823, %broadcast_in_dim3A_988] : memref<512x32xf32, #tpu.memory_space<vmem>>[vector<16xi32>, vector<16xi32>], vector<16xf32>,
      %gather3A_990 = tpu.vector_load_idx %arg13[%add3A_823, %broadcast_in_dim3A_988] : memref<512x32xf32, #tpu.memory_space<vmem>>[vector<16xi32>, vector<16xi32>], vector<16xf32>,
      %mul3A_991 = arith.mulf %gather3A_989, %gather3A_990 : vector<16xf32>
      %add3A_992 = arith.addf %add3A_986, %mul3A_991 : vector<16xf32>
      %broadcast_in_dim3A_993 = arith.constant 28 : i32
      %broadcast_in_dim3A_994 = vector.broadcast %broadcast_in_dim3A_993 : i32 to vector<16xi32>
      %gather3A_995 = tpu.vector_load_idx %arg10[%add3A_823, %broadcast_in_dim3A_994] : memref<512x32xf32, #tpu.memory_space<vmem>>[vector<16xi32>, vector<16xi32>], vector<16xf32>,
      %gather3A_996 = tpu.vector_load_idx %arg13[%add3A_823, %broadcast_in_dim3A_994] : memref<512x32xf32, #tpu.memory_space<vmem>>[vector<16xi32>, vector<16xi32>], vector<16xf32>,
      %mul3A_997 = arith.mulf %gather3A_995, %gather3A_996 : vector<16xf32>
      %add3A_998 = arith.addf %add3A_992, %mul3A_997 : vector<16xf32>
      %broadcast_in_dim3A_999 = arith.constant 29 : i32
      %broadcast_in_dim3A_1000 = vector.broadcast %broadcast_in_dim3A_999 : i32 to vector<16xi32>
      %gather3A_1001 = tpu.vector_load_idx %arg10[%add3A_823, %broadcast_in_dim3A_1000] : memref<512x32xf32, #tpu.memory_space<vmem>>[vector<16xi32>, vector<16xi32>], vector<16xf32>,
      %gather3A_1002 = tpu.vector_load_idx %arg13[%add3A_823, %broadcast_in_dim3A_1000] : memref<512x32xf32, #tpu.memory_space<vmem>>[vector<16xi32>, vector<16xi32>], vector<16xf32>,
      %mul3A_1003 = arith.mulf %gather3A_1001, %gather3A_1002 : vector<16xf32>
      %add3A_1004 = arith.addf %add3A_998, %mul3A_1003 : vector<16xf32>
      %broadcast_in_dim3A_1005 = arith.constant 30 : i32
      %broadcast_in_dim3A_1006 = vector.broadcast %broadcast_in_dim3A_1005 : i32 to vector<16xi32>
      %gather3A_1007 = tpu.vector_load_idx %arg10[%add3A_823, %broadcast_in_dim3A_1006] : memref<512x32xf32, #tpu.memory_space<vmem>>[vector<16xi32>, vector<16xi32>], vector<16xf32>,
      %gather3A_1008 = tpu.vector_load_idx %arg13[%add3A_823, %broadcast_in_dim3A_1006] : memref<512x32xf32, #tpu.memory_space<vmem>>[vector<16xi32>, vector<16xi32>], vector<16xf32>,
      %mul3A_1009 = arith.mulf %gather3A_1007, %gather3A_1008 : vector<16xf32>
      %add3A_1010 = arith.addf %add3A_1004, %mul3A_1009 : vector<16xf32>
      %broadcast_in_dim3A_1011 = arith.constant 31 : i32
      %broadcast_in_dim3A_1012 = vector.broadcast %broadcast_in_dim3A_1011 : i32 to vector<16xi32>
      %gather3A_1013 = tpu.vector_load_idx %arg10[%add3A_823, %broadcast_in_dim3A_1012] : memref<512x32xf32, #tpu.memory_space<vmem>>[vector<16xi32>, vector<16xi32>], vector<16xf32>,
      %gather3A_1014 = tpu.vector_load_idx %arg13[%add3A_823, %broadcast_in_dim3A_1012] : memref<512x32xf32, #tpu.memory_space<vmem>>[vector<16xi32>, vector<16xi32>], vector<16xf32>,
      %mul3A_1015 = arith.mulf %gather3A_1013, %gather3A_1014 : vector<16xf32>
      %add3A_1016 = arith.addf %add3A_1010, %mul3A_1015 : vector<16xf32>
      tpu.vector_store_idx %arg16[%add3A_823, %broadcast_in_dim3A_5], %add3A_1016 : memref<512x1xf32, #tpu.memory_space<vmem>>[vector<16xi32>, vector<16xi32>], vector<16xf32>,
      %scan3A_1017 = arith.constant 0 : i32
      scf.yield %scan3A_1017 : i32
    }
    %scan3A_428 = arith.constant 32 : i32
    %mul3A_429 = arith.constant 2560 : i32
    %mul3A_430 = arith.muli %add3A, %mul3A_429 : i32
    %add3A_431 = arith.constant 512 : i32
    %add3A_432 = arith.addi %mul3A_430, %add3A_431 : i32
    %dma_start3A_433 = arith.constant 0 : i32
    %dma_start3A_434 = tpu.memref_slice %arg6[%add3A_432, %dma_start3A_433] : memref<81920x65xf32, #tpu.memory_space<hbm>> -> memref<512x32xf32, #tpu.memory_space<hbm>>
    %dma_start3A_435 = arith.constant 0 : i32
    %dma_start3A_436 = tpu.memref_slice %arg6[%add3A_432, %dma_start3A_435] : memref<81920x65xf32, #tpu.memory_space<hbm>> -> memref<512x32xf32, #tpu.memory_space<hbm>>
    tpu.enqueue_dma source(%arg10 : memref<512x32xf32, #tpu.memory_space<vmem>>) target(%dma_start3A_436 : memref<512x32xf32, #tpu.memory_space<hbm>>) target_semaphore(%arg22 : memref<!tpu.dma_semaphore, #tpu.memory_space<semaphore_mem>>)
    %dma_start3A_437 = arith.constant 32 : i32
    %dma_start3A_438 = tpu.memref_slice %arg6[%add3A_432, %dma_start3A_437] : memref<81920x65xf32, #tpu.memory_space<hbm>> -> memref<512x32xf32, #tpu.memory_space<hbm>>
    %dma_start3A_439 = arith.constant 32 : i32
    %dma_start3A_440 = tpu.memref_slice %arg6[%add3A_432, %dma_start3A_439] : memref<81920x65xf32, #tpu.memory_space<hbm>> -> memref<512x32xf32, #tpu.memory_space<hbm>>
    tpu.enqueue_dma source(%arg13 : memref<512x32xf32, #tpu.memory_space<vmem>>) target(%dma_start3A_440 : memref<512x32xf32, #tpu.memory_space<hbm>>) target_semaphore(%arg22 : memref<!tpu.dma_semaphore, #tpu.memory_space<semaphore_mem>>)
    %dma_start3A_441 = arith.constant 64 : i32
    %dma_start3A_442 = tpu.memref_slice %arg6[%add3A_432, %dma_start3A_441] : memref<81920x65xf32, #tpu.memory_space<hbm>> -> memref<512x1xf32, #tpu.memory_space<hbm>>
    %dma_start3A_443 = arith.constant 64 : i32
    %dma_start3A_444 = tpu.memref_slice %arg6[%add3A_432, %dma_start3A_443] : memref<81920x65xf32, #tpu.memory_space<hbm>> -> memref<512x1xf32, #tpu.memory_space<hbm>>
    tpu.enqueue_dma source(%arg16 : memref<512x1xf32, #tpu.memory_space<vmem>>) target(%dma_start3A_444 : memref<512x1xf32, #tpu.memory_space<hbm>>) target_semaphore(%arg22 : memref<!tpu.dma_semaphore, #tpu.memory_space<semaphore_mem>>)
    %dma_wait3A_445 = arith.constant 0 : i32
    %dma_wait3A_446 = arith.constant 0 : i32
    %dma_wait3A_447 = tpu.memref_slice %arg11[%dma_wait3A_445, %dma_wait3A_446] : memref<512x32xf32, #tpu.memory_space<vmem>> -> memref<128x32xf32, #tpu.memory_space<vmem>>
    %dma_wait3A_448 = arith.constant 1024 : i32
    %dma_wait3A_449 = tpu.memref_slice %arg7[%dma_wait3A_448] : memref<2560xi32, #tpu.memory_space<vmem>> -> memref<128xi32, #tpu.memory_space<vmem>>
    %dma_wait3A_450 = arith.constant 0 : i32
    %dma_wait3A_451 = arith.constant 0 : i32
    %dma_wait3A_452 = tpu.memref_slice %arg4[%dma_wait3A_450, %dma_wait3A_451] : memref<1000000x32xf32, #tpu.memory_space<hbm>> -> memref<1000000x32xf32, #tpu.memory_space<hbm>>
    tpu.wait_indirect_dma semaphore(%arg20 : memref<!tpu.dma_semaphore, #tpu.memory_space<semaphore_mem>>) src(%dma_wait3A_452 : memref<1000000x32xf32, #tpu.memory_space<hbm>>) dst(%dma_wait3A_447 : memref<128x32xf32, #tpu.memory_space<vmem>>)
    %dma_wait3A_453 = arith.constant 0 : i32
    %dma_wait3A_454 = arith.constant 0 : i32
    %dma_wait3A_455 = tpu.memref_slice %arg14[%dma_wait3A_453, %dma_wait3A_454] : memref<512x32xf32, #tpu.memory_space<vmem>> -> memref<128x32xf32, #tpu.memory_space<vmem>>
    %dma_wait3A_456 = arith.constant 1024 : i32
    %dma_wait3A_457 = tpu.memref_slice %arg8[%dma_wait3A_456] : memref<2560xi32, #tpu.memory_space<vmem>> -> memref<128xi32, #tpu.memory_space<vmem>>
    %dma_wait3A_458 = arith.constant 0 : i32
    %dma_wait3A_459 = arith.constant 0 : i32
    %dma_wait3A_460 = tpu.memref_slice %arg5[%dma_wait3A_458, %dma_wait3A_459] : memref<1000000x32xf32, #tpu.memory_space<hbm>> -> memref<1000000x32xf32, #tpu.memory_space<hbm>>
    tpu.wait_indirect_dma semaphore(%arg20 : memref<!tpu.dma_semaphore, #tpu.memory_space<semaphore_mem>>) src(%dma_wait3A_460 : memref<1000000x32xf32, #tpu.memory_space<hbm>>) dst(%dma_wait3A_455 : memref<128x32xf32, #tpu.memory_space<vmem>>)
    %dma_wait3A_461 = arith.constant 128 : i32
    %dma_wait3A_462 = arith.constant 0 : i32
    %dma_wait3A_463 = tpu.memref_slice %arg11[%dma_wait3A_461, %dma_wait3A_462] : memref<512x32xf32, #tpu.memory_space<vmem>> -> memref<128x32xf32, #tpu.memory_space<vmem>>
    %dma_wait3A_464 = arith.constant 1152 : i32
    %dma_wait3A_465 = tpu.memref_slice %arg7[%dma_wait3A_464] : memref<2560xi32, #tpu.memory_space<vmem>> -> memref<128xi32, #tpu.memory_space<vmem>>
    %dma_wait3A_466 = arith.constant 0 : i32
    %dma_wait3A_467 = arith.constant 0 : i32
    %dma_wait3A_468 = tpu.memref_slice %arg4[%dma_wait3A_466, %dma_wait3A_467] : memref<1000000x32xf32, #tpu.memory_space<hbm>> -> memref<1000000x32xf32, #tpu.memory_space<hbm>>
    tpu.wait_indirect_dma semaphore(%arg20 : memref<!tpu.dma_semaphore, #tpu.memory_space<semaphore_mem>>) src(%dma_wait3A_468 : memref<1000000x32xf32, #tpu.memory_space<hbm>>) dst(%dma_wait3A_463 : memref<128x32xf32, #tpu.memory_space<vmem>>)
    %dma_wait3A_469 = arith.constant 128 : i32
    %dma_wait3A_470 = arith.constant 0 : i32
    %dma_wait3A_471 = tpu.memref_slice %arg14[%dma_wait3A_469, %dma_wait3A_470] : memref<512x32xf32, #tpu.memory_space<vmem>> -> memref<128x32xf32, #tpu.memory_space<vmem>>
    %dma_wait3A_472 = arith.constant 1152 : i32
    %dma_wait3A_473 = tpu.memref_slice %arg8[%dma_wait3A_472] : memref<2560xi32, #tpu.memory_space<vmem>> -> memref<128xi32, #tpu.memory_space<vmem>>
    %dma_wait3A_474 = arith.constant 0 : i32
    %dma_wait3A_475 = arith.constant 0 : i32
    %dma_wait3A_476 = tpu.memref_slice %arg5[%dma_wait3A_474, %dma_wait3A_475] : memref<1000000x32xf32, #tpu.memory_space<hbm>> -> memref<1000000x32xf32, #tpu.memory_space<hbm>>
    tpu.wait_indirect_dma semaphore(%arg20 : memref<!tpu.dma_semaphore, #tpu.memory_space<semaphore_mem>>) src(%dma_wait3A_476 : memref<1000000x32xf32, #tpu.memory_space<hbm>>) dst(%dma_wait3A_471 : memref<128x32xf32, #tpu.memory_space<vmem>>)
    %dma_wait3A_477 = arith.constant 256 : i32
    %dma_wait3A_478 = arith.constant 0 : i32
    %dma_wait3A_479 = tpu.memref_slice %arg11[%dma_wait3A_477, %dma_wait3A_478] : memref<512x32xf32, #tpu.memory_space<vmem>> -> memref<128x32xf32, #tpu.memory_space<vmem>>
    %dma_wait3A_480 = arith.constant 1280 : i32
    %dma_wait3A_481 = tpu.memref_slice %arg7[%dma_wait3A_480] : memref<2560xi32, #tpu.memory_space<vmem>> -> memref<128xi32, #tpu.memory_space<vmem>>
    %dma_wait3A_482 = arith.constant 0 : i32
    %dma_wait3A_483 = arith.constant 0 : i32
    %dma_wait3A_484 = tpu.memref_slice %arg4[%dma_wait3A_482, %dma_wait3A_483] : memref<1000000x32xf32, #tpu.memory_space<hbm>> -> memref<1000000x32xf32, #tpu.memory_space<hbm>>
    tpu.wait_indirect_dma semaphore(%arg20 : memref<!tpu.dma_semaphore, #tpu.memory_space<semaphore_mem>>) src(%dma_wait3A_484 : memref<1000000x32xf32, #tpu.memory_space<hbm>>) dst(%dma_wait3A_479 : memref<128x32xf32, #tpu.memory_space<vmem>>)
    %dma_wait3A_485 = arith.constant 256 : i32
    %dma_wait3A_486 = arith.constant 0 : i32
    %dma_wait3A_487 = tpu.memref_slice %arg14[%dma_wait3A_485, %dma_wait3A_486] : memref<512x32xf32, #tpu.memory_space<vmem>> -> memref<128x32xf32, #tpu.memory_space<vmem>>
    %dma_wait3A_488 = arith.constant 1280 : i32
    %dma_wait3A_489 = tpu.memref_slice %arg8[%dma_wait3A_488] : memref<2560xi32, #tpu.memory_space<vmem>> -> memref<128xi32, #tpu.memory_space<vmem>>
    %dma_wait3A_490 = arith.constant 0 : i32
    %dma_wait3A_491 = arith.constant 0 : i32
    %dma_wait3A_492 = tpu.memref_slice %arg5[%dma_wait3A_490, %dma_wait3A_491] : memref<1000000x32xf32, #tpu.memory_space<hbm>> -> memref<1000000x32xf32, #tpu.memory_space<hbm>>
    tpu.wait_indirect_dma semaphore(%arg20 : memref<!tpu.dma_semaphore, #tpu.memory_space<semaphore_mem>>) src(%dma_wait3A_492 : memref<1000000x32xf32, #tpu.memory_space<hbm>>) dst(%dma_wait3A_487 : memref<128x32xf32, #tpu.memory_space<vmem>>)
    %dma_wait3A_493 = arith.constant 384 : i32
    %dma_wait3A_494 = arith.constant 0 : i32
    %dma_wait3A_495 = tpu.memref_slice %arg11[%dma_wait3A_493, %dma_wait3A_494] : memref<512x32xf32, #tpu.memory_space<vmem>> -> memref<128x32xf32, #tpu.memory_space<vmem>>
    %dma_wait3A_496 = arith.constant 1408 : i32
    %dma_wait3A_497 = tpu.memref_slice %arg7[%dma_wait3A_496] : memref<2560xi32, #tpu.memory_space<vmem>> -> memref<128xi32, #tpu.memory_space<vmem>>
    %dma_wait3A_498 = arith.constant 0 : i32
    %dma_wait3A_499 = arith.constant 0 : i32
    %dma_wait3A_500 = tpu.memref_slice %arg4[%dma_wait3A_498, %dma_wait3A_499] : memref<1000000x32xf32, #tpu.memory_space<hbm>> -> memref<1000000x32xf32, #tpu.memory_space<hbm>>
    tpu.wait_indirect_dma semaphore(%arg20 : memref<!tpu.dma_semaphore, #tpu.memory_space<semaphore_mem>>) src(%dma_wait3A_500 : memref<1000000x32xf32, #tpu.memory_space<hbm>>) dst(%dma_wait3A_495 : memref<128x32xf32, #tpu.memory_space<vmem>>)
    %dma_wait3A_501 = arith.constant 384 : i32
    %dma_wait3A_502 = arith.constant 0 : i32
    %dma_wait3A_503 = tpu.memref_slice %arg14[%dma_wait3A_501, %dma_wait3A_502] : memref<512x32xf32, #tpu.memory_space<vmem>> -> memref<128x32xf32, #tpu.memory_space<vmem>>
    %dma_wait3A_504 = arith.constant 1408 : i32
    %dma_wait3A_505 = tpu.memref_slice %arg8[%dma_wait3A_504] : memref<2560xi32, #tpu.memory_space<vmem>> -> memref<128xi32, #tpu.memory_space<vmem>>
    %dma_wait3A_506 = arith.constant 0 : i32
    %dma_wait3A_507 = arith.constant 0 : i32
    %dma_wait3A_508 = tpu.memref_slice %arg5[%dma_wait3A_506, %dma_wait3A_507] : memref<1000000x32xf32, #tpu.memory_space<hbm>> -> memref<1000000x32xf32, #tpu.memory_space<hbm>>
    tpu.wait_indirect_dma semaphore(%arg20 : memref<!tpu.dma_semaphore, #tpu.memory_space<semaphore_mem>>) src(%dma_wait3A_508 : memref<1000000x32xf32, #tpu.memory_space<hbm>>) dst(%dma_wait3A_503 : memref<128x32xf32, #tpu.memory_space<vmem>>)
    %dma_wait3A_509 = arith.constant 0 : i32
    %dma_wait3A_510 = tpu.memref_slice %arg6[%add3A_432, %dma_wait3A_509] : memref<81920x65xf32, #tpu.memory_space<hbm>> -> memref<512x32xf32, #tpu.memory_space<hbm>>
    %dma_wait3A_511 = arith.constant 0 : i32
    %dma_wait3A_512 = tpu.memref_slice %arg6[%add3A_432, %dma_wait3A_511] : memref<81920x65xf32, #tpu.memory_space<hbm>> -> memref<512x32xf32, #tpu.memory_space<hbm>>
    tpu.wait_dma2 semaphore(%arg22 : memref<!tpu.dma_semaphore, #tpu.memory_space<semaphore_mem>>) src(%arg10 : memref<512x32xf32, #tpu.memory_space<vmem>>) dst(%dma_wait3A_512 : memref<512x32xf32, #tpu.memory_space<hbm>>)
    %dma_wait3A_513 = arith.constant 32 : i32
    %dma_wait3A_514 = tpu.memref_slice %arg6[%add3A_432, %dma_wait3A_513] : memref<81920x65xf32, #tpu.memory_space<hbm>> -> memref<512x32xf32, #tpu.memory_space<hbm>>
    %dma_wait3A_515 = arith.constant 32 : i32
    %dma_wait3A_516 = tpu.memref_slice %arg6[%add3A_432, %dma_wait3A_515] : memref<81920x65xf32, #tpu.memory_space<hbm>> -> memref<512x32xf32, #tpu.memory_space<hbm>>
    tpu.wait_dma2 semaphore(%arg22 : memref<!tpu.dma_semaphore, #tpu.memory_space<semaphore_mem>>) src(%arg13 : memref<512x32xf32, #tpu.memory_space<vmem>>) dst(%dma_wait3A_516 : memref<512x32xf32, #tpu.memory_space<hbm>>)
    %dma_wait3A_517 = arith.constant 64 : i32
    %dma_wait3A_518 = tpu.memref_slice %arg6[%add3A_432, %dma_wait3A_517] : memref<81920x65xf32, #tpu.memory_space<hbm>> -> memref<512x1xf32, #tpu.memory_space<hbm>>
    %dma_wait3A_519 = arith.constant 64 : i32
    %dma_wait3A_520 = tpu.memref_slice %arg6[%add3A_432, %dma_wait3A_519] : memref<81920x65xf32, #tpu.memory_space<hbm>> -> memref<512x1xf32, #tpu.memory_space<hbm>>
    tpu.wait_dma2 semaphore(%arg22 : memref<!tpu.dma_semaphore, #tpu.memory_space<semaphore_mem>>) src(%arg16 : memref<512x1xf32, #tpu.memory_space<vmem>>) dst(%dma_wait3A_520 : memref<512x1xf32, #tpu.memory_space<hbm>>)
    %dma_start3A_521 = arith.constant 0 : i32
    %dma_start3A_522 = arith.constant 0 : i32
    %dma_start3A_523 = tpu.memref_slice %arg10[%dma_start3A_521, %dma_start3A_522] : memref<512x32xf32, #tpu.memory_space<vmem>> -> memref<128x32xf32, #tpu.memory_space<vmem>>
    %dma_start3A_524 = arith.constant 2048 : i32
    %dma_start3A_525 = tpu.memref_slice %arg7[%dma_start3A_524] : memref<2560xi32, #tpu.memory_space<vmem>> -> memref<128xi32, #tpu.memory_space<vmem>>
    %dma_start3A_526 = arith.constant 0 : i32
    %dma_start3A_527 = arith.constant 0 : i32
    %dma_start3A_528 = tpu.memref_slice %arg4[%dma_start3A_526, %dma_start3A_527] : memref<1000000x32xf32, #tpu.memory_space<hbm>> -> memref<1000000x32xf32, #tpu.memory_space<hbm>>
    tpu.enqueue_indirect_dma source(%dma_start3A_528 : memref<1000000x32xf32, #tpu.memory_space<hbm>>) target(%dma_start3A_523 : memref<128x32xf32, #tpu.memory_space<vmem>>) offsets(%dma_start3A_525 : memref<128xi32, #tpu.memory_space<vmem>>) semaphore(%arg19 : memref<!tpu.dma_semaphore, #tpu.memory_space<semaphore_mem>>)
    %dma_start3A_529 = arith.constant 0 : i32
    %dma_start3A_530 = arith.constant 0 : i32
    %dma_start3A_531 = tpu.memref_slice %arg13[%dma_start3A_529, %dma_start3A_530] : memref<512x32xf32, #tpu.memory_space<vmem>> -> memref<128x32xf32, #tpu.memory_space<vmem>>
    %dma_start3A_532 = arith.constant 2048 : i32
    %dma_start3A_533 = tpu.memref_slice %arg8[%dma_start3A_532] : memref<2560xi32, #tpu.memory_space<vmem>> -> memref<128xi32, #tpu.memory_space<vmem>>
    %dma_start3A_534 = arith.constant 0 : i32
    %dma_start3A_535 = arith.constant 0 : i32
    %dma_start3A_536 = tpu.memref_slice %arg5[%dma_start3A_534, %dma_start3A_535] : memref<1000000x32xf32, #tpu.memory_space<hbm>> -> memref<1000000x32xf32, #tpu.memory_space<hbm>>
    tpu.enqueue_indirect_dma source(%dma_start3A_536 : memref<1000000x32xf32, #tpu.memory_space<hbm>>) target(%dma_start3A_531 : memref<128x32xf32, #tpu.memory_space<vmem>>) offsets(%dma_start3A_533 : memref<128xi32, #tpu.memory_space<vmem>>) semaphore(%arg19 : memref<!tpu.dma_semaphore, #tpu.memory_space<semaphore_mem>>)
    %dma_start3A_537 = arith.constant 128 : i32
    %dma_start3A_538 = arith.constant 0 : i32
    %dma_start3A_539 = tpu.memref_slice %arg10[%dma_start3A_537, %dma_start3A_538] : memref<512x32xf32, #tpu.memory_space<vmem>> -> memref<128x32xf32, #tpu.memory_space<vmem>>
    %dma_start3A_540 = arith.constant 2176 : i32
    %dma_start3A_541 = tpu.memref_slice %arg7[%dma_start3A_540] : memref<2560xi32, #tpu.memory_space<vmem>> -> memref<128xi32, #tpu.memory_space<vmem>>
    %dma_start3A_542 = arith.constant 0 : i32
    %dma_start3A_543 = arith.constant 0 : i32
    %dma_start3A_544 = tpu.memref_slice %arg4[%dma_start3A_542, %dma_start3A_543] : memref<1000000x32xf32, #tpu.memory_space<hbm>> -> memref<1000000x32xf32, #tpu.memory_space<hbm>>
    tpu.enqueue_indirect_dma source(%dma_start3A_544 : memref<1000000x32xf32, #tpu.memory_space<hbm>>) target(%dma_start3A_539 : memref<128x32xf32, #tpu.memory_space<vmem>>) offsets(%dma_start3A_541 : memref<128xi32, #tpu.memory_space<vmem>>) semaphore(%arg19 : memref<!tpu.dma_semaphore, #tpu.memory_space<semaphore_mem>>)
    %dma_start3A_545 = arith.constant 128 : i32
    %dma_start3A_546 = arith.constant 0 : i32
    %dma_start3A_547 = tpu.memref_slice %arg13[%dma_start3A_545, %dma_start3A_546] : memref<512x32xf32, #tpu.memory_space<vmem>> -> memref<128x32xf32, #tpu.memory_space<vmem>>
    %dma_start3A_548 = arith.constant 2176 : i32
    %dma_start3A_549 = tpu.memref_slice %arg8[%dma_start3A_548] : memref<2560xi32, #tpu.memory_space<vmem>> -> memref<128xi32, #tpu.memory_space<vmem>>
    %dma_start3A_550 = arith.constant 0 : i32
    %dma_start3A_551 = arith.constant 0 : i32
    %dma_start3A_552 = tpu.memref_slice %arg5[%dma_start3A_550, %dma_start3A_551] : memref<1000000x32xf32, #tpu.memory_space<hbm>> -> memref<1000000x32xf32, #tpu.memory_space<hbm>>
    tpu.enqueue_indirect_dma source(%dma_start3A_552 : memref<1000000x32xf32, #tpu.memory_space<hbm>>) target(%dma_start3A_547 : memref<128x32xf32, #tpu.memory_space<vmem>>) offsets(%dma_start3A_549 : memref<128xi32, #tpu.memory_space<vmem>>) semaphore(%arg19 : memref<!tpu.dma_semaphore, #tpu.memory_space<semaphore_mem>>)
    %dma_start3A_553 = arith.constant 256 : i32
    %dma_start3A_554 = arith.constant 0 : i32
    %dma_start3A_555 = tpu.memref_slice %arg10[%dma_start3A_553, %dma_start3A_554] : memref<512x32xf32, #tpu.memory_space<vmem>> -> memref<128x32xf32, #tpu.memory_space<vmem>>
    %dma_start3A_556 = arith.constant 2304 : i32
    %dma_start3A_557 = tpu.memref_slice %arg7[%dma_start3A_556] : memref<2560xi32, #tpu.memory_space<vmem>> -> memref<128xi32, #tpu.memory_space<vmem>>
    %dma_start3A_558 = arith.constant 0 : i32
    %dma_start3A_559 = arith.constant 0 : i32
    %dma_start3A_560 = tpu.memref_slice %arg4[%dma_start3A_558, %dma_start3A_559] : memref<1000000x32xf32, #tpu.memory_space<hbm>> -> memref<1000000x32xf32, #tpu.memory_space<hbm>>
    tpu.enqueue_indirect_dma source(%dma_start3A_560 : memref<1000000x32xf32, #tpu.memory_space<hbm>>) target(%dma_start3A_555 : memref<128x32xf32, #tpu.memory_space<vmem>>) offsets(%dma_start3A_557 : memref<128xi32, #tpu.memory_space<vmem>>) semaphore(%arg19 : memref<!tpu.dma_semaphore, #tpu.memory_space<semaphore_mem>>)
    %dma_start3A_561 = arith.constant 256 : i32
    %dma_start3A_562 = arith.constant 0 : i32
    %dma_start3A_563 = tpu.memref_slice %arg13[%dma_start3A_561, %dma_start3A_562] : memref<512x32xf32, #tpu.memory_space<vmem>> -> memref<128x32xf32, #tpu.memory_space<vmem>>
    %dma_start3A_564 = arith.constant 2304 : i32
    %dma_start3A_565 = tpu.memref_slice %arg8[%dma_start3A_564] : memref<2560xi32, #tpu.memory_space<vmem>> -> memref<128xi32, #tpu.memory_space<vmem>>
    %dma_start3A_566 = arith.constant 0 : i32
    %dma_start3A_567 = arith.constant 0 : i32
    %dma_start3A_568 = tpu.memref_slice %arg5[%dma_start3A_566, %dma_start3A_567] : memref<1000000x32xf32, #tpu.memory_space<hbm>> -> memref<1000000x32xf32, #tpu.memory_space<hbm>>
    tpu.enqueue_indirect_dma source(%dma_start3A_568 : memref<1000000x32xf32, #tpu.memory_space<hbm>>) target(%dma_start3A_563 : memref<128x32xf32, #tpu.memory_space<vmem>>) offsets(%dma_start3A_565 : memref<128xi32, #tpu.memory_space<vmem>>) semaphore(%arg19 : memref<!tpu.dma_semaphore, #tpu.memory_space<semaphore_mem>>)
    %dma_start3A_569 = arith.constant 384 : i32
    %dma_start3A_570 = arith.constant 0 : i32
    %dma_start3A_571 = tpu.memref_slice %arg10[%dma_start3A_569, %dma_start3A_570] : memref<512x32xf32, #tpu.memory_space<vmem>> -> memref<128x32xf32, #tpu.memory_space<vmem>>
    %dma_start3A_572 = arith.constant 2432 : i32
    %dma_start3A_573 = tpu.memref_slice %arg7[%dma_start3A_572] : memref<2560xi32, #tpu.memory_space<vmem>> -> memref<128xi32, #tpu.memory_space<vmem>>
    %dma_start3A_574 = arith.constant 0 : i32
    %dma_start3A_575 = arith.constant 0 : i32
    %dma_start3A_576 = tpu.memref_slice %arg4[%dma_start3A_574, %dma_start3A_575] : memref<1000000x32xf32, #tpu.memory_space<hbm>> -> memref<1000000x32xf32, #tpu.memory_space<hbm>>
    tpu.enqueue_indirect_dma source(%dma_start3A_576 : memref<1000000x32xf32, #tpu.memory_space<hbm>>) target(%dma_start3A_571 : memref<128x32xf32, #tpu.memory_space<vmem>>) offsets(%dma_start3A_573 : memref<128xi32, #tpu.memory_space<vmem>>) semaphore(%arg19 : memref<!tpu.dma_semaphore, #tpu.memory_space<semaphore_mem>>)
    %dma_start3A_577 = arith.constant 384 : i32
    %dma_start3A_578 = arith.constant 0 : i32
    %dma_start3A_579 = tpu.memref_slice %arg13[%dma_start3A_577, %dma_start3A_578] : memref<512x32xf32, #tpu.memory_space<vmem>> -> memref<128x32xf32, #tpu.memory_space<vmem>>
    %dma_start3A_580 = arith.constant 2432 : i32
    %dma_start3A_581 = tpu.memref_slice %arg8[%dma_start3A_580] : memref<2560xi32, #tpu.memory_space<vmem>> -> memref<128xi32, #tpu.memory_space<vmem>>
    %dma_start3A_582 = arith.constant 0 : i32
    %dma_start3A_583 = arith.constant 0 : i32
    %dma_start3A_584 = tpu.memref_slice %arg5[%dma_start3A_582, %dma_start3A_583] : memref<1000000x32xf32, #tpu.memory_space<hbm>> -> memref<1000000x32xf32, #tpu.memory_space<hbm>>
    tpu.enqueue_indirect_dma source(%dma_start3A_584 : memref<1000000x32xf32, #tpu.memory_space<hbm>>) target(%dma_start3A_579 : memref<128x32xf32, #tpu.memory_space<vmem>>) offsets(%dma_start3A_581 : memref<128xi32, #tpu.memory_space<vmem>>) semaphore(%arg19 : memref<!tpu.dma_semaphore, #tpu.memory_space<semaphore_mem>>)
    %scan3A_585 = arith.constant 0 : i32
    %scan3A_586 = arith.constant 0 : i32
    %scan3A_587 = arith.constant 32 : i32
    %scan3A_588 = arith.addi %scan3A_586, %scan3A_587 : i32
    %scan3A_589 = arith.constant 1 : i32
    %scan3A_590 = scf.for %scan3A_818 = %scan3A_586 to %scan3A_588 step %scan3A_589 iter_args(%scan3A_819 = %scan3A_585) -> (i32)  : i32 {
      %mul3A_820 = arith.constant 16 : i32
      %mul3A_821 = arith.muli %scan3A_818, %mul3A_820 : i32
      %add3A_822 = vector.broadcast %mul3A_821 : i32 to vector<16xi32>
      %add3A_823 = arith.addi %add3A_822, %iota3A : vector<16xi32>
      %broadcast_in_dim3A_824 = arith.constant 0.000000e+00 : f32
      %broadcast_in_dim3A_825 = vector.broadcast %broadcast_in_dim3A_824 : f32 to vector<16xf32>
      %broadcast_in_dim3A_826 = arith.constant 0 : i32
      %broadcast_in_dim3A_827 = vector.broadcast %broadcast_in_dim3A_826 : i32 to vector<16xi32>
      %gather3A = tpu.vector_load_idx %arg11[%add3A_823, %broadcast_in_dim3A_827] : memref<512x32xf32, #tpu.memory_space<vmem>>[vector<16xi32>, vector<16xi32>], vector<16xf32>,
      %gather3A_828 = tpu.vector_load_idx %arg14[%add3A_823, %broadcast_in_dim3A_827] : memref<512x32xf32, #tpu.memory_space<vmem>>[vector<16xi32>, vector<16xi32>], vector<16xf32>,
      %mul3A_829 = arith.mulf %gather3A, %gather3A_828 : vector<16xf32>
      %add3A_830 = arith.addf %broadcast_in_dim3A_825, %mul3A_829 : vector<16xf32>
      %broadcast_in_dim3A_831 = arith.constant 1 : i32
      %broadcast_in_dim3A_832 = vector.broadcast %broadcast_in_dim3A_831 : i32 to vector<16xi32>
      %gather3A_833 = tpu.vector_load_idx %arg11[%add3A_823, %broadcast_in_dim3A_832] : memref<512x32xf32, #tpu.memory_space<vmem>>[vector<16xi32>, vector<16xi32>], vector<16xf32>,
      %gather3A_834 = tpu.vector_load_idx %arg14[%add3A_823, %broadcast_in_dim3A_832] : memref<512x32xf32, #tpu.memory_space<vmem>>[vector<16xi32>, vector<16xi32>], vector<16xf32>,
      %mul3A_835 = arith.mulf %gather3A_833, %gather3A_834 : vector<16xf32>
      %add3A_836 = arith.addf %add3A_830, %mul3A_835 : vector<16xf32>
      %broadcast_in_dim3A_837 = arith.constant 2 : i32
      %broadcast_in_dim3A_838 = vector.broadcast %broadcast_in_dim3A_837 : i32 to vector<16xi32>
      %gather3A_839 = tpu.vector_load_idx %arg11[%add3A_823, %broadcast_in_dim3A_838] : memref<512x32xf32, #tpu.memory_space<vmem>>[vector<16xi32>, vector<16xi32>], vector<16xf32>,
      %gather3A_840 = tpu.vector_load_idx %arg14[%add3A_823, %broadcast_in_dim3A_838] : memref<512x32xf32, #tpu.memory_space<vmem>>[vector<16xi32>, vector<16xi32>], vector<16xf32>,
      %mul3A_841 = arith.mulf %gather3A_839, %gather3A_840 : vector<16xf32>
      %add3A_842 = arith.addf %add3A_836, %mul3A_841 : vector<16xf32>
      %broadcast_in_dim3A_843 = arith.constant 3 : i32
      %broadcast_in_dim3A_844 = vector.broadcast %broadcast_in_dim3A_843 : i32 to vector<16xi32>
      %gather3A_845 = tpu.vector_load_idx %arg11[%add3A_823, %broadcast_in_dim3A_844] : memref<512x32xf32, #tpu.memory_space<vmem>>[vector<16xi32>, vector<16xi32>], vector<16xf32>,
      %gather3A_846 = tpu.vector_load_idx %arg14[%add3A_823, %broadcast_in_dim3A_844] : memref<512x32xf32, #tpu.memory_space<vmem>>[vector<16xi32>, vector<16xi32>], vector<16xf32>,
      %mul3A_847 = arith.mulf %gather3A_845, %gather3A_846 : vector<16xf32>
      %add3A_848 = arith.addf %add3A_842, %mul3A_847 : vector<16xf32>
      %broadcast_in_dim3A_849 = arith.constant 4 : i32
      %broadcast_in_dim3A_850 = vector.broadcast %broadcast_in_dim3A_849 : i32 to vector<16xi32>
      %gather3A_851 = tpu.vector_load_idx %arg11[%add3A_823, %broadcast_in_dim3A_850] : memref<512x32xf32, #tpu.memory_space<vmem>>[vector<16xi32>, vector<16xi32>], vector<16xf32>,
      %gather3A_852 = tpu.vector_load_idx %arg14[%add3A_823, %broadcast_in_dim3A_850] : memref<512x32xf32, #tpu.memory_space<vmem>>[vector<16xi32>, vector<16xi32>], vector<16xf32>,
      %mul3A_853 = arith.mulf %gather3A_851, %gather3A_852 : vector<16xf32>
      %add3A_854 = arith.addf %add3A_848, %mul3A_853 : vector<16xf32>
      %broadcast_in_dim3A_855 = arith.constant 5 : i32
      %broadcast_in_dim3A_856 = vector.broadcast %broadcast_in_dim3A_855 : i32 to vector<16xi32>
      %gather3A_857 = tpu.vector_load_idx %arg11[%add3A_823, %broadcast_in_dim3A_856] : memref<512x32xf32, #tpu.memory_space<vmem>>[vector<16xi32>, vector<16xi32>], vector<16xf32>,
      %gather3A_858 = tpu.vector_load_idx %arg14[%add3A_823, %broadcast_in_dim3A_856] : memref<512x32xf32, #tpu.memory_space<vmem>>[vector<16xi32>, vector<16xi32>], vector<16xf32>,
      %mul3A_859 = arith.mulf %gather3A_857, %gather3A_858 : vector<16xf32>
      %add3A_860 = arith.addf %add3A_854, %mul3A_859 : vector<16xf32>
      %broadcast_in_dim3A_861 = arith.constant 6 : i32
      %broadcast_in_dim3A_862 = vector.broadcast %broadcast_in_dim3A_861 : i32 to vector<16xi32>
      %gather3A_863 = tpu.vector_load_idx %arg11[%add3A_823, %broadcast_in_dim3A_862] : memref<512x32xf32, #tpu.memory_space<vmem>>[vector<16xi32>, vector<16xi32>], vector<16xf32>,
      %gather3A_864 = tpu.vector_load_idx %arg14[%add3A_823, %broadcast_in_dim3A_862] : memref<512x32xf32, #tpu.memory_space<vmem>>[vector<16xi32>, vector<16xi32>], vector<16xf32>,
      %mul3A_865 = arith.mulf %gather3A_863, %gather3A_864 : vector<16xf32>
      %add3A_866 = arith.addf %add3A_860, %mul3A_865 : vector<16xf32>
      %broadcast_in_dim3A_867 = arith.constant 7 : i32
      %broadcast_in_dim3A_868 = vector.broadcast %broadcast_in_dim3A_867 : i32 to vector<16xi32>
      %gather3A_869 = tpu.vector_load_idx %arg11[%add3A_823, %broadcast_in_dim3A_868] : memref<512x32xf32, #tpu.memory_space<vmem>>[vector<16xi32>, vector<16xi32>], vector<16xf32>,
      %gather3A_870 = tpu.vector_load_idx %arg14[%add3A_823, %broadcast_in_dim3A_868] : memref<512x32xf32, #tpu.memory_space<vmem>>[vector<16xi32>, vector<16xi32>], vector<16xf32>,
      %mul3A_871 = arith.mulf %gather3A_869, %gather3A_870 : vector<16xf32>
      %add3A_872 = arith.addf %add3A_866, %mul3A_871 : vector<16xf32>
      %broadcast_in_dim3A_873 = arith.constant 8 : i32
      %broadcast_in_dim3A_874 = vector.broadcast %broadcast_in_dim3A_873 : i32 to vector<16xi32>
      %gather3A_875 = tpu.vector_load_idx %arg11[%add3A_823, %broadcast_in_dim3A_874] : memref<512x32xf32, #tpu.memory_space<vmem>>[vector<16xi32>, vector<16xi32>], vector<16xf32>,
      %gather3A_876 = tpu.vector_load_idx %arg14[%add3A_823, %broadcast_in_dim3A_874] : memref<512x32xf32, #tpu.memory_space<vmem>>[vector<16xi32>, vector<16xi32>], vector<16xf32>,
      %mul3A_877 = arith.mulf %gather3A_875, %gather3A_876 : vector<16xf32>
      %add3A_878 = arith.addf %add3A_872, %mul3A_877 : vector<16xf32>
      %broadcast_in_dim3A_879 = arith.constant 9 : i32
      %broadcast_in_dim3A_880 = vector.broadcast %broadcast_in_dim3A_879 : i32 to vector<16xi32>
      %gather3A_881 = tpu.vector_load_idx %arg11[%add3A_823, %broadcast_in_dim3A_880] : memref<512x32xf32, #tpu.memory_space<vmem>>[vector<16xi32>, vector<16xi32>], vector<16xf32>,
      %gather3A_882 = tpu.vector_load_idx %arg14[%add3A_823, %broadcast_in_dim3A_880] : memref<512x32xf32, #tpu.memory_space<vmem>>[vector<16xi32>, vector<16xi32>], vector<16xf32>,
      %mul3A_883 = arith.mulf %gather3A_881, %gather3A_882 : vector<16xf32>
      %add3A_884 = arith.addf %add3A_878, %mul3A_883 : vector<16xf32>
      %broadcast_in_dim3A_885 = arith.constant 10 : i32
      %broadcast_in_dim3A_886 = vector.broadcast %broadcast_in_dim3A_885 : i32 to vector<16xi32>
      %gather3A_887 = tpu.vector_load_idx %arg11[%add3A_823, %broadcast_in_dim3A_886] : memref<512x32xf32, #tpu.memory_space<vmem>>[vector<16xi32>, vector<16xi32>], vector<16xf32>,
      %gather3A_888 = tpu.vector_load_idx %arg14[%add3A_823, %broadcast_in_dim3A_886] : memref<512x32xf32, #tpu.memory_space<vmem>>[vector<16xi32>, vector<16xi32>], vector<16xf32>,
      %mul3A_889 = arith.mulf %gather3A_887, %gather3A_888 : vector<16xf32>
      %add3A_890 = arith.addf %add3A_884, %mul3A_889 : vector<16xf32>
      %broadcast_in_dim3A_891 = arith.constant 11 : i32
      %broadcast_in_dim3A_892 = vector.broadcast %broadcast_in_dim3A_891 : i32 to vector<16xi32>
      %gather3A_893 = tpu.vector_load_idx %arg11[%add3A_823, %broadcast_in_dim3A_892] : memref<512x32xf32, #tpu.memory_space<vmem>>[vector<16xi32>, vector<16xi32>], vector<16xf32>,
      %gather3A_894 = tpu.vector_load_idx %arg14[%add3A_823, %broadcast_in_dim3A_892] : memref<512x32xf32, #tpu.memory_space<vmem>>[vector<16xi32>, vector<16xi32>], vector<16xf32>,
      %mul3A_895 = arith.mulf %gather3A_893, %gather3A_894 : vector<16xf32>
      %add3A_896 = arith.addf %add3A_890, %mul3A_895 : vector<16xf32>
      %broadcast_in_dim3A_897 = arith.constant 12 : i32
      %broadcast_in_dim3A_898 = vector.broadcast %broadcast_in_dim3A_897 : i32 to vector<16xi32>
      %gather3A_899 = tpu.vector_load_idx %arg11[%add3A_823, %broadcast_in_dim3A_898] : memref<512x32xf32, #tpu.memory_space<vmem>>[vector<16xi32>, vector<16xi32>], vector<16xf32>,
      %gather3A_900 = tpu.vector_load_idx %arg14[%add3A_823, %broadcast_in_dim3A_898] : memref<512x32xf32, #tpu.memory_space<vmem>>[vector<16xi32>, vector<16xi32>], vector<16xf32>,
      %mul3A_901 = arith.mulf %gather3A_899, %gather3A_900 : vector<16xf32>
      %add3A_902 = arith.addf %add3A_896, %mul3A_901 : vector<16xf32>
      %broadcast_in_dim3A_903 = arith.constant 13 : i32
      %broadcast_in_dim3A_904 = vector.broadcast %broadcast_in_dim3A_903 : i32 to vector<16xi32>
      %gather3A_905 = tpu.vector_load_idx %arg11[%add3A_823, %broadcast_in_dim3A_904] : memref<512x32xf32, #tpu.memory_space<vmem>>[vector<16xi32>, vector<16xi32>], vector<16xf32>,
      %gather3A_906 = tpu.vector_load_idx %arg14[%add3A_823, %broadcast_in_dim3A_904] : memref<512x32xf32, #tpu.memory_space<vmem>>[vector<16xi32>, vector<16xi32>], vector<16xf32>,
      %mul3A_907 = arith.mulf %gather3A_905, %gather3A_906 : vector<16xf32>
      %add3A_908 = arith.addf %add3A_902, %mul3A_907 : vector<16xf32>
      %broadcast_in_dim3A_909 = arith.constant 14 : i32
      %broadcast_in_dim3A_910 = vector.broadcast %broadcast_in_dim3A_909 : i32 to vector<16xi32>
      %gather3A_911 = tpu.vector_load_idx %arg11[%add3A_823, %broadcast_in_dim3A_910] : memref<512x32xf32, #tpu.memory_space<vmem>>[vector<16xi32>, vector<16xi32>], vector<16xf32>,
      %gather3A_912 = tpu.vector_load_idx %arg14[%add3A_823, %broadcast_in_dim3A_910] : memref<512x32xf32, #tpu.memory_space<vmem>>[vector<16xi32>, vector<16xi32>], vector<16xf32>,
      %mul3A_913 = arith.mulf %gather3A_911, %gather3A_912 : vector<16xf32>
      %add3A_914 = arith.addf %add3A_908, %mul3A_913 : vector<16xf32>
      %broadcast_in_dim3A_915 = arith.constant 15 : i32
      %broadcast_in_dim3A_916 = vector.broadcast %broadcast_in_dim3A_915 : i32 to vector<16xi32>
      %gather3A_917 = tpu.vector_load_idx %arg11[%add3A_823, %broadcast_in_dim3A_916] : memref<512x32xf32, #tpu.memory_space<vmem>>[vector<16xi32>, vector<16xi32>], vector<16xf32>,
      %gather3A_918 = tpu.vector_load_idx %arg14[%add3A_823, %broadcast_in_dim3A_916] : memref<512x32xf32, #tpu.memory_space<vmem>>[vector<16xi32>, vector<16xi32>], vector<16xf32>,
      %mul3A_919 = arith.mulf %gather3A_917, %gather3A_918 : vector<16xf32>
      %add3A_920 = arith.addf %add3A_914, %mul3A_919 : vector<16xf32>
      %broadcast_in_dim3A_921 = arith.constant 16 : i32
      %broadcast_in_dim3A_922 = vector.broadcast %broadcast_in_dim3A_921 : i32 to vector<16xi32>
      %gather3A_923 = tpu.vector_load_idx %arg11[%add3A_823, %broadcast_in_dim3A_922] : memref<512x32xf32, #tpu.memory_space<vmem>>[vector<16xi32>, vector<16xi32>], vector<16xf32>,
      %gather3A_924 = tpu.vector_load_idx %arg14[%add3A_823, %broadcast_in_dim3A_922] : memref<512x32xf32, #tpu.memory_space<vmem>>[vector<16xi32>, vector<16xi32>], vector<16xf32>,
      %mul3A_925 = arith.mulf %gather3A_923, %gather3A_924 : vector<16xf32>
      %add3A_926 = arith.addf %add3A_920, %mul3A_925 : vector<16xf32>
      %broadcast_in_dim3A_927 = arith.constant 17 : i32
      %broadcast_in_dim3A_928 = vector.broadcast %broadcast_in_dim3A_927 : i32 to vector<16xi32>
      %gather3A_929 = tpu.vector_load_idx %arg11[%add3A_823, %broadcast_in_dim3A_928] : memref<512x32xf32, #tpu.memory_space<vmem>>[vector<16xi32>, vector<16xi32>], vector<16xf32>,
      %gather3A_930 = tpu.vector_load_idx %arg14[%add3A_823, %broadcast_in_dim3A_928] : memref<512x32xf32, #tpu.memory_space<vmem>>[vector<16xi32>, vector<16xi32>], vector<16xf32>,
      %mul3A_931 = arith.mulf %gather3A_929, %gather3A_930 : vector<16xf32>
      %add3A_932 = arith.addf %add3A_926, %mul3A_931 : vector<16xf32>
      %broadcast_in_dim3A_933 = arith.constant 18 : i32
      %broadcast_in_dim3A_934 = vector.broadcast %broadcast_in_dim3A_933 : i32 to vector<16xi32>
      %gather3A_935 = tpu.vector_load_idx %arg11[%add3A_823, %broadcast_in_dim3A_934] : memref<512x32xf32, #tpu.memory_space<vmem>>[vector<16xi32>, vector<16xi32>], vector<16xf32>,
      %gather3A_936 = tpu.vector_load_idx %arg14[%add3A_823, %broadcast_in_dim3A_934] : memref<512x32xf32, #tpu.memory_space<vmem>>[vector<16xi32>, vector<16xi32>], vector<16xf32>,
      %mul3A_937 = arith.mulf %gather3A_935, %gather3A_936 : vector<16xf32>
      %add3A_938 = arith.addf %add3A_932, %mul3A_937 : vector<16xf32>
      %broadcast_in_dim3A_939 = arith.constant 19 : i32
      %broadcast_in_dim3A_940 = vector.broadcast %broadcast_in_dim3A_939 : i32 to vector<16xi32>
      %gather3A_941 = tpu.vector_load_idx %arg11[%add3A_823, %broadcast_in_dim3A_940] : memref<512x32xf32, #tpu.memory_space<vmem>>[vector<16xi32>, vector<16xi32>], vector<16xf32>,
      %gather3A_942 = tpu.vector_load_idx %arg14[%add3A_823, %broadcast_in_dim3A_940] : memref<512x32xf32, #tpu.memory_space<vmem>>[vector<16xi32>, vector<16xi32>], vector<16xf32>,
      %mul3A_943 = arith.mulf %gather3A_941, %gather3A_942 : vector<16xf32>
      %add3A_944 = arith.addf %add3A_938, %mul3A_943 : vector<16xf32>
      %broadcast_in_dim3A_945 = arith.constant 20 : i32
      %broadcast_in_dim3A_946 = vector.broadcast %broadcast_in_dim3A_945 : i32 to vector<16xi32>
      %gather3A_947 = tpu.vector_load_idx %arg11[%add3A_823, %broadcast_in_dim3A_946] : memref<512x32xf32, #tpu.memory_space<vmem>>[vector<16xi32>, vector<16xi32>], vector<16xf32>,
      %gather3A_948 = tpu.vector_load_idx %arg14[%add3A_823, %broadcast_in_dim3A_946] : memref<512x32xf32, #tpu.memory_space<vmem>>[vector<16xi32>, vector<16xi32>], vector<16xf32>,
      %mul3A_949 = arith.mulf %gather3A_947, %gather3A_948 : vector<16xf32>
      %add3A_950 = arith.addf %add3A_944, %mul3A_949 : vector<16xf32>
      %broadcast_in_dim3A_951 = arith.constant 21 : i32
      %broadcast_in_dim3A_952 = vector.broadcast %broadcast_in_dim3A_951 : i32 to vector<16xi32>
      %gather3A_953 = tpu.vector_load_idx %arg11[%add3A_823, %broadcast_in_dim3A_952] : memref<512x32xf32, #tpu.memory_space<vmem>>[vector<16xi32>, vector<16xi32>], vector<16xf32>,
      %gather3A_954 = tpu.vector_load_idx %arg14[%add3A_823, %broadcast_in_dim3A_952] : memref<512x32xf32, #tpu.memory_space<vmem>>[vector<16xi32>, vector<16xi32>], vector<16xf32>,
      %mul3A_955 = arith.mulf %gather3A_953, %gather3A_954 : vector<16xf32>
      %add3A_956 = arith.addf %add3A_950, %mul3A_955 : vector<16xf32>
      %broadcast_in_dim3A_957 = arith.constant 22 : i32
      %broadcast_in_dim3A_958 = vector.broadcast %broadcast_in_dim3A_957 : i32 to vector<16xi32>
      %gather3A_959 = tpu.vector_load_idx %arg11[%add3A_823, %broadcast_in_dim3A_958] : memref<512x32xf32, #tpu.memory_space<vmem>>[vector<16xi32>, vector<16xi32>], vector<16xf32>,
      %gather3A_960 = tpu.vector_load_idx %arg14[%add3A_823, %broadcast_in_dim3A_958] : memref<512x32xf32, #tpu.memory_space<vmem>>[vector<16xi32>, vector<16xi32>], vector<16xf32>,
      %mul3A_961 = arith.mulf %gather3A_959, %gather3A_960 : vector<16xf32>
      %add3A_962 = arith.addf %add3A_956, %mul3A_961 : vector<16xf32>
      %broadcast_in_dim3A_963 = arith.constant 23 : i32
      %broadcast_in_dim3A_964 = vector.broadcast %broadcast_in_dim3A_963 : i32 to vector<16xi32>
      %gather3A_965 = tpu.vector_load_idx %arg11[%add3A_823, %broadcast_in_dim3A_964] : memref<512x32xf32, #tpu.memory_space<vmem>>[vector<16xi32>, vector<16xi32>], vector<16xf32>,
      %gather3A_966 = tpu.vector_load_idx %arg14[%add3A_823, %broadcast_in_dim3A_964] : memref<512x32xf32, #tpu.memory_space<vmem>>[vector<16xi32>, vector<16xi32>], vector<16xf32>,
      %mul3A_967 = arith.mulf %gather3A_965, %gather3A_966 : vector<16xf32>
      %add3A_968 = arith.addf %add3A_962, %mul3A_967 : vector<16xf32>
      %broadcast_in_dim3A_969 = arith.constant 24 : i32
      %broadcast_in_dim3A_970 = vector.broadcast %broadcast_in_dim3A_969 : i32 to vector<16xi32>
      %gather3A_971 = tpu.vector_load_idx %arg11[%add3A_823, %broadcast_in_dim3A_970] : memref<512x32xf32, #tpu.memory_space<vmem>>[vector<16xi32>, vector<16xi32>], vector<16xf32>,
      %gather3A_972 = tpu.vector_load_idx %arg14[%add3A_823, %broadcast_in_dim3A_970] : memref<512x32xf32, #tpu.memory_space<vmem>>[vector<16xi32>, vector<16xi32>], vector<16xf32>,
      %mul3A_973 = arith.mulf %gather3A_971, %gather3A_972 : vector<16xf32>
      %add3A_974 = arith.addf %add3A_968, %mul3A_973 : vector<16xf32>
      %broadcast_in_dim3A_975 = arith.constant 25 : i32
      %broadcast_in_dim3A_976 = vector.broadcast %broadcast_in_dim3A_975 : i32 to vector<16xi32>
      %gather3A_977 = tpu.vector_load_idx %arg11[%add3A_823, %broadcast_in_dim3A_976] : memref<512x32xf32, #tpu.memory_space<vmem>>[vector<16xi32>, vector<16xi32>], vector<16xf32>,
      %gather3A_978 = tpu.vector_load_idx %arg14[%add3A_823, %broadcast_in_dim3A_976] : memref<512x32xf32, #tpu.memory_space<vmem>>[vector<16xi32>, vector<16xi32>], vector<16xf32>,
      %mul3A_979 = arith.mulf %gather3A_977, %gather3A_978 : vector<16xf32>
      %add3A_980 = arith.addf %add3A_974, %mul3A_979 : vector<16xf32>
      %broadcast_in_dim3A_981 = arith.constant 26 : i32
      %broadcast_in_dim3A_982 = vector.broadcast %broadcast_in_dim3A_981 : i32 to vector<16xi32>
      %gather3A_983 = tpu.vector_load_idx %arg11[%add3A_823, %broadcast_in_dim3A_982] : memref<512x32xf32, #tpu.memory_space<vmem>>[vector<16xi32>, vector<16xi32>], vector<16xf32>,
      %gather3A_984 = tpu.vector_load_idx %arg14[%add3A_823, %broadcast_in_dim3A_982] : memref<512x32xf32, #tpu.memory_space<vmem>>[vector<16xi32>, vector<16xi32>], vector<16xf32>,
      %mul3A_985 = arith.mulf %gather3A_983, %gather3A_984 : vector<16xf32>
      %add3A_986 = arith.addf %add3A_980, %mul3A_985 : vector<16xf32>
      %broadcast_in_dim3A_987 = arith.constant 27 : i32
      %broadcast_in_dim3A_988 = vector.broadcast %broadcast_in_dim3A_987 : i32 to vector<16xi32>
      %gather3A_989 = tpu.vector_load_idx %arg11[%add3A_823, %broadcast_in_dim3A_988] : memref<512x32xf32, #tpu.memory_space<vmem>>[vector<16xi32>, vector<16xi32>], vector<16xf32>,
      %gather3A_990 = tpu.vector_load_idx %arg14[%add3A_823, %broadcast_in_dim3A_988] : memref<512x32xf32, #tpu.memory_space<vmem>>[vector<16xi32>, vector<16xi32>], vector<16xf32>,
      %mul3A_991 = arith.mulf %gather3A_989, %gather3A_990 : vector<16xf32>
      %add3A_992 = arith.addf %add3A_986, %mul3A_991 : vector<16xf32>
      %broadcast_in_dim3A_993 = arith.constant 28 : i32
      %broadcast_in_dim3A_994 = vector.broadcast %broadcast_in_dim3A_993 : i32 to vector<16xi32>
      %gather3A_995 = tpu.vector_load_idx %arg11[%add3A_823, %broadcast_in_dim3A_994] : memref<512x32xf32, #tpu.memory_space<vmem>>[vector<16xi32>, vector<16xi32>], vector<16xf32>,
      %gather3A_996 = tpu.vector_load_idx %arg14[%add3A_823, %broadcast_in_dim3A_994] : memref<512x32xf32, #tpu.memory_space<vmem>>[vector<16xi32>, vector<16xi32>], vector<16xf32>,
      %mul3A_997 = arith.mulf %gather3A_995, %gather3A_996 : vector<16xf32>
      %add3A_998 = arith.addf %add3A_992, %mul3A_997 : vector<16xf32>
      %broadcast_in_dim3A_999 = arith.constant 29 : i32
      %broadcast_in_dim3A_1000 = vector.broadcast %broadcast_in_dim3A_999 : i32 to vector<16xi32>
      %gather3A_1001 = tpu.vector_load_idx %arg11[%add3A_823, %broadcast_in_dim3A_1000] : memref<512x32xf32, #tpu.memory_space<vmem>>[vector<16xi32>, vector<16xi32>], vector<16xf32>,
      %gather3A_1002 = tpu.vector_load_idx %arg14[%add3A_823, %broadcast_in_dim3A_1000] : memref<512x32xf32, #tpu.memory_space<vmem>>[vector<16xi32>, vector<16xi32>], vector<16xf32>,
      %mul3A_1003 = arith.mulf %gather3A_1001, %gather3A_1002 : vector<16xf32>
      %add3A_1004 = arith.addf %add3A_998, %mul3A_1003 : vector<16xf32>
      %broadcast_in_dim3A_1005 = arith.constant 30 : i32
      %broadcast_in_dim3A_1006 = vector.broadcast %broadcast_in_dim3A_1005 : i32 to vector<16xi32>
      %gather3A_1007 = tpu.vector_load_idx %arg11[%add3A_823, %broadcast_in_dim3A_1006] : memref<512x32xf32, #tpu.memory_space<vmem>>[vector<16xi32>, vector<16xi32>], vector<16xf32>,
      %gather3A_1008 = tpu.vector_load_idx %arg14[%add3A_823, %broadcast_in_dim3A_1006] : memref<512x32xf32, #tpu.memory_space<vmem>>[vector<16xi32>, vector<16xi32>], vector<16xf32>,
      %mul3A_1009 = arith.mulf %gather3A_1007, %gather3A_1008 : vector<16xf32>
      %add3A_1010 = arith.addf %add3A_1004, %mul3A_1009 : vector<16xf32>
      %broadcast_in_dim3A_1011 = arith.constant 31 : i32
      %broadcast_in_dim3A_1012 = vector.broadcast %broadcast_in_dim3A_1011 : i32 to vector<16xi32>
      %gather3A_1013 = tpu.vector_load_idx %arg11[%add3A_823, %broadcast_in_dim3A_1012] : memref<512x32xf32, #tpu.memory_space<vmem>>[vector<16xi32>, vector<16xi32>], vector<16xf32>,
      %gather3A_1014 = tpu.vector_load_idx %arg14[%add3A_823, %broadcast_in_dim3A_1012] : memref<512x32xf32, #tpu.memory_space<vmem>>[vector<16xi32>, vector<16xi32>], vector<16xf32>,
      %mul3A_1015 = arith.mulf %gather3A_1013, %gather3A_1014 : vector<16xf32>
      %add3A_1016 = arith.addf %add3A_1010, %mul3A_1015 : vector<16xf32>
      tpu.vector_store_idx %arg17[%add3A_823, %broadcast_in_dim3A_5], %add3A_1016 : memref<512x1xf32, #tpu.memory_space<vmem>>[vector<16xi32>, vector<16xi32>], vector<16xf32>,
      %scan3A_1017 = arith.constant 0 : i32
      scf.yield %scan3A_1017 : i32
    }
    %scan3A_591 = arith.constant 32 : i32
    %mul3A_592 = arith.constant 2560 : i32
    %mul3A_593 = arith.muli %add3A, %mul3A_592 : i32
    %add3A_594 = arith.constant 1024 : i32
    %add3A_595 = arith.addi %mul3A_593, %add3A_594 : i32
    %dma_start3A_596 = arith.constant 0 : i32
    %dma_start3A_597 = tpu.memref_slice %arg6[%add3A_595, %dma_start3A_596] : memref<81920x65xf32, #tpu.memory_space<hbm>> -> memref<512x32xf32, #tpu.memory_space<hbm>>
    %dma_start3A_598 = arith.constant 0 : i32
    %dma_start3A_599 = tpu.memref_slice %arg6[%add3A_595, %dma_start3A_598] : memref<81920x65xf32, #tpu.memory_space<hbm>> -> memref<512x32xf32, #tpu.memory_space<hbm>>
    tpu.enqueue_dma source(%arg11 : memref<512x32xf32, #tpu.memory_space<vmem>>) target(%dma_start3A_599 : memref<512x32xf32, #tpu.memory_space<hbm>>) target_semaphore(%arg23 : memref<!tpu.dma_semaphore, #tpu.memory_space<semaphore_mem>>)
    %dma_start3A_600 = arith.constant 32 : i32
    %dma_start3A_601 = tpu.memref_slice %arg6[%add3A_595, %dma_start3A_600] : memref<81920x65xf32, #tpu.memory_space<hbm>> -> memref<512x32xf32, #tpu.memory_space<hbm>>
    %dma_start3A_602 = arith.constant 32 : i32
    %dma_start3A_603 = tpu.memref_slice %arg6[%add3A_595, %dma_start3A_602] : memref<81920x65xf32, #tpu.memory_space<hbm>> -> memref<512x32xf32, #tpu.memory_space<hbm>>
    tpu.enqueue_dma source(%arg14 : memref<512x32xf32, #tpu.memory_space<vmem>>) target(%dma_start3A_603 : memref<512x32xf32, #tpu.memory_space<hbm>>) target_semaphore(%arg23 : memref<!tpu.dma_semaphore, #tpu.memory_space<semaphore_mem>>)
    %dma_start3A_604 = arith.constant 64 : i32
    %dma_start3A_605 = tpu.memref_slice %arg6[%add3A_595, %dma_start3A_604] : memref<81920x65xf32, #tpu.memory_space<hbm>> -> memref<512x1xf32, #tpu.memory_space<hbm>>
    %dma_start3A_606 = arith.constant 64 : i32
    %dma_start3A_607 = tpu.memref_slice %arg6[%add3A_595, %dma_start3A_606] : memref<81920x65xf32, #tpu.memory_space<hbm>> -> memref<512x1xf32, #tpu.memory_space<hbm>>
    tpu.enqueue_dma source(%arg17 : memref<512x1xf32, #tpu.memory_space<vmem>>) target(%dma_start3A_607 : memref<512x1xf32, #tpu.memory_space<hbm>>) target_semaphore(%arg23 : memref<!tpu.dma_semaphore, #tpu.memory_space<semaphore_mem>>)
    %dma_wait3A_608 = arith.constant 0 : i32
    %dma_wait3A_609 = arith.constant 0 : i32
    %dma_wait3A_610 = tpu.memref_slice %arg9[%dma_wait3A_608, %dma_wait3A_609] : memref<512x32xf32, #tpu.memory_space<vmem>> -> memref<128x32xf32, #tpu.memory_space<vmem>>
    %dma_wait3A_611 = arith.constant 1536 : i32
    %dma_wait3A_612 = tpu.memref_slice %arg7[%dma_wait3A_611] : memref<2560xi32, #tpu.memory_space<vmem>> -> memref<128xi32, #tpu.memory_space<vmem>>
    %dma_wait3A_613 = arith.constant 0 : i32
    %dma_wait3A_614 = arith.constant 0 : i32
    %dma_wait3A_615 = tpu.memref_slice %arg4[%dma_wait3A_613, %dma_wait3A_614] : memref<1000000x32xf32, #tpu.memory_space<hbm>> -> memref<1000000x32xf32, #tpu.memory_space<hbm>>
    tpu.wait_indirect_dma semaphore(%arg18 : memref<!tpu.dma_semaphore, #tpu.memory_space<semaphore_mem>>) src(%dma_wait3A_615 : memref<1000000x32xf32, #tpu.memory_space<hbm>>) dst(%dma_wait3A_610 : memref<128x32xf32, #tpu.memory_space<vmem>>)
    %dma_wait3A_616 = arith.constant 0 : i32
    %dma_wait3A_617 = arith.constant 0 : i32
    %dma_wait3A_618 = tpu.memref_slice %arg12[%dma_wait3A_616, %dma_wait3A_617] : memref<512x32xf32, #tpu.memory_space<vmem>> -> memref<128x32xf32, #tpu.memory_space<vmem>>
    %dma_wait3A_619 = arith.constant 1536 : i32
    %dma_wait3A_620 = tpu.memref_slice %arg8[%dma_wait3A_619] : memref<2560xi32, #tpu.memory_space<vmem>> -> memref<128xi32, #tpu.memory_space<vmem>>
    %dma_wait3A_621 = arith.constant 0 : i32
    %dma_wait3A_622 = arith.constant 0 : i32
    %dma_wait3A_623 = tpu.memref_slice %arg5[%dma_wait3A_621, %dma_wait3A_622] : memref<1000000x32xf32, #tpu.memory_space<hbm>> -> memref<1000000x32xf32, #tpu.memory_space<hbm>>
    tpu.wait_indirect_dma semaphore(%arg18 : memref<!tpu.dma_semaphore, #tpu.memory_space<semaphore_mem>>) src(%dma_wait3A_623 : memref<1000000x32xf32, #tpu.memory_space<hbm>>) dst(%dma_wait3A_618 : memref<128x32xf32, #tpu.memory_space<vmem>>)
    %dma_wait3A_624 = arith.constant 128 : i32
    %dma_wait3A_625 = arith.constant 0 : i32
    %dma_wait3A_626 = tpu.memref_slice %arg9[%dma_wait3A_624, %dma_wait3A_625] : memref<512x32xf32, #tpu.memory_space<vmem>> -> memref<128x32xf32, #tpu.memory_space<vmem>>
    %dma_wait3A_627 = arith.constant 1664 : i32
    %dma_wait3A_628 = tpu.memref_slice %arg7[%dma_wait3A_627] : memref<2560xi32, #tpu.memory_space<vmem>> -> memref<128xi32, #tpu.memory_space<vmem>>
    %dma_wait3A_629 = arith.constant 0 : i32
    %dma_wait3A_630 = arith.constant 0 : i32
    %dma_wait3A_631 = tpu.memref_slice %arg4[%dma_wait3A_629, %dma_wait3A_630] : memref<1000000x32xf32, #tpu.memory_space<hbm>> -> memref<1000000x32xf32, #tpu.memory_space<hbm>>
    tpu.wait_indirect_dma semaphore(%arg18 : memref<!tpu.dma_semaphore, #tpu.memory_space<semaphore_mem>>) src(%dma_wait3A_631 : memref<1000000x32xf32, #tpu.memory_space<hbm>>) dst(%dma_wait3A_626 : memref<128x32xf32, #tpu.memory_space<vmem>>)
    %dma_wait3A_632 = arith.constant 128 : i32
    %dma_wait3A_633 = arith.constant 0 : i32
    %dma_wait3A_634 = tpu.memref_slice %arg12[%dma_wait3A_632, %dma_wait3A_633] : memref<512x32xf32, #tpu.memory_space<vmem>> -> memref<128x32xf32, #tpu.memory_space<vmem>>
    %dma_wait3A_635 = arith.constant 1664 : i32
    %dma_wait3A_636 = tpu.memref_slice %arg8[%dma_wait3A_635] : memref<2560xi32, #tpu.memory_space<vmem>> -> memref<128xi32, #tpu.memory_space<vmem>>
    %dma_wait3A_637 = arith.constant 0 : i32
    %dma_wait3A_638 = arith.constant 0 : i32
    %dma_wait3A_639 = tpu.memref_slice %arg5[%dma_wait3A_637, %dma_wait3A_638] : memref<1000000x32xf32, #tpu.memory_space<hbm>> -> memref<1000000x32xf32, #tpu.memory_space<hbm>>
    tpu.wait_indirect_dma semaphore(%arg18 : memref<!tpu.dma_semaphore, #tpu.memory_space<semaphore_mem>>) src(%dma_wait3A_639 : memref<1000000x32xf32, #tpu.memory_space<hbm>>) dst(%dma_wait3A_634 : memref<128x32xf32, #tpu.memory_space<vmem>>)
    %dma_wait3A_640 = arith.constant 256 : i32
    %dma_wait3A_641 = arith.constant 0 : i32
    %dma_wait3A_642 = tpu.memref_slice %arg9[%dma_wait3A_640, %dma_wait3A_641] : memref<512x32xf32, #tpu.memory_space<vmem>> -> memref<128x32xf32, #tpu.memory_space<vmem>>
    %dma_wait3A_643 = arith.constant 1792 : i32
    %dma_wait3A_644 = tpu.memref_slice %arg7[%dma_wait3A_643] : memref<2560xi32, #tpu.memory_space<vmem>> -> memref<128xi32, #tpu.memory_space<vmem>>
    %dma_wait3A_645 = arith.constant 0 : i32
    %dma_wait3A_646 = arith.constant 0 : i32
    %dma_wait3A_647 = tpu.memref_slice %arg4[%dma_wait3A_645, %dma_wait3A_646] : memref<1000000x32xf32, #tpu.memory_space<hbm>> -> memref<1000000x32xf32, #tpu.memory_space<hbm>>
    tpu.wait_indirect_dma semaphore(%arg18 : memref<!tpu.dma_semaphore, #tpu.memory_space<semaphore_mem>>) src(%dma_wait3A_647 : memref<1000000x32xf32, #tpu.memory_space<hbm>>) dst(%dma_wait3A_642 : memref<128x32xf32, #tpu.memory_space<vmem>>)
    %dma_wait3A_648 = arith.constant 256 : i32
    %dma_wait3A_649 = arith.constant 0 : i32
    %dma_wait3A_650 = tpu.memref_slice %arg12[%dma_wait3A_648, %dma_wait3A_649] : memref<512x32xf32, #tpu.memory_space<vmem>> -> memref<128x32xf32, #tpu.memory_space<vmem>>
    %dma_wait3A_651 = arith.constant 1792 : i32
    %dma_wait3A_652 = tpu.memref_slice %arg8[%dma_wait3A_651] : memref<2560xi32, #tpu.memory_space<vmem>> -> memref<128xi32, #tpu.memory_space<vmem>>
    %dma_wait3A_653 = arith.constant 0 : i32
    %dma_wait3A_654 = arith.constant 0 : i32
    %dma_wait3A_655 = tpu.memref_slice %arg5[%dma_wait3A_653, %dma_wait3A_654] : memref<1000000x32xf32, #tpu.memory_space<hbm>> -> memref<1000000x32xf32, #tpu.memory_space<hbm>>
    tpu.wait_indirect_dma semaphore(%arg18 : memref<!tpu.dma_semaphore, #tpu.memory_space<semaphore_mem>>) src(%dma_wait3A_655 : memref<1000000x32xf32, #tpu.memory_space<hbm>>) dst(%dma_wait3A_650 : memref<128x32xf32, #tpu.memory_space<vmem>>)
    %dma_wait3A_656 = arith.constant 384 : i32
    %dma_wait3A_657 = arith.constant 0 : i32
    %dma_wait3A_658 = tpu.memref_slice %arg9[%dma_wait3A_656, %dma_wait3A_657] : memref<512x32xf32, #tpu.memory_space<vmem>> -> memref<128x32xf32, #tpu.memory_space<vmem>>
    %dma_wait3A_659 = arith.constant 1920 : i32
    %dma_wait3A_660 = tpu.memref_slice %arg7[%dma_wait3A_659] : memref<2560xi32, #tpu.memory_space<vmem>> -> memref<128xi32, #tpu.memory_space<vmem>>
    %dma_wait3A_661 = arith.constant 0 : i32
    %dma_wait3A_662 = arith.constant 0 : i32
    %dma_wait3A_663 = tpu.memref_slice %arg4[%dma_wait3A_661, %dma_wait3A_662] : memref<1000000x32xf32, #tpu.memory_space<hbm>> -> memref<1000000x32xf32, #tpu.memory_space<hbm>>
    tpu.wait_indirect_dma semaphore(%arg18 : memref<!tpu.dma_semaphore, #tpu.memory_space<semaphore_mem>>) src(%dma_wait3A_663 : memref<1000000x32xf32, #tpu.memory_space<hbm>>) dst(%dma_wait3A_658 : memref<128x32xf32, #tpu.memory_space<vmem>>)
    %dma_wait3A_664 = arith.constant 384 : i32
    %dma_wait3A_665 = arith.constant 0 : i32
    %dma_wait3A_666 = tpu.memref_slice %arg12[%dma_wait3A_664, %dma_wait3A_665] : memref<512x32xf32, #tpu.memory_space<vmem>> -> memref<128x32xf32, #tpu.memory_space<vmem>>
    %dma_wait3A_667 = arith.constant 1920 : i32
    %dma_wait3A_668 = tpu.memref_slice %arg8[%dma_wait3A_667] : memref<2560xi32, #tpu.memory_space<vmem>> -> memref<128xi32, #tpu.memory_space<vmem>>
    %dma_wait3A_669 = arith.constant 0 : i32
    %dma_wait3A_670 = arith.constant 0 : i32
    %dma_wait3A_671 = tpu.memref_slice %arg5[%dma_wait3A_669, %dma_wait3A_670] : memref<1000000x32xf32, #tpu.memory_space<hbm>> -> memref<1000000x32xf32, #tpu.memory_space<hbm>>
    tpu.wait_indirect_dma semaphore(%arg18 : memref<!tpu.dma_semaphore, #tpu.memory_space<semaphore_mem>>) src(%dma_wait3A_671 : memref<1000000x32xf32, #tpu.memory_space<hbm>>) dst(%dma_wait3A_666 : memref<128x32xf32, #tpu.memory_space<vmem>>)
    %scan3A_672 = arith.constant 0 : i32
    %scan3A_673 = arith.constant 0 : i32
    %scan3A_674 = arith.constant 32 : i32
    %scan3A_675 = arith.addi %scan3A_673, %scan3A_674 : i32
    %scan3A_676 = arith.constant 1 : i32
    %scan3A_677 = scf.for %scan3A_818 = %scan3A_673 to %scan3A_675 step %scan3A_676 iter_args(%scan3A_819 = %scan3A_672) -> (i32)  : i32 {
      %mul3A_820 = arith.constant 16 : i32
      %mul3A_821 = arith.muli %scan3A_818, %mul3A_820 : i32
      %add3A_822 = vector.broadcast %mul3A_821 : i32 to vector<16xi32>
      %add3A_823 = arith.addi %add3A_822, %iota3A : vector<16xi32>
      %broadcast_in_dim3A_824 = arith.constant 0.000000e+00 : f32
      %broadcast_in_dim3A_825 = vector.broadcast %broadcast_in_dim3A_824 : f32 to vector<16xf32>
      %broadcast_in_dim3A_826 = arith.constant 0 : i32
      %broadcast_in_dim3A_827 = vector.broadcast %broadcast_in_dim3A_826 : i32 to vector<16xi32>
      %gather3A = tpu.vector_load_idx %arg9[%add3A_823, %broadcast_in_dim3A_827] : memref<512x32xf32, #tpu.memory_space<vmem>>[vector<16xi32>, vector<16xi32>], vector<16xf32>,
      %gather3A_828 = tpu.vector_load_idx %arg12[%add3A_823, %broadcast_in_dim3A_827] : memref<512x32xf32, #tpu.memory_space<vmem>>[vector<16xi32>, vector<16xi32>], vector<16xf32>,
      %mul3A_829 = arith.mulf %gather3A, %gather3A_828 : vector<16xf32>
      %add3A_830 = arith.addf %broadcast_in_dim3A_825, %mul3A_829 : vector<16xf32>
      %broadcast_in_dim3A_831 = arith.constant 1 : i32
      %broadcast_in_dim3A_832 = vector.broadcast %broadcast_in_dim3A_831 : i32 to vector<16xi32>
      %gather3A_833 = tpu.vector_load_idx %arg9[%add3A_823, %broadcast_in_dim3A_832] : memref<512x32xf32, #tpu.memory_space<vmem>>[vector<16xi32>, vector<16xi32>], vector<16xf32>,
      %gather3A_834 = tpu.vector_load_idx %arg12[%add3A_823, %broadcast_in_dim3A_832] : memref<512x32xf32, #tpu.memory_space<vmem>>[vector<16xi32>, vector<16xi32>], vector<16xf32>,
      %mul3A_835 = arith.mulf %gather3A_833, %gather3A_834 : vector<16xf32>
      %add3A_836 = arith.addf %add3A_830, %mul3A_835 : vector<16xf32>
      %broadcast_in_dim3A_837 = arith.constant 2 : i32
      %broadcast_in_dim3A_838 = vector.broadcast %broadcast_in_dim3A_837 : i32 to vector<16xi32>
      %gather3A_839 = tpu.vector_load_idx %arg9[%add3A_823, %broadcast_in_dim3A_838] : memref<512x32xf32, #tpu.memory_space<vmem>>[vector<16xi32>, vector<16xi32>], vector<16xf32>,
      %gather3A_840 = tpu.vector_load_idx %arg12[%add3A_823, %broadcast_in_dim3A_838] : memref<512x32xf32, #tpu.memory_space<vmem>>[vector<16xi32>, vector<16xi32>], vector<16xf32>,
      %mul3A_841 = arith.mulf %gather3A_839, %gather3A_840 : vector<16xf32>
      %add3A_842 = arith.addf %add3A_836, %mul3A_841 : vector<16xf32>
      %broadcast_in_dim3A_843 = arith.constant 3 : i32
      %broadcast_in_dim3A_844 = vector.broadcast %broadcast_in_dim3A_843 : i32 to vector<16xi32>
      %gather3A_845 = tpu.vector_load_idx %arg9[%add3A_823, %broadcast_in_dim3A_844] : memref<512x32xf32, #tpu.memory_space<vmem>>[vector<16xi32>, vector<16xi32>], vector<16xf32>,
      %gather3A_846 = tpu.vector_load_idx %arg12[%add3A_823, %broadcast_in_dim3A_844] : memref<512x32xf32, #tpu.memory_space<vmem>>[vector<16xi32>, vector<16xi32>], vector<16xf32>,
      %mul3A_847 = arith.mulf %gather3A_845, %gather3A_846 : vector<16xf32>
      %add3A_848 = arith.addf %add3A_842, %mul3A_847 : vector<16xf32>
      %broadcast_in_dim3A_849 = arith.constant 4 : i32
      %broadcast_in_dim3A_850 = vector.broadcast %broadcast_in_dim3A_849 : i32 to vector<16xi32>
      %gather3A_851 = tpu.vector_load_idx %arg9[%add3A_823, %broadcast_in_dim3A_850] : memref<512x32xf32, #tpu.memory_space<vmem>>[vector<16xi32>, vector<16xi32>], vector<16xf32>,
      %gather3A_852 = tpu.vector_load_idx %arg12[%add3A_823, %broadcast_in_dim3A_850] : memref<512x32xf32, #tpu.memory_space<vmem>>[vector<16xi32>, vector<16xi32>], vector<16xf32>,
      %mul3A_853 = arith.mulf %gather3A_851, %gather3A_852 : vector<16xf32>
      %add3A_854 = arith.addf %add3A_848, %mul3A_853 : vector<16xf32>
      %broadcast_in_dim3A_855 = arith.constant 5 : i32
      %broadcast_in_dim3A_856 = vector.broadcast %broadcast_in_dim3A_855 : i32 to vector<16xi32>
      %gather3A_857 = tpu.vector_load_idx %arg9[%add3A_823, %broadcast_in_dim3A_856] : memref<512x32xf32, #tpu.memory_space<vmem>>[vector<16xi32>, vector<16xi32>], vector<16xf32>,
      %gather3A_858 = tpu.vector_load_idx %arg12[%add3A_823, %broadcast_in_dim3A_856] : memref<512x32xf32, #tpu.memory_space<vmem>>[vector<16xi32>, vector<16xi32>], vector<16xf32>,
      %mul3A_859 = arith.mulf %gather3A_857, %gather3A_858 : vector<16xf32>
      %add3A_860 = arith.addf %add3A_854, %mul3A_859 : vector<16xf32>
      %broadcast_in_dim3A_861 = arith.constant 6 : i32
      %broadcast_in_dim3A_862 = vector.broadcast %broadcast_in_dim3A_861 : i32 to vector<16xi32>
      %gather3A_863 = tpu.vector_load_idx %arg9[%add3A_823, %broadcast_in_dim3A_862] : memref<512x32xf32, #tpu.memory_space<vmem>>[vector<16xi32>, vector<16xi32>], vector<16xf32>,
      %gather3A_864 = tpu.vector_load_idx %arg12[%add3A_823, %broadcast_in_dim3A_862] : memref<512x32xf32, #tpu.memory_space<vmem>>[vector<16xi32>, vector<16xi32>], vector<16xf32>,
      %mul3A_865 = arith.mulf %gather3A_863, %gather3A_864 : vector<16xf32>
      %add3A_866 = arith.addf %add3A_860, %mul3A_865 : vector<16xf32>
      %broadcast_in_dim3A_867 = arith.constant 7 : i32
      %broadcast_in_dim3A_868 = vector.broadcast %broadcast_in_dim3A_867 : i32 to vector<16xi32>
      %gather3A_869 = tpu.vector_load_idx %arg9[%add3A_823, %broadcast_in_dim3A_868] : memref<512x32xf32, #tpu.memory_space<vmem>>[vector<16xi32>, vector<16xi32>], vector<16xf32>,
      %gather3A_870 = tpu.vector_load_idx %arg12[%add3A_823, %broadcast_in_dim3A_868] : memref<512x32xf32, #tpu.memory_space<vmem>>[vector<16xi32>, vector<16xi32>], vector<16xf32>,
      %mul3A_871 = arith.mulf %gather3A_869, %gather3A_870 : vector<16xf32>
      %add3A_872 = arith.addf %add3A_866, %mul3A_871 : vector<16xf32>
      %broadcast_in_dim3A_873 = arith.constant 8 : i32
      %broadcast_in_dim3A_874 = vector.broadcast %broadcast_in_dim3A_873 : i32 to vector<16xi32>
      %gather3A_875 = tpu.vector_load_idx %arg9[%add3A_823, %broadcast_in_dim3A_874] : memref<512x32xf32, #tpu.memory_space<vmem>>[vector<16xi32>, vector<16xi32>], vector<16xf32>,
      %gather3A_876 = tpu.vector_load_idx %arg12[%add3A_823, %broadcast_in_dim3A_874] : memref<512x32xf32, #tpu.memory_space<vmem>>[vector<16xi32>, vector<16xi32>], vector<16xf32>,
      %mul3A_877 = arith.mulf %gather3A_875, %gather3A_876 : vector<16xf32>
      %add3A_878 = arith.addf %add3A_872, %mul3A_877 : vector<16xf32>
      %broadcast_in_dim3A_879 = arith.constant 9 : i32
      %broadcast_in_dim3A_880 = vector.broadcast %broadcast_in_dim3A_879 : i32 to vector<16xi32>
      %gather3A_881 = tpu.vector_load_idx %arg9[%add3A_823, %broadcast_in_dim3A_880] : memref<512x32xf32, #tpu.memory_space<vmem>>[vector<16xi32>, vector<16xi32>], vector<16xf32>,
      %gather3A_882 = tpu.vector_load_idx %arg12[%add3A_823, %broadcast_in_dim3A_880] : memref<512x32xf32, #tpu.memory_space<vmem>>[vector<16xi32>, vector<16xi32>], vector<16xf32>,
      %mul3A_883 = arith.mulf %gather3A_881, %gather3A_882 : vector<16xf32>
      %add3A_884 = arith.addf %add3A_878, %mul3A_883 : vector<16xf32>
      %broadcast_in_dim3A_885 = arith.constant 10 : i32
      %broadcast_in_dim3A_886 = vector.broadcast %broadcast_in_dim3A_885 : i32 to vector<16xi32>
      %gather3A_887 = tpu.vector_load_idx %arg9[%add3A_823, %broadcast_in_dim3A_886] : memref<512x32xf32, #tpu.memory_space<vmem>>[vector<16xi32>, vector<16xi32>], vector<16xf32>,
      %gather3A_888 = tpu.vector_load_idx %arg12[%add3A_823, %broadcast_in_dim3A_886] : memref<512x32xf32, #tpu.memory_space<vmem>>[vector<16xi32>, vector<16xi32>], vector<16xf32>,
      %mul3A_889 = arith.mulf %gather3A_887, %gather3A_888 : vector<16xf32>
      %add3A_890 = arith.addf %add3A_884, %mul3A_889 : vector<16xf32>
      %broadcast_in_dim3A_891 = arith.constant 11 : i32
      %broadcast_in_dim3A_892 = vector.broadcast %broadcast_in_dim3A_891 : i32 to vector<16xi32>
      %gather3A_893 = tpu.vector_load_idx %arg9[%add3A_823, %broadcast_in_dim3A_892] : memref<512x32xf32, #tpu.memory_space<vmem>>[vector<16xi32>, vector<16xi32>], vector<16xf32>,
      %gather3A_894 = tpu.vector_load_idx %arg12[%add3A_823, %broadcast_in_dim3A_892] : memref<512x32xf32, #tpu.memory_space<vmem>>[vector<16xi32>, vector<16xi32>], vector<16xf32>,
      %mul3A_895 = arith.mulf %gather3A_893, %gather3A_894 : vector<16xf32>
      %add3A_896 = arith.addf %add3A_890, %mul3A_895 : vector<16xf32>
      %broadcast_in_dim3A_897 = arith.constant 12 : i32
      %broadcast_in_dim3A_898 = vector.broadcast %broadcast_in_dim3A_897 : i32 to vector<16xi32>
      %gather3A_899 = tpu.vector_load_idx %arg9[%add3A_823, %broadcast_in_dim3A_898] : memref<512x32xf32, #tpu.memory_space<vmem>>[vector<16xi32>, vector<16xi32>], vector<16xf32>,
      %gather3A_900 = tpu.vector_load_idx %arg12[%add3A_823, %broadcast_in_dim3A_898] : memref<512x32xf32, #tpu.memory_space<vmem>>[vector<16xi32>, vector<16xi32>], vector<16xf32>,
      %mul3A_901 = arith.mulf %gather3A_899, %gather3A_900 : vector<16xf32>
      %add3A_902 = arith.addf %add3A_896, %mul3A_901 : vector<16xf32>
      %broadcast_in_dim3A_903 = arith.constant 13 : i32
      %broadcast_in_dim3A_904 = vector.broadcast %broadcast_in_dim3A_903 : i32 to vector<16xi32>
      %gather3A_905 = tpu.vector_load_idx %arg9[%add3A_823, %broadcast_in_dim3A_904] : memref<512x32xf32, #tpu.memory_space<vmem>>[vector<16xi32>, vector<16xi32>], vector<16xf32>,
      %gather3A_906 = tpu.vector_load_idx %arg12[%add3A_823, %broadcast_in_dim3A_904] : memref<512x32xf32, #tpu.memory_space<vmem>>[vector<16xi32>, vector<16xi32>], vector<16xf32>,
      %mul3A_907 = arith.mulf %gather3A_905, %gather3A_906 : vector<16xf32>
      %add3A_908 = arith.addf %add3A_902, %mul3A_907 : vector<16xf32>
      %broadcast_in_dim3A_909 = arith.constant 14 : i32
      %broadcast_in_dim3A_910 = vector.broadcast %broadcast_in_dim3A_909 : i32 to vector<16xi32>
      %gather3A_911 = tpu.vector_load_idx %arg9[%add3A_823, %broadcast_in_dim3A_910] : memref<512x32xf32, #tpu.memory_space<vmem>>[vector<16xi32>, vector<16xi32>], vector<16xf32>,
      %gather3A_912 = tpu.vector_load_idx %arg12[%add3A_823, %broadcast_in_dim3A_910] : memref<512x32xf32, #tpu.memory_space<vmem>>[vector<16xi32>, vector<16xi32>], vector<16xf32>,
      %mul3A_913 = arith.mulf %gather3A_911, %gather3A_912 : vector<16xf32>
      %add3A_914 = arith.addf %add3A_908, %mul3A_913 : vector<16xf32>
      %broadcast_in_dim3A_915 = arith.constant 15 : i32
      %broadcast_in_dim3A_916 = vector.broadcast %broadcast_in_dim3A_915 : i32 to vector<16xi32>
      %gather3A_917 = tpu.vector_load_idx %arg9[%add3A_823, %broadcast_in_dim3A_916] : memref<512x32xf32, #tpu.memory_space<vmem>>[vector<16xi32>, vector<16xi32>], vector<16xf32>,
      %gather3A_918 = tpu.vector_load_idx %arg12[%add3A_823, %broadcast_in_dim3A_916] : memref<512x32xf32, #tpu.memory_space<vmem>>[vector<16xi32>, vector<16xi32>], vector<16xf32>,
      %mul3A_919 = arith.mulf %gather3A_917, %gather3A_918 : vector<16xf32>
      %add3A_920 = arith.addf %add3A_914, %mul3A_919 : vector<16xf32>
      %broadcast_in_dim3A_921 = arith.constant 16 : i32
      %broadcast_in_dim3A_922 = vector.broadcast %broadcast_in_dim3A_921 : i32 to vector<16xi32>
      %gather3A_923 = tpu.vector_load_idx %arg9[%add3A_823, %broadcast_in_dim3A_922] : memref<512x32xf32, #tpu.memory_space<vmem>>[vector<16xi32>, vector<16xi32>], vector<16xf32>,
      %gather3A_924 = tpu.vector_load_idx %arg12[%add3A_823, %broadcast_in_dim3A_922] : memref<512x32xf32, #tpu.memory_space<vmem>>[vector<16xi32>, vector<16xi32>], vector<16xf32>,
      %mul3A_925 = arith.mulf %gather3A_923, %gather3A_924 : vector<16xf32>
      %add3A_926 = arith.addf %add3A_920, %mul3A_925 : vector<16xf32>
      %broadcast_in_dim3A_927 = arith.constant 17 : i32
      %broadcast_in_dim3A_928 = vector.broadcast %broadcast_in_dim3A_927 : i32 to vector<16xi32>
      %gather3A_929 = tpu.vector_load_idx %arg9[%add3A_823, %broadcast_in_dim3A_928] : memref<512x32xf32, #tpu.memory_space<vmem>>[vector<16xi32>, vector<16xi32>], vector<16xf32>,
      %gather3A_930 = tpu.vector_load_idx %arg12[%add3A_823, %broadcast_in_dim3A_928] : memref<512x32xf32, #tpu.memory_space<vmem>>[vector<16xi32>, vector<16xi32>], vector<16xf32>,
      %mul3A_931 = arith.mulf %gather3A_929, %gather3A_930 : vector<16xf32>
      %add3A_932 = arith.addf %add3A_926, %mul3A_931 : vector<16xf32>
      %broadcast_in_dim3A_933 = arith.constant 18 : i32
      %broadcast_in_dim3A_934 = vector.broadcast %broadcast_in_dim3A_933 : i32 to vector<16xi32>
      %gather3A_935 = tpu.vector_load_idx %arg9[%add3A_823, %broadcast_in_dim3A_934] : memref<512x32xf32, #tpu.memory_space<vmem>>[vector<16xi32>, vector<16xi32>], vector<16xf32>,
      %gather3A_936 = tpu.vector_load_idx %arg12[%add3A_823, %broadcast_in_dim3A_934] : memref<512x32xf32, #tpu.memory_space<vmem>>[vector<16xi32>, vector<16xi32>], vector<16xf32>,
      %mul3A_937 = arith.mulf %gather3A_935, %gather3A_936 : vector<16xf32>
      %add3A_938 = arith.addf %add3A_932, %mul3A_937 : vector<16xf32>
      %broadcast_in_dim3A_939 = arith.constant 19 : i32
      %broadcast_in_dim3A_940 = vector.broadcast %broadcast_in_dim3A_939 : i32 to vector<16xi32>
      %gather3A_941 = tpu.vector_load_idx %arg9[%add3A_823, %broadcast_in_dim3A_940] : memref<512x32xf32, #tpu.memory_space<vmem>>[vector<16xi32>, vector<16xi32>], vector<16xf32>,
      %gather3A_942 = tpu.vector_load_idx %arg12[%add3A_823, %broadcast_in_dim3A_940] : memref<512x32xf32, #tpu.memory_space<vmem>>[vector<16xi32>, vector<16xi32>], vector<16xf32>,
      %mul3A_943 = arith.mulf %gather3A_941, %gather3A_942 : vector<16xf32>
      %add3A_944 = arith.addf %add3A_938, %mul3A_943 : vector<16xf32>
      %broadcast_in_dim3A_945 = arith.constant 20 : i32
      %broadcast_in_dim3A_946 = vector.broadcast %broadcast_in_dim3A_945 : i32 to vector<16xi32>
      %gather3A_947 = tpu.vector_load_idx %arg9[%add3A_823, %broadcast_in_dim3A_946] : memref<512x32xf32, #tpu.memory_space<vmem>>[vector<16xi32>, vector<16xi32>], vector<16xf32>,
      %gather3A_948 = tpu.vector_load_idx %arg12[%add3A_823, %broadcast_in_dim3A_946] : memref<512x32xf32, #tpu.memory_space<vmem>>[vector<16xi32>, vector<16xi32>], vector<16xf32>,
      %mul3A_949 = arith.mulf %gather3A_947, %gather3A_948 : vector<16xf32>
      %add3A_950 = arith.addf %add3A_944, %mul3A_949 : vector<16xf32>
      %broadcast_in_dim3A_951 = arith.constant 21 : i32
      %broadcast_in_dim3A_952 = vector.broadcast %broadcast_in_dim3A_951 : i32 to vector<16xi32>
      %gather3A_953 = tpu.vector_load_idx %arg9[%add3A_823, %broadcast_in_dim3A_952] : memref<512x32xf32, #tpu.memory_space<vmem>>[vector<16xi32>, vector<16xi32>], vector<16xf32>,
      %gather3A_954 = tpu.vector_load_idx %arg12[%add3A_823, %broadcast_in_dim3A_952] : memref<512x32xf32, #tpu.memory_space<vmem>>[vector<16xi32>, vector<16xi32>], vector<16xf32>,
      %mul3A_955 = arith.mulf %gather3A_953, %gather3A_954 : vector<16xf32>
      %add3A_956 = arith.addf %add3A_950, %mul3A_955 : vector<16xf32>
      %broadcast_in_dim3A_957 = arith.constant 22 : i32
      %broadcast_in_dim3A_958 = vector.broadcast %broadcast_in_dim3A_957 : i32 to vector<16xi32>
      %gather3A_959 = tpu.vector_load_idx %arg9[%add3A_823, %broadcast_in_dim3A_958] : memref<512x32xf32, #tpu.memory_space<vmem>>[vector<16xi32>, vector<16xi32>], vector<16xf32>,
      %gather3A_960 = tpu.vector_load_idx %arg12[%add3A_823, %broadcast_in_dim3A_958] : memref<512x32xf32, #tpu.memory_space<vmem>>[vector<16xi32>, vector<16xi32>], vector<16xf32>,
      %mul3A_961 = arith.mulf %gather3A_959, %gather3A_960 : vector<16xf32>
      %add3A_962 = arith.addf %add3A_956, %mul3A_961 : vector<16xf32>
      %broadcast_in_dim3A_963 = arith.constant 23 : i32
      %broadcast_in_dim3A_964 = vector.broadcast %broadcast_in_dim3A_963 : i32 to vector<16xi32>
      %gather3A_965 = tpu.vector_load_idx %arg9[%add3A_823, %broadcast_in_dim3A_964] : memref<512x32xf32, #tpu.memory_space<vmem>>[vector<16xi32>, vector<16xi32>], vector<16xf32>,
      %gather3A_966 = tpu.vector_load_idx %arg12[%add3A_823, %broadcast_in_dim3A_964] : memref<512x32xf32, #tpu.memory_space<vmem>>[vector<16xi32>, vector<16xi32>], vector<16xf32>,
      %mul3A_967 = arith.mulf %gather3A_965, %gather3A_966 : vector<16xf32>
      %add3A_968 = arith.addf %add3A_962, %mul3A_967 : vector<16xf32>
      %broadcast_in_dim3A_969 = arith.constant 24 : i32
      %broadcast_in_dim3A_970 = vector.broadcast %broadcast_in_dim3A_969 : i32 to vector<16xi32>
      %gather3A_971 = tpu.vector_load_idx %arg9[%add3A_823, %broadcast_in_dim3A_970] : memref<512x32xf32, #tpu.memory_space<vmem>>[vector<16xi32>, vector<16xi32>], vector<16xf32>,
      %gather3A_972 = tpu.vector_load_idx %arg12[%add3A_823, %broadcast_in_dim3A_970] : memref<512x32xf32, #tpu.memory_space<vmem>>[vector<16xi32>, vector<16xi32>], vector<16xf32>,
      %mul3A_973 = arith.mulf %gather3A_971, %gather3A_972 : vector<16xf32>
      %add3A_974 = arith.addf %add3A_968, %mul3A_973 : vector<16xf32>
      %broadcast_in_dim3A_975 = arith.constant 25 : i32
      %broadcast_in_dim3A_976 = vector.broadcast %broadcast_in_dim3A_975 : i32 to vector<16xi32>
      %gather3A_977 = tpu.vector_load_idx %arg9[%add3A_823, %broadcast_in_dim3A_976] : memref<512x32xf32, #tpu.memory_space<vmem>>[vector<16xi32>, vector<16xi32>], vector<16xf32>,
      %gather3A_978 = tpu.vector_load_idx %arg12[%add3A_823, %broadcast_in_dim3A_976] : memref<512x32xf32, #tpu.memory_space<vmem>>[vector<16xi32>, vector<16xi32>], vector<16xf32>,
      %mul3A_979 = arith.mulf %gather3A_977, %gather3A_978 : vector<16xf32>
      %add3A_980 = arith.addf %add3A_974, %mul3A_979 : vector<16xf32>
      %broadcast_in_dim3A_981 = arith.constant 26 : i32
      %broadcast_in_dim3A_982 = vector.broadcast %broadcast_in_dim3A_981 : i32 to vector<16xi32>
      %gather3A_983 = tpu.vector_load_idx %arg9[%add3A_823, %broadcast_in_dim3A_982] : memref<512x32xf32, #tpu.memory_space<vmem>>[vector<16xi32>, vector<16xi32>], vector<16xf32>,
      %gather3A_984 = tpu.vector_load_idx %arg12[%add3A_823, %broadcast_in_dim3A_982] : memref<512x32xf32, #tpu.memory_space<vmem>>[vector<16xi32>, vector<16xi32>], vector<16xf32>,
      %mul3A_985 = arith.mulf %gather3A_983, %gather3A_984 : vector<16xf32>
      %add3A_986 = arith.addf %add3A_980, %mul3A_985 : vector<16xf32>
      %broadcast_in_dim3A_987 = arith.constant 27 : i32
      %broadcast_in_dim3A_988 = vector.broadcast %broadcast_in_dim3A_987 : i32 to vector<16xi32>
      %gather3A_989 = tpu.vector_load_idx %arg9[%add3A_823, %broadcast_in_dim3A_988] : memref<512x32xf32, #tpu.memory_space<vmem>>[vector<16xi32>, vector<16xi32>], vector<16xf32>,
      %gather3A_990 = tpu.vector_load_idx %arg12[%add3A_823, %broadcast_in_dim3A_988] : memref<512x32xf32, #tpu.memory_space<vmem>>[vector<16xi32>, vector<16xi32>], vector<16xf32>,
      %mul3A_991 = arith.mulf %gather3A_989, %gather3A_990 : vector<16xf32>
      %add3A_992 = arith.addf %add3A_986, %mul3A_991 : vector<16xf32>
      %broadcast_in_dim3A_993 = arith.constant 28 : i32
      %broadcast_in_dim3A_994 = vector.broadcast %broadcast_in_dim3A_993 : i32 to vector<16xi32>
      %gather3A_995 = tpu.vector_load_idx %arg9[%add3A_823, %broadcast_in_dim3A_994] : memref<512x32xf32, #tpu.memory_space<vmem>>[vector<16xi32>, vector<16xi32>], vector<16xf32>,
      %gather3A_996 = tpu.vector_load_idx %arg12[%add3A_823, %broadcast_in_dim3A_994] : memref<512x32xf32, #tpu.memory_space<vmem>>[vector<16xi32>, vector<16xi32>], vector<16xf32>,
      %mul3A_997 = arith.mulf %gather3A_995, %gather3A_996 : vector<16xf32>
      %add3A_998 = arith.addf %add3A_992, %mul3A_997 : vector<16xf32>
      %broadcast_in_dim3A_999 = arith.constant 29 : i32
      %broadcast_in_dim3A_1000 = vector.broadcast %broadcast_in_dim3A_999 : i32 to vector<16xi32>
      %gather3A_1001 = tpu.vector_load_idx %arg9[%add3A_823, %broadcast_in_dim3A_1000] : memref<512x32xf32, #tpu.memory_space<vmem>>[vector<16xi32>, vector<16xi32>], vector<16xf32>,
      %gather3A_1002 = tpu.vector_load_idx %arg12[%add3A_823, %broadcast_in_dim3A_1000] : memref<512x32xf32, #tpu.memory_space<vmem>>[vector<16xi32>, vector<16xi32>], vector<16xf32>,
      %mul3A_1003 = arith.mulf %gather3A_1001, %gather3A_1002 : vector<16xf32>
      %add3A_1004 = arith.addf %add3A_998, %mul3A_1003 : vector<16xf32>
      %broadcast_in_dim3A_1005 = arith.constant 30 : i32
      %broadcast_in_dim3A_1006 = vector.broadcast %broadcast_in_dim3A_1005 : i32 to vector<16xi32>
      %gather3A_1007 = tpu.vector_load_idx %arg9[%add3A_823, %broadcast_in_dim3A_1006] : memref<512x32xf32, #tpu.memory_space<vmem>>[vector<16xi32>, vector<16xi32>], vector<16xf32>,
      %gather3A_1008 = tpu.vector_load_idx %arg12[%add3A_823, %broadcast_in_dim3A_1006] : memref<512x32xf32, #tpu.memory_space<vmem>>[vector<16xi32>, vector<16xi32>], vector<16xf32>,
      %mul3A_1009 = arith.mulf %gather3A_1007, %gather3A_1008 : vector<16xf32>
      %add3A_1010 = arith.addf %add3A_1004, %mul3A_1009 : vector<16xf32>
      %broadcast_in_dim3A_1011 = arith.constant 31 : i32
      %broadcast_in_dim3A_1012 = vector.broadcast %broadcast_in_dim3A_1011 : i32 to vector<16xi32>
      %gather3A_1013 = tpu.vector_load_idx %arg9[%add3A_823, %broadcast_in_dim3A_1012] : memref<512x32xf32, #tpu.memory_space<vmem>>[vector<16xi32>, vector<16xi32>], vector<16xf32>,
      %gather3A_1014 = tpu.vector_load_idx %arg12[%add3A_823, %broadcast_in_dim3A_1012] : memref<512x32xf32, #tpu.memory_space<vmem>>[vector<16xi32>, vector<16xi32>], vector<16xf32>,
      %mul3A_1015 = arith.mulf %gather3A_1013, %gather3A_1014 : vector<16xf32>
      %add3A_1016 = arith.addf %add3A_1010, %mul3A_1015 : vector<16xf32>
      tpu.vector_store_idx %arg15[%add3A_823, %broadcast_in_dim3A_5], %add3A_1016 : memref<512x1xf32, #tpu.memory_space<vmem>>[vector<16xi32>, vector<16xi32>], vector<16xf32>,
      %scan3A_1017 = arith.constant 0 : i32
      scf.yield %scan3A_1017 : i32
    }
    %scan3A_678 = arith.constant 32 : i32
    %mul3A_679 = arith.constant 2560 : i32
    %mul3A_680 = arith.muli %add3A, %mul3A_679 : i32
    %add3A_681 = arith.constant 1536 : i32
    %add3A_682 = arith.addi %mul3A_680, %add3A_681 : i32
    %dma_start3A_683 = arith.constant 0 : i32
    %dma_start3A_684 = tpu.memref_slice %arg6[%add3A_682, %dma_start3A_683] : memref<81920x65xf32, #tpu.memory_space<hbm>> -> memref<512x32xf32, #tpu.memory_space<hbm>>
    %dma_start3A_685 = arith.constant 0 : i32
    %dma_start3A_686 = tpu.memref_slice %arg6[%add3A_682, %dma_start3A_685] : memref<81920x65xf32, #tpu.memory_space<hbm>> -> memref<512x32xf32, #tpu.memory_space<hbm>>
    tpu.enqueue_dma source(%arg9 : memref<512x32xf32, #tpu.memory_space<vmem>>) target(%dma_start3A_686 : memref<512x32xf32, #tpu.memory_space<hbm>>) target_semaphore(%arg21 : memref<!tpu.dma_semaphore, #tpu.memory_space<semaphore_mem>>)
    %dma_start3A_687 = arith.constant 32 : i32
    %dma_start3A_688 = tpu.memref_slice %arg6[%add3A_682, %dma_start3A_687] : memref<81920x65xf32, #tpu.memory_space<hbm>> -> memref<512x32xf32, #tpu.memory_space<hbm>>
    %dma_start3A_689 = arith.constant 32 : i32
    %dma_start3A_690 = tpu.memref_slice %arg6[%add3A_682, %dma_start3A_689] : memref<81920x65xf32, #tpu.memory_space<hbm>> -> memref<512x32xf32, #tpu.memory_space<hbm>>
    tpu.enqueue_dma source(%arg12 : memref<512x32xf32, #tpu.memory_space<vmem>>) target(%dma_start3A_690 : memref<512x32xf32, #tpu.memory_space<hbm>>) target_semaphore(%arg21 : memref<!tpu.dma_semaphore, #tpu.memory_space<semaphore_mem>>)
    %dma_start3A_691 = arith.constant 64 : i32
    %dma_start3A_692 = tpu.memref_slice %arg6[%add3A_682, %dma_start3A_691] : memref<81920x65xf32, #tpu.memory_space<hbm>> -> memref<512x1xf32, #tpu.memory_space<hbm>>
    %dma_start3A_693 = arith.constant 64 : i32
    %dma_start3A_694 = tpu.memref_slice %arg6[%add3A_682, %dma_start3A_693] : memref<81920x65xf32, #tpu.memory_space<hbm>> -> memref<512x1xf32, #tpu.memory_space<hbm>>
    tpu.enqueue_dma source(%arg15 : memref<512x1xf32, #tpu.memory_space<vmem>>) target(%dma_start3A_694 : memref<512x1xf32, #tpu.memory_space<hbm>>) target_semaphore(%arg21 : memref<!tpu.dma_semaphore, #tpu.memory_space<semaphore_mem>>)
    %dma_wait3A_695 = arith.constant 0 : i32
    %dma_wait3A_696 = arith.constant 0 : i32
    %dma_wait3A_697 = tpu.memref_slice %arg10[%dma_wait3A_695, %dma_wait3A_696] : memref<512x32xf32, #tpu.memory_space<vmem>> -> memref<128x32xf32, #tpu.memory_space<vmem>>
    %dma_wait3A_698 = arith.constant 2048 : i32
    %dma_wait3A_699 = tpu.memref_slice %arg7[%dma_wait3A_698] : memref<2560xi32, #tpu.memory_space<vmem>> -> memref<128xi32, #tpu.memory_space<vmem>>
    %dma_wait3A_700 = arith.constant 0 : i32
    %dma_wait3A_701 = arith.constant 0 : i32
    %dma_wait3A_702 = tpu.memref_slice %arg4[%dma_wait3A_700, %dma_wait3A_701] : memref<1000000x32xf32, #tpu.memory_space<hbm>> -> memref<1000000x32xf32, #tpu.memory_space<hbm>>
    tpu.wait_indirect_dma semaphore(%arg19 : memref<!tpu.dma_semaphore, #tpu.memory_space<semaphore_mem>>) src(%dma_wait3A_702 : memref<1000000x32xf32, #tpu.memory_space<hbm>>) dst(%dma_wait3A_697 : memref<128x32xf32, #tpu.memory_space<vmem>>)
    %dma_wait3A_703 = arith.constant 0 : i32
    %dma_wait3A_704 = arith.constant 0 : i32
    %dma_wait3A_705 = tpu.memref_slice %arg13[%dma_wait3A_703, %dma_wait3A_704] : memref<512x32xf32, #tpu.memory_space<vmem>> -> memref<128x32xf32, #tpu.memory_space<vmem>>
    %dma_wait3A_706 = arith.constant 2048 : i32
    %dma_wait3A_707 = tpu.memref_slice %arg8[%dma_wait3A_706] : memref<2560xi32, #tpu.memory_space<vmem>> -> memref<128xi32, #tpu.memory_space<vmem>>
    %dma_wait3A_708 = arith.constant 0 : i32
    %dma_wait3A_709 = arith.constant 0 : i32
    %dma_wait3A_710 = tpu.memref_slice %arg5[%dma_wait3A_708, %dma_wait3A_709] : memref<1000000x32xf32, #tpu.memory_space<hbm>> -> memref<1000000x32xf32, #tpu.memory_space<hbm>>
    tpu.wait_indirect_dma semaphore(%arg19 : memref<!tpu.dma_semaphore, #tpu.memory_space<semaphore_mem>>) src(%dma_wait3A_710 : memref<1000000x32xf32, #tpu.memory_space<hbm>>) dst(%dma_wait3A_705 : memref<128x32xf32, #tpu.memory_space<vmem>>)
    %dma_wait3A_711 = arith.constant 128 : i32
    %dma_wait3A_712 = arith.constant 0 : i32
    %dma_wait3A_713 = tpu.memref_slice %arg10[%dma_wait3A_711, %dma_wait3A_712] : memref<512x32xf32, #tpu.memory_space<vmem>> -> memref<128x32xf32, #tpu.memory_space<vmem>>
    %dma_wait3A_714 = arith.constant 2176 : i32
    %dma_wait3A_715 = tpu.memref_slice %arg7[%dma_wait3A_714] : memref<2560xi32, #tpu.memory_space<vmem>> -> memref<128xi32, #tpu.memory_space<vmem>>
    %dma_wait3A_716 = arith.constant 0 : i32
    %dma_wait3A_717 = arith.constant 0 : i32
    %dma_wait3A_718 = tpu.memref_slice %arg4[%dma_wait3A_716, %dma_wait3A_717] : memref<1000000x32xf32, #tpu.memory_space<hbm>> -> memref<1000000x32xf32, #tpu.memory_space<hbm>>
    tpu.wait_indirect_dma semaphore(%arg19 : memref<!tpu.dma_semaphore, #tpu.memory_space<semaphore_mem>>) src(%dma_wait3A_718 : memref<1000000x32xf32, #tpu.memory_space<hbm>>) dst(%dma_wait3A_713 : memref<128x32xf32, #tpu.memory_space<vmem>>)
    %dma_wait3A_719 = arith.constant 128 : i32
    %dma_wait3A_720 = arith.constant 0 : i32
    %dma_wait3A_721 = tpu.memref_slice %arg13[%dma_wait3A_719, %dma_wait3A_720] : memref<512x32xf32, #tpu.memory_space<vmem>> -> memref<128x32xf32, #tpu.memory_space<vmem>>
    %dma_wait3A_722 = arith.constant 2176 : i32
    %dma_wait3A_723 = tpu.memref_slice %arg8[%dma_wait3A_722] : memref<2560xi32, #tpu.memory_space<vmem>> -> memref<128xi32, #tpu.memory_space<vmem>>
    %dma_wait3A_724 = arith.constant 0 : i32
    %dma_wait3A_725 = arith.constant 0 : i32
    %dma_wait3A_726 = tpu.memref_slice %arg5[%dma_wait3A_724, %dma_wait3A_725] : memref<1000000x32xf32, #tpu.memory_space<hbm>> -> memref<1000000x32xf32, #tpu.memory_space<hbm>>
    tpu.wait_indirect_dma semaphore(%arg19 : memref<!tpu.dma_semaphore, #tpu.memory_space<semaphore_mem>>) src(%dma_wait3A_726 : memref<1000000x32xf32, #tpu.memory_space<hbm>>) dst(%dma_wait3A_721 : memref<128x32xf32, #tpu.memory_space<vmem>>)
    %dma_wait3A_727 = arith.constant 256 : i32
    %dma_wait3A_728 = arith.constant 0 : i32
    %dma_wait3A_729 = tpu.memref_slice %arg10[%dma_wait3A_727, %dma_wait3A_728] : memref<512x32xf32, #tpu.memory_space<vmem>> -> memref<128x32xf32, #tpu.memory_space<vmem>>
    %dma_wait3A_730 = arith.constant 2304 : i32
    %dma_wait3A_731 = tpu.memref_slice %arg7[%dma_wait3A_730] : memref<2560xi32, #tpu.memory_space<vmem>> -> memref<128xi32, #tpu.memory_space<vmem>>
    %dma_wait3A_732 = arith.constant 0 : i32
    %dma_wait3A_733 = arith.constant 0 : i32
    %dma_wait3A_734 = tpu.memref_slice %arg4[%dma_wait3A_732, %dma_wait3A_733] : memref<1000000x32xf32, #tpu.memory_space<hbm>> -> memref<1000000x32xf32, #tpu.memory_space<hbm>>
    tpu.wait_indirect_dma semaphore(%arg19 : memref<!tpu.dma_semaphore, #tpu.memory_space<semaphore_mem>>) src(%dma_wait3A_734 : memref<1000000x32xf32, #tpu.memory_space<hbm>>) dst(%dma_wait3A_729 : memref<128x32xf32, #tpu.memory_space<vmem>>)
    %dma_wait3A_735 = arith.constant 256 : i32
    %dma_wait3A_736 = arith.constant 0 : i32
    %dma_wait3A_737 = tpu.memref_slice %arg13[%dma_wait3A_735, %dma_wait3A_736] : memref<512x32xf32, #tpu.memory_space<vmem>> -> memref<128x32xf32, #tpu.memory_space<vmem>>
    %dma_wait3A_738 = arith.constant 2304 : i32
    %dma_wait3A_739 = tpu.memref_slice %arg8[%dma_wait3A_738] : memref<2560xi32, #tpu.memory_space<vmem>> -> memref<128xi32, #tpu.memory_space<vmem>>
    %dma_wait3A_740 = arith.constant 0 : i32
    %dma_wait3A_741 = arith.constant 0 : i32
    %dma_wait3A_742 = tpu.memref_slice %arg5[%dma_wait3A_740, %dma_wait3A_741] : memref<1000000x32xf32, #tpu.memory_space<hbm>> -> memref<1000000x32xf32, #tpu.memory_space<hbm>>
    tpu.wait_indirect_dma semaphore(%arg19 : memref<!tpu.dma_semaphore, #tpu.memory_space<semaphore_mem>>) src(%dma_wait3A_742 : memref<1000000x32xf32, #tpu.memory_space<hbm>>) dst(%dma_wait3A_737 : memref<128x32xf32, #tpu.memory_space<vmem>>)
    %dma_wait3A_743 = arith.constant 384 : i32
    %dma_wait3A_744 = arith.constant 0 : i32
    %dma_wait3A_745 = tpu.memref_slice %arg10[%dma_wait3A_743, %dma_wait3A_744] : memref<512x32xf32, #tpu.memory_space<vmem>> -> memref<128x32xf32, #tpu.memory_space<vmem>>
    %dma_wait3A_746 = arith.constant 2432 : i32
    %dma_wait3A_747 = tpu.memref_slice %arg7[%dma_wait3A_746] : memref<2560xi32, #tpu.memory_space<vmem>> -> memref<128xi32, #tpu.memory_space<vmem>>
    %dma_wait3A_748 = arith.constant 0 : i32
    %dma_wait3A_749 = arith.constant 0 : i32
    %dma_wait3A_750 = tpu.memref_slice %arg4[%dma_wait3A_748, %dma_wait3A_749] : memref<1000000x32xf32, #tpu.memory_space<hbm>> -> memref<1000000x32xf32, #tpu.memory_space<hbm>>
    tpu.wait_indirect_dma semaphore(%arg19 : memref<!tpu.dma_semaphore, #tpu.memory_space<semaphore_mem>>) src(%dma_wait3A_750 : memref<1000000x32xf32, #tpu.memory_space<hbm>>) dst(%dma_wait3A_745 : memref<128x32xf32, #tpu.memory_space<vmem>>)
    %dma_wait3A_751 = arith.constant 384 : i32
    %dma_wait3A_752 = arith.constant 0 : i32
    %dma_wait3A_753 = tpu.memref_slice %arg13[%dma_wait3A_751, %dma_wait3A_752] : memref<512x32xf32, #tpu.memory_space<vmem>> -> memref<128x32xf32, #tpu.memory_space<vmem>>
    %dma_wait3A_754 = arith.constant 2432 : i32
    %dma_wait3A_755 = tpu.memref_slice %arg8[%dma_wait3A_754] : memref<2560xi32, #tpu.memory_space<vmem>> -> memref<128xi32, #tpu.memory_space<vmem>>
    %dma_wait3A_756 = arith.constant 0 : i32
    %dma_wait3A_757 = arith.constant 0 : i32
    %dma_wait3A_758 = tpu.memref_slice %arg5[%dma_wait3A_756, %dma_wait3A_757] : memref<1000000x32xf32, #tpu.memory_space<hbm>> -> memref<1000000x32xf32, #tpu.memory_space<hbm>>
    tpu.wait_indirect_dma semaphore(%arg19 : memref<!tpu.dma_semaphore, #tpu.memory_space<semaphore_mem>>) src(%dma_wait3A_758 : memref<1000000x32xf32, #tpu.memory_space<hbm>>) dst(%dma_wait3A_753 : memref<128x32xf32, #tpu.memory_space<vmem>>)
    %scan3A_759 = arith.constant 0 : i32
    %scan3A_760 = arith.constant 0 : i32
    %scan3A_761 = arith.constant 32 : i32
    %scan3A_762 = arith.addi %scan3A_760, %scan3A_761 : i32
    %scan3A_763 = arith.constant 1 : i32
    %scan3A_764 = scf.for %scan3A_818 = %scan3A_760 to %scan3A_762 step %scan3A_763 iter_args(%scan3A_819 = %scan3A_759) -> (i32)  : i32 {
      %mul3A_820 = arith.constant 16 : i32
      %mul3A_821 = arith.muli %scan3A_818, %mul3A_820 : i32
      %add3A_822 = vector.broadcast %mul3A_821 : i32 to vector<16xi32>
      %add3A_823 = arith.addi %add3A_822, %iota3A : vector<16xi32>
      %broadcast_in_dim3A_824 = arith.constant 0.000000e+00 : f32
      %broadcast_in_dim3A_825 = vector.broadcast %broadcast_in_dim3A_824 : f32 to vector<16xf32>
      %broadcast_in_dim3A_826 = arith.constant 0 : i32
      %broadcast_in_dim3A_827 = vector.broadcast %broadcast_in_dim3A_826 : i32 to vector<16xi32>
      %gather3A = tpu.vector_load_idx %arg10[%add3A_823, %broadcast_in_dim3A_827] : memref<512x32xf32, #tpu.memory_space<vmem>>[vector<16xi32>, vector<16xi32>], vector<16xf32>,
      %gather3A_828 = tpu.vector_load_idx %arg13[%add3A_823, %broadcast_in_dim3A_827] : memref<512x32xf32, #tpu.memory_space<vmem>>[vector<16xi32>, vector<16xi32>], vector<16xf32>,
      %mul3A_829 = arith.mulf %gather3A, %gather3A_828 : vector<16xf32>
      %add3A_830 = arith.addf %broadcast_in_dim3A_825, %mul3A_829 : vector<16xf32>
      %broadcast_in_dim3A_831 = arith.constant 1 : i32
      %broadcast_in_dim3A_832 = vector.broadcast %broadcast_in_dim3A_831 : i32 to vector<16xi32>
      %gather3A_833 = tpu.vector_load_idx %arg10[%add3A_823, %broadcast_in_dim3A_832] : memref<512x32xf32, #tpu.memory_space<vmem>>[vector<16xi32>, vector<16xi32>], vector<16xf32>,
      %gather3A_834 = tpu.vector_load_idx %arg13[%add3A_823, %broadcast_in_dim3A_832] : memref<512x32xf32, #tpu.memory_space<vmem>>[vector<16xi32>, vector<16xi32>], vector<16xf32>,
      %mul3A_835 = arith.mulf %gather3A_833, %gather3A_834 : vector<16xf32>
      %add3A_836 = arith.addf %add3A_830, %mul3A_835 : vector<16xf32>
      %broadcast_in_dim3A_837 = arith.constant 2 : i32
      %broadcast_in_dim3A_838 = vector.broadcast %broadcast_in_dim3A_837 : i32 to vector<16xi32>
      %gather3A_839 = tpu.vector_load_idx %arg10[%add3A_823, %broadcast_in_dim3A_838] : memref<512x32xf32, #tpu.memory_space<vmem>>[vector<16xi32>, vector<16xi32>], vector<16xf32>,
      %gather3A_840 = tpu.vector_load_idx %arg13[%add3A_823, %broadcast_in_dim3A_838] : memref<512x32xf32, #tpu.memory_space<vmem>>[vector<16xi32>, vector<16xi32>], vector<16xf32>,
      %mul3A_841 = arith.mulf %gather3A_839, %gather3A_840 : vector<16xf32>
      %add3A_842 = arith.addf %add3A_836, %mul3A_841 : vector<16xf32>
      %broadcast_in_dim3A_843 = arith.constant 3 : i32
      %broadcast_in_dim3A_844 = vector.broadcast %broadcast_in_dim3A_843 : i32 to vector<16xi32>
      %gather3A_845 = tpu.vector_load_idx %arg10[%add3A_823, %broadcast_in_dim3A_844] : memref<512x32xf32, #tpu.memory_space<vmem>>[vector<16xi32>, vector<16xi32>], vector<16xf32>,
      %gather3A_846 = tpu.vector_load_idx %arg13[%add3A_823, %broadcast_in_dim3A_844] : memref<512x32xf32, #tpu.memory_space<vmem>>[vector<16xi32>, vector<16xi32>], vector<16xf32>,
      %mul3A_847 = arith.mulf %gather3A_845, %gather3A_846 : vector<16xf32>
      %add3A_848 = arith.addf %add3A_842, %mul3A_847 : vector<16xf32>
      %broadcast_in_dim3A_849 = arith.constant 4 : i32
      %broadcast_in_dim3A_850 = vector.broadcast %broadcast_in_dim3A_849 : i32 to vector<16xi32>
      %gather3A_851 = tpu.vector_load_idx %arg10[%add3A_823, %broadcast_in_dim3A_850] : memref<512x32xf32, #tpu.memory_space<vmem>>[vector<16xi32>, vector<16xi32>], vector<16xf32>,
      %gather3A_852 = tpu.vector_load_idx %arg13[%add3A_823, %broadcast_in_dim3A_850] : memref<512x32xf32, #tpu.memory_space<vmem>>[vector<16xi32>, vector<16xi32>], vector<16xf32>,
      %mul3A_853 = arith.mulf %gather3A_851, %gather3A_852 : vector<16xf32>
      %add3A_854 = arith.addf %add3A_848, %mul3A_853 : vector<16xf32>
      %broadcast_in_dim3A_855 = arith.constant 5 : i32
      %broadcast_in_dim3A_856 = vector.broadcast %broadcast_in_dim3A_855 : i32 to vector<16xi32>
      %gather3A_857 = tpu.vector_load_idx %arg10[%add3A_823, %broadcast_in_dim3A_856] : memref<512x32xf32, #tpu.memory_space<vmem>>[vector<16xi32>, vector<16xi32>], vector<16xf32>,
      %gather3A_858 = tpu.vector_load_idx %arg13[%add3A_823, %broadcast_in_dim3A_856] : memref<512x32xf32, #tpu.memory_space<vmem>>[vector<16xi32>, vector<16xi32>], vector<16xf32>,
      %mul3A_859 = arith.mulf %gather3A_857, %gather3A_858 : vector<16xf32>
      %add3A_860 = arith.addf %add3A_854, %mul3A_859 : vector<16xf32>
      %broadcast_in_dim3A_861 = arith.constant 6 : i32
      %broadcast_in_dim3A_862 = vector.broadcast %broadcast_in_dim3A_861 : i32 to vector<16xi32>
      %gather3A_863 = tpu.vector_load_idx %arg10[%add3A_823, %broadcast_in_dim3A_862] : memref<512x32xf32, #tpu.memory_space<vmem>>[vector<16xi32>, vector<16xi32>], vector<16xf32>,
      %gather3A_864 = tpu.vector_load_idx %arg13[%add3A_823, %broadcast_in_dim3A_862] : memref<512x32xf32, #tpu.memory_space<vmem>>[vector<16xi32>, vector<16xi32>], vector<16xf32>,
      %mul3A_865 = arith.mulf %gather3A_863, %gather3A_864 : vector<16xf32>
      %add3A_866 = arith.addf %add3A_860, %mul3A_865 : vector<16xf32>
      %broadcast_in_dim3A_867 = arith.constant 7 : i32
      %broadcast_in_dim3A_868 = vector.broadcast %broadcast_in_dim3A_867 : i32 to vector<16xi32>
      %gather3A_869 = tpu.vector_load_idx %arg10[%add3A_823, %broadcast_in_dim3A_868] : memref<512x32xf32, #tpu.memory_space<vmem>>[vector<16xi32>, vector<16xi32>], vector<16xf32>,
      %gather3A_870 = tpu.vector_load_idx %arg13[%add3A_823, %broadcast_in_dim3A_868] : memref<512x32xf32, #tpu.memory_space<vmem>>[vector<16xi32>, vector<16xi32>], vector<16xf32>,
      %mul3A_871 = arith.mulf %gather3A_869, %gather3A_870 : vector<16xf32>
      %add3A_872 = arith.addf %add3A_866, %mul3A_871 : vector<16xf32>
      %broadcast_in_dim3A_873 = arith.constant 8 : i32
      %broadcast_in_dim3A_874 = vector.broadcast %broadcast_in_dim3A_873 : i32 to vector<16xi32>
      %gather3A_875 = tpu.vector_load_idx %arg10[%add3A_823, %broadcast_in_dim3A_874] : memref<512x32xf32, #tpu.memory_space<vmem>>[vector<16xi32>, vector<16xi32>], vector<16xf32>,
      %gather3A_876 = tpu.vector_load_idx %arg13[%add3A_823, %broadcast_in_dim3A_874] : memref<512x32xf32, #tpu.memory_space<vmem>>[vector<16xi32>, vector<16xi32>], vector<16xf32>,
      %mul3A_877 = arith.mulf %gather3A_875, %gather3A_876 : vector<16xf32>
      %add3A_878 = arith.addf %add3A_872, %mul3A_877 : vector<16xf32>
      %broadcast_in_dim3A_879 = arith.constant 9 : i32
      %broadcast_in_dim3A_880 = vector.broadcast %broadcast_in_dim3A_879 : i32 to vector<16xi32>
      %gather3A_881 = tpu.vector_load_idx %arg10[%add3A_823, %broadcast_in_dim3A_880] : memref<512x32xf32, #tpu.memory_space<vmem>>[vector<16xi32>, vector<16xi32>], vector<16xf32>,
      %gather3A_882 = tpu.vector_load_idx %arg13[%add3A_823, %broadcast_in_dim3A_880] : memref<512x32xf32, #tpu.memory_space<vmem>>[vector<16xi32>, vector<16xi32>], vector<16xf32>,
      %mul3A_883 = arith.mulf %gather3A_881, %gather3A_882 : vector<16xf32>
      %add3A_884 = arith.addf %add3A_878, %mul3A_883 : vector<16xf32>
      %broadcast_in_dim3A_885 = arith.constant 10 : i32
      %broadcast_in_dim3A_886 = vector.broadcast %broadcast_in_dim3A_885 : i32 to vector<16xi32>
      %gather3A_887 = tpu.vector_load_idx %arg10[%add3A_823, %broadcast_in_dim3A_886] : memref<512x32xf32, #tpu.memory_space<vmem>>[vector<16xi32>, vector<16xi32>], vector<16xf32>,
      %gather3A_888 = tpu.vector_load_idx %arg13[%add3A_823, %broadcast_in_dim3A_886] : memref<512x32xf32, #tpu.memory_space<vmem>>[vector<16xi32>, vector<16xi32>], vector<16xf32>,
      %mul3A_889 = arith.mulf %gather3A_887, %gather3A_888 : vector<16xf32>
      %add3A_890 = arith.addf %add3A_884, %mul3A_889 : vector<16xf32>
      %broadcast_in_dim3A_891 = arith.constant 11 : i32
      %broadcast_in_dim3A_892 = vector.broadcast %broadcast_in_dim3A_891 : i32 to vector<16xi32>
      %gather3A_893 = tpu.vector_load_idx %arg10[%add3A_823, %broadcast_in_dim3A_892] : memref<512x32xf32, #tpu.memory_space<vmem>>[vector<16xi32>, vector<16xi32>], vector<16xf32>,
      %gather3A_894 = tpu.vector_load_idx %arg13[%add3A_823, %broadcast_in_dim3A_892] : memref<512x32xf32, #tpu.memory_space<vmem>>[vector<16xi32>, vector<16xi32>], vector<16xf32>,
      %mul3A_895 = arith.mulf %gather3A_893, %gather3A_894 : vector<16xf32>
      %add3A_896 = arith.addf %add3A_890, %mul3A_895 : vector<16xf32>
      %broadcast_in_dim3A_897 = arith.constant 12 : i32
      %broadcast_in_dim3A_898 = vector.broadcast %broadcast_in_dim3A_897 : i32 to vector<16xi32>
      %gather3A_899 = tpu.vector_load_idx %arg10[%add3A_823, %broadcast_in_dim3A_898] : memref<512x32xf32, #tpu.memory_space<vmem>>[vector<16xi32>, vector<16xi32>], vector<16xf32>,
      %gather3A_900 = tpu.vector_load_idx %arg13[%add3A_823, %broadcast_in_dim3A_898] : memref<512x32xf32, #tpu.memory_space<vmem>>[vector<16xi32>, vector<16xi32>], vector<16xf32>,
      %mul3A_901 = arith.mulf %gather3A_899, %gather3A_900 : vector<16xf32>
      %add3A_902 = arith.addf %add3A_896, %mul3A_901 : vector<16xf32>
      %broadcast_in_dim3A_903 = arith.constant 13 : i32
      %broadcast_in_dim3A_904 = vector.broadcast %broadcast_in_dim3A_903 : i32 to vector<16xi32>
      %gather3A_905 = tpu.vector_load_idx %arg10[%add3A_823, %broadcast_in_dim3A_904] : memref<512x32xf32, #tpu.memory_space<vmem>>[vector<16xi32>, vector<16xi32>], vector<16xf32>,
      %gather3A_906 = tpu.vector_load_idx %arg13[%add3A_823, %broadcast_in_dim3A_904] : memref<512x32xf32, #tpu.memory_space<vmem>>[vector<16xi32>, vector<16xi32>], vector<16xf32>,
      %mul3A_907 = arith.mulf %gather3A_905, %gather3A_906 : vector<16xf32>
      %add3A_908 = arith.addf %add3A_902, %mul3A_907 : vector<16xf32>
      %broadcast_in_dim3A_909 = arith.constant 14 : i32
      %broadcast_in_dim3A_910 = vector.broadcast %broadcast_in_dim3A_909 : i32 to vector<16xi32>
      %gather3A_911 = tpu.vector_load_idx %arg10[%add3A_823, %broadcast_in_dim3A_910] : memref<512x32xf32, #tpu.memory_space<vmem>>[vector<16xi32>, vector<16xi32>], vector<16xf32>,
      %gather3A_912 = tpu.vector_load_idx %arg13[%add3A_823, %broadcast_in_dim3A_910] : memref<512x32xf32, #tpu.memory_space<vmem>>[vector<16xi32>, vector<16xi32>], vector<16xf32>,
      %mul3A_913 = arith.mulf %gather3A_911, %gather3A_912 : vector<16xf32>
      %add3A_914 = arith.addf %add3A_908, %mul3A_913 : vector<16xf32>
      %broadcast_in_dim3A_915 = arith.constant 15 : i32
      %broadcast_in_dim3A_916 = vector.broadcast %broadcast_in_dim3A_915 : i32 to vector<16xi32>
      %gather3A_917 = tpu.vector_load_idx %arg10[%add3A_823, %broadcast_in_dim3A_916] : memref<512x32xf32, #tpu.memory_space<vmem>>[vector<16xi32>, vector<16xi32>], vector<16xf32>,
      %gather3A_918 = tpu.vector_load_idx %arg13[%add3A_823, %broadcast_in_dim3A_916] : memref<512x32xf32, #tpu.memory_space<vmem>>[vector<16xi32>, vector<16xi32>], vector<16xf32>,
      %mul3A_919 = arith.mulf %gather3A_917, %gather3A_918 : vector<16xf32>
      %add3A_920 = arith.addf %add3A_914, %mul3A_919 : vector<16xf32>
      %broadcast_in_dim3A_921 = arith.constant 16 : i32
      %broadcast_in_dim3A_922 = vector.broadcast %broadcast_in_dim3A_921 : i32 to vector<16xi32>
      %gather3A_923 = tpu.vector_load_idx %arg10[%add3A_823, %broadcast_in_dim3A_922] : memref<512x32xf32, #tpu.memory_space<vmem>>[vector<16xi32>, vector<16xi32>], vector<16xf32>,
      %gather3A_924 = tpu.vector_load_idx %arg13[%add3A_823, %broadcast_in_dim3A_922] : memref<512x32xf32, #tpu.memory_space<vmem>>[vector<16xi32>, vector<16xi32>], vector<16xf32>,
      %mul3A_925 = arith.mulf %gather3A_923, %gather3A_924 : vector<16xf32>
      %add3A_926 = arith.addf %add3A_920, %mul3A_925 : vector<16xf32>
      %broadcast_in_dim3A_927 = arith.constant 17 : i32
      %broadcast_in_dim3A_928 = vector.broadcast %broadcast_in_dim3A_927 : i32 to vector<16xi32>
      %gather3A_929 = tpu.vector_load_idx %arg10[%add3A_823, %broadcast_in_dim3A_928] : memref<512x32xf32, #tpu.memory_space<vmem>>[vector<16xi32>, vector<16xi32>], vector<16xf32>,
      %gather3A_930 = tpu.vector_load_idx %arg13[%add3A_823, %broadcast_in_dim3A_928] : memref<512x32xf32, #tpu.memory_space<vmem>>[vector<16xi32>, vector<16xi32>], vector<16xf32>,
      %mul3A_931 = arith.mulf %gather3A_929, %gather3A_930 : vector<16xf32>
      %add3A_932 = arith.addf %add3A_926, %mul3A_931 : vector<16xf32>
      %broadcast_in_dim3A_933 = arith.constant 18 : i32
      %broadcast_in_dim3A_934 = vector.broadcast %broadcast_in_dim3A_933 : i32 to vector<16xi32>
      %gather3A_935 = tpu.vector_load_idx %arg10[%add3A_823, %broadcast_in_dim3A_934] : memref<512x32xf32, #tpu.memory_space<vmem>>[vector<16xi32>, vector<16xi32>], vector<16xf32>,
      %gather3A_936 = tpu.vector_load_idx %arg13[%add3A_823, %broadcast_in_dim3A_934] : memref<512x32xf32, #tpu.memory_space<vmem>>[vector<16xi32>, vector<16xi32>], vector<16xf32>,
      %mul3A_937 = arith.mulf %gather3A_935, %gather3A_936 : vector<16xf32>
      %add3A_938 = arith.addf %add3A_932, %mul3A_937 : vector<16xf32>
      %broadcast_in_dim3A_939 = arith.constant 19 : i32
      %broadcast_in_dim3A_940 = vector.broadcast %broadcast_in_dim3A_939 : i32 to vector<16xi32>
      %gather3A_941 = tpu.vector_load_idx %arg10[%add3A_823, %broadcast_in_dim3A_940] : memref<512x32xf32, #tpu.memory_space<vmem>>[vector<16xi32>, vector<16xi32>], vector<16xf32>,
      %gather3A_942 = tpu.vector_load_idx %arg13[%add3A_823, %broadcast_in_dim3A_940] : memref<512x32xf32, #tpu.memory_space<vmem>>[vector<16xi32>, vector<16xi32>], vector<16xf32>,
      %mul3A_943 = arith.mulf %gather3A_941, %gather3A_942 : vector<16xf32>
      %add3A_944 = arith.addf %add3A_938, %mul3A_943 : vector<16xf32>
      %broadcast_in_dim3A_945 = arith.constant 20 : i32
      %broadcast_in_dim3A_946 = vector.broadcast %broadcast_in_dim3A_945 : i32 to vector<16xi32>
      %gather3A_947 = tpu.vector_load_idx %arg10[%add3A_823, %broadcast_in_dim3A_946] : memref<512x32xf32, #tpu.memory_space<vmem>>[vector<16xi32>, vector<16xi32>], vector<16xf32>,
      %gather3A_948 = tpu.vector_load_idx %arg13[%add3A_823, %broadcast_in_dim3A_946] : memref<512x32xf32, #tpu.memory_space<vmem>>[vector<16xi32>, vector<16xi32>], vector<16xf32>,
      %mul3A_949 = arith.mulf %gather3A_947, %gather3A_948 : vector<16xf32>
      %add3A_950 = arith.addf %add3A_944, %mul3A_949 : vector<16xf32>
      %broadcast_in_dim3A_951 = arith.constant 21 : i32
      %broadcast_in_dim3A_952 = vector.broadcast %broadcast_in_dim3A_951 : i32 to vector<16xi32>
      %gather3A_953 = tpu.vector_load_idx %arg10[%add3A_823, %broadcast_in_dim3A_952] : memref<512x32xf32, #tpu.memory_space<vmem>>[vector<16xi32>, vector<16xi32>], vector<16xf32>,
      %gather3A_954 = tpu.vector_load_idx %arg13[%add3A_823, %broadcast_in_dim3A_952] : memref<512x32xf32, #tpu.memory_space<vmem>>[vector<16xi32>, vector<16xi32>], vector<16xf32>,
      %mul3A_955 = arith.mulf %gather3A_953, %gather3A_954 : vector<16xf32>
      %add3A_956 = arith.addf %add3A_950, %mul3A_955 : vector<16xf32>
      %broadcast_in_dim3A_957 = arith.constant 22 : i32
      %broadcast_in_dim3A_958 = vector.broadcast %broadcast_in_dim3A_957 : i32 to vector<16xi32>
      %gather3A_959 = tpu.vector_load_idx %arg10[%add3A_823, %broadcast_in_dim3A_958] : memref<512x32xf32, #tpu.memory_space<vmem>>[vector<16xi32>, vector<16xi32>], vector<16xf32>,
      %gather3A_960 = tpu.vector_load_idx %arg13[%add3A_823, %broadcast_in_dim3A_958] : memref<512x32xf32, #tpu.memory_space<vmem>>[vector<16xi32>, vector<16xi32>], vector<16xf32>,
      %mul3A_961 = arith.mulf %gather3A_959, %gather3A_960 : vector<16xf32>
      %add3A_962 = arith.addf %add3A_956, %mul3A_961 : vector<16xf32>
      %broadcast_in_dim3A_963 = arith.constant 23 : i32
      %broadcast_in_dim3A_964 = vector.broadcast %broadcast_in_dim3A_963 : i32 to vector<16xi32>
      %gather3A_965 = tpu.vector_load_idx %arg10[%add3A_823, %broadcast_in_dim3A_964] : memref<512x32xf32, #tpu.memory_space<vmem>>[vector<16xi32>, vector<16xi32>], vector<16xf32>,
      %gather3A_966 = tpu.vector_load_idx %arg13[%add3A_823, %broadcast_in_dim3A_964] : memref<512x32xf32, #tpu.memory_space<vmem>>[vector<16xi32>, vector<16xi32>], vector<16xf32>,
      %mul3A_967 = arith.mulf %gather3A_965, %gather3A_966 : vector<16xf32>
      %add3A_968 = arith.addf %add3A_962, %mul3A_967 : vector<16xf32>
      %broadcast_in_dim3A_969 = arith.constant 24 : i32
      %broadcast_in_dim3A_970 = vector.broadcast %broadcast_in_dim3A_969 : i32 to vector<16xi32>
      %gather3A_971 = tpu.vector_load_idx %arg10[%add3A_823, %broadcast_in_dim3A_970] : memref<512x32xf32, #tpu.memory_space<vmem>>[vector<16xi32>, vector<16xi32>], vector<16xf32>,
      %gather3A_972 = tpu.vector_load_idx %arg13[%add3A_823, %broadcast_in_dim3A_970] : memref<512x32xf32, #tpu.memory_space<vmem>>[vector<16xi32>, vector<16xi32>], vector<16xf32>,
      %mul3A_973 = arith.mulf %gather3A_971, %gather3A_972 : vector<16xf32>
      %add3A_974 = arith.addf %add3A_968, %mul3A_973 : vector<16xf32>
      %broadcast_in_dim3A_975 = arith.constant 25 : i32
      %broadcast_in_dim3A_976 = vector.broadcast %broadcast_in_dim3A_975 : i32 to vector<16xi32>
      %gather3A_977 = tpu.vector_load_idx %arg10[%add3A_823, %broadcast_in_dim3A_976] : memref<512x32xf32, #tpu.memory_space<vmem>>[vector<16xi32>, vector<16xi32>], vector<16xf32>,
      %gather3A_978 = tpu.vector_load_idx %arg13[%add3A_823, %broadcast_in_dim3A_976] : memref<512x32xf32, #tpu.memory_space<vmem>>[vector<16xi32>, vector<16xi32>], vector<16xf32>,
      %mul3A_979 = arith.mulf %gather3A_977, %gather3A_978 : vector<16xf32>
      %add3A_980 = arith.addf %add3A_974, %mul3A_979 : vector<16xf32>
      %broadcast_in_dim3A_981 = arith.constant 26 : i32
      %broadcast_in_dim3A_982 = vector.broadcast %broadcast_in_dim3A_981 : i32 to vector<16xi32>
      %gather3A_983 = tpu.vector_load_idx %arg10[%add3A_823, %broadcast_in_dim3A_982] : memref<512x32xf32, #tpu.memory_space<vmem>>[vector<16xi32>, vector<16xi32>], vector<16xf32>,
      %gather3A_984 = tpu.vector_load_idx %arg13[%add3A_823, %broadcast_in_dim3A_982] : memref<512x32xf32, #tpu.memory_space<vmem>>[vector<16xi32>, vector<16xi32>], vector<16xf32>,
      %mul3A_985 = arith.mulf %gather3A_983, %gather3A_984 : vector<16xf32>
      %add3A_986 = arith.addf %add3A_980, %mul3A_985 : vector<16xf32>
      %broadcast_in_dim3A_987 = arith.constant 27 : i32
      %broadcast_in_dim3A_988 = vector.broadcast %broadcast_in_dim3A_987 : i32 to vector<16xi32>
      %gather3A_989 = tpu.vector_load_idx %arg10[%add3A_823, %broadcast_in_dim3A_988] : memref<512x32xf32, #tpu.memory_space<vmem>>[vector<16xi32>, vector<16xi32>], vector<16xf32>,
      %gather3A_990 = tpu.vector_load_idx %arg13[%add3A_823, %broadcast_in_dim3A_988] : memref<512x32xf32, #tpu.memory_space<vmem>>[vector<16xi32>, vector<16xi32>], vector<16xf32>,
      %mul3A_991 = arith.mulf %gather3A_989, %gather3A_990 : vector<16xf32>
      %add3A_992 = arith.addf %add3A_986, %mul3A_991 : vector<16xf32>
      %broadcast_in_dim3A_993 = arith.constant 28 : i32
      %broadcast_in_dim3A_994 = vector.broadcast %broadcast_in_dim3A_993 : i32 to vector<16xi32>
      %gather3A_995 = tpu.vector_load_idx %arg10[%add3A_823, %broadcast_in_dim3A_994] : memref<512x32xf32, #tpu.memory_space<vmem>>[vector<16xi32>, vector<16xi32>], vector<16xf32>,
      %gather3A_996 = tpu.vector_load_idx %arg13[%add3A_823, %broadcast_in_dim3A_994] : memref<512x32xf32, #tpu.memory_space<vmem>>[vector<16xi32>, vector<16xi32>], vector<16xf32>,
      %mul3A_997 = arith.mulf %gather3A_995, %gather3A_996 : vector<16xf32>
      %add3A_998 = arith.addf %add3A_992, %mul3A_997 : vector<16xf32>
      %broadcast_in_dim3A_999 = arith.constant 29 : i32
      %broadcast_in_dim3A_1000 = vector.broadcast %broadcast_in_dim3A_999 : i32 to vector<16xi32>
      %gather3A_1001 = tpu.vector_load_idx %arg10[%add3A_823, %broadcast_in_dim3A_1000] : memref<512x32xf32, #tpu.memory_space<vmem>>[vector<16xi32>, vector<16xi32>], vector<16xf32>,
      %gather3A_1002 = tpu.vector_load_idx %arg13[%add3A_823, %broadcast_in_dim3A_1000] : memref<512x32xf32, #tpu.memory_space<vmem>>[vector<16xi32>, vector<16xi32>], vector<16xf32>,
      %mul3A_1003 = arith.mulf %gather3A_1001, %gather3A_1002 : vector<16xf32>
      %add3A_1004 = arith.addf %add3A_998, %mul3A_1003 : vector<16xf32>
      %broadcast_in_dim3A_1005 = arith.constant 30 : i32
      %broadcast_in_dim3A_1006 = vector.broadcast %broadcast_in_dim3A_1005 : i32 to vector<16xi32>
      %gather3A_1007 = tpu.vector_load_idx %arg10[%add3A_823, %broadcast_in_dim3A_1006] : memref<512x32xf32, #tpu.memory_space<vmem>>[vector<16xi32>, vector<16xi32>], vector<16xf32>,
      %gather3A_1008 = tpu.vector_load_idx %arg13[%add3A_823, %broadcast_in_dim3A_1006] : memref<512x32xf32, #tpu.memory_space<vmem>>[vector<16xi32>, vector<16xi32>], vector<16xf32>,
      %mul3A_1009 = arith.mulf %gather3A_1007, %gather3A_1008 : vector<16xf32>
      %add3A_1010 = arith.addf %add3A_1004, %mul3A_1009 : vector<16xf32>
      %broadcast_in_dim3A_1011 = arith.constant 31 : i32
      %broadcast_in_dim3A_1012 = vector.broadcast %broadcast_in_dim3A_1011 : i32 to vector<16xi32>
      %gather3A_1013 = tpu.vector_load_idx %arg10[%add3A_823, %broadcast_in_dim3A_1012] : memref<512x32xf32, #tpu.memory_space<vmem>>[vector<16xi32>, vector<16xi32>], vector<16xf32>,
      %gather3A_1014 = tpu.vector_load_idx %arg13[%add3A_823, %broadcast_in_dim3A_1012] : memref<512x32xf32, #tpu.memory_space<vmem>>[vector<16xi32>, vector<16xi32>], vector<16xf32>,
      %mul3A_1015 = arith.mulf %gather3A_1013, %gather3A_1014 : vector<16xf32>
      %add3A_1016 = arith.addf %add3A_1010, %mul3A_1015 : vector<16xf32>
      tpu.vector_store_idx %arg16[%add3A_823, %broadcast_in_dim3A_5], %add3A_1016 : memref<512x1xf32, #tpu.memory_space<vmem>>[vector<16xi32>, vector<16xi32>], vector<16xf32>,
      %scan3A_1017 = arith.constant 0 : i32
      scf.yield %scan3A_1017 : i32
    }
    %scan3A_765 = arith.constant 32 : i32
    %mul3A_766 = arith.constant 2560 : i32
    %mul3A_767 = arith.muli %add3A, %mul3A_766 : i32
    %add3A_768 = arith.constant 2048 : i32
    %add3A_769 = arith.addi %mul3A_767, %add3A_768 : i32
    %dma_start3A_770 = arith.constant 0 : i32
    %dma_start3A_771 = tpu.memref_slice %arg6[%add3A_769, %dma_start3A_770] : memref<81920x65xf32, #tpu.memory_space<hbm>> -> memref<512x32xf32, #tpu.memory_space<hbm>>
    %dma_start3A_772 = arith.constant 0 : i32
    %dma_start3A_773 = tpu.memref_slice %arg6[%add3A_769, %dma_start3A_772] : memref<81920x65xf32, #tpu.memory_space<hbm>> -> memref<512x32xf32, #tpu.memory_space<hbm>>
    tpu.enqueue_dma source(%arg10 : memref<512x32xf32, #tpu.memory_space<vmem>>) target(%dma_start3A_773 : memref<512x32xf32, #tpu.memory_space<hbm>>) target_semaphore(%arg22 : memref<!tpu.dma_semaphore, #tpu.memory_space<semaphore_mem>>)
    %dma_start3A_774 = arith.constant 32 : i32
    %dma_start3A_775 = tpu.memref_slice %arg6[%add3A_769, %dma_start3A_774] : memref<81920x65xf32, #tpu.memory_space<hbm>> -> memref<512x32xf32, #tpu.memory_space<hbm>>
    %dma_start3A_776 = arith.constant 32 : i32
    %dma_start3A_777 = tpu.memref_slice %arg6[%add3A_769, %dma_start3A_776] : memref<81920x65xf32, #tpu.memory_space<hbm>> -> memref<512x32xf32, #tpu.memory_space<hbm>>
    tpu.enqueue_dma source(%arg13 : memref<512x32xf32, #tpu.memory_space<vmem>>) target(%dma_start3A_777 : memref<512x32xf32, #tpu.memory_space<hbm>>) target_semaphore(%arg22 : memref<!tpu.dma_semaphore, #tpu.memory_space<semaphore_mem>>)
    %dma_start3A_778 = arith.constant 64 : i32
    %dma_start3A_779 = tpu.memref_slice %arg6[%add3A_769, %dma_start3A_778] : memref<81920x65xf32, #tpu.memory_space<hbm>> -> memref<512x1xf32, #tpu.memory_space<hbm>>
    %dma_start3A_780 = arith.constant 64 : i32
    %dma_start3A_781 = tpu.memref_slice %arg6[%add3A_769, %dma_start3A_780] : memref<81920x65xf32, #tpu.memory_space<hbm>> -> memref<512x1xf32, #tpu.memory_space<hbm>>
    tpu.enqueue_dma source(%arg16 : memref<512x1xf32, #tpu.memory_space<vmem>>) target(%dma_start3A_781 : memref<512x1xf32, #tpu.memory_space<hbm>>) target_semaphore(%arg22 : memref<!tpu.dma_semaphore, #tpu.memory_space<semaphore_mem>>)
    %dma_wait3A_782 = arith.constant 0 : i32
    %dma_wait3A_783 = tpu.memref_slice %arg6[%add3A_595, %dma_wait3A_782] : memref<81920x65xf32, #tpu.memory_space<hbm>> -> memref<512x32xf32, #tpu.memory_space<hbm>>
    %dma_wait3A_784 = arith.constant 0 : i32
    %dma_wait3A_785 = tpu.memref_slice %arg6[%add3A_595, %dma_wait3A_784] : memref<81920x65xf32, #tpu.memory_space<hbm>> -> memref<512x32xf32, #tpu.memory_space<hbm>>
    tpu.wait_dma2 semaphore(%arg23 : memref<!tpu.dma_semaphore, #tpu.memory_space<semaphore_mem>>) src(%arg11 : memref<512x32xf32, #tpu.memory_space<vmem>>) dst(%dma_wait3A_785 : memref<512x32xf32, #tpu.memory_space<hbm>>)
    %dma_wait3A_786 = arith.constant 32 : i32
    %dma_wait3A_787 = tpu.memref_slice %arg6[%add3A_595, %dma_wait3A_786] : memref<81920x65xf32, #tpu.memory_space<hbm>> -> memref<512x32xf32, #tpu.memory_space<hbm>>
    %dma_wait3A_788 = arith.constant 32 : i32
    %dma_wait3A_789 = tpu.memref_slice %arg6[%add3A_595, %dma_wait3A_788] : memref<81920x65xf32, #tpu.memory_space<hbm>> -> memref<512x32xf32, #tpu.memory_space<hbm>>
    tpu.wait_dma2 semaphore(%arg23 : memref<!tpu.dma_semaphore, #tpu.memory_space<semaphore_mem>>) src(%arg14 : memref<512x32xf32, #tpu.memory_space<vmem>>) dst(%dma_wait3A_789 : memref<512x32xf32, #tpu.memory_space<hbm>>)
    %dma_wait3A_790 = arith.constant 64 : i32
    %dma_wait3A_791 = tpu.memref_slice %arg6[%add3A_595, %dma_wait3A_790] : memref<81920x65xf32, #tpu.memory_space<hbm>> -> memref<512x1xf32, #tpu.memory_space<hbm>>
    %dma_wait3A_792 = arith.constant 64 : i32
    %dma_wait3A_793 = tpu.memref_slice %arg6[%add3A_595, %dma_wait3A_792] : memref<81920x65xf32, #tpu.memory_space<hbm>> -> memref<512x1xf32, #tpu.memory_space<hbm>>
    tpu.wait_dma2 semaphore(%arg23 : memref<!tpu.dma_semaphore, #tpu.memory_space<semaphore_mem>>) src(%arg17 : memref<512x1xf32, #tpu.memory_space<vmem>>) dst(%dma_wait3A_793 : memref<512x1xf32, #tpu.memory_space<hbm>>)
    %dma_wait3A_794 = arith.constant 0 : i32
    %dma_wait3A_795 = tpu.memref_slice %arg6[%add3A_682, %dma_wait3A_794] : memref<81920x65xf32, #tpu.memory_space<hbm>> -> memref<512x32xf32, #tpu.memory_space<hbm>>
    %dma_wait3A_796 = arith.constant 0 : i32
    %dma_wait3A_797 = tpu.memref_slice %arg6[%add3A_682, %dma_wait3A_796] : memref<81920x65xf32, #tpu.memory_space<hbm>> -> memref<512x32xf32, #tpu.memory_space<hbm>>
    tpu.wait_dma2 semaphore(%arg21 : memref<!tpu.dma_semaphore, #tpu.memory_space<semaphore_mem>>) src(%arg9 : memref<512x32xf32, #tpu.memory_space<vmem>>) dst(%dma_wait3A_797 : memref<512x32xf32, #tpu.memory_space<hbm>>)
    %dma_wait3A_798 = arith.constant 32 : i32
    %dma_wait3A_799 = tpu.memref_slice %arg6[%add3A_682, %dma_wait3A_798] : memref<81920x65xf32, #tpu.memory_space<hbm>> -> memref<512x32xf32, #tpu.memory_space<hbm>>
    %dma_wait3A_800 = arith.constant 32 : i32
    %dma_wait3A_801 = tpu.memref_slice %arg6[%add3A_682, %dma_wait3A_800] : memref<81920x65xf32, #tpu.memory_space<hbm>> -> memref<512x32xf32, #tpu.memory_space<hbm>>
    tpu.wait_dma2 semaphore(%arg21 : memref<!tpu.dma_semaphore, #tpu.memory_space<semaphore_mem>>) src(%arg12 : memref<512x32xf32, #tpu.memory_space<vmem>>) dst(%dma_wait3A_801 : memref<512x32xf32, #tpu.memory_space<hbm>>)
    %dma_wait3A_802 = arith.constant 64 : i32
    %dma_wait3A_803 = tpu.memref_slice %arg6[%add3A_682, %dma_wait3A_802] : memref<81920x65xf32, #tpu.memory_space<hbm>> -> memref<512x1xf32, #tpu.memory_space<hbm>>
    %dma_wait3A_804 = arith.constant 64 : i32
    %dma_wait3A_805 = tpu.memref_slice %arg6[%add3A_682, %dma_wait3A_804] : memref<81920x65xf32, #tpu.memory_space<hbm>> -> memref<512x1xf32, #tpu.memory_space<hbm>>
    tpu.wait_dma2 semaphore(%arg21 : memref<!tpu.dma_semaphore, #tpu.memory_space<semaphore_mem>>) src(%arg15 : memref<512x1xf32, #tpu.memory_space<vmem>>) dst(%dma_wait3A_805 : memref<512x1xf32, #tpu.memory_space<hbm>>)
    %dma_wait3A_806 = arith.constant 0 : i32
    %dma_wait3A_807 = tpu.memref_slice %arg6[%add3A_769, %dma_wait3A_806] : memref<81920x65xf32, #tpu.memory_space<hbm>> -> memref<512x32xf32, #tpu.memory_space<hbm>>
    %dma_wait3A_808 = arith.constant 0 : i32
    %dma_wait3A_809 = tpu.memref_slice %arg6[%add3A_769, %dma_wait3A_808] : memref<81920x65xf32, #tpu.memory_space<hbm>> -> memref<512x32xf32, #tpu.memory_space<hbm>>
    tpu.wait_dma2 semaphore(%arg22 : memref<!tpu.dma_semaphore, #tpu.memory_space<semaphore_mem>>) src(%arg10 : memref<512x32xf32, #tpu.memory_space<vmem>>) dst(%dma_wait3A_809 : memref<512x32xf32, #tpu.memory_space<hbm>>)
    %dma_wait3A_810 = arith.constant 32 : i32
    %dma_wait3A_811 = tpu.memref_slice %arg6[%add3A_769, %dma_wait3A_810] : memref<81920x65xf32, #tpu.memory_space<hbm>> -> memref<512x32xf32, #tpu.memory_space<hbm>>
    %dma_wait3A_812 = arith.constant 32 : i32
    %dma_wait3A_813 = tpu.memref_slice %arg6[%add3A_769, %dma_wait3A_812] : memref<81920x65xf32, #tpu.memory_space<hbm>> -> memref<512x32xf32, #tpu.memory_space<hbm>>
    tpu.wait_dma2 semaphore(%arg22 : memref<!tpu.dma_semaphore, #tpu.memory_space<semaphore_mem>>) src(%arg13 : memref<512x32xf32, #tpu.memory_space<vmem>>) dst(%dma_wait3A_813 : memref<512x32xf32, #tpu.memory_space<hbm>>)
    %dma_wait3A_814 = arith.constant 64 : i32
    %dma_wait3A_815 = tpu.memref_slice %arg6[%add3A_769, %dma_wait3A_814] : memref<81920x65xf32, #tpu.memory_space<hbm>> -> memref<512x1xf32, #tpu.memory_space<hbm>>
    %dma_wait3A_816 = arith.constant 64 : i32
    %dma_wait3A_817 = tpu.memref_slice %arg6[%add3A_769, %dma_wait3A_816] : memref<81920x65xf32, #tpu.memory_space<hbm>> -> memref<512x1xf32, #tpu.memory_space<hbm>>
    tpu.wait_dma2 semaphore(%arg22 : memref<!tpu.dma_semaphore, #tpu.memory_space<semaphore_mem>>) src(%arg16 : memref<512x1xf32, #tpu.memory_space<vmem>>) dst(%dma_wait3A_817 : memref<512x1xf32, #tpu.memory_space<hbm>>)
    return
  }
}

</mosaic_0001>

<sc_bundles>
// kernel: kernel.3.cloned.1.call-start
scs
__scs_entry_jumppad:
0x0: {  	(pc) =	sbr.rel $0x88, $3  }
0x1: {  	(tag) =	ssettag $0x0;
	lr =	simm.s32 $0x1  }
0x2: {  	[smem:$0x3F9D] =	sst lr;
	_ =	strace $0xD0000000  }
0x3: {  	_ = 	snop  }
0x4: {  	_ = 	snop  }
0x5: {  	_ = 	snop  }
0x6: {  	_ = 	snop  }
0x7: {  	_ = 	snop  }
__scs_overlays_trampoline_lowered:
0x8: {  	[smem:$0x3FAC] =	sst s0  }
0x9: {  	[smem:$0x3FAD] =	sst s1  }
0xa: {  	[smem:$0x3FAE] =	sst s2  }
0xb: {  	[smem:$0x3FAF] =	sst s3  }
0xc: {  	[smem:$0x3FB0] =	sst s4  }
0xd: {  	[smem:$0x3FB1] =	sst s5  }
0xe: {  	[smem:$0x3FB2] =	sst s6  }
0xf: {  	[smem:$0x3FB3] =	sst s7  }
0x10: {  	[smem:$0x3FB4] =	sst s8  }
0x11: {  	[smem:$0x3FB5] =	sst s9;
	s0 =	simm.s32 @!p0 $0x0  }
0x12: {  	s1 =	sld [smem:$0x3F9B];
	s0 =	simm.s32 @p0 $0x1  }
0x13: {  	[smem:$0x3FB6] =	sst s0;
	s0 =	simm.s32 @!p1 $0x0  }
0x14: {  	s2 =	sld [smem:$0x3F9A];
	s0 =	simm.s32 @p1 $0x1  }
0x15: {  	[smem:$0x3FB7] =	sst s0;
	s0 =	simm.s32 @!p2 $0x0  }
0x16: {  	s3 =	sld [smem:$0x3FDB];
	s0 =	simm.s32 @p2 $0x1  }
0x17: {  	s4 =	simm.s32 $0x1BF5;
	[smem:$0x3FB9] =	sst s0  }
0x18: {  	s0 =	sld [smem:$0x3F9C];
	_ =	swait.ge [sflag:s4], $0x0  }
0x19: {  	s7 =	sld [smem:$0x3F9D]  }
0x1a: {  	s8 =	sadd.s32 $0xFFFFE003, lr  }
0x1b: {  	s9 =	sadd.s32 $0xFFFFFEF7, lr;
	s5 =	simm.s32 $0xFFFFFFFF;
	p2 =	slt.u32 s8, $0xFFFFF086  }
0x1c: {  	p1 =	slt.u32 s9, $0xF7A;
	s5 =	simm.s32 @!p2 $0x0  }
0x1d: {  	s5 =	simm.s32 @p1 $0x1;
	p0 =	seq.s32 s7, s2  }
0x1e: {  	s7 =	smul.u32 @!p0 $0xF7A, s2;
	p2 =	seq.s32 @!p0 s5, $0x0  }
0x1f: {  	s9 =	smul.u32 $0xF7A, s1;
	s8 =	simm.s32 @!p0 $0x1BF5;
	p2 =	por !p2, p0  }
0x20: {  	[sflag:s8] =	ssyncset.s32 @!p0 $0xFFFFF086;
	s6 =	sadd.s32 @!p0 s3, s7;
	s7 =	simm.s32 @!p0 $0x108  }
0x21: {  	s3 =	sadd.s32 s3, s9;
	s6 =	sadd.s32 @!p0 $0x88, s6;
	s7 =	simm.s32 @p2 $0x1082  }
0x22: {  	[simem:s7], [sflag:s8] =	dma.local @!p0 [hbm:s6], $0xF7A  }
0x23: {  	s9 =	sor.u32 $0xD0000000, s2;
	s6 =	simm.s32 $0x108;
	_ =	swait.ge @!p0 [sflag:s8], $0x0  }
0x24: {  	s3 =	sadd.s32 $0x88, s3;
	s6 =	simm.s32 @!p1 $0x1082;
	[sflag:s4] =	ssyncset.s32 $0xFFFFF086  }
0x25: {  	[simem:s6], [sflag:s4] =	dma.local [hbm:s3], $0xF7A  }
0x26: {  	[smem:$0x3F9D] =	sst s1;
	(tag) =	ssettag s2;
	_ =	strace s9  }
0x27: {  	s1 =	sld [smem:$0x3FAD]  }
0x28: {  	s2 =	sld [smem:$0x3FAE]  }
0x29: {  	s4 =	sld [smem:$0x3FB0]  }
0x2a: {  	p0 =	seq.s32 s5, $0x0;
	s5 =	sld [smem:$0x3FB1]  }
0x2b: {  	s6 =	sld [smem:$0x3FB2]  }
0x2c: {  	s7 =	sld [smem:$0x3FB3]  }
0x2d: {  	s3 =	simm.s32 $0x108;
	s8 =	sld [smem:$0x3FB4]  }
0x2e: {  	s3 =	simm.s32 @!p0 $0x1082;
	s9 =	sld [smem:$0x3FB5]  }
0x2f: {  	lr =	sadd.s32 s0, s3;
	s0 =	sld [smem:$0x3FAC]  }
0x30: {  	s3 =	sld [smem:$0x3FAF]  }
0x31: {  	[smem:$0x3FB8] =	sst s10  }
0x32: {  	s10 =	sld [smem:$0x3FB6];
	_ =	sdelay $0x3  }
0x33: {  	p0 =	seq.s32 s10, $0x1;
	s10 =	sld [smem:$0x3FB8];
	_ =	sdelay $0x3  }
0x34: {  	[smem:$0x3FB8] =	sst s10  }
0x35: {  	s10 =	sld [smem:$0x3FB7];
	_ =	sdelay $0x3  }
0x36: {  	p1 =	seq.s32 s10, $0x1;
	s10 =	sld [smem:$0x3FB8];
	_ =	sdelay $0x3  }
0x37: {  	[smem:$0x3FB8] =	sst s10  }
0x38: {  	s10 =	sld [smem:$0x3FB9]  }
0x39: {  	_ = 	snop;
	(pc) =	sbr.ind lr, $3  }
0x3a: {  	_ = 	snop  }
0x3b: {  	_ = 	snop  }
0x3c: {  	p2 =	seq.s32 s10, $0x1;
	s10 =	sld [smem:$0x3FB8]  }
0x3d: {  	_ =	shalt  }
0x3e: {  	_ =	shalt  }
0x3f: {  	_ =	shalt  }
0x40: {  	_ =	shalt  }
0x41: {  	_ =	shalt  }
0x42: {  	_ =	shalt  }
0x43: {  	_ =	shalt  }
0x44: {  	_ =	shalt  }
0x45: {  	_ =	shalt  }
0x46: {  	_ =	shalt  }
0x47: {  	_ =	shalt  }
0x48: {  	_ =	shalt  }
0x49: {  	_ =	shalt  }
0x4a: {  	_ =	shalt  }
0x4b: {  	_ =	shalt  }
0x4c: {  	_ =	shalt  }
0x4d: {  	_ =	shalt  }
0x4e: {  	_ =	shalt  }
0x4f: {  	_ =	shalt  }
0x50: {  	_ =	shalt  }
0x51: {  	_ =	shalt  }
0x52: {  	_ =	shalt  }
0x53: {  	_ =	shalt  }
0x54: {  	_ =	shalt  }
0x55: {  	_ =	shalt  }
0x56: {  	_ =	shalt  }
0x57: {  	_ =	shalt  }
0x58: {  	_ =	shalt  }
0x59: {  	_ =	shalt  }
0x5a: {  	_ =	shalt  }
0x5b: {  	_ =	shalt  }
0x5c: {  	_ =	shalt  }
0x5d: {  	_ =	shalt  }
0x5e: {  	_ =	shalt  }
0x5f: {  	_ =	shalt  }
0x60: {  	_ =	shalt  }
0x61: {  	_ =	shalt  }
0x62: {  	_ =	shalt  }
0x63: {  	_ =	shalt  }
0x64: {  	_ =	shalt  }
0x65: {  	_ =	shalt  }
0x66: {  	_ =	shalt  }
0x67: {  	_ =	shalt  }
0x68: {  	_ =	shalt  }
0x69: {  	_ =	shalt  }
0x6a: {  	_ =	shalt  }
0x6b: {  	_ =	shalt  }
0x6c: {  	_ =	shalt  }
0x6d: {  	_ =	shalt  }
0x6e: {  	_ =	shalt  }
0x6f: {  	_ =	shalt  }
0x70: {  	_ =	shalt  }
0x71: {  	_ =	shalt  }
0x72: {  	_ =	shalt  }
0x73: {  	_ =	shalt  }
0x74: {  	_ =	shalt  }
0x75: {  	_ =	shalt  }
0x76: {  	_ =	shalt  }
0x77: {  	_ =	shalt  }
0x78: {  	_ =	shalt  }
0x79: {  	_ =	shalt  }
0x7a: {  	_ =	shalt  }
0x7b: {  	_ =	shalt  }
0x7c: {  	_ =	shalt  }
0x7d: {  	_ =	shalt  }
0x7e: {  	_ =	shalt  }
0x7f: {  	_ =	shalt  }
0x80: {  	_ =	shalt  }
0x81: {  	_ =	shalt  }
0x82: {  	_ =	shalt  }
0x83: {  	_ =	shalt  }
0x84: {  	_ =	shalt  }
0x85: {  	_ =	shalt  }
0x86: {  	_ =	shalt  }
0x87: {  	_ =	shalt  }
.Lfunc_end0:
.L_simem_size_0:
called_computation_lowered:
.L_overlay_start_0:
0x88: {  	s2 =	sld [smem:$0x3FD9]  }
0x89: {  	s3 =	sld [smem:$0x3FFE];
	_ =	sdelay $0x1  }
0x8a: {  	s1 =	srdreg.scid  }
0x8b: {  	s0 =	sand.u32 $0x1, s1  }
0x8c: {  	s17 =	sshll.u32 s0, $0xA;
	s2 =	sadd.s32 s3, s2  }
0x8d: {  	s2 =	sadd.s32 s2, s17  }
0x8e: {  	[smem:$0x3FC4] =	sst s2  }
0x8f: {  	_ = 	snop  }
0x90: {  	s2 =	sld [smem:$0x3FD0];
	(tm) =	ssettm $0x1  }
0x91: {  	s18 =	sld [smem:$0x3FFB];
	_ =	sdelay $0x3  }
0x92: {  	_ =	strace s18  }
0x93: {  	s3 =	sld [smem:$0x3FFC];
	_ =	sdelay $0x3  }
0x94: {  	_ =	strace s3  }
0x95: {  	s3 =	sld [smem:$0x3FFD];
	_ =	sdelay $0x3  }
0x96: {  	_ =	strace s3  }
0x97: {  	_ =	strace $0x8FFFFFFF  }
0x98: {  	s19 =	sld [smem:$0x3FDB];
	_ =	sdelay $0x1  }
0x99: {  	s4 =	simm.s32 $_scs_section_size  }
0x9a: {  	s5 =	simm.s32 $_size__tile_overlayer_lowered;
	s6 =	simm.s32 $_tile_overlayer_lowered  }
0x9b: {  	s22 =	simm.s32 $0x1BFF;
	s21 =	sshll.u32 s6, $0x1;
	s3 =	sadd.s32 s4, s19  }
0x9c: {  	s7 =	simm.s32 $0x0;
	s20 =	sshll.u32 s5, $0x1;
	s5 =	sadd.s32 s21, s3  }
0x9d: {  	[timem:s7], [sflag:s22] =	dma.local [hbm:s5], s20  }
0x9e: {  	_ =	swait.ge [sflag:s22], s20  }
0x9f: {  	s4 =	ssub.s32 $0x0, s20;
	[sflag:s22] =	ssyncset.done $0x0  }
0xa0: {  	[sflag:s22] =	ssyncadd.s32 s4;
	_ =	sdelay $0x1  }
0xa1: {  	s23 =	simm.s32 $0x1B8B  }
0xa2: {  	_ =	swait.ge [sflag:s23], $0x1  }
0xa3: {  	[sflag:s23] =	ssyncset.done $0x0  }
0xa4: {  	s25 =	simm.s32 $0x1B8E;
	s24 =	sld [smem:$0x3FFE];
	[sflag:s23] =	ssyncadd.s32 $0xFFFFFFFF  }
0xa5: {  	s26 =	simm.s32 $execute0_lowered;
	[smem:$0x3FD2] =	sst s25  }
0xa6: {  	s5 =	sshll.u32 s26, $0x1;
	_ =	strace $0x80000046;
	[dreg:$0x1] =	wrdreg $0xFFFFFFFF  }
0xa7: {  	s28 =	simm.s32 $_size_execute0_lowered;
	s3 =	sadd.s32 s3, s5;
	[dreg:$0x0] =	wrdreg $0x0  }
0xa8: {  	s5 =	sshll.u32 s28, $0x1;
	[dreg:$0x2] =	wrdreg s3  }
0xa9: {  	[dreg:$0x3] =	wrdreg s5  }
0xaa: {  	[dreg:$0x4] =	wrdreg $0xC0  }
0xab: {  	_ =	task [dreg:s7], $0x5FFFF  }
0xac: {  	[dreg:$0x1] =	wrdreg $0xFFFFFFFF  }
0xad: {  	[dreg:$0x0] =	wrdreg $0x60  }
0xae: {  	[dreg:$0x2] =	wrdreg s24  }
0xaf: {  	[dreg:$0x3] =	wrdreg s2  }
0xb0: {  	[dreg:$0x4] =	wrdreg $0x9  }
0xb1: {  	_ =	task.clear_ibuf [dreg:s7], $0x5FFFF;
	_ =	strace $0x90000046  }
0xb2: {  	s29 =	simm.s32 $0x9;
	_ =	strace $0x80000048  }
0xb3: {  	_ =	swait.ge [sflag:s29], $0x1  }
0xb4: {  	[sflag:s29] =	ssyncadd.s32 $0xFFFFFFFF  }
0xb5: {  	_ =	strace $0x90000048  }
0xb6: {  	_ =	sfence  }
0xb7: {  	s30 =	sld [smem:$0x0];
	_ =	sdelay $0x2  }
0xb8: {  	s31 =	sshll.u32 s1, $0xD;
	s1 =	sshrl.u32 s1, $0x2  }
0xb9: {  	s3 =	sand.u32 $0x4000, s31;
	s1 =	sadd.s32 s1, s30  }
0xba: {  	s0 =	sor.u32 s3, s0;
	s1 =	sshll.u32 s1, $0x11  }
0xbb: {  	s0 =	sor.u32 s1, s0  }
0xbc: {  	s0 =	sadd.s32 $0x8F2B, s0  }
0xbd: {  	[sflag:s0] =	ssyncadd.remote.s32 $0x1  }
0xbe: {  	_ =	sfence.sel $0xFFFF  }
0xbf: {  	[dreg:$0x0] =	wrdreg $0xFFFFFFFF;
	(pc) =	sbr.abs _section_cstart, $3  }
0xc0: {  	[dreg:$0x1] =	wrdreg $0xFFFFFFFF  }
0xc1: {  	_ =	task.clear_ibuf [dreg:s7], $0x2FFFF;
	_ =	strace $0x9FFFFFFF  }
0xc2: {  	(tm) =	ssettm $0x7FFFFFFF  }
0xc3: {  	_ =	shalt  }
tec
execute0_lowered:
.L_overlay_start_1:
0x0: {  	(tag) =	ssettag $0x1  }
0x1: {  	s1 =	srdreg.scid;
	s2 =	stileid.u32  }
0x2: {  	s0 =	rddreg [dreg:$0x0];
	s1 =	sand.u32 $0x1, s1;
	s3 =	sshll.u32 s2, $0x1  }
0x3: {  	s5 =	rddreg [dreg:$0x1];
	s2 =	simm.s32 $0x0;
	s4 =	sor.u32 s1, s3  }
0x4: {  	[smem:$0x7FF] =	sst s2;
	s1 =	ssub.s32 $0x2, s1;
	s3 =	smul.u32 $0x140, s4  }
0x5: {  	_ =	strace $0x80000047;
	s6 =	smul.u32 $0x2D000, s4;
	s8 =	sshrl.u32 s1, $0x1  }
0x6: {  	s9 =	smul.u32 $0x5A00, s4;
	s4 =	sadd.s32 $0xF43000, s0;
	s7 =	sadd.s32 s3, s0  }
0x7: {  	s3 =	sadd.s32 $0x1313A00, s0;
	s0 =	ssub.s32 s1, s8;
	s10 =	sadd.s32 $0xC00, s7  }
0x8: {  	s12 =	sadd.s32 s9, s5;
	s13 =	sadd.s32 $0x3400, s7;
	[dreg:$0x3] =	wrdreg s10  }
0x9: {  	s8 =	sshrl.u32 s6, $0x3;
	s1 =	sadd.s32 $0x8, s12;
	[dreg:$0x4] =	wrdreg s13  }
0xa: {  	s11 =	sadd.s32 s5, s8;
	[dreg:$0x6] =	wrdreg s1  }
0xb: {  	s0 =	smax.u32 s0, $0x1;
	[dreg:$0x14] =	wrdreg s11  }
0xc: {  	s28 =	simm.s32 $0xD400;
	s14 =	sadd.s32 $0x4, s11;
	[dreg:$0x13] =	wrdreg s0  }
0xd: {  	s29 =	simm.s32 $0x5400;
	s15 =	sadd.s32 $0x1200, s11;
	[dreg:$0x5] =	wrdreg s14  }
0xe: {  	s31 =	simm.s32 $0x11400;
	s16 =	sadd.s32 $0x1204, s11;
	[dreg:$0x7] =	wrdreg s15  }
0xf: {  	s30 =	simm.s32 $0x1;
	s17 =	sadd.s32 $0x1208, s11;
	[dreg:$0x8] =	wrdreg s16  }
0x10: {  	s9 =	simm.s32 $0x2;
	s18 =	sadd.s32 $0x2400, s11;
	[dreg:$0x9] =	wrdreg s17  }
0x11: {  	s5 =	simm.s32 $0x19400;
	s19 =	sadd.s32 $0x2404, s11;
	[dreg:$0xa] =	wrdreg s18  }
0x12: {  	s7 =	simm.s32 $0x48;
	s20 =	sadd.s32 $0x2408, s11;
	[dreg:$0xb] =	wrdreg s19  }
0x13: {  	s8 =	simm.s32 $0x8;
	s21 =	sadd.s32 $0x3600, s11;
	[dreg:$0xc] =	wrdreg s20  }
0x14: {  	s12 =	simm.s32 $0x3;
	s22 =	sadd.s32 $0x3604, s11;
	[dreg:$0xd] =	wrdreg s21  }
0x15: {  	s23 =	sadd.s32 $0x3608, s11;
	s24 =	sadd.s32 $0x4800, s11;
	[dreg:$0xe] =	wrdreg s22  }
0x16: {  	s25 =	sadd.s32 $0x4804, s11;
	s26 =	sadd.s32 $0x4808, s11;
	[dreg:$0xf] =	wrdreg s23  }
0x17: {  	s0 =	simm.s32 $0x15400;
	s1 =	simm.s32 $0x20;
	[dreg:$0x10] =	wrdreg s24  }
0x18: {  	s10 =	simm.s32 $0x4;
	s11 =	simm.s32 $0x1A400;
	[dreg:$0x11] =	wrdreg s25  }
0x19: {  	s13 =	simm.s32 $0x5;
	[dreg:$0x12] =	wrdreg s26;
	s23 =	simm.s32 $0x7  }
0x1a: {  	s25 =	simm.s32 $0x80;
	s26 =	simm.s32 $0x1400;
	s24 =	simm.s32 $0x9400  }
0x1b: {  	v0 =	vlaneseq.u32;
	s14 =	simm.s32 $0x1B400;
	s15 =	simm.s32 $0x6;
	s16 =	simm.s32 $0x0  }
.LBB2_1:
0x1c: {  	s17 =	rddreg [dreg:$0x3]  }
0x1d: {  	[tilespmem:s2], [sflag:$0x7] =	stream.linear.gather [hbm4b:s17+s2], $0xA00, $0x38;
	[tilespmem:$0x1C400] =	vst v63  }
0x1e: {  	_ =	swait.ge [sflag:s23], $0xA00  }
0x1f: {  	[sflag:s23] =	ssyncset.done $0x0  }
0x20: {  	s18 =	simm.s32 $0xA00;
	s22 =	rddreg [dreg:$0x4];
	[sflag:s23] =	ssyncadd.s32 $0xFFFFF600  }
0x21: {  	[tilespmem:s18], [sflag:$0x7] =	stream.linear.gather [hbm4b:s22+s2], $0xA00, $0x38;
	[tilespmem:$0x1C400] =	vst v63  }
0x22: {  	_ =	swait.ge [sflag:s23], $0xA00  }
0x23: {  	[sflag:s23] =	ssyncset.done $0x0  }
0x24: {  	[sflag:s23] =	ssyncadd.s32 $0xFFFFF600  }
0x25: {  	[tilespmem:s26], [sflag:$0x1] =	stream.indirect.gather [hbm4b:s3+s25], $0x20, s2, s25, $0xb8;
	[tilespmem:$0x1C400] =	vst v63  }
0x26: {  	_ = 	snop  }
0x27: {  	[tilespmem:s28], [sflag:$0x1] =	stream.indirect.gather [hbm4b:s4+s25], $0x20, s18, s25, $0xb8;
	[tilespmem:$0x1C400] =	vst v63  }
0x28: {  	s18 =	simm.s32 $0x2400  }
0x29: {  	[tilespmem:s18], [sflag:$0x1] =	stream.indirect.gather [hbm4b:s3+s25], $0x20, s25, s25, $0xb8;
	[tilespmem:$0x1C400] =	vst v63  }
0x2a: {  	s6 =	simm.s32 $0xA80;
	s19 =	simm.s32 $0xE400  }
0x2b: {  	[tilespmem:s19], [sflag:$0x1] =	stream.indirect.gather [hbm4b:s4+s25], $0x20, s6, s25, $0xb8;
	[tilespmem:$0x1C400] =	vst v63  }
0x2c: {  	s20 =	simm.s32 $0x100;
	s19 =	simm.s32 $0x3400  }
0x2d: {  	[tilespmem:s19], [sflag:$0x1] =	stream.indirect.gather [hbm4b:s3+s25], $0x20, s20, s25, $0xb8;
	[tilespmem:$0x1C400] =	vst v63  }
0x2e: {  	s21 =	simm.s32 $0xB00;
	s20 =	simm.s32 $0xF400  }
0x2f: {  	[tilespmem:s20], [sflag:$0x1] =	stream.indirect.gather [hbm4b:s4+s25], $0x20, s21, s25, $0xb8;
	[tilespmem:$0x1C400] =	vst v63  }
0x30: {  	s22 =	simm.s32 $0x180;
	s20 =	simm.s32 $0x4400  }
0x31: {  	[tilespmem:s20], [sflag:$0x1] =	stream.indirect.gather [hbm4b:s3+s25], $0x20, s22, s25, $0xb8;
	[tilespmem:$0x1C400] =	vst v63  }
0x32: {  	s6 =	simm.s32 $0xB80;
	s21 =	simm.s32 $0x10400  }
0x33: {  	[tilespmem:s21], [sflag:$0x1] =	stream.indirect.gather [hbm4b:s4+s25], $0x20, s6, s25, $0xb8;
	[tilespmem:$0x1C400] =	vst v63  }
0x34: {  	s22 =	simm.s32 $0x200  }
0x35: {  	[tilespmem:s29], [sflag:$0x2] =	stream.indirect.gather [hbm4b:s3+s25], $0x20, s22, s25, $0xb8;
	[tilespmem:$0x1C400] =	vst v63  }
0x36: {  	s6 =	simm.s32 $0xC00  }
0x37: {  	[tilespmem:s31], [sflag:$0x2] =	stream.indirect.gather [hbm4b:s4+s25], $0x20, s6, s25, $0xb8;
	[tilespmem:$0x1C400] =	vst v63  }
0x38: {  	s21 =	simm.s32 $0x6400;
	s22 =	simm.s32 $0x280  }
0x39: {  	[tilespmem:s21], [sflag:$0x2] =	stream.indirect.gather [hbm4b:s3+s25], $0x20, s22, s25, $0xb8;
	[tilespmem:$0x1C400] =	vst v63  }
0x3a: {  	s6 =	simm.s32 $0xC80;
	s22 =	simm.s32 $0x12400  }
0x3b: {  	[tilespmem:s22], [sflag:$0x2] =	stream.indirect.gather [hbm4b:s4+s25], $0x20, s6, s25, $0xb8;
	[tilespmem:$0x1C400] =	vst v63  }
0x3c: {  	s22 =	simm.s32 $0x7400;
	s6 =	simm.s32 $0x300  }
0x3d: {  	[tilespmem:s22], [sflag:$0x2] =	stream.indirect.gather [hbm4b:s3+s25], $0x20, s6, s25, $0xb8;
	[tilespmem:$0x1C400] =	vst v63  }
0x3e: {  	s17 =	simm.s32 $0xD00;
	s6 =	simm.s32 $0x13400  }
0x3f: {  	[tilespmem:s6], [sflag:$0x2] =	stream.indirect.gather [hbm4b:s4+s25], $0x20, s17, s25, $0xb8;
	[tilespmem:$0x1C400] =	vst v63  }
0x40: {  	s6 =	simm.s32 $0x380;
	s17 =	simm.s32 $0x8400  }
0x41: {  	[tilespmem:s17], [sflag:$0x2] =	stream.indirect.gather [hbm4b:s3+s25], $0x20, s6, s25, $0xb8;
	[tilespmem:$0x1C400] =	vst v63  }
0x42: {  	s6 =	simm.s32 $0xD80;
	s17 =	simm.s32 $0x14400  }
0x43: {  	[tilespmem:s17], [sflag:$0x2] =	stream.indirect.gather [hbm4b:s4+s25], $0x20, s6, s25, $0xb8;
	[tilespmem:$0x1C400] =	vst v63  }
0x44: {  	_ =	swait.ge [sflag:s30], $0x1000  }
0x45: {  	[sflag:s30] =	ssyncset.done $0x0  }
0x46: {  	[sflag:s30] =	ssyncadd.s32 $0xFFFFF000  }
0x47: {  	_ =	swait.ge [sflag:s30], $0x1000  }
0x48: {  	[sflag:s30] =	ssyncset.done $0x0  }
0x49: {  	[sflag:s30] =	ssyncadd.s32 $0xFFFFF000  }
0x4a: {  	_ =	swait.ge [sflag:s30], $0x1000  }
0x4b: {  	[sflag:s30] =	ssyncset.done $0x0  }
0x4c: {  	[sflag:s30] =	ssyncadd.s32 $0xFFFFF000  }
0x4d: {  	_ =	swait.ge [sflag:s30], $0x1000  }
0x4e: {  	[sflag:s30] =	ssyncset.done $0x0  }
0x4f: {  	[sflag:s30] =	ssyncadd.s32 $0xFFFFF000  }
0x50: {  	_ =	swait.ge [sflag:s30], $0x1000  }
0x51: {  	[sflag:s30] =	ssyncset.done $0x0  }
0x52: {  	[sflag:s30] =	ssyncadd.s32 $0xFFFFF000  }
0x53: {  	_ =	swait.ge [sflag:s30], $0x1000  }
0x54: {  	[sflag:s30] =	ssyncset.done $0x0  }
0x55: {  	[sflag:s30] =	ssyncadd.s32 $0xFFFFF000  }
0x56: {  	_ =	swait.ge [sflag:s30], $0x1000  }
0x57: {  	[sflag:s30] =	ssyncset.done $0x0  }
0x58: {  	[sflag:s30] =	ssyncadd.s32 $0xFFFFF000  }
0x59: {  	_ =	swait.ge [sflag:s30], $0x1000  }
0x5a: {  	[sflag:s30] =	ssyncset.done $0x0  }
0x5b: {  	s17 =	simm.s32 $0x400;
	[sflag:s30] =	ssyncadd.s32 $0xFFFFF000  }
0x5c: {  	[tilespmem:s24], [sflag:$0x3] =	stream.indirect.gather [hbm4b:s3+s25], $0x20, s17, s25, $0xb8;
	[tilespmem:$0x1C400] =	vst v63  }
0x5d: {  	s17 =	simm.s32 $0xE00  }
0x5e: {  	[tilespmem:s0], [sflag:$0x3] =	stream.indirect.gather [hbm4b:s4+s25], $0x20, s17, s25, $0xb8;
	[tilespmem:$0x1C400] =	vst v63  }
0x5f: {  	s6 =	simm.s32 $0x480;
	s17 =	simm.s32 $0xA400  }
0x60: {  	[tilespmem:s17], [sflag:$0x3] =	stream.indirect.gather [hbm4b:s3+s25], $0x20, s6, s25, $0xb8;
	[tilespmem:$0x1C400] =	vst v63  }
0x61: {  	s6 =	simm.s32 $0xE80;
	s17 =	simm.s32 $0x16400  }
0x62: {  	[tilespmem:s17], [sflag:$0x3] =	stream.indirect.gather [hbm4b:s4+s25], $0x20, s6, s25, $0xb8;
	[tilespmem:$0x1C400] =	vst v63  }
0x63: {  	s6 =	simm.s32 $0x500;
	s17 =	simm.s32 $0xB400  }
0x64: {  	[tilespmem:s17], [sflag:$0x3] =	stream.indirect.gather [hbm4b:s3+s25], $0x20, s6, s25, $0xb8;
	[tilespmem:$0x1C400] =	vst v63  }
0x65: {  	v2 =	vor.u32 s2, v0;
	s6 =	simm.s32 $0xF00;
	s17 =	simm.s32 $0x17400  }
0x66: {  	v1 =	vshll.u32 v2, $0x5;
	[tilespmem:s17], [sflag:$0x3] =	stream.indirect.gather [hbm4b:s4+s25], $0x20, s6, s25, $0xb8;
	[tilespmem:$0x1C400] =	vst v63  }
0x67: {  	s6 =	simm.s32 $0x580;
	s17 =	simm.s32 $0xC400  }
0x68: {  	v3 =	vor.u32 $0x1, v1;
	[tilespmem:s17], [sflag:$0x3] =	stream.indirect.gather [hbm4b:s3+s25], $0x20, s6, s25, $0xb8;
	[tilespmem:$0x1C400] =	vst v63  }
0x69: {  	s6 =	simm.s32 $0xF80;
	s17 =	simm.s32 $0x18400  }
0x6a: {  	v4 =	vor.u32 $0x2, v1;
	[tilespmem:s17], [sflag:$0x3] =	stream.indirect.gather [hbm4b:s4+s25], $0x20, s6, s25, $0xb8;
	[tilespmem:$0x1C400] =	vst v63  }
0x6b: {  	v5 =	vld.idx.msk [tilespmem:v1+s28+$0x0], $0xffff  }
0x6c: {  	v7 =	vor.u32 $0x3, v1;
	v6 =	vld.idx.msk [tilespmem:v1+s26+$0x0], $0xffff  }
0x6d: {  	v8 =	vld.idx.msk [tilespmem:v3+s26+$0x0], $0xffff  }
0x6e: {  	v9 =	vor.u32 $0x4, v1;
	v3 =	vld.idx.msk [tilespmem:v3+s28+$0x0], $0xffff  }
0x6f: {  	v10 =	vld.idx.msk [tilespmem:v4+s26+$0x0], $0xffff  }
0x70: {  	v11 =	vor.u32 $0x5, v1;
	v4 =	vld.idx.msk [tilespmem:v4+s28+$0x0], $0xffff  }
0x71: {  	v12 =	vld.idx.msk [tilespmem:v7+s26+$0x0], $0xffff;
	v5 =	vmul.f32 v5, v6  }
0x72: {  	v6 =	vld.idx.msk [tilespmem:v7+s28+$0x0], $0xffff;
	v7 =	vor.u32 $0x6, v1  }
0x73: {  	v13 =	vld.idx.msk [tilespmem:v9+s26+$0x0], $0xffff;
	v3 =	vmul.f32 v3, v8;
	v5 =	vadd.f32 $0.0e+00, v5  }
0x74: {  	v62 =	vor.u32 $0x7, v1;
	v61 =	vld.idx.msk [tilespmem:v9+s28+$0x0], $0xffff  }
0x75: {  	v14 =	vld.idx.msk [tilespmem:v11+s26+$0x0], $0xffff;
	v4 =	vmul.f32 v4, v10;
	v3 =	vadd.f32 v3, v5  }
0x76: {  	v63 =	vor.u32 $0x8, v1;
	v5 =	vld.idx.msk [tilespmem:v11+s28+$0x0], $0xffff  }
0x77: {  	v16 =	vld.idx.msk [tilespmem:v7+s26+$0x0], $0xffff;
	v3 =	vadd.f32 v4, v3;
	v4 =	vmul.f32 v6, v12  }
0x78: {  	v6 =	vld.idx.msk [tilespmem:v7+s28+$0x0], $0xffff;
	v7 =	vor.u32 $0x9, v1  }
0x79: {  	v17 =	vld.idx.msk [tilespmem:v62+s26+$0x0], $0xffff;
	v3 =	vadd.f32 v4, v3;
	v4 =	vmul.f32 v61, v13  }
0x7a: {  	v19 =	vor.u32 $0xA, v1;
	v18 =	vld.idx.msk [tilespmem:v62+s28+$0x0], $0xffff  }
0x7b: {  	v20 =	vld.idx.msk [tilespmem:v63+s26+$0x0], $0xffff;
	v3 =	vadd.f32 v4, v3;
	v4 =	vmul.f32 v5, v14  }
0x7c: {  	v21 =	vor.u32 $0xB, v1;
	v5 =	vld.idx.msk [tilespmem:v63+s28+$0x0], $0xffff  }
0x7d: {  	v22 =	vld.idx.msk [tilespmem:v7+s26+$0x0], $0xffff;
	v3 =	vadd.f32 v4, v3;
	v4 =	vmul.f32 v6, v16  }
0x7e: {  	v6 =	vld.idx.msk [tilespmem:v7+s28+$0x0], $0xffff;
	v7 =	vor.u32 $0xC, v1  }
0x7f: {  	v23 =	vld.idx.msk [tilespmem:v19+s26+$0x0], $0xffff;
	v3 =	vadd.f32 v4, v3;
	v4 =	vmul.f32 v18, v17  }
0x80: {  	v25 =	vor.u32 $0xD, v1;
	v24 =	vld.idx.msk [tilespmem:v19+s28+$0x0], $0xffff  }
0x81: {  	v26 =	vld.idx.msk [tilespmem:v21+s26+$0x0], $0xffff;
	v3 =	vadd.f32 v4, v3;
	v4 =	vmul.f32 v5, v20  }
0x82: {  	v27 =	vor.u32 $0xE, v1;
	v5 =	vld.idx.msk [tilespmem:v21+s28+$0x0], $0xffff  }
0x83: {  	v28 =	vld.idx.msk [tilespmem:v7+s26+$0x0], $0xffff;
	v3 =	vadd.f32 v4, v3;
	v4 =	vmul.f32 v6, v22  }
0x84: {  	v6 =	vld.idx.msk [tilespmem:v7+s28+$0x0], $0xffff;
	v7 =	vor.u32 $0xF, v1  }
0x85: {  	v29 =	vld.idx.msk [tilespmem:v25+s26+$0x0], $0xffff;
	v3 =	vadd.f32 v4, v3;
	v4 =	vmul.f32 v24, v23  }
0x86: {  	v31 =	vor.u32 $0x10, v1;
	v30 =	vld.idx.msk [tilespmem:v25+s28+$0x0], $0xffff  }
0x87: {  	v32 =	vld.idx.msk [tilespmem:v27+s26+$0x0], $0xffff;
	v3 =	vadd.f32 v4, v3;
	v4 =	vmul.f32 v5, v26  }
0x88: {  	v33 =	vor.u32 $0x11, v1;
	v5 =	vld.idx.msk [tilespmem:v27+s28+$0x0], $0xffff  }
0x89: {  	v34 =	vld.idx.msk [tilespmem:v7+s26+$0x0], $0xffff;
	v3 =	vadd.f32 v4, v3;
	v4 =	vmul.f32 v6, v28  }
0x8a: {  	v6 =	vld.idx.msk [tilespmem:v7+s28+$0x0], $0xffff;
	v7 =	vor.u32 $0x12, v1  }
0x8b: {  	v35 =	vld.idx.msk [tilespmem:v31+s26+$0x0], $0xffff;
	v3 =	vadd.f32 v4, v3;
	v4 =	vmul.f32 v30, v29  }
0x8c: {  	v37 =	vor.u32 $0x13, v1;
	v36 =	vld.idx.msk [tilespmem:v31+s28+$0x0], $0xffff  }
0x8d: {  	v38 =	vld.idx.msk [tilespmem:v33+s26+$0x0], $0xffff;
	v3 =	vadd.f32 v4, v3;
	v4 =	vmul.f32 v5, v32  }
0x8e: {  	v39 =	vor.u32 $0x14, v1;
	v5 =	vld.idx.msk [tilespmem:v33+s28+$0x0], $0xffff  }
0x8f: {  	v40 =	vld.idx.msk [tilespmem:v7+s26+$0x0], $0xffff;
	v3 =	vadd.f32 v4, v3;
	v4 =	vmul.f32 v6, v34  }
0x90: {  	v6 =	vld.idx.msk [tilespmem:v7+s28+$0x0], $0xffff;
	v7 =	vor.u32 $0x15, v1  }
0x91: {  	v41 =	vld.idx.msk [tilespmem:v37+s26+$0x0], $0xffff;
	v3 =	vadd.f32 v4, v3;
	v4 =	vmul.f32 v36, v35  }
0x92: {  	v43 =	vor.u32 $0x16, v1;
	v42 =	vld.idx.msk [tilespmem:v37+s28+$0x0], $0xffff  }
0x93: {  	v44 =	vld.idx.msk [tilespmem:v39+s26+$0x0], $0xffff;
	v3 =	vadd.f32 v4, v3;
	v4 =	vmul.f32 v5, v38  }
0x94: {  	v45 =	vor.u32 $0x17, v1;
	v5 =	vld.idx.msk [tilespmem:v39+s28+$0x0], $0xffff  }
0x95: {  	v46 =	vld.idx.msk [tilespmem:v7+s26+$0x0], $0xffff;
	v3 =	vadd.f32 v4, v3;
	v4 =	vmul.f32 v6, v40  }
0x96: {  	v6 =	vld.idx.msk [tilespmem:v7+s28+$0x0], $0xffff;
	v7 =	vor.u32 $0x18, v1  }
0x97: {  	v47 =	vld.idx.msk [tilespmem:v43+s26+$0x0], $0xffff;
	v3 =	vadd.f32 v4, v3;
	v4 =	vmul.f32 v42, v41  }
0x98: {  	v49 =	vor.u32 $0x19, v1;
	v48 =	vld.idx.msk [tilespmem:v43+s28+$0x0], $0xffff  }
0x99: {  	v50 =	vld.idx.msk [tilespmem:v45+s26+$0x0], $0xffff;
	v3 =	vadd.f32 v4, v3;
	v4 =	vmul.f32 v5, v44  }
0x9a: {  	v51 =	vor.u32 $0x1A, v1;
	v5 =	vld.idx.msk [tilespmem:v45+s28+$0x0], $0xffff  }
0x9b: {  	v52 =	vld.idx.msk [tilespmem:v7+s26+$0x0], $0xffff;
	v3 =	vadd.f32 v4, v3;
	v4 =	vmul.f32 v6, v46  }
0x9c: {  	v6 =	vld.idx.msk [tilespmem:v7+s28+$0x0], $0xffff;
	v7 =	vor.u32 $0x1B, v1  }
0x9d: {  	v53 =	vld.idx.msk [tilespmem:v49+s26+$0x0], $0xffff;
	v3 =	vadd.f32 v4, v3;
	v4 =	vmul.f32 v48, v47  }
0x9e: {  	v55 =	vor.u32 $0x1C, v1;
	v54 =	vld.idx.msk [tilespmem:v49+s28+$0x0], $0xffff  }
0x9f: {  	v56 =	vld.idx.msk [tilespmem:v51+s26+$0x0], $0xffff;
	v3 =	vadd.f32 v4, v3;
	v4 =	vmul.f32 v5, v50  }
0xa0: {  	v57 =	vor.u32 $0x1D, v1;
	v5 =	vld.idx.msk [tilespmem:v51+s28+$0x0], $0xffff  }
0xa1: {  	v58 =	vld.idx.msk [tilespmem:v7+s26+$0x0], $0xffff;
	v3 =	vadd.f32 v4, v3;
	v4 =	vmul.f32 v6, v52  }
0xa2: {  	v6 =	vld.idx.msk [tilespmem:v7+s28+$0x0], $0xffff;
	v7 =	vor.u32 $0x1E, v1  }
0xa3: {  	v59 =	vld.idx.msk [tilespmem:v55+s26+$0x0], $0xffff;
	v3 =	vadd.f32 v4, v3;
	v4 =	vmul.f32 v54, v53  }
0xa4: {  	v60 =	vld.idx.msk [tilespmem:v55+s28+$0x0], $0xffff;
	v1 =	vor.u32 $0x1F, v1  }
0xa5: {  	v61 =	vld.idx.msk [tilespmem:v57+s26+$0x0], $0xffff;
	v3 =	vadd.f32 v4, v3;
	v4 =	vmul.f32 v5, v56  }
0xa6: {  	v5 =	vld.idx.msk [tilespmem:v57+s28+$0x0], $0xffff  }
0xa7: {  	v62 =	vld.idx.msk [tilespmem:v7+s26+$0x0], $0xffff;
	v3 =	vadd.f32 v4, v3;
	v4 =	vmul.f32 v6, v58  }
0xa8: {  	v6 =	vld.idx.msk [tilespmem:v7+s28+$0x0], $0xffff  }
0xa9: {  	v63 =	vld.idx.msk [tilespmem:v1+s28+$0x0], $0xffff;
	v3 =	vadd.f32 v4, v3;
	v4 =	vmul.f32 v60, v59  }
0xaa: {  	v7 =	vld.idx.msk [tilespmem:v1+s26+$0x0], $0xffff  }
0xab: {  	v1 =	vadd.f32 v4, v3;
	v3 =	vmul.f32 v5, v61;
	_ =	sdelay $0x1  }
0xac: {  	s6 =	simm.s32 $0x10;
	v5 =	vmul.f32 v6, v62;
	v4 =	vadd.f32 v3, v1  }
0xad: {  	v1 =	vor.u32 s6, v0;
	v3 =	vshll.u32 v2, $0x3  }
0xae: {  	s17 =	simm.s32 $0x20;
	v2 =	vshll.u32 v1, $0x5;
	v4 =	vadd.f32 v5, v4;
	v5 =	vmul.f32 v63, v7  }
.LBB2_2:
0xaf: {  	p0 =	sne.s32 s17, $0x1F0  }
0xb0: {  	v6 =	vor.u32 $0x1, v2;
	v4 =	vadd.f32 v5, v4;
	_ =	sdelay $0x1  }
0xb1: {  	v5 =	vor.u32 $0x2, v2;
	[tilespmem:v3+s5+$0x0] =	vst.idx.msk $0xffff, v4  }
0xb2: {  	v3 =	vld.idx.msk [tilespmem:v2+s28+$0x0], $0xffff  }
0xb3: {  	v7 =	vor.u32 $0x3, v2;
	v4 =	vld.idx.msk [tilespmem:v2+s26+$0x0], $0xffff  }
0xb4: {  	v8 =	vld.idx.msk [tilespmem:v6+s26+$0x0], $0xffff  }
0xb5: {  	v9 =	vor.u32 $0x4, v2;
	v6 =	vld.idx.msk [tilespmem:v6+s28+$0x0], $0xffff  }
0xb6: {  	v10 =	vld.idx.msk [tilespmem:v5+s26+$0x0], $0xffff  }
0xb7: {  	v11 =	vor.u32 $0x5, v2;
	v5 =	vld.idx.msk [tilespmem:v5+s28+$0x0], $0xffff  }
0xb8: {  	v12 =	vld.idx.msk [tilespmem:v7+s26+$0x0], $0xffff  }
0xb9: {  	v3 =	vmul.f32 v3, v4;
	v4 =	vld.idx.msk [tilespmem:v7+s28+$0x0], $0xffff;
	v7 =	vor.u32 $0x6, v2  }
0xba: {  	v13 =	vld.idx.msk [tilespmem:v9+s26+$0x0], $0xffff  }
0xbb: {  	v3 =	vadd.f32 $0.0e+00, v3;
	v6 =	vmul.f32 v6, v8;
	v8 =	vld.idx.msk [tilespmem:v9+s28+$0x0], $0xffff;
	v9 =	vor.u32 $0x7, v2  }
0xbc: {  	v14 =	vld.idx.msk [tilespmem:v11+s26+$0x0], $0xffff  }
0xbd: {  	v3 =	vadd.f32 v6, v3;
	v5 =	vmul.f32 v5, v10;
	v10 =	vor.u32 $0x8, v2;
	v6 =	vld.idx.msk [tilespmem:v11+s28+$0x0], $0xffff  }
0xbe: {  	v11 =	vld.idx.msk [tilespmem:v7+s26+$0x0], $0xffff  }
0xbf: {  	v3 =	vadd.f32 v5, v3;
	v4 =	vmul.f32 v4, v12;
	v5 =	vld.idx.msk [tilespmem:v7+s28+$0x0], $0xffff;
	v7 =	vor.u32 $0x9, v2  }
0xc0: {  	v12 =	vld.idx.msk [tilespmem:v9+s26+$0x0], $0xffff  }
0xc1: {  	v3 =	vadd.f32 v4, v3;
	v4 =	vmul.f32 v8, v13;
	v8 =	vld.idx.msk [tilespmem:v9+s28+$0x0], $0xffff;
	v9 =	vor.u32 $0xA, v2  }
0xc2: {  	v13 =	vld.idx.msk [tilespmem:v10+s26+$0x0], $0xffff  }
0xc3: {  	v3 =	vadd.f32 v4, v3;
	v4 =	vmul.f32 v6, v14;
	v6 =	vld.idx.msk [tilespmem:v10+s28+$0x0], $0xffff;
	v10 =	vor.u32 $0xB, v2  }
0xc4: {  	v14 =	vld.idx.msk [tilespmem:v7+s26+$0x0], $0xffff  }
0xc5: {  	v3 =	vadd.f32 v4, v3;
	v4 =	vmul.f32 v5, v11;
	v5 =	vld.idx.msk [tilespmem:v7+s28+$0x0], $0xffff;
	v7 =	vor.u32 $0xC, v2  }
0xc6: {  	v11 =	vld.idx.msk [tilespmem:v9+s26+$0x0], $0xffff  }
0xc7: {  	v3 =	vadd.f32 v4, v3;
	v4 =	vmul.f32 v8, v12;
	v8 =	vld.idx.msk [tilespmem:v9+s28+$0x0], $0xffff;
	v9 =	vor.u32 $0xD, v2  }
0xc8: {  	v12 =	vld.idx.msk [tilespmem:v10+s26+$0x0], $0xffff  }
0xc9: {  	v3 =	vadd.f32 v4, v3;
	v4 =	vmul.f32 v6, v13;
	v6 =	vld.idx.msk [tilespmem:v10+s28+$0x0], $0xffff;
	v10 =	vor.u32 $0xE, v2  }
0xca: {  	v13 =	vld.idx.msk [tilespmem:v7+s26+$0x0], $0xffff  }
0xcb: {  	v3 =	vadd.f32 v4, v3;
	v4 =	vmul.f32 v5, v14;
	v5 =	vld.idx.msk [tilespmem:v7+s28+$0x0], $0xffff;
	v7 =	vor.u32 $0xF, v2  }
0xcc: {  	v14 =	vld.idx.msk [tilespmem:v9+s26+$0x0], $0xffff  }
0xcd: {  	v3 =	vadd.f32 v4, v3;
	v4 =	vmul.f32 v8, v11;
	v8 =	vld.idx.msk [tilespmem:v9+s28+$0x0], $0xffff;
	v9 =	vor.u32 $0x10, v2  }
0xce: {  	v11 =	vld.idx.msk [tilespmem:v10+s26+$0x0], $0xffff  }
0xcf: {  	v3 =	vadd.f32 v4, v3;
	v4 =	vmul.f32 v6, v12;
	v6 =	vld.idx.msk [tilespmem:v10+s28+$0x0], $0xffff;
	v10 =	vor.u32 $0x11, v2  }
0xd0: {  	v12 =	vld.idx.msk [tilespmem:v7+s26+$0x0], $0xffff  }
0xd1: {  	v3 =	vadd.f32 v4, v3;
	v4 =	vmul.f32 v5, v13;
	v5 =	vld.idx.msk [tilespmem:v7+s28+$0x0], $0xffff;
	v7 =	vor.u32 $0x12, v2  }
0xd2: {  	v13 =	vld.idx.msk [tilespmem:v9+s26+$0x0], $0xffff  }
0xd3: {  	v3 =	vadd.f32 v4, v3;
	v4 =	vmul.f32 v8, v14;
	v8 =	vld.idx.msk [tilespmem:v9+s28+$0x0], $0xffff;
	v9 =	vor.u32 $0x13, v2  }
0xd4: {  	v14 =	vld.idx.msk [tilespmem:v10+s26+$0x0], $0xffff  }
0xd5: {  	v3 =	vadd.f32 v4, v3;
	v4 =	vmul.f32 v6, v11;
	v6 =	vld.idx.msk [tilespmem:v10+s28+$0x0], $0xffff;
	v10 =	vor.u32 $0x14, v2  }
0xd6: {  	v11 =	vld.idx.msk [tilespmem:v7+s26+$0x0], $0xffff  }
0xd7: {  	v3 =	vadd.f32 v4, v3;
	v4 =	vmul.f32 v5, v12;
	v5 =	vld.idx.msk [tilespmem:v7+s28+$0x0], $0xffff;
	v7 =	vor.u32 $0x15, v2  }
0xd8: {  	v12 =	vld.idx.msk [tilespmem:v9+s26+$0x0], $0xffff  }
0xd9: {  	v3 =	vadd.f32 v4, v3;
	v4 =	vmul.f32 v8, v13;
	v8 =	vld.idx.msk [tilespmem:v9+s28+$0x0], $0xffff;
	v9 =	vor.u32 $0x16, v2  }
0xda: {  	v13 =	vld.idx.msk [tilespmem:v10+s26+$0x0], $0xffff  }
0xdb: {  	v3 =	vadd.f32 v4, v3;
	v4 =	vmul.f32 v6, v14;
	v6 =	vld.idx.msk [tilespmem:v10+s28+$0x0], $0xffff;
	v10 =	vor.u32 $0x17, v2  }
0xdc: {  	v14 =	vld.idx.msk [tilespmem:v7+s26+$0x0], $0xffff  }
0xdd: {  	v3 =	vadd.f32 v4, v3;
	v4 =	vmul.f32 v5, v11;
	v5 =	vld.idx.msk [tilespmem:v7+s28+$0x0], $0xffff;
	v7 =	vor.u32 $0x18, v2  }
0xde: {  	v11 =	vld.idx.msk [tilespmem:v9+s26+$0x0], $0xffff  }
0xdf: {  	v3 =	vadd.f32 v4, v3;
	v4 =	vmul.f32 v8, v12;
	v8 =	vld.idx.msk [tilespmem:v9+s28+$0x0], $0xffff;
	v9 =	vor.u32 $0x19, v2  }
0xe0: {  	v12 =	vld.idx.msk [tilespmem:v10+s26+$0x0], $0xffff  }
0xe1: {  	v3 =	vadd.f32 v4, v3;
	v4 =	vmul.f32 v6, v13;
	v6 =	vld.idx.msk [tilespmem:v10+s28+$0x0], $0xffff;
	v10 =	vor.u32 $0x1A, v2  }
0xe2: {  	v13 =	vld.idx.msk [tilespmem:v7+s26+$0x0], $0xffff  }
0xe3: {  	v3 =	vadd.f32 v4, v3;
	v4 =	vmul.f32 v5, v14;
	v5 =	vld.idx.msk [tilespmem:v7+s28+$0x0], $0xffff;
	v7 =	vor.u32 $0x1B, v2  }
0xe4: {  	v14 =	vld.idx.msk [tilespmem:v9+s26+$0x0], $0xffff  }
0xe5: {  	v3 =	vadd.f32 v4, v3;
	v4 =	vmul.f32 v8, v11;
	v8 =	vld.idx.msk [tilespmem:v9+s28+$0x0], $0xffff;
	v9 =	vor.u32 $0x1C, v2  }
0xe6: {  	v11 =	vld.idx.msk [tilespmem:v10+s26+$0x0], $0xffff  }
0xe7: {  	v3 =	vadd.f32 v4, v3;
	v4 =	vmul.f32 v6, v12;
	v6 =	vld.idx.msk [tilespmem:v10+s28+$0x0], $0xffff;
	v10 =	vor.u32 $0x1D, v2  }
0xe8: {  	v12 =	vld.idx.msk [tilespmem:v7+s26+$0x0], $0xffff  }
0xe9: {  	v3 =	vadd.f32 v4, v3;
	v4 =	vmul.f32 v5, v13;
	v5 =	vld.idx.msk [tilespmem:v7+s28+$0x0], $0xffff;
	v7 =	vor.u32 $0x1E, v2  }
0xea: {  	v13 =	vld.idx.msk [tilespmem:v9+s26+$0x0], $0xffff  }
0xeb: {  	v2 =	vor.u32 $0x1F, v2;
	v3 =	vadd.f32 v4, v3;
	v4 =	vmul.f32 v8, v14;
	v8 =	vld.idx.msk [tilespmem:v9+s28+$0x0], $0xffff  }
0xec: {  	v9 =	vld.idx.msk [tilespmem:v10+s26+$0x0], $0xffff  }
0xed: {  	v3 =	vadd.f32 v4, v3;
	v4 =	vmul.f32 v6, v11;
	v6 =	vld.idx.msk [tilespmem:v10+s28+$0x0], $0xffff  }
0xee: {  	v10 =	vld.idx.msk [tilespmem:v7+s26+$0x0], $0xffff  }
0xef: {  	v3 =	vadd.f32 v4, v3;
	v4 =	vmul.f32 v5, v12;
	v5 =	vld.idx.msk [tilespmem:v7+s28+$0x0], $0xffff  }
0xf0: {  	v7 =	vld.idx.msk [tilespmem:v2+s26+$0x0], $0xffff  }
0xf1: {  	v3 =	vadd.f32 v4, v3;
	v4 =	vmul.f32 v8, v13;
	v8 =	vld.idx.msk [tilespmem:v2+s28+$0x0], $0xffff;
	_ =	sdelay $0x1  }
.Ltmp0:
0xf2: {  	v2 =	vadd.f32 v4, v3;
	v3 =	vmul.f32 v6, v9;
	(pc) =	sbr.rel @p0 .LBB2_2-.Ltmp0, $4  }
0xf3: {  	_ = 	snop  }
0xf4: {  	v4 =	vadd.f32 v3, v2;
	v5 =	vmul.f32 v5, v10  }
0xf5: {  	v3 =	vshll.u32 v1, $0x3;
	v1 =	vor.u32 s17, v0  }
0xf6: {  	s17 =	sadd.s32 $0x10, s17;
	v2 =	vshll.u32 v1, $0x5;
	v4 =	vadd.f32 v5, v4;
	v5 =	vmul.f32 v8, v7  }
0xf7: {  	_ =	sdelay $0x1  }
0xf8: {  	v6 =	vor.u32 $0x1, v2;
	v4 =	vadd.f32 v5, v4;
	_ =	sdelay $0x1  }
0xf9: {  	v5 =	vor.u32 $0x2, v2;
	[tilespmem:v3+s5+$0x0] =	vst.idx.msk $0xffff, v4  }
0xfa: {  	v3 =	vld.idx.msk [tilespmem:v2+s28+$0x0], $0xffff  }
0xfb: {  	v7 =	vor.u32 $0x3, v2;
	v4 =	vld.idx.msk [tilespmem:v2+s26+$0x0], $0xffff  }
0xfc: {  	v8 =	vld.idx.msk [tilespmem:v6+s26+$0x0], $0xffff  }
0xfd: {  	v9 =	vor.u32 $0x4, v2;
	v6 =	vld.idx.msk [tilespmem:v6+s28+$0x0], $0xffff  }
0xfe: {  	v10 =	vld.idx.msk [tilespmem:v5+s26+$0x0], $0xffff  }
0xff: {  	v11 =	vor.u32 $0x5, v2;
	v5 =	vld.idx.msk [tilespmem:v5+s28+$0x0], $0xffff  }
0x100: {  	v12 =	vld.idx.msk [tilespmem:v7+s26+$0x0], $0xffff;
	v3 =	vmul.f32 v3, v4  }
0x101: {  	v4 =	vld.idx.msk [tilespmem:v7+s28+$0x0], $0xffff;
	v7 =	vor.u32 $0x6, v2  }
0x102: {  	v13 =	vld.idx.msk [tilespmem:v9+s26+$0x0], $0xffff;
	v6 =	vmul.f32 v6, v8;
	v3 =	vadd.f32 $0.0e+00, v3  }
0x103: {  	v53 =	vor.u32 $0x7, v2;
	v52 =	vld.idx.msk [tilespmem:v9+s28+$0x0], $0xffff  }
0x104: {  	v14 =	vld.idx.msk [tilespmem:v11+s26+$0x0], $0xffff;
	v5 =	vmul.f32 v5, v10;
	v3 =	vadd.f32 v6, v3  }
0x105: {  	v54 =	vor.u32 $0x8, v2;
	v6 =	vld.idx.msk [tilespmem:v11+s28+$0x0], $0xffff  }
0x106: {  	v55 =	vld.idx.msk [tilespmem:v7+s26+$0x0], $0xffff;
	v4 =	vmul.f32 v4, v12;
	v3 =	vadd.f32 v5, v3  }
0x107: {  	v5 =	vld.idx.msk [tilespmem:v7+s28+$0x0], $0xffff;
	v7 =	vor.u32 $0x9, v2  }
0x108: {  	v56 =	vld.idx.msk [tilespmem:v53+s26+$0x0], $0xffff;
	v3 =	vadd.f32 v4, v3;
	v4 =	vmul.f32 v52, v13  }
0x109: {  	v58 =	vor.u32 $0xA, v2;
	v57 =	vld.idx.msk [tilespmem:v53+s28+$0x0], $0xffff  }
0x10a: {  	v59 =	vld.idx.msk [tilespmem:v54+s26+$0x0], $0xffff;
	v3 =	vadd.f32 v4, v3;
	v4 =	vmul.f32 v6, v14  }
0x10b: {  	v60 =	vor.u32 $0xB, v2;
	v6 =	vld.idx.msk [tilespmem:v54+s28+$0x0], $0xffff  }
0x10c: {  	v61 =	vld.idx.msk [tilespmem:v7+s26+$0x0], $0xffff;
	v3 =	vadd.f32 v4, v3;
	v4 =	vmul.f32 v5, v55  }
0x10d: {  	v5 =	vld.idx.msk [tilespmem:v7+s28+$0x0], $0xffff;
	v7 =	vor.u32 $0xC, v2  }
0x10e: {  	v62 =	vld.idx.msk [tilespmem:v58+s26+$0x0], $0xffff;
	v3 =	vadd.f32 v4, v3;
	v4 =	vmul.f32 v57, v56  }
0x10f: {  	v16 =	vor.u32 $0xD, v2;
	v63 =	vld.idx.msk [tilespmem:v58+s28+$0x0], $0xffff  }
0x110: {  	v17 =	vld.idx.msk [tilespmem:v60+s26+$0x0], $0xffff;
	v3 =	vadd.f32 v4, v3;
	v4 =	vmul.f32 v6, v59  }
0x111: {  	v18 =	vor.u32 $0xE, v2;
	v6 =	vld.idx.msk [tilespmem:v60+s28+$0x0], $0xffff  }
0x112: {  	v19 =	vld.idx.msk [tilespmem:v7+s26+$0x0], $0xffff;
	v3 =	vadd.f32 v4, v3;
	v4 =	vmul.f32 v5, v61  }
0x113: {  	v5 =	vld.idx.msk [tilespmem:v7+s28+$0x0], $0xffff;
	v7 =	vor.u32 $0xF, v2  }
0x114: {  	v20 =	vld.idx.msk [tilespmem:v16+s26+$0x0], $0xffff;
	v3 =	vadd.f32 v4, v3;
	v4 =	vmul.f32 v63, v62  }
0x115: {  	v22 =	vor.u32 $0x10, v2;
	v21 =	vld.idx.msk [tilespmem:v16+s28+$0x0], $0xffff  }
0x116: {  	v23 =	vld.idx.msk [tilespmem:v18+s26+$0x0], $0xffff;
	v3 =	vadd.f32 v4, v3;
	v4 =	vmul.f32 v6, v17  }
0x117: {  	v24 =	vor.u32 $0x11, v2;
	v6 =	vld.idx.msk [tilespmem:v18+s28+$0x0], $0xffff  }
0x118: {  	v25 =	vld.idx.msk [tilespmem:v7+s26+$0x0], $0xffff;
	v3 =	vadd.f32 v4, v3;
	v4 =	vmul.f32 v5, v19  }
0x119: {  	v5 =	vld.idx.msk [tilespmem:v7+s28+$0x0], $0xffff;
	v7 =	vor.u32 $0x12, v2  }
0x11a: {  	v26 =	vld.idx.msk [tilespmem:v22+s26+$0x0], $0xffff;
	v3 =	vadd.f32 v4, v3;
	v4 =	vmul.f32 v21, v20  }
0x11b: {  	v28 =	vor.u32 $0x13, v2;
	v27 =	vld.idx.msk [tilespmem:v22+s28+$0x0], $0xffff  }
0x11c: {  	v29 =	vld.idx.msk [tilespmem:v24+s26+$0x0], $0xffff;
	v3 =	vadd.f32 v4, v3;
	v4 =	vmul.f32 v6, v23  }
0x11d: {  	v30 =	vor.u32 $0x14, v2;
	v6 =	vld.idx.msk [tilespmem:v24+s28+$0x0], $0xffff  }
0x11e: {  	v31 =	vld.idx.msk [tilespmem:v7+s26+$0x0], $0xffff;
	v3 =	vadd.f32 v4, v3;
	v4 =	vmul.f32 v5, v25  }
0x11f: {  	v5 =	vld.idx.msk [tilespmem:v7+s28+$0x0], $0xffff;
	v7 =	vor.u32 $0x15, v2  }
0x120: {  	v32 =	vld.idx.msk [tilespmem:v28+s26+$0x0], $0xffff;
	v3 =	vadd.f32 v4, v3;
	v4 =	vmul.f32 v27, v26  }
0x121: {  	v34 =	vor.u32 $0x16, v2;
	v33 =	vld.idx.msk [tilespmem:v28+s28+$0x0], $0xffff  }
0x122: {  	v35 =	vld.idx.msk [tilespmem:v30+s26+$0x0], $0xffff;
	v3 =	vadd.f32 v4, v3;
	v4 =	vmul.f32 v6, v29  }
0x123: {  	v36 =	vor.u32 $0x17, v2;
	v6 =	vld.idx.msk [tilespmem:v30+s28+$0x0], $0xffff  }
0x124: {  	v37 =	vld.idx.msk [tilespmem:v7+s26+$0x0], $0xffff;
	v3 =	vadd.f32 v4, v3;
	v4 =	vmul.f32 v5, v31  }
0x125: {  	v5 =	vld.idx.msk [tilespmem:v7+s28+$0x0], $0xffff;
	v7 =	vor.u32 $0x18, v2  }
0x126: {  	v38 =	vld.idx.msk [tilespmem:v34+s26+$0x0], $0xffff;
	v3 =	vadd.f32 v4, v3;
	v4 =	vmul.f32 v33, v32  }
0x127: {  	v40 =	vor.u32 $0x19, v2;
	v39 =	vld.idx.msk [tilespmem:v34+s28+$0x0], $0xffff  }
0x128: {  	v41 =	vld.idx.msk [tilespmem:v36+s26+$0x0], $0xffff;
	v3 =	vadd.f32 v4, v3;
	v4 =	vmul.f32 v6, v35  }
0x129: {  	v42 =	vor.u32 $0x1A, v2;
	v6 =	vld.idx.msk [tilespmem:v36+s28+$0x0], $0xffff  }
0x12a: {  	v43 =	vld.idx.msk [tilespmem:v7+s26+$0x0], $0xffff;
	v3 =	vadd.f32 v4, v3;
	v4 =	vmul.f32 v5, v37  }
0x12b: {  	v5 =	vld.idx.msk [tilespmem:v7+s28+$0x0], $0xffff;
	v7 =	vor.u32 $0x1B, v2  }
0x12c: {  	v44 =	vld.idx.msk [tilespmem:v40+s26+$0x0], $0xffff;
	v3 =	vadd.f32 v4, v3;
	v4 =	vmul.f32 v39, v38  }
0x12d: {  	v46 =	vor.u32 $0x1C, v2;
	v45 =	vld.idx.msk [tilespmem:v40+s28+$0x0], $0xffff  }
0x12e: {  	v47 =	vld.idx.msk [tilespmem:v42+s26+$0x0], $0xffff;
	v3 =	vadd.f32 v4, v3;
	v4 =	vmul.f32 v6, v41  }
0x12f: {  	v48 =	vor.u32 $0x1D, v2;
	v6 =	vld.idx.msk [tilespmem:v42+s28+$0x0], $0xffff  }
0x130: {  	v49 =	vld.idx.msk [tilespmem:v7+s26+$0x0], $0xffff;
	v3 =	vadd.f32 v4, v3;
	v4 =	vmul.f32 v5, v43  }
0x131: {  	v5 =	vld.idx.msk [tilespmem:v7+s28+$0x0], $0xffff;
	v7 =	vor.u32 $0x1E, v2  }
0x132: {  	v50 =	vld.idx.msk [tilespmem:v46+s26+$0x0], $0xffff;
	v3 =	vadd.f32 v4, v3;
	v4 =	vmul.f32 v45, v44  }
0x133: {  	v51 =	vld.idx.msk [tilespmem:v46+s28+$0x0], $0xffff;
	v2 =	vor.u32 $0x1F, v2  }
0x134: {  	v52 =	vld.idx.msk [tilespmem:v48+s26+$0x0], $0xffff;
	v3 =	vadd.f32 v4, v3;
	v4 =	vmul.f32 v6, v47  }
0x135: {  	v6 =	vld.idx.msk [tilespmem:v48+s28+$0x0], $0xffff  }
0x136: {  	v53 =	vld.idx.msk [tilespmem:v7+s26+$0x0], $0xffff;
	v3 =	vadd.f32 v4, v3;
	v4 =	vmul.f32 v5, v49  }
0x137: {  	v5 =	vld.idx.msk [tilespmem:v7+s28+$0x0], $0xffff  }
0x138: {  	v7 =	vld.idx.msk [tilespmem:v2+s26+$0x0], $0xffff;
	v3 =	vadd.f32 v4, v3;
	v4 =	vmul.f32 v51, v50  }
0x139: {  	v2 =	vld.idx.msk [tilespmem:v2+s28+$0x0], $0xffff  }
0x13a: {  	v3 =	vadd.f32 v4, v3;
	v4 =	vmul.f32 v6, v52;
	_ =	sdelay $0x1  }
0x13b: {  	v3 =	vadd.f32 v4, v3;
	v4 =	vmul.f32 v5, v53  }
0x13c: {  	v1 =	vshll.u32 v1, $0x3  }
0x13d: {  	v2 =	vmul.f32 v2, v7;
	v3 =	vadd.f32 v4, v3;
	_ =	sdelay $0x1  }
0x13e: {  	v2 =	vadd.f32 v2, v3;
	_ =	sdelay $0x1  }
0x13f: {  	s6 =	rddreg [dreg:$0x14];
	[tilespmem:v1+s5+$0x0] =	vst.idx.msk $0xffff, v2  }
0x140: {  	[hbm4b:s6+s1] =	stream.strided.scatter [tilespmem:s26], [sflag:$0x4], $0x4000, s7, s1, $0x38;
	[tilespmem:$0x1C400] =	vst v63  }
0x141: {  	s17 =	rddreg [dreg:$0x5]  }
0x142: {  	[hbm4b:s17+s1] =	stream.strided.scatter [tilespmem:s28], [sflag:$0x4], $0x4000, s7, s1, $0x38;
	[tilespmem:$0x1C400] =	vst v63  }
0x143: {  	s6 =	rddreg [dreg:$0x6]  }
0x144: {  	[hbm4b:s6+s8] =	stream.strided.scatter [tilespmem:s5], [sflag:$0x4], $0x1000, s7, s8, $0x38;
	[tilespmem:$0x1C400] =	vst v63  }
0x145: {  	_ =	swait.ge [sflag:s9], $0x1000  }
0x146: {  	[sflag:s9] =	ssyncset.done $0x0  }
0x147: {  	[sflag:s9] =	ssyncadd.s32 $0xFFFFF000  }
0x148: {  	_ =	swait.ge [sflag:s9], $0x1000  }
0x149: {  	[sflag:s9] =	ssyncset.done $0x0  }
0x14a: {  	[sflag:s9] =	ssyncadd.s32 $0xFFFFF000  }
0x14b: {  	_ =	swait.ge [sflag:s9], $0x1000  }
0x14c: {  	[sflag:s9] =	ssyncset.done $0x0  }
0x14d: {  	[sflag:s9] =	ssyncadd.s32 $0xFFFFF000  }
0x14e: {  	_ =	swait.ge [sflag:s9], $0x1000  }
0x14f: {  	[sflag:s9] =	ssyncset.done $0x0  }
0x150: {  	[sflag:s9] =	ssyncadd.s32 $0xFFFFF000  }
0x151: {  	_ =	swait.ge [sflag:s9], $0x1000  }
0x152: {  	[sflag:s9] =	ssyncset.done $0x0  }
0x153: {  	[sflag:s9] =	ssyncadd.s32 $0xFFFFF000  }
0x154: {  	_ =	swait.ge [sflag:s9], $0x1000  }
0x155: {  	[sflag:s9] =	ssyncset.done $0x0  }
0x156: {  	[sflag:s9] =	ssyncadd.s32 $0xFFFFF000  }
0x157: {  	_ =	swait.ge [sflag:s9], $0x1000  }
0x158: {  	[sflag:s9] =	ssyncset.done $0x0  }
0x159: {  	[sflag:s9] =	ssyncadd.s32 $0xFFFFF000  }
0x15a: {  	_ =	swait.ge [sflag:s9], $0x1000  }
0x15b: {  	[sflag:s9] =	ssyncset.done $0x0  }
0x15c: {  	[sflag:s9] =	ssyncadd.s32 $0xFFFFF000  }
0x15d: {  	_ =	swait.ge [sflag:s10], $0x4000  }
0x15e: {  	[sflag:s10] =	ssyncset.done $0x0  }
0x15f: {  	[sflag:s10] =	ssyncadd.s32 $0xFFFFC000  }
0x160: {  	_ =	swait.ge [sflag:s10], $0x4000  }
0x161: {  	[sflag:s10] =	ssyncset.done $0x0  }
0x162: {  	[sflag:s10] =	ssyncadd.s32 $0xFFFFC000  }
0x163: {  	_ =	swait.ge [sflag:s10], $0x1000  }
0x164: {  	[sflag:s10] =	ssyncset.done $0x0  }
0x165: {  	s17 =	simm.s32 $0x600;
	[sflag:s10] =	ssyncadd.s32 $0xFFFFF000  }
0x166: {  	[tilespmem:s26], [sflag:$0x1] =	stream.indirect.gather [hbm4b:s3+s25], $0x20, s17, s25, $0xb8;
	[tilespmem:$0x1C400] =	vst v63  }
0x167: {  	s17 =	simm.s32 $0x1000  }
0x168: {  	[tilespmem:s28], [sflag:$0x1] =	stream.indirect.gather [hbm4b:s4+s25], $0x20, s17, s25, $0xb8;
	[tilespmem:$0x1C400] =	vst v63  }
0x169: {  	s17 =	simm.s32 $0x680  }
0x16a: {  	[tilespmem:s18], [sflag:$0x1] =	stream.indirect.gather [hbm4b:s3+s25], $0x20, s17, s25, $0xb8;
	[tilespmem:$0x1C400] =	vst v63  }
0x16b: {  	s6 =	simm.s32 $0xE400;
	s18 =	simm.s32 $0x1080  }
0x16c: {  	[tilespmem:s6], [sflag:$0x1] =	stream.indirect.gather [hbm4b:s4+s25], $0x20, s18, s25, $0xb8;
	[tilespmem:$0x1C400] =	vst v63  }
0x16d: {  	s18 =	simm.s32 $0x700;
	s6 =	simm.s32 $0x0  }
0x16e: {  	[tilespmem:s19], [sflag:$0x1] =	stream.indirect.gather [hbm4b:s3+s25], $0x20, s18, s25, $0xb8;
	[tilespmem:$0x1C400] =	vst v63  }
0x16f: {  	v2 =	vor.u32 s6, v0;
	s18 =	simm.s32 $0xF400;
	s19 =	simm.s32 $0x1100  }
0x170: {  	v1 =	vshll.u32 v2, $0x5;
	[tilespmem:s18], [sflag:$0x1] =	stream.indirect.gather [hbm4b:s4+s25], $0x20, s19, s25, $0xb8;
	[tilespmem:$0x1C400] =	vst v63  }
0x171: {  	s17 =	simm.s32 $0x780  }
0x172: {  	v3 =	vor.u32 $0x1, v1;
	[tilespmem:s20], [sflag:$0x1] =	stream.indirect.gather [hbm4b:s3+s25], $0x20, s17, s25, $0xb8;
	[tilespmem:$0x1C400] =	vst v63  }
0x173: {  	s18 =	simm.s32 $0x10400;
	s19 =	simm.s32 $0x1180  }
0x174: {  	v4 =	vor.u32 $0x2, v1;
	[tilespmem:s18], [sflag:$0x1] =	stream.indirect.gather [hbm4b:s4+s25], $0x20, s19, s25, $0xb8;
	[tilespmem:$0x1C400] =	vst v63  }
0x175: {  	v5 =	vld.idx.msk [tilespmem:v1+s31+$0x0], $0xffff  }
0x176: {  	v7 =	vor.u32 $0x3, v1;
	v6 =	vld.idx.msk [tilespmem:v1+s29+$0x0], $0xffff  }
0x177: {  	v54 =	vld.idx.msk [tilespmem:v3+s29+$0x0], $0xffff  }
0x178: {  	v55 =	vor.u32 $0x4, v1;
	v3 =	vld.idx.msk [tilespmem:v3+s31+$0x0], $0xffff  }
0x179: {  	v56 =	vld.idx.msk [tilespmem:v4+s29+$0x0], $0xffff  }
0x17a: {  	v57 =	vor.u32 $0x5, v1;
	v4 =	vld.idx.msk [tilespmem:v4+s31+$0x0], $0xffff  }
0x17b: {  	v58 =	vld.idx.msk [tilespmem:v7+s29+$0x0], $0xffff;
	v5 =	vmul.f32 v5, v6  }
0x17c: {  	v6 =	vld.idx.msk [tilespmem:v7+s31+$0x0], $0xffff;
	v7 =	vor.u32 $0x6, v1  }
0x17d: {  	v59 =	vld.idx.msk [tilespmem:v55+s29+$0x0], $0xffff;
	v3 =	vmul.f32 v3, v54;
	v5 =	vadd.f32 $0.0e+00, v5  }
0x17e: {  	v61 =	vor.u32 $0x7, v1;
	v60 =	vld.idx.msk [tilespmem:v55+s31+$0x0], $0xffff  }
0x17f: {  	v62 =	vld.idx.msk [tilespmem:v57+s29+$0x0], $0xffff;
	v4 =	vmul.f32 v4, v56;
	v3 =	vadd.f32 v3, v5  }
0x180: {  	v63 =	vor.u32 $0x8, v1;
	v5 =	vld.idx.msk [tilespmem:v57+s31+$0x0], $0xffff  }
0x181: {  	v16 =	vld.idx.msk [tilespmem:v7+s29+$0x0], $0xffff;
	v3 =	vadd.f32 v4, v3;
	v4 =	vmul.f32 v6, v58  }
0x182: {  	v6 =	vld.idx.msk [tilespmem:v7+s31+$0x0], $0xffff;
	v7 =	vor.u32 $0x9, v1  }
0x183: {  	v17 =	vld.idx.msk [tilespmem:v61+s29+$0x0], $0xffff;
	v3 =	vadd.f32 v4, v3;
	v4 =	vmul.f32 v60, v59  }
0x184: {  	v19 =	vor.u32 $0xA, v1;
	v18 =	vld.idx.msk [tilespmem:v61+s31+$0x0], $0xffff  }
0x185: {  	v20 =	vld.idx.msk [tilespmem:v63+s29+$0x0], $0xffff;
	v3 =	vadd.f32 v4, v3;
	v4 =	vmul.f32 v5, v62  }
0x186: {  	v21 =	vor.u32 $0xB, v1;
	v5 =	vld.idx.msk [tilespmem:v63+s31+$0x0], $0xffff  }
0x187: {  	v22 =	vld.idx.msk [tilespmem:v7+s29+$0x0], $0xffff;
	v3 =	vadd.f32 v4, v3;
	v4 =	vmul.f32 v6, v16  }
0x188: {  	v6 =	vld.idx.msk [tilespmem:v7+s31+$0x0], $0xffff;
	v7 =	vor.u32 $0xC, v1  }
0x189: {  	v23 =	vld.idx.msk [tilespmem:v19+s29+$0x0], $0xffff;
	v3 =	vadd.f32 v4, v3;
	v4 =	vmul.f32 v18, v17  }
0x18a: {  	v25 =	vor.u32 $0xD, v1;
	v24 =	vld.idx.msk [tilespmem:v19+s31+$0x0], $0xffff  }
0x18b: {  	v26 =	vld.idx.msk [tilespmem:v21+s29+$0x0], $0xffff;
	v3 =	vadd.f32 v4, v3;
	v4 =	vmul.f32 v5, v20  }
0x18c: {  	v27 =	vor.u32 $0xE, v1;
	v5 =	vld.idx.msk [tilespmem:v21+s31+$0x0], $0xffff  }
0x18d: {  	v28 =	vld.idx.msk [tilespmem:v7+s29+$0x0], $0xffff;
	v3 =	vadd.f32 v4, v3;
	v4 =	vmul.f32 v6, v22  }
0x18e: {  	v6 =	vld.idx.msk [tilespmem:v7+s31+$0x0], $0xffff;
	v7 =	vor.u32 $0xF, v1  }
0x18f: {  	v29 =	vld.idx.msk [tilespmem:v25+s29+$0x0], $0xffff;
	v3 =	vadd.f32 v4, v3;
	v4 =	vmul.f32 v24, v23  }
0x190: {  	v31 =	vor.u32 $0x10, v1;
	v30 =	vld.idx.msk [tilespmem:v25+s31+$0x0], $0xffff  }
0x191: {  	v32 =	vld.idx.msk [tilespmem:v27+s29+$0x0], $0xffff;
	v3 =	vadd.f32 v4, v3;
	v4 =	vmul.f32 v5, v26  }
0x192: {  	v33 =	vor.u32 $0x11, v1;
	v5 =	vld.idx.msk [tilespmem:v27+s31+$0x0], $0xffff  }
0x193: {  	v34 =	vld.idx.msk [tilespmem:v7+s29+$0x0], $0xffff;
	v3 =	vadd.f32 v4, v3;
	v4 =	vmul.f32 v6, v28  }
0x194: {  	v6 =	vld.idx.msk [tilespmem:v7+s31+$0x0], $0xffff;
	v7 =	vor.u32 $0x12, v1  }
0x195: {  	v35 =	vld.idx.msk [tilespmem:v31+s29+$0x0], $0xffff;
	v3 =	vadd.f32 v4, v3;
	v4 =	vmul.f32 v30, v29  }
0x196: {  	v37 =	vor.u32 $0x13, v1;
	v36 =	vld.idx.msk [tilespmem:v31+s31+$0x0], $0xffff  }
0x197: {  	v38 =	vld.idx.msk [tilespmem:v33+s29+$0x0], $0xffff;
	v3 =	vadd.f32 v4, v3;
	v4 =	vmul.f32 v5, v32  }
0x198: {  	v39 =	vor.u32 $0x14, v1;
	v5 =	vld.idx.msk [tilespmem:v33+s31+$0x0], $0xffff  }
0x199: {  	v40 =	vld.idx.msk [tilespmem:v7+s29+$0x0], $0xffff;
	v3 =	vadd.f32 v4, v3;
	v4 =	vmul.f32 v6, v34  }
0x19a: {  	v6 =	vld.idx.msk [tilespmem:v7+s31+$0x0], $0xffff;
	v7 =	vor.u32 $0x15, v1  }
0x19b: {  	v41 =	vld.idx.msk [tilespmem:v37+s29+$0x0], $0xffff;
	v3 =	vadd.f32 v4, v3;
	v4 =	vmul.f32 v36, v35  }
0x19c: {  	v43 =	vor.u32 $0x16, v1;
	v42 =	vld.idx.msk [tilespmem:v37+s31+$0x0], $0xffff  }
0x19d: {  	v44 =	vld.idx.msk [tilespmem:v39+s29+$0x0], $0xffff;
	v3 =	vadd.f32 v4, v3;
	v4 =	vmul.f32 v5, v38  }
0x19e: {  	v45 =	vor.u32 $0x17, v1;
	v5 =	vld.idx.msk [tilespmem:v39+s31+$0x0], $0xffff  }
0x19f: {  	v46 =	vld.idx.msk [tilespmem:v7+s29+$0x0], $0xffff;
	v3 =	vadd.f32 v4, v3;
	v4 =	vmul.f32 v6, v40  }
0x1a0: {  	v6 =	vld.idx.msk [tilespmem:v7+s31+$0x0], $0xffff;
	v7 =	vor.u32 $0x18, v1  }
0x1a1: {  	v47 =	vld.idx.msk [tilespmem:v43+s29+$0x0], $0xffff;
	v3 =	vadd.f32 v4, v3;
	v4 =	vmul.f32 v42, v41  }
0x1a2: {  	v49 =	vor.u32 $0x19, v1;
	v48 =	vld.idx.msk [tilespmem:v43+s31+$0x0], $0xffff  }
0x1a3: {  	v50 =	vld.idx.msk [tilespmem:v45+s29+$0x0], $0xffff;
	v3 =	vadd.f32 v4, v3;
	v4 =	vmul.f32 v5, v44  }
0x1a4: {  	v51 =	vor.u32 $0x1A, v1;
	v5 =	vld.idx.msk [tilespmem:v45+s31+$0x0], $0xffff  }
0x1a5: {  	v52 =	vld.idx.msk [tilespmem:v7+s29+$0x0], $0xffff;
	v3 =	vadd.f32 v4, v3;
	v4 =	vmul.f32 v6, v46  }
0x1a6: {  	v6 =	vld.idx.msk [tilespmem:v7+s31+$0x0], $0xffff;
	v7 =	vor.u32 $0x1B, v1  }
0x1a7: {  	v53 =	vld.idx.msk [tilespmem:v49+s29+$0x0], $0xffff;
	v3 =	vadd.f32 v4, v3;
	v4 =	vmul.f32 v48, v47  }
0x1a8: {  	v55 =	vor.u32 $0x1C, v1;
	v54 =	vld.idx.msk [tilespmem:v49+s31+$0x0], $0xffff  }
0x1a9: {  	v56 =	vld.idx.msk [tilespmem:v51+s29+$0x0], $0xffff;
	v3 =	vadd.f32 v4, v3;
	v4 =	vmul.f32 v5, v50  }
0x1aa: {  	v57 =	vor.u32 $0x1D, v1;
	v5 =	vld.idx.msk [tilespmem:v51+s31+$0x0], $0xffff  }
0x1ab: {  	v58 =	vld.idx.msk [tilespmem:v7+s29+$0x0], $0xffff;
	v3 =	vadd.f32 v4, v3;
	v4 =	vmul.f32 v6, v52  }
0x1ac: {  	v6 =	vld.idx.msk [tilespmem:v7+s31+$0x0], $0xffff;
	v7 =	vor.u32 $0x1E, v1  }
0x1ad: {  	v59 =	vld.idx.msk [tilespmem:v55+s29+$0x0], $0xffff;
	v3 =	vadd.f32 v4, v3;
	v4 =	vmul.f32 v54, v53  }
0x1ae: {  	v60 =	vld.idx.msk [tilespmem:v55+s31+$0x0], $0xffff;
	v1 =	vor.u32 $0x1F, v1  }
0x1af: {  	v61 =	vld.idx.msk [tilespmem:v57+s29+$0x0], $0xffff;
	v3 =	vadd.f32 v4, v3;
	v4 =	vmul.f32 v5, v56  }
0x1b0: {  	v5 =	vld.idx.msk [tilespmem:v57+s31+$0x0], $0xffff  }
0x1b1: {  	v62 =	vld.idx.msk [tilespmem:v7+s29+$0x0], $0xffff;
	v3 =	vadd.f32 v4, v3;
	v4 =	vmul.f32 v6, v58  }
0x1b2: {  	v6 =	vld.idx.msk [tilespmem:v7+s31+$0x0], $0xffff  }
0x1b3: {  	v63 =	vld.idx.msk [tilespmem:v1+s31+$0x0], $0xffff;
	v3 =	vadd.f32 v4, v3;
	v4 =	vmul.f32 v60, v59  }
0x1b4: {  	v7 =	vld.idx.msk [tilespmem:v1+s29+$0x0], $0xffff  }
0x1b5: {  	v1 =	vadd.f32 v4, v3;
	v3 =	vmul.f32 v5, v61;
	_ =	sdelay $0x1  }
0x1b6: {  	s20 =	simm.s32 $0x10;
	v5 =	vmul.f32 v6, v62;
	v4 =	vadd.f32 v3, v1  }
0x1b7: {  	v1 =	vor.u32 s20, v0;
	v3 =	vshll.u32 v2, $0x3  }
0x1b8: {  	s17 =	simm.s32 $0x20;
	v2 =	vshll.u32 v1, $0x5;
	v4 =	vadd.f32 v5, v4;
	v5 =	vmul.f32 v63, v7  }
.LBB2_4:
0x1b9: {  	p0 =	sne.s32 s17, $0x1F0  }
0x1ba: {  	v6 =	vor.u32 $0x1, v2;
	v4 =	vadd.f32 v5, v4;
	_ =	sdelay $0x1  }
0x1bb: {  	v5 =	vor.u32 $0x2, v2;
	[tilespmem:v3+s11+$0x0] =	vst.idx.msk $0xffff, v4  }
0x1bc: {  	v3 =	vld.idx.msk [tilespmem:v2+s31+$0x0], $0xffff  }
0x1bd: {  	v7 =	vor.u32 $0x3, v2;
	v4 =	vld.idx.msk [tilespmem:v2+s29+$0x0], $0xffff  }
0x1be: {  	v8 =	vld.idx.msk [tilespmem:v6+s29+$0x0], $0xffff  }
0x1bf: {  	v9 =	vor.u32 $0x4, v2;
	v6 =	vld.idx.msk [tilespmem:v6+s31+$0x0], $0xffff  }
0x1c0: {  	v10 =	vld.idx.msk [tilespmem:v5+s29+$0x0], $0xffff  }
0x1c1: {  	v11 =	vor.u32 $0x5, v2;
	v5 =	vld.idx.msk [tilespmem:v5+s31+$0x0], $0xffff  }
0x1c2: {  	v12 =	vld.idx.msk [tilespmem:v7+s29+$0x0], $0xffff  }
0x1c3: {  	v3 =	vmul.f32 v3, v4;
	v4 =	vld.idx.msk [tilespmem:v7+s31+$0x0], $0xffff;
	v7 =	vor.u32 $0x6, v2  }
0x1c4: {  	v13 =	vld.idx.msk [tilespmem:v9+s29+$0x0], $0xffff  }
0x1c5: {  	v3 =	vadd.f32 $0.0e+00, v3;
	v6 =	vmul.f32 v6, v8;
	v8 =	vld.idx.msk [tilespmem:v9+s31+$0x0], $0xffff;
	v9 =	vor.u32 $0x7, v2  }
0x1c6: {  	v14 =	vld.idx.msk [tilespmem:v11+s29+$0x0], $0xffff  }
0x1c7: {  	v3 =	vadd.f32 v6, v3;
	v5 =	vmul.f32 v5, v10;
	v10 =	vor.u32 $0x8, v2;
	v6 =	vld.idx.msk [tilespmem:v11+s31+$0x0], $0xffff  }
0x1c8: {  	v11 =	vld.idx.msk [tilespmem:v7+s29+$0x0], $0xffff  }
0x1c9: {  	v3 =	vadd.f32 v5, v3;
	v4 =	vmul.f32 v4, v12;
	v5 =	vld.idx.msk [tilespmem:v7+s31+$0x0], $0xffff;
	v7 =	vor.u32 $0x9, v2  }
0x1ca: {  	v12 =	vld.idx.msk [tilespmem:v9+s29+$0x0], $0xffff  }
0x1cb: {  	v3 =	vadd.f32 v4, v3;
	v4 =	vmul.f32 v8, v13;
	v8 =	vld.idx.msk [tilespmem:v9+s31+$0x0], $0xffff;
	v9 =	vor.u32 $0xA, v2  }
0x1cc: {  	v13 =	vld.idx.msk [tilespmem:v10+s29+$0x0], $0xffff  }
0x1cd: {  	v3 =	vadd.f32 v4, v3;
	v4 =	vmul.f32 v6, v14;
	v6 =	vld.idx.msk [tilespmem:v10+s31+$0x0], $0xffff;
	v10 =	vor.u32 $0xB, v2  }
0x1ce: {  	v14 =	vld.idx.msk [tilespmem:v7+s29+$0x0], $0xffff  }
0x1cf: {  	v3 =	vadd.f32 v4, v3;
	v4 =	vmul.f32 v5, v11;
	v5 =	vld.idx.msk [tilespmem:v7+s31+$0x0], $0xffff;
	v7 =	vor.u32 $0xC, v2  }
0x1d0: {  	v11 =	vld.idx.msk [tilespmem:v9+s29+$0x0], $0xffff  }
0x1d1: {  	v3 =	vadd.f32 v4, v3;
	v4 =	vmul.f32 v8, v12;
	v8 =	vld.idx.msk [tilespmem:v9+s31+$0x0], $0xffff;
	v9 =	vor.u32 $0xD, v2  }
0x1d2: {  	v12 =	vld.idx.msk [tilespmem:v10+s29+$0x0], $0xffff  }
0x1d3: {  	v3 =	vadd.f32 v4, v3;
	v4 =	vmul.f32 v6, v13;
	v6 =	vld.idx.msk [tilespmem:v10+s31+$0x0], $0xffff;
	v10 =	vor.u32 $0xE, v2  }
0x1d4: {  	v13 =	vld.idx.msk [tilespmem:v7+s29+$0x0], $0xffff  }
0x1d5: {  	v3 =	vadd.f32 v4, v3;
	v4 =	vmul.f32 v5, v14;
	v5 =	vld.idx.msk [tilespmem:v7+s31+$0x0], $0xffff;
	v7 =	vor.u32 $0xF, v2  }
0x1d6: {  	v14 =	vld.idx.msk [tilespmem:v9+s29+$0x0], $0xffff  }
0x1d7: {  	v3 =	vadd.f32 v4, v3;
	v4 =	vmul.f32 v8, v11;
	v8 =	vld.idx.msk [tilespmem:v9+s31+$0x0], $0xffff;
	v9 =	vor.u32 $0x10, v2  }
0x1d8: {  	v11 =	vld.idx.msk [tilespmem:v10+s29+$0x0], $0xffff  }
0x1d9: {  	v3 =	vadd.f32 v4, v3;
	v4 =	vmul.f32 v6, v12;
	v6 =	vld.idx.msk [tilespmem:v10+s31+$0x0], $0xffff;
	v10 =	vor.u32 $0x11, v2  }
0x1da: {  	v12 =	vld.idx.msk [tilespmem:v7+s29+$0x0], $0xffff  }
0x1db: {  	v3 =	vadd.f32 v4, v3;
	v4 =	vmul.f32 v5, v13;
	v5 =	vld.idx.msk [tilespmem:v7+s31+$0x0], $0xffff;
	v7 =	vor.u32 $0x12, v2  }
0x1dc: {  	v13 =	vld.idx.msk [tilespmem:v9+s29+$0x0], $0xffff  }
0x1dd: {  	v3 =	vadd.f32 v4, v3;
	v4 =	vmul.f32 v8, v14;
	v8 =	vld.idx.msk [tilespmem:v9+s31+$0x0], $0xffff;
	v9 =	vor.u32 $0x13, v2  }
0x1de: {  	v14 =	vld.idx.msk [tilespmem:v10+s29+$0x0], $0xffff  }
0x1df: {  	v3 =	vadd.f32 v4, v3;
	v4 =	vmul.f32 v6, v11;
	v6 =	vld.idx.msk [tilespmem:v10+s31+$0x0], $0xffff;
	v10 =	vor.u32 $0x14, v2  }
0x1e0: {  	v11 =	vld.idx.msk [tilespmem:v7+s29+$0x0], $0xffff  }
0x1e1: {  	v3 =	vadd.f32 v4, v3;
	v4 =	vmul.f32 v5, v12;
	v5 =	vld.idx.msk [tilespmem:v7+s31+$0x0], $0xffff;
	v7 =	vor.u32 $0x15, v2  }
0x1e2: {  	v12 =	vld.idx.msk [tilespmem:v9+s29+$0x0], $0xffff  }
0x1e3: {  	v3 =	vadd.f32 v4, v3;
	v4 =	vmul.f32 v8, v13;
	v8 =	vld.idx.msk [tilespmem:v9+s31+$0x0], $0xffff;
	v9 =	vor.u32 $0x16, v2  }
0x1e4: {  	v13 =	vld.idx.msk [tilespmem:v10+s29+$0x0], $0xffff  }
0x1e5: {  	v3 =	vadd.f32 v4, v3;
	v4 =	vmul.f32 v6, v14;
	v6 =	vld.idx.msk [tilespmem:v10+s31+$0x0], $0xffff;
	v10 =	vor.u32 $0x17, v2  }
0x1e6: {  	v14 =	vld.idx.msk [tilespmem:v7+s29+$0x0], $0xffff  }
0x1e7: {  	v3 =	vadd.f32 v4, v3;
	v4 =	vmul.f32 v5, v11;
	v5 =	vld.idx.msk [tilespmem:v7+s31+$0x0], $0xffff;
	v7 =	vor.u32 $0x18, v2  }
0x1e8: {  	v11 =	vld.idx.msk [tilespmem:v9+s29+$0x0], $0xffff  }
0x1e9: {  	v3 =	vadd.f32 v4, v3;
	v4 =	vmul.f32 v8, v12;
	v8 =	vld.idx.msk [tilespmem:v9+s31+$0x0], $0xffff;
	v9 =	vor.u32 $0x19, v2  }
0x1ea: {  	v12 =	vld.idx.msk [tilespmem:v10+s29+$0x0], $0xffff  }
0x1eb: {  	v3 =	vadd.f32 v4, v3;
	v4 =	vmul.f32 v6, v13;
	v6 =	vld.idx.msk [tilespmem:v10+s31+$0x0], $0xffff;
	v10 =	vor.u32 $0x1A, v2  }
0x1ec: {  	v13 =	vld.idx.msk [tilespmem:v7+s29+$0x0], $0xffff  }
0x1ed: {  	v3 =	vadd.f32 v4, v3;
	v4 =	vmul.f32 v5, v14;
	v5 =	vld.idx.msk [tilespmem:v7+s31+$0x0], $0xffff;
	v7 =	vor.u32 $0x1B, v2  }
0x1ee: {  	v14 =	vld.idx.msk [tilespmem:v9+s29+$0x0], $0xffff  }
0x1ef: {  	v3 =	vadd.f32 v4, v3;
	v4 =	vmul.f32 v8, v11;
	v8 =	vld.idx.msk [tilespmem:v9+s31+$0x0], $0xffff;
	v9 =	vor.u32 $0x1C, v2  }
0x1f0: {  	v11 =	vld.idx.msk [tilespmem:v10+s29+$0x0], $0xffff  }
0x1f1: {  	v3 =	vadd.f32 v4, v3;
	v4 =	vmul.f32 v6, v12;
	v6 =	vld.idx.msk [tilespmem:v10+s31+$0x0], $0xffff;
	v10 =	vor.u32 $0x1D, v2  }
0x1f2: {  	v12 =	vld.idx.msk [tilespmem:v7+s29+$0x0], $0xffff  }
0x1f3: {  	v3 =	vadd.f32 v4, v3;
	v4 =	vmul.f32 v5, v13;
	v5 =	vld.idx.msk [tilespmem:v7+s31+$0x0], $0xffff;
	v7 =	vor.u32 $0x1E, v2  }
0x1f4: {  	v13 =	vld.idx.msk [tilespmem:v9+s29+$0x0], $0xffff  }
0x1f5: {  	v2 =	vor.u32 $0x1F, v2;
	v3 =	vadd.f32 v4, v3;
	v4 =	vmul.f32 v8, v14;
	v8 =	vld.idx.msk [tilespmem:v9+s31+$0x0], $0xffff  }
0x1f6: {  	v9 =	vld.idx.msk [tilespmem:v10+s29+$0x0], $0xffff  }
0x1f7: {  	v3 =	vadd.f32 v4, v3;
	v4 =	vmul.f32 v6, v11;
	v6 =	vld.idx.msk [tilespmem:v10+s31+$0x0], $0xffff  }
0x1f8: {  	v10 =	vld.idx.msk [tilespmem:v7+s29+$0x0], $0xffff  }
0x1f9: {  	v3 =	vadd.f32 v4, v3;
	v4 =	vmul.f32 v5, v12;
	v5 =	vld.idx.msk [tilespmem:v7+s31+$0x0], $0xffff  }
0x1fa: {  	v7 =	vld.idx.msk [tilespmem:v2+s29+$0x0], $0xffff  }
0x1fb: {  	v3 =	vadd.f32 v4, v3;
	v4 =	vmul.f32 v8, v13;
	v8 =	vld.idx.msk [tilespmem:v2+s31+$0x0], $0xffff;
	_ =	sdelay $0x1  }
.Ltmp1:
0x1fc: {  	v2 =	vadd.f32 v4, v3;
	v3 =	vmul.f32 v6, v9;
	(pc) =	sbr.rel @p0 .LBB2_4-.Ltmp1, $4  }
0x1fd: {  	_ = 	snop  }
0x1fe: {  	v4 =	vadd.f32 v3, v2;
	v5 =	vmul.f32 v5, v10  }
0x1ff: {  	v3 =	vshll.u32 v1, $0x3;
	v1 =	vor.u32 s17, v0  }
0x200: {  	s17 =	sadd.s32 $0x10, s17;
	v2 =	vshll.u32 v1, $0x5;
	v4 =	vadd.f32 v5, v4;
	v5 =	vmul.f32 v8, v7  }
0x201: {  	_ =	sdelay $0x1  }
0x202: {  	v6 =	vor.u32 $0x1, v2;
	v4 =	vadd.f32 v5, v4;
	_ =	sdelay $0x1  }
0x203: {  	v5 =	vor.u32 $0x2, v2;
	[tilespmem:v3+s11+$0x0] =	vst.idx.msk $0xffff, v4  }
0x204: {  	v3 =	vld.idx.msk [tilespmem:v2+s31+$0x0], $0xffff  }
0x205: {  	v7 =	vor.u32 $0x3, v2;
	v4 =	vld.idx.msk [tilespmem:v2+s29+$0x0], $0xffff  }
0x206: {  	v8 =	vld.idx.msk [tilespmem:v6+s29+$0x0], $0xffff  }
0x207: {  	v9 =	vor.u32 $0x4, v2;
	v6 =	vld.idx.msk [tilespmem:v6+s31+$0x0], $0xffff  }
0x208: {  	v10 =	vld.idx.msk [tilespmem:v5+s29+$0x0], $0xffff  }
0x209: {  	v11 =	vor.u32 $0x5, v2;
	v5 =	vld.idx.msk [tilespmem:v5+s31+$0x0], $0xffff  }
0x20a: {  	v12 =	vld.idx.msk [tilespmem:v7+s29+$0x0], $0xffff;
	v3 =	vmul.f32 v3, v4  }
0x20b: {  	v4 =	vld.idx.msk [tilespmem:v7+s31+$0x0], $0xffff;
	v7 =	vor.u32 $0x6, v2  }
0x20c: {  	v13 =	vld.idx.msk [tilespmem:v9+s29+$0x0], $0xffff;
	v6 =	vmul.f32 v6, v8;
	v3 =	vadd.f32 $0.0e+00, v3  }
0x20d: {  	v53 =	vor.u32 $0x7, v2;
	v52 =	vld.idx.msk [tilespmem:v9+s31+$0x0], $0xffff  }
0x20e: {  	v14 =	vld.idx.msk [tilespmem:v11+s29+$0x0], $0xffff;
	v5 =	vmul.f32 v5, v10;
	v3 =	vadd.f32 v6, v3  }
0x20f: {  	v54 =	vor.u32 $0x8, v2;
	v6 =	vld.idx.msk [tilespmem:v11+s31+$0x0], $0xffff  }
0x210: {  	v55 =	vld.idx.msk [tilespmem:v7+s29+$0x0], $0xffff;
	v4 =	vmul.f32 v4, v12;
	v3 =	vadd.f32 v5, v3  }
0x211: {  	v5 =	vld.idx.msk [tilespmem:v7+s31+$0x0], $0xffff;
	v7 =	vor.u32 $0x9, v2  }
0x212: {  	v56 =	vld.idx.msk [tilespmem:v53+s29+$0x0], $0xffff;
	v3 =	vadd.f32 v4, v3;
	v4 =	vmul.f32 v52, v13  }
0x213: {  	v58 =	vor.u32 $0xA, v2;
	v57 =	vld.idx.msk [tilespmem:v53+s31+$0x0], $0xffff  }
0x214: {  	v59 =	vld.idx.msk [tilespmem:v54+s29+$0x0], $0xffff;
	v3 =	vadd.f32 v4, v3;
	v4 =	vmul.f32 v6, v14  }
0x215: {  	v60 =	vor.u32 $0xB, v2;
	v6 =	vld.idx.msk [tilespmem:v54+s31+$0x0], $0xffff  }
0x216: {  	v61 =	vld.idx.msk [tilespmem:v7+s29+$0x0], $0xffff;
	v3 =	vadd.f32 v4, v3;
	v4 =	vmul.f32 v5, v55  }
0x217: {  	v5 =	vld.idx.msk [tilespmem:v7+s31+$0x0], $0xffff;
	v7 =	vor.u32 $0xC, v2  }
0x218: {  	v62 =	vld.idx.msk [tilespmem:v58+s29+$0x0], $0xffff;
	v3 =	vadd.f32 v4, v3;
	v4 =	vmul.f32 v57, v56  }
0x219: {  	v16 =	vor.u32 $0xD, v2;
	v63 =	vld.idx.msk [tilespmem:v58+s31+$0x0], $0xffff  }
0x21a: {  	v17 =	vld.idx.msk [tilespmem:v60+s29+$0x0], $0xffff;
	v3 =	vadd.f32 v4, v3;
	v4 =	vmul.f32 v6, v59  }
0x21b: {  	v18 =	vor.u32 $0xE, v2;
	v6 =	vld.idx.msk [tilespmem:v60+s31+$0x0], $0xffff  }
0x21c: {  	v19 =	vld.idx.msk [tilespmem:v7+s29+$0x0], $0xffff;
	v3 =	vadd.f32 v4, v3;
	v4 =	vmul.f32 v5, v61  }
0x21d: {  	v5 =	vld.idx.msk [tilespmem:v7+s31+$0x0], $0xffff;
	v7 =	vor.u32 $0xF, v2  }
0x21e: {  	v20 =	vld.idx.msk [tilespmem:v16+s29+$0x0], $0xffff;
	v3 =	vadd.f32 v4, v3;
	v4 =	vmul.f32 v63, v62  }
0x21f: {  	v22 =	vor.u32 $0x10, v2;
	v21 =	vld.idx.msk [tilespmem:v16+s31+$0x0], $0xffff  }
0x220: {  	v23 =	vld.idx.msk [tilespmem:v18+s29+$0x0], $0xffff;
	v3 =	vadd.f32 v4, v3;
	v4 =	vmul.f32 v6, v17  }
0x221: {  	v24 =	vor.u32 $0x11, v2;
	v6 =	vld.idx.msk [tilespmem:v18+s31+$0x0], $0xffff  }
0x222: {  	v25 =	vld.idx.msk [tilespmem:v7+s29+$0x0], $0xffff;
	v3 =	vadd.f32 v4, v3;
	v4 =	vmul.f32 v5, v19  }
0x223: {  	v5 =	vld.idx.msk [tilespmem:v7+s31+$0x0], $0xffff;
	v7 =	vor.u32 $0x12, v2  }
0x224: {  	v26 =	vld.idx.msk [tilespmem:v22+s29+$0x0], $0xffff;
	v3 =	vadd.f32 v4, v3;
	v4 =	vmul.f32 v21, v20  }
0x225: {  	v28 =	vor.u32 $0x13, v2;
	v27 =	vld.idx.msk [tilespmem:v22+s31+$0x0], $0xffff  }
0x226: {  	v29 =	vld.idx.msk [tilespmem:v24+s29+$0x0], $0xffff;
	v3 =	vadd.f32 v4, v3;
	v4 =	vmul.f32 v6, v23  }
0x227: {  	v30 =	vor.u32 $0x14, v2;
	v6 =	vld.idx.msk [tilespmem:v24+s31+$0x0], $0xffff  }
0x228: {  	v31 =	vld.idx.msk [tilespmem:v7+s29+$0x0], $0xffff;
	v3 =	vadd.f32 v4, v3;
	v4 =	vmul.f32 v5, v25  }
0x229: {  	v5 =	vld.idx.msk [tilespmem:v7+s31+$0x0], $0xffff;
	v7 =	vor.u32 $0x15, v2  }
0x22a: {  	v32 =	vld.idx.msk [tilespmem:v28+s29+$0x0], $0xffff;
	v3 =	vadd.f32 v4, v3;
	v4 =	vmul.f32 v27, v26  }
0x22b: {  	v34 =	vor.u32 $0x16, v2;
	v33 =	vld.idx.msk [tilespmem:v28+s31+$0x0], $0xffff  }
0x22c: {  	v35 =	vld.idx.msk [tilespmem:v30+s29+$0x0], $0xffff;
	v3 =	vadd.f32 v4, v3;
	v4 =	vmul.f32 v6, v29  }
0x22d: {  	v36 =	vor.u32 $0x17, v2;
	v6 =	vld.idx.msk [tilespmem:v30+s31+$0x0], $0xffff  }
0x22e: {  	v37 =	vld.idx.msk [tilespmem:v7+s29+$0x0], $0xffff;
	v3 =	vadd.f32 v4, v3;
	v4 =	vmul.f32 v5, v31  }
0x22f: {  	v5 =	vld.idx.msk [tilespmem:v7+s31+$0x0], $0xffff;
	v7 =	vor.u32 $0x18, v2  }
0x230: {  	v38 =	vld.idx.msk [tilespmem:v34+s29+$0x0], $0xffff;
	v3 =	vadd.f32 v4, v3;
	v4 =	vmul.f32 v33, v32  }
0x231: {  	v40 =	vor.u32 $0x19, v2;
	v39 =	vld.idx.msk [tilespmem:v34+s31+$0x0], $0xffff  }
0x232: {  	v41 =	vld.idx.msk [tilespmem:v36+s29+$0x0], $0xffff;
	v3 =	vadd.f32 v4, v3;
	v4 =	vmul.f32 v6, v35  }
0x233: {  	v42 =	vor.u32 $0x1A, v2;
	v6 =	vld.idx.msk [tilespmem:v36+s31+$0x0], $0xffff  }
0x234: {  	v43 =	vld.idx.msk [tilespmem:v7+s29+$0x0], $0xffff;
	v3 =	vadd.f32 v4, v3;
	v4 =	vmul.f32 v5, v37  }
0x235: {  	v5 =	vld.idx.msk [tilespmem:v7+s31+$0x0], $0xffff;
	v7 =	vor.u32 $0x1B, v2  }
0x236: {  	v44 =	vld.idx.msk [tilespmem:v40+s29+$0x0], $0xffff;
	v3 =	vadd.f32 v4, v3;
	v4 =	vmul.f32 v39, v38  }
0x237: {  	v46 =	vor.u32 $0x1C, v2;
	v45 =	vld.idx.msk [tilespmem:v40+s31+$0x0], $0xffff  }
0x238: {  	v47 =	vld.idx.msk [tilespmem:v42+s29+$0x0], $0xffff;
	v3 =	vadd.f32 v4, v3;
	v4 =	vmul.f32 v6, v41  }
0x239: {  	v48 =	vor.u32 $0x1D, v2;
	v6 =	vld.idx.msk [tilespmem:v42+s31+$0x0], $0xffff  }
0x23a: {  	v49 =	vld.idx.msk [tilespmem:v7+s29+$0x0], $0xffff;
	v3 =	vadd.f32 v4, v3;
	v4 =	vmul.f32 v5, v43  }
0x23b: {  	v5 =	vld.idx.msk [tilespmem:v7+s31+$0x0], $0xffff;
	v7 =	vor.u32 $0x1E, v2  }
0x23c: {  	v50 =	vld.idx.msk [tilespmem:v46+s29+$0x0], $0xffff;
	v3 =	vadd.f32 v4, v3;
	v4 =	vmul.f32 v45, v44  }
0x23d: {  	v51 =	vld.idx.msk [tilespmem:v46+s31+$0x0], $0xffff;
	v2 =	vor.u32 $0x1F, v2  }
0x23e: {  	v52 =	vld.idx.msk [tilespmem:v48+s29+$0x0], $0xffff;
	v3 =	vadd.f32 v4, v3;
	v4 =	vmul.f32 v6, v47  }
0x23f: {  	v6 =	vld.idx.msk [tilespmem:v48+s31+$0x0], $0xffff  }
0x240: {  	v53 =	vld.idx.msk [tilespmem:v7+s29+$0x0], $0xffff;
	v3 =	vadd.f32 v4, v3;
	v4 =	vmul.f32 v5, v49  }
0x241: {  	v5 =	vld.idx.msk [tilespmem:v7+s31+$0x0], $0xffff  }
0x242: {  	v7 =	vld.idx.msk [tilespmem:v2+s29+$0x0], $0xffff;
	v3 =	vadd.f32 v4, v3;
	v4 =	vmul.f32 v51, v50  }
0x243: {  	v2 =	vld.idx.msk [tilespmem:v2+s31+$0x0], $0xffff  }
0x244: {  	v3 =	vadd.f32 v4, v3;
	v4 =	vmul.f32 v6, v52;
	_ =	sdelay $0x1  }
0x245: {  	v3 =	vadd.f32 v4, v3;
	v4 =	vmul.f32 v5, v53  }
0x246: {  	v1 =	vshll.u32 v1, $0x3  }
0x247: {  	v2 =	vmul.f32 v2, v7;
	v3 =	vadd.f32 v4, v3;
	_ =	sdelay $0x1  }
0x248: {  	v2 =	vadd.f32 v2, v3;
	_ =	sdelay $0x1  }
0x249: {  	s17 =	rddreg [dreg:$0x7];
	[tilespmem:v1+s11+$0x0] =	vst.idx.msk $0xffff, v2  }
0x24a: {  	[hbm4b:s17+s1] =	stream.strided.scatter [tilespmem:s29], [sflag:$0x5], $0x4000, s7, s1, $0x38;
	[tilespmem:$0x1C400] =	vst v63  }
0x24b: {  	s6 =	rddreg [dreg:$0x8]  }
0x24c: {  	[hbm4b:s6+s1] =	stream.strided.scatter [tilespmem:s31], [sflag:$0x5], $0x4000, s7, s1, $0x38;
	[tilespmem:$0x1C400] =	vst v63  }
0x24d: {  	s18 =	rddreg [dreg:$0x9]  }
0x24e: {  	[hbm4b:s18+s8] =	stream.strided.scatter [tilespmem:s11], [sflag:$0x5], $0x1000, s7, s8, $0x38;
	[tilespmem:$0x1C400] =	vst v63  }
0x24f: {  	_ =	swait.ge [sflag:s12], $0x1000  }
0x250: {  	[sflag:s12] =	ssyncset.done $0x0  }
0x251: {  	[sflag:s12] =	ssyncadd.s32 $0xFFFFF000  }
0x252: {  	_ =	swait.ge [sflag:s12], $0x1000  }
0x253: {  	[sflag:s12] =	ssyncset.done $0x0  }
0x254: {  	[sflag:s12] =	ssyncadd.s32 $0xFFFFF000  }
0x255: {  	_ =	swait.ge [sflag:s12], $0x1000  }
0x256: {  	[sflag:s12] =	ssyncset.done $0x0  }
0x257: {  	[sflag:s12] =	ssyncadd.s32 $0xFFFFF000  }
0x258: {  	_ =	swait.ge [sflag:s12], $0x1000  }
0x259: {  	[sflag:s12] =	ssyncset.done $0x0  }
0x25a: {  	[sflag:s12] =	ssyncadd.s32 $0xFFFFF000  }
0x25b: {  	_ =	swait.ge [sflag:s12], $0x1000  }
0x25c: {  	[sflag:s12] =	ssyncset.done $0x0  }
0x25d: {  	[sflag:s12] =	ssyncadd.s32 $0xFFFFF000  }
0x25e: {  	_ =	swait.ge [sflag:s12], $0x1000  }
0x25f: {  	[sflag:s12] =	ssyncset.done $0x0  }
0x260: {  	[sflag:s12] =	ssyncadd.s32 $0xFFFFF000  }
0x261: {  	_ =	swait.ge [sflag:s12], $0x1000  }
0x262: {  	[sflag:s12] =	ssyncset.done $0x0  }
0x263: {  	[sflag:s12] =	ssyncadd.s32 $0xFFFFF000  }
0x264: {  	_ =	swait.ge [sflag:s12], $0x1000  }
0x265: {  	[sflag:s12] =	ssyncset.done $0x0  }
0x266: {  	[sflag:s12] =	ssyncadd.s32 $0xFFFFF000  }
0x267: {  	_ =	swait.ge [sflag:s13], $0x4000  }
0x268: {  	[sflag:s13] =	ssyncset.done $0x0  }
0x269: {  	[sflag:s13] =	ssyncadd.s32 $0xFFFFC000  }
0x26a: {  	_ =	swait.ge [sflag:s13], $0x4000  }
0x26b: {  	[sflag:s13] =	ssyncset.done $0x0  }
0x26c: {  	[sflag:s13] =	ssyncadd.s32 $0xFFFFC000  }
0x26d: {  	_ =	swait.ge [sflag:s13], $0x1000  }
0x26e: {  	[sflag:s13] =	ssyncset.done $0x0  }
0x26f: {  	s6 =	simm.s32 $0x800;
	[sflag:s13] =	ssyncadd.s32 $0xFFFFF000  }
0x270: {  	[tilespmem:s29], [sflag:$0x2] =	stream.indirect.gather [hbm4b:s3+s25], $0x20, s6, s25, $0xb8;
	[tilespmem:$0x1C400] =	vst v63  }
0x271: {  	s19 =	simm.s32 $0x1200  }
0x272: {  	[tilespmem:s31], [sflag:$0x2] =	stream.indirect.gather [hbm4b:s4+s25], $0x20, s19, s25, $0xb8;
	[tilespmem:$0x1C400] =	vst v63  }
0x273: {  	s20 =	simm.s32 $0x880  }
0x274: {  	[tilespmem:s21], [sflag:$0x2] =	stream.indirect.gather [hbm4b:s3+s25], $0x20, s20, s25, $0xb8;
	[tilespmem:$0x1C400] =	vst v63  }
0x275: {  	s18 =	simm.s32 $0x1280;
	s6 =	simm.s32 $0x12400  }
0x276: {  	[tilespmem:s6], [sflag:$0x2] =	stream.indirect.gather [hbm4b:s4+s25], $0x20, s18, s25, $0xb8;
	[tilespmem:$0x1C400] =	vst v63  }
0x277: {  	s19 =	simm.s32 $0x900;
	s20 =	simm.s32 $0x0  }
0x278: {  	[tilespmem:s22], [sflag:$0x2] =	stream.indirect.gather [hbm4b:s3+s25], $0x20, s19, s25, $0xb8;
	[tilespmem:$0x1C400] =	vst v63  }
0x279: {  	s21 =	simm.s32 $0x13400;
	v2 =	vor.u32 s20, v0;
	s22 =	simm.s32 $0x1300  }
0x27a: {  	v1 =	vshll.u32 v2, $0x5;
	[tilespmem:s21], [sflag:$0x2] =	stream.indirect.gather [hbm4b:s4+s25], $0x20, s22, s25, $0xb8;
	[tilespmem:$0x1C400] =	vst v63  }
0x27b: {  	s18 =	simm.s32 $0x8400;
	s19 =	simm.s32 $0x980  }
0x27c: {  	v3 =	vor.u32 $0x1, v1;
	[tilespmem:s18], [sflag:$0x2] =	stream.indirect.gather [hbm4b:s3+s25], $0x20, s19, s25, $0xb8;
	[tilespmem:$0x1C400] =	vst v63  }
0x27d: {  	s20 =	simm.s32 $0x14400;
	s21 =	simm.s32 $0x1380  }
0x27e: {  	v4 =	vor.u32 $0x2, v1;
	[tilespmem:s20], [sflag:$0x2] =	stream.indirect.gather [hbm4b:s4+s25], $0x20, s21, s25, $0xb8;
	[tilespmem:$0x1C400] =	vst v63  }
0x27f: {  	v5 =	vld.idx.msk [tilespmem:v1+s0+$0x0], $0xffff  }
0x280: {  	v7 =	vor.u32 $0x3, v1;
	v6 =	vld.idx.msk [tilespmem:v1+s24+$0x0], $0xffff  }
0x281: {  	v54 =	vld.idx.msk [tilespmem:v3+s24+$0x0], $0xffff  }
0x282: {  	v55 =	vor.u32 $0x4, v1;
	v3 =	vld.idx.msk [tilespmem:v3+s0+$0x0], $0xffff  }
0x283: {  	v56 =	vld.idx.msk [tilespmem:v4+s24+$0x0], $0xffff  }
0x284: {  	v57 =	vor.u32 $0x5, v1;
	v4 =	vld.idx.msk [tilespmem:v4+s0+$0x0], $0xffff  }
0x285: {  	v58 =	vld.idx.msk [tilespmem:v7+s24+$0x0], $0xffff;
	v5 =	vmul.f32 v5, v6  }
0x286: {  	v6 =	vld.idx.msk [tilespmem:v7+s0+$0x0], $0xffff;
	v7 =	vor.u32 $0x6, v1  }
0x287: {  	v59 =	vld.idx.msk [tilespmem:v55+s24+$0x0], $0xffff;
	v3 =	vmul.f32 v3, v54;
	v5 =	vadd.f32 $0.0e+00, v5  }
0x288: {  	v61 =	vor.u32 $0x7, v1;
	v60 =	vld.idx.msk [tilespmem:v55+s0+$0x0], $0xffff  }
0x289: {  	v62 =	vld.idx.msk [tilespmem:v57+s24+$0x0], $0xffff;
	v4 =	vmul.f32 v4, v56;
	v3 =	vadd.f32 v3, v5  }
0x28a: {  	v63 =	vor.u32 $0x8, v1;
	v5 =	vld.idx.msk [tilespmem:v57+s0+$0x0], $0xffff  }
0x28b: {  	v16 =	vld.idx.msk [tilespmem:v7+s24+$0x0], $0xffff;
	v3 =	vadd.f32 v4, v3;
	v4 =	vmul.f32 v6, v58  }
0x28c: {  	v6 =	vld.idx.msk [tilespmem:v7+s0+$0x0], $0xffff;
	v7 =	vor.u32 $0x9, v1  }
0x28d: {  	v17 =	vld.idx.msk [tilespmem:v61+s24+$0x0], $0xffff;
	v3 =	vadd.f32 v4, v3;
	v4 =	vmul.f32 v60, v59  }
0x28e: {  	v19 =	vor.u32 $0xA, v1;
	v18 =	vld.idx.msk [tilespmem:v61+s0+$0x0], $0xffff  }
0x28f: {  	v20 =	vld.idx.msk [tilespmem:v63+s24+$0x0], $0xffff;
	v3 =	vadd.f32 v4, v3;
	v4 =	vmul.f32 v5, v62  }
0x290: {  	v21 =	vor.u32 $0xB, v1;
	v5 =	vld.idx.msk [tilespmem:v63+s0+$0x0], $0xffff  }
0x291: {  	v22 =	vld.idx.msk [tilespmem:v7+s24+$0x0], $0xffff;
	v3 =	vadd.f32 v4, v3;
	v4 =	vmul.f32 v6, v16  }
0x292: {  	v6 =	vld.idx.msk [tilespmem:v7+s0+$0x0], $0xffff;
	v7 =	vor.u32 $0xC, v1  }
0x293: {  	v23 =	vld.idx.msk [tilespmem:v19+s24+$0x0], $0xffff;
	v3 =	vadd.f32 v4, v3;
	v4 =	vmul.f32 v18, v17  }
0x294: {  	v25 =	vor.u32 $0xD, v1;
	v24 =	vld.idx.msk [tilespmem:v19+s0+$0x0], $0xffff  }
0x295: {  	v26 =	vld.idx.msk [tilespmem:v21+s24+$0x0], $0xffff;
	v3 =	vadd.f32 v4, v3;
	v4 =	vmul.f32 v5, v20  }
0x296: {  	v27 =	vor.u32 $0xE, v1;
	v5 =	vld.idx.msk [tilespmem:v21+s0+$0x0], $0xffff  }
0x297: {  	v28 =	vld.idx.msk [tilespmem:v7+s24+$0x0], $0xffff;
	v3 =	vadd.f32 v4, v3;
	v4 =	vmul.f32 v6, v22  }
0x298: {  	v6 =	vld.idx.msk [tilespmem:v7+s0+$0x0], $0xffff;
	v7 =	vor.u32 $0xF, v1  }
0x299: {  	v29 =	vld.idx.msk [tilespmem:v25+s24+$0x0], $0xffff;
	v3 =	vadd.f32 v4, v3;
	v4 =	vmul.f32 v24, v23  }
0x29a: {  	v31 =	vor.u32 $0x10, v1;
	v30 =	vld.idx.msk [tilespmem:v25+s0+$0x0], $0xffff  }
0x29b: {  	v32 =	vld.idx.msk [tilespmem:v27+s24+$0x0], $0xffff;
	v3 =	vadd.f32 v4, v3;
	v4 =	vmul.f32 v5, v26  }
0x29c: {  	v33 =	vor.u32 $0x11, v1;
	v5 =	vld.idx.msk [tilespmem:v27+s0+$0x0], $0xffff  }
0x29d: {  	v34 =	vld.idx.msk [tilespmem:v7+s24+$0x0], $0xffff;
	v3 =	vadd.f32 v4, v3;
	v4 =	vmul.f32 v6, v28  }
0x29e: {  	v6 =	vld.idx.msk [tilespmem:v7+s0+$0x0], $0xffff;
	v7 =	vor.u32 $0x12, v1  }
0x29f: {  	v35 =	vld.idx.msk [tilespmem:v31+s24+$0x0], $0xffff;
	v3 =	vadd.f32 v4, v3;
	v4 =	vmul.f32 v30, v29  }
0x2a0: {  	v37 =	vor.u32 $0x13, v1;
	v36 =	vld.idx.msk [tilespmem:v31+s0+$0x0], $0xffff  }
0x2a1: {  	v38 =	vld.idx.msk [tilespmem:v33+s24+$0x0], $0xffff;
	v3 =	vadd.f32 v4, v3;
	v4 =	vmul.f32 v5, v32  }
0x2a2: {  	v39 =	vor.u32 $0x14, v1;
	v5 =	vld.idx.msk [tilespmem:v33+s0+$0x0], $0xffff  }
0x2a3: {  	v40 =	vld.idx.msk [tilespmem:v7+s24+$0x0], $0xffff;
	v3 =	vadd.f32 v4, v3;
	v4 =	vmul.f32 v6, v34  }
0x2a4: {  	v6 =	vld.idx.msk [tilespmem:v7+s0+$0x0], $0xffff;
	v7 =	vor.u32 $0x15, v1  }
0x2a5: {  	v41 =	vld.idx.msk [tilespmem:v37+s24+$0x0], $0xffff;
	v3 =	vadd.f32 v4, v3;
	v4 =	vmul.f32 v36, v35  }
0x2a6: {  	v43 =	vor.u32 $0x16, v1;
	v42 =	vld.idx.msk [tilespmem:v37+s0+$0x0], $0xffff  }
0x2a7: {  	v44 =	vld.idx.msk [tilespmem:v39+s24+$0x0], $0xffff;
	v3 =	vadd.f32 v4, v3;
	v4 =	vmul.f32 v5, v38  }
0x2a8: {  	v45 =	vor.u32 $0x17, v1;
	v5 =	vld.idx.msk [tilespmem:v39+s0+$0x0], $0xffff  }
0x2a9: {  	v46 =	vld.idx.msk [tilespmem:v7+s24+$0x0], $0xffff;
	v3 =	vadd.f32 v4, v3;
	v4 =	vmul.f32 v6, v40  }
0x2aa: {  	v6 =	vld.idx.msk [tilespmem:v7+s0+$0x0], $0xffff;
	v7 =	vor.u32 $0x18, v1  }
0x2ab: {  	v47 =	vld.idx.msk [tilespmem:v43+s24+$0x0], $0xffff;
	v3 =	vadd.f32 v4, v3;
	v4 =	vmul.f32 v42, v41  }
0x2ac: {  	v49 =	vor.u32 $0x19, v1;
	v48 =	vld.idx.msk [tilespmem:v43+s0+$0x0], $0xffff  }
0x2ad: {  	v50 =	vld.idx.msk [tilespmem:v45+s24+$0x0], $0xffff;
	v3 =	vadd.f32 v4, v3;
	v4 =	vmul.f32 v5, v44  }
0x2ae: {  	v51 =	vor.u32 $0x1A, v1;
	v5 =	vld.idx.msk [tilespmem:v45+s0+$0x0], $0xffff  }
0x2af: {  	v52 =	vld.idx.msk [tilespmem:v7+s24+$0x0], $0xffff;
	v3 =	vadd.f32 v4, v3;
	v4 =	vmul.f32 v6, v46  }
0x2b0: {  	v6 =	vld.idx.msk [tilespmem:v7+s0+$0x0], $0xffff;
	v7 =	vor.u32 $0x1B, v1  }
0x2b1: {  	v53 =	vld.idx.msk [tilespmem:v49+s24+$0x0], $0xffff;
	v3 =	vadd.f32 v4, v3;
	v4 =	vmul.f32 v48, v47  }
0x2b2: {  	v55 =	vor.u32 $0x1C, v1;
	v54 =	vld.idx.msk [tilespmem:v49+s0+$0x0], $0xffff  }
0x2b3: {  	v56 =	vld.idx.msk [tilespmem:v51+s24+$0x0], $0xffff;
	v3 =	vadd.f32 v4, v3;
	v4 =	vmul.f32 v5, v50  }
0x2b4: {  	v57 =	vor.u32 $0x1D, v1;
	v5 =	vld.idx.msk [tilespmem:v51+s0+$0x0], $0xffff  }
0x2b5: {  	v58 =	vld.idx.msk [tilespmem:v7+s24+$0x0], $0xffff;
	v3 =	vadd.f32 v4, v3;
	v4 =	vmul.f32 v6, v52  }
0x2b6: {  	v6 =	vld.idx.msk [tilespmem:v7+s0+$0x0], $0xffff;
	v7 =	vor.u32 $0x1E, v1  }
0x2b7: {  	v59 =	vld.idx.msk [tilespmem:v55+s24+$0x0], $0xffff;
	v3 =	vadd.f32 v4, v3;
	v4 =	vmul.f32 v54, v53  }
0x2b8: {  	v60 =	vld.idx.msk [tilespmem:v55+s0+$0x0], $0xffff;
	v1 =	vor.u32 $0x1F, v1  }
0x2b9: {  	v61 =	vld.idx.msk [tilespmem:v57+s24+$0x0], $0xffff;
	v3 =	vadd.f32 v4, v3;
	v4 =	vmul.f32 v5, v56  }
0x2ba: {  	v5 =	vld.idx.msk [tilespmem:v57+s0+$0x0], $0xffff  }
0x2bb: {  	v62 =	vld.idx.msk [tilespmem:v7+s24+$0x0], $0xffff;
	v3 =	vadd.f32 v4, v3;
	v4 =	vmul.f32 v6, v58  }
0x2bc: {  	v6 =	vld.idx.msk [tilespmem:v7+s0+$0x0], $0xffff  }
0x2bd: {  	v63 =	vld.idx.msk [tilespmem:v1+s0+$0x0], $0xffff;
	v3 =	vadd.f32 v4, v3;
	v4 =	vmul.f32 v60, v59  }
0x2be: {  	v7 =	vld.idx.msk [tilespmem:v1+s24+$0x0], $0xffff  }
0x2bf: {  	v1 =	vadd.f32 v4, v3;
	v3 =	vmul.f32 v5, v61;
	_ =	sdelay $0x1  }
0x2c0: {  	s22 =	simm.s32 $0x10;
	v5 =	vmul.f32 v6, v62;
	v4 =	vadd.f32 v3, v1  }
0x2c1: {  	v1 =	vor.u32 s22, v0;
	v3 =	vshll.u32 v2, $0x3  }
0x2c2: {  	s17 =	simm.s32 $0x20;
	v2 =	vshll.u32 v1, $0x5;
	v4 =	vadd.f32 v5, v4;
	v5 =	vmul.f32 v63, v7  }
.LBB2_6:
0x2c3: {  	p0 =	sne.s32 s17, $0x1F0  }
0x2c4: {  	v6 =	vor.u32 $0x1, v2;
	v4 =	vadd.f32 v5, v4;
	_ =	sdelay $0x1  }
0x2c5: {  	v5 =	vor.u32 $0x2, v2;
	[tilespmem:v3+s14+$0x0] =	vst.idx.msk $0xffff, v4  }
0x2c6: {  	v3 =	vld.idx.msk [tilespmem:v2+s0+$0x0], $0xffff  }
0x2c7: {  	v7 =	vor.u32 $0x3, v2;
	v4 =	vld.idx.msk [tilespmem:v2+s24+$0x0], $0xffff  }
0x2c8: {  	v8 =	vld.idx.msk [tilespmem:v6+s24+$0x0], $0xffff  }
0x2c9: {  	v9 =	vor.u32 $0x4, v2;
	v6 =	vld.idx.msk [tilespmem:v6+s0+$0x0], $0xffff  }
0x2ca: {  	v10 =	vld.idx.msk [tilespmem:v5+s24+$0x0], $0xffff  }
0x2cb: {  	v11 =	vor.u32 $0x5, v2;
	v5 =	vld.idx.msk [tilespmem:v5+s0+$0x0], $0xffff  }
0x2cc: {  	v12 =	vld.idx.msk [tilespmem:v7+s24+$0x0], $0xffff  }
0x2cd: {  	v3 =	vmul.f32 v3, v4;
	v4 =	vld.idx.msk [tilespmem:v7+s0+$0x0], $0xffff;
	v7 =	vor.u32 $0x6, v2  }
0x2ce: {  	v13 =	vld.idx.msk [tilespmem:v9+s24+$0x0], $0xffff  }
0x2cf: {  	v3 =	vadd.f32 $0.0e+00, v3;
	v6 =	vmul.f32 v6, v8;
	v8 =	vld.idx.msk [tilespmem:v9+s0+$0x0], $0xffff;
	v9 =	vor.u32 $0x7, v2  }
0x2d0: {  	v14 =	vld.idx.msk [tilespmem:v11+s24+$0x0], $0xffff  }
0x2d1: {  	v3 =	vadd.f32 v6, v3;
	v5 =	vmul.f32 v5, v10;
	v10 =	vor.u32 $0x8, v2;
	v6 =	vld.idx.msk [tilespmem:v11+s0+$0x0], $0xffff  }
0x2d2: {  	v11 =	vld.idx.msk [tilespmem:v7+s24+$0x0], $0xffff  }
0x2d3: {  	v3 =	vadd.f32 v5, v3;
	v4 =	vmul.f32 v4, v12;
	v5 =	vld.idx.msk [tilespmem:v7+s0+$0x0], $0xffff;
	v7 =	vor.u32 $0x9, v2  }
0x2d4: {  	v12 =	vld.idx.msk [tilespmem:v9+s24+$0x0], $0xffff  }
0x2d5: {  	v3 =	vadd.f32 v4, v3;
	v4 =	vmul.f32 v8, v13;
	v8 =	vld.idx.msk [tilespmem:v9+s0+$0x0], $0xffff;
	v9 =	vor.u32 $0xA, v2  }
0x2d6: {  	v13 =	vld.idx.msk [tilespmem:v10+s24+$0x0], $0xffff  }
0x2d7: {  	v3 =	vadd.f32 v4, v3;
	v4 =	vmul.f32 v6, v14;
	v6 =	vld.idx.msk [tilespmem:v10+s0+$0x0], $0xffff;
	v10 =	vor.u32 $0xB, v2  }
0x2d8: {  	v14 =	vld.idx.msk [tilespmem:v7+s24+$0x0], $0xffff  }
0x2d9: {  	v3 =	vadd.f32 v4, v3;
	v4 =	vmul.f32 v5, v11;
	v5 =	vld.idx.msk [tilespmem:v7+s0+$0x0], $0xffff;
	v7 =	vor.u32 $0xC, v2  }
0x2da: {  	v11 =	vld.idx.msk [tilespmem:v9+s24+$0x0], $0xffff  }
0x2db: {  	v3 =	vadd.f32 v4, v3;
	v4 =	vmul.f32 v8, v12;
	v8 =	vld.idx.msk [tilespmem:v9+s0+$0x0], $0xffff;
	v9 =	vor.u32 $0xD, v2  }
0x2dc: {  	v12 =	vld.idx.msk [tilespmem:v10+s24+$0x0], $0xffff  }
0x2dd: {  	v3 =	vadd.f32 v4, v3;
	v4 =	vmul.f32 v6, v13;
	v6 =	vld.idx.msk [tilespmem:v10+s0+$0x0], $0xffff;
	v10 =	vor.u32 $0xE, v2  }
0x2de: {  	v13 =	vld.idx.msk [tilespmem:v7+s24+$0x0], $0xffff  }
0x2df: {  	v3 =	vadd.f32 v4, v3;
	v4 =	vmul.f32 v5, v14;
	v5 =	vld.idx.msk [tilespmem:v7+s0+$0x0], $0xffff;
	v7 =	vor.u32 $0xF, v2  }
0x2e0: {  	v14 =	vld.idx.msk [tilespmem:v9+s24+$0x0], $0xffff  }
0x2e1: {  	v3 =	vadd.f32 v4, v3;
	v4 =	vmul.f32 v8, v11;
	v8 =	vld.idx.msk [tilespmem:v9+s0+$0x0], $0xffff;
	v9 =	vor.u32 $0x10, v2  }
0x2e2: {  	v11 =	vld.idx.msk [tilespmem:v10+s24+$0x0], $0xffff  }
0x2e3: {  	v3 =	vadd.f32 v4, v3;
	v4 =	vmul.f32 v6, v12;
	v6 =	vld.idx.msk [tilespmem:v10+s0+$0x0], $0xffff;
	v10 =	vor.u32 $0x11, v2  }
0x2e4: {  	v12 =	vld.idx.msk [tilespmem:v7+s24+$0x0], $0xffff  }
0x2e5: {  	v3 =	vadd.f32 v4, v3;
	v4 =	vmul.f32 v5, v13;
	v5 =	vld.idx.msk [tilespmem:v7+s0+$0x0], $0xffff;
	v7 =	vor.u32 $0x12, v2  }
0x2e6: {  	v13 =	vld.idx.msk [tilespmem:v9+s24+$0x0], $0xffff  }
0x2e7: {  	v3 =	vadd.f32 v4, v3;
	v4 =	vmul.f32 v8, v14;
	v8 =	vld.idx.msk [tilespmem:v9+s0+$0x0], $0xffff;
	v9 =	vor.u32 $0x13, v2  }
0x2e8: {  	v14 =	vld.idx.msk [tilespmem:v10+s24+$0x0], $0xffff  }
0x2e9: {  	v3 =	vadd.f32 v4, v3;
	v4 =	vmul.f32 v6, v11;
	v6 =	vld.idx.msk [tilespmem:v10+s0+$0x0], $0xffff;
	v10 =	vor.u32 $0x14, v2  }
0x2ea: {  	v11 =	vld.idx.msk [tilespmem:v7+s24+$0x0], $0xffff  }
0x2eb: {  	v3 =	vadd.f32 v4, v3;
	v4 =	vmul.f32 v5, v12;
	v5 =	vld.idx.msk [tilespmem:v7+s0+$0x0], $0xffff;
	v7 =	vor.u32 $0x15, v2  }
0x2ec: {  	v12 =	vld.idx.msk [tilespmem:v9+s24+$0x0], $0xffff  }
0x2ed: {  	v3 =	vadd.f32 v4, v3;
	v4 =	vmul.f32 v8, v13;
	v8 =	vld.idx.msk [tilespmem:v9+s0+$0x0], $0xffff;
	v9 =	vor.u32 $0x16, v2  }
0x2ee: {  	v13 =	vld.idx.msk [tilespmem:v10+s24+$0x0], $0xffff  }
0x2ef: {  	v3 =	vadd.f32 v4, v3;
	v4 =	vmul.f32 v6, v14;
	v6 =	vld.idx.msk [tilespmem:v10+s0+$0x0], $0xffff;
	v10 =	vor.u32 $0x17, v2  }
0x2f0: {  	v14 =	vld.idx.msk [tilespmem:v7+s24+$0x0], $0xffff  }
0x2f1: {  	v3 =	vadd.f32 v4, v3;
	v4 =	vmul.f32 v5, v11;
	v5 =	vld.idx.msk [tilespmem:v7+s0+$0x0], $0xffff;
	v7 =	vor.u32 $0x18, v2  }
0x2f2: {  	v11 =	vld.idx.msk [tilespmem:v9+s24+$0x0], $0xffff  }
0x2f3: {  	v3 =	vadd.f32 v4, v3;
	v4 =	vmul.f32 v8, v12;
	v8 =	vld.idx.msk [tilespmem:v9+s0+$0x0], $0xffff;
	v9 =	vor.u32 $0x19, v2  }
0x2f4: {  	v12 =	vld.idx.msk [tilespmem:v10+s24+$0x0], $0xffff  }
0x2f5: {  	v3 =	vadd.f32 v4, v3;
	v4 =	vmul.f32 v6, v13;
	v6 =	vld.idx.msk [tilespmem:v10+s0+$0x0], $0xffff;
	v10 =	vor.u32 $0x1A, v2  }
0x2f6: {  	v13 =	vld.idx.msk [tilespmem:v7+s24+$0x0], $0xffff  }
0x2f7: {  	v3 =	vadd.f32 v4, v3;
	v4 =	vmul.f32 v5, v14;
	v5 =	vld.idx.msk [tilespmem:v7+s0+$0x0], $0xffff;
	v7 =	vor.u32 $0x1B, v2  }
0x2f8: {  	v14 =	vld.idx.msk [tilespmem:v9+s24+$0x0], $0xffff  }
0x2f9: {  	v3 =	vadd.f32 v4, v3;
	v4 =	vmul.f32 v8, v11;
	v8 =	vld.idx.msk [tilespmem:v9+s0+$0x0], $0xffff;
	v9 =	vor.u32 $0x1C, v2  }
0x2fa: {  	v11 =	vld.idx.msk [tilespmem:v10+s24+$0x0], $0xffff  }
0x2fb: {  	v3 =	vadd.f32 v4, v3;
	v4 =	vmul.f32 v6, v12;
	v6 =	vld.idx.msk [tilespmem:v10+s0+$0x0], $0xffff;
	v10 =	vor.u32 $0x1D, v2  }
0x2fc: {  	v12 =	vld.idx.msk [tilespmem:v7+s24+$0x0], $0xffff  }
0x2fd: {  	v3 =	vadd.f32 v4, v3;
	v4 =	vmul.f32 v5, v13;
	v5 =	vld.idx.msk [tilespmem:v7+s0+$0x0], $0xffff;
	v7 =	vor.u32 $0x1E, v2  }
0x2fe: {  	v13 =	vld.idx.msk [tilespmem:v9+s24+$0x0], $0xffff  }
0x2ff: {  	v2 =	vor.u32 $0x1F, v2;
	v3 =	vadd.f32 v4, v3;
	v4 =	vmul.f32 v8, v14;
	v8 =	vld.idx.msk [tilespmem:v9+s0+$0x0], $0xffff  }
0x300: {  	v9 =	vld.idx.msk [tilespmem:v10+s24+$0x0], $0xffff  }
0x301: {  	v3 =	vadd.f32 v4, v3;
	v4 =	vmul.f32 v6, v11;
	v6 =	vld.idx.msk [tilespmem:v10+s0+$0x0], $0xffff  }
0x302: {  	v10 =	vld.idx.msk [tilespmem:v7+s24+$0x0], $0xffff  }
0x303: {  	v3 =	vadd.f32 v4, v3;
	v4 =	vmul.f32 v5, v12;
	v5 =	vld.idx.msk [tilespmem:v7+s0+$0x0], $0xffff  }
0x304: {  	v7 =	vld.idx.msk [tilespmem:v2+s24+$0x0], $0xffff  }
0x305: {  	v3 =	vadd.f32 v4, v3;
	v4 =	vmul.f32 v8, v13;
	v8 =	vld.idx.msk [tilespmem:v2+s0+$0x0], $0xffff;
	_ =	sdelay $0x1  }
.Ltmp2:
0x306: {  	v2 =	vadd.f32 v4, v3;
	v3 =	vmul.f32 v6, v9;
	(pc) =	sbr.rel @p0 .LBB2_6-.Ltmp2, $4  }
0x307: {  	_ = 	snop  }
0x308: {  	v4 =	vadd.f32 v3, v2;
	v5 =	vmul.f32 v5, v10  }
0x309: {  	v3 =	vshll.u32 v1, $0x3;
	v1 =	vor.u32 s17, v0  }
0x30a: {  	s17 =	sadd.s32 $0x10, s17;
	v2 =	vshll.u32 v1, $0x5;
	v4 =	vadd.f32 v5, v4;
	v5 =	vmul.f32 v8, v7  }
0x30b: {  	_ =	sdelay $0x1  }
0x30c: {  	v6 =	vor.u32 $0x1, v2;
	v4 =	vadd.f32 v5, v4;
	_ =	sdelay $0x1  }
0x30d: {  	v5 =	vor.u32 $0x2, v2;
	[tilespmem:v3+s14+$0x0] =	vst.idx.msk $0xffff, v4  }
0x30e: {  	v3 =	vld.idx.msk [tilespmem:v2+s0+$0x0], $0xffff  }
0x30f: {  	v7 =	vor.u32 $0x3, v2;
	v4 =	vld.idx.msk [tilespmem:v2+s24+$0x0], $0xffff  }
0x310: {  	v8 =	vld.idx.msk [tilespmem:v6+s24+$0x0], $0xffff  }
0x311: {  	v9 =	vor.u32 $0x4, v2;
	v6 =	vld.idx.msk [tilespmem:v6+s0+$0x0], $0xffff  }
0x312: {  	v10 =	vld.idx.msk [tilespmem:v5+s24+$0x0], $0xffff  }
0x313: {  	v11 =	vor.u32 $0x5, v2;
	v5 =	vld.idx.msk [tilespmem:v5+s0+$0x0], $0xffff  }
0x314: {  	v12 =	vld.idx.msk [tilespmem:v7+s24+$0x0], $0xffff;
	v3 =	vmul.f32 v3, v4  }
0x315: {  	v4 =	vld.idx.msk [tilespmem:v7+s0+$0x0], $0xffff;
	v7 =	vor.u32 $0x6, v2  }
0x316: {  	v13 =	vld.idx.msk [tilespmem:v9+s24+$0x0], $0xffff;
	v6 =	vmul.f32 v6, v8;
	v3 =	vadd.f32 $0.0e+00, v3  }
0x317: {  	v53 =	vor.u32 $0x7, v2;
	v52 =	vld.idx.msk [tilespmem:v9+s0+$0x0], $0xffff  }
0x318: {  	v14 =	vld.idx.msk [tilespmem:v11+s24+$0x0], $0xffff;
	v5 =	vmul.f32 v5, v10;
	v3 =	vadd.f32 v6, v3  }
0x319: {  	v54 =	vor.u32 $0x8, v2;
	v6 =	vld.idx.msk [tilespmem:v11+s0+$0x0], $0xffff  }
0x31a: {  	v55 =	vld.idx.msk [tilespmem:v7+s24+$0x0], $0xffff;
	v4 =	vmul.f32 v4, v12;
	v3 =	vadd.f32 v5, v3  }
0x31b: {  	v5 =	vld.idx.msk [tilespmem:v7+s0+$0x0], $0xffff;
	v7 =	vor.u32 $0x9, v2  }
0x31c: {  	v56 =	vld.idx.msk [tilespmem:v53+s24+$0x0], $0xffff;
	v3 =	vadd.f32 v4, v3;
	v4 =	vmul.f32 v52, v13  }
0x31d: {  	v58 =	vor.u32 $0xA, v2;
	v57 =	vld.idx.msk [tilespmem:v53+s0+$0x0], $0xffff  }
0x31e: {  	v59 =	vld.idx.msk [tilespmem:v54+s24+$0x0], $0xffff;
	v3 =	vadd.f32 v4, v3;
	v4 =	vmul.f32 v6, v14  }
0x31f: {  	v60 =	vor.u32 $0xB, v2;
	v6 =	vld.idx.msk [tilespmem:v54+s0+$0x0], $0xffff  }
0x320: {  	v61 =	vld.idx.msk [tilespmem:v7+s24+$0x0], $0xffff;
	v3 =	vadd.f32 v4, v3;
	v4 =	vmul.f32 v5, v55  }
0x321: {  	v5 =	vld.idx.msk [tilespmem:v7+s0+$0x0], $0xffff;
	v7 =	vor.u32 $0xC, v2  }
0x322: {  	v62 =	vld.idx.msk [tilespmem:v58+s24+$0x0], $0xffff;
	v3 =	vadd.f32 v4, v3;
	v4 =	vmul.f32 v57, v56  }
0x323: {  	v16 =	vor.u32 $0xD, v2;
	v63 =	vld.idx.msk [tilespmem:v58+s0+$0x0], $0xffff  }
0x324: {  	v17 =	vld.idx.msk [tilespmem:v60+s24+$0x0], $0xffff;
	v3 =	vadd.f32 v4, v3;
	v4 =	vmul.f32 v6, v59  }
0x325: {  	v18 =	vor.u32 $0xE, v2;
	v6 =	vld.idx.msk [tilespmem:v60+s0+$0x0], $0xffff  }
0x326: {  	v19 =	vld.idx.msk [tilespmem:v7+s24+$0x0], $0xffff;
	v3 =	vadd.f32 v4, v3;
	v4 =	vmul.f32 v5, v61  }
0x327: {  	v5 =	vld.idx.msk [tilespmem:v7+s0+$0x0], $0xffff;
	v7 =	vor.u32 $0xF, v2  }
0x328: {  	v20 =	vld.idx.msk [tilespmem:v16+s24+$0x0], $0xffff;
	v3 =	vadd.f32 v4, v3;
	v4 =	vmul.f32 v63, v62  }
0x329: {  	v22 =	vor.u32 $0x10, v2;
	v21 =	vld.idx.msk [tilespmem:v16+s0+$0x0], $0xffff  }
0x32a: {  	v23 =	vld.idx.msk [tilespmem:v18+s24+$0x0], $0xffff;
	v3 =	vadd.f32 v4, v3;
	v4 =	vmul.f32 v6, v17  }
0x32b: {  	v24 =	vor.u32 $0x11, v2;
	v6 =	vld.idx.msk [tilespmem:v18+s0+$0x0], $0xffff  }
0x32c: {  	v25 =	vld.idx.msk [tilespmem:v7+s24+$0x0], $0xffff;
	v3 =	vadd.f32 v4, v3;
	v4 =	vmul.f32 v5, v19  }
0x32d: {  	v5 =	vld.idx.msk [tilespmem:v7+s0+$0x0], $0xffff;
	v7 =	vor.u32 $0x12, v2  }
0x32e: {  	v26 =	vld.idx.msk [tilespmem:v22+s24+$0x0], $0xffff;
	v3 =	vadd.f32 v4, v3;
	v4 =	vmul.f32 v21, v20  }
0x32f: {  	v28 =	vor.u32 $0x13, v2;
	v27 =	vld.idx.msk [tilespmem:v22+s0+$0x0], $0xffff  }
0x330: {  	v29 =	vld.idx.msk [tilespmem:v24+s24+$0x0], $0xffff;
	v3 =	vadd.f32 v4, v3;
	v4 =	vmul.f32 v6, v23  }
0x331: {  	v30 =	vor.u32 $0x14, v2;
	v6 =	vld.idx.msk [tilespmem:v24+s0+$0x0], $0xffff  }
0x332: {  	v31 =	vld.idx.msk [tilespmem:v7+s24+$0x0], $0xffff;
	v3 =	vadd.f32 v4, v3;
	v4 =	vmul.f32 v5, v25  }
0x333: {  	v5 =	vld.idx.msk [tilespmem:v7+s0+$0x0], $0xffff;
	v7 =	vor.u32 $0x15, v2  }
0x334: {  	v32 =	vld.idx.msk [tilespmem:v28+s24+$0x0], $0xffff;
	v3 =	vadd.f32 v4, v3;
	v4 =	vmul.f32 v27, v26  }
0x335: {  	v34 =	vor.u32 $0x16, v2;
	v33 =	vld.idx.msk [tilespmem:v28+s0+$0x0], $0xffff  }
0x336: {  	v35 =	vld.idx.msk [tilespmem:v30+s24+$0x0], $0xffff;
	v3 =	vadd.f32 v4, v3;
	v4 =	vmul.f32 v6, v29  }
0x337: {  	v36 =	vor.u32 $0x17, v2;
	v6 =	vld.idx.msk [tilespmem:v30+s0+$0x0], $0xffff  }
0x338: {  	v37 =	vld.idx.msk [tilespmem:v7+s24+$0x0], $0xffff;
	v3 =	vadd.f32 v4, v3;
	v4 =	vmul.f32 v5, v31  }
0x339: {  	v5 =	vld.idx.msk [tilespmem:v7+s0+$0x0], $0xffff;
	v7 =	vor.u32 $0x18, v2  }
0x33a: {  	v38 =	vld.idx.msk [tilespmem:v34+s24+$0x0], $0xffff;
	v3 =	vadd.f32 v4, v3;
	v4 =	vmul.f32 v33, v32  }
0x33b: {  	v40 =	vor.u32 $0x19, v2;
	v39 =	vld.idx.msk [tilespmem:v34+s0+$0x0], $0xffff  }
0x33c: {  	v41 =	vld.idx.msk [tilespmem:v36+s24+$0x0], $0xffff;
	v3 =	vadd.f32 v4, v3;
	v4 =	vmul.f32 v6, v35  }
0x33d: {  	v42 =	vor.u32 $0x1A, v2;
	v6 =	vld.idx.msk [tilespmem:v36+s0+$0x0], $0xffff  }
0x33e: {  	v43 =	vld.idx.msk [tilespmem:v7+s24+$0x0], $0xffff;
	v3 =	vadd.f32 v4, v3;
	v4 =	vmul.f32 v5, v37  }
0x33f: {  	v5 =	vld.idx.msk [tilespmem:v7+s0+$0x0], $0xffff;
	v7 =	vor.u32 $0x1B, v2  }
0x340: {  	v44 =	vld.idx.msk [tilespmem:v40+s24+$0x0], $0xffff;
	v3 =	vadd.f32 v4, v3;
	v4 =	vmul.f32 v39, v38  }
0x341: {  	v46 =	vor.u32 $0x1C, v2;
	v45 =	vld.idx.msk [tilespmem:v40+s0+$0x0], $0xffff  }
0x342: {  	v47 =	vld.idx.msk [tilespmem:v42+s24+$0x0], $0xffff;
	v3 =	vadd.f32 v4, v3;
	v4 =	vmul.f32 v6, v41  }
0x343: {  	v48 =	vor.u32 $0x1D, v2;
	v6 =	vld.idx.msk [tilespmem:v42+s0+$0x0], $0xffff  }
0x344: {  	v49 =	vld.idx.msk [tilespmem:v7+s24+$0x0], $0xffff;
	v3 =	vadd.f32 v4, v3;
	v4 =	vmul.f32 v5, v43  }
0x345: {  	v5 =	vld.idx.msk [tilespmem:v7+s0+$0x0], $0xffff;
	v7 =	vor.u32 $0x1E, v2  }
0x346: {  	v50 =	vld.idx.msk [tilespmem:v46+s24+$0x0], $0xffff;
	v3 =	vadd.f32 v4, v3;
	v4 =	vmul.f32 v45, v44  }
0x347: {  	v51 =	vld.idx.msk [tilespmem:v46+s0+$0x0], $0xffff;
	v2 =	vor.u32 $0x1F, v2  }
0x348: {  	v52 =	vld.idx.msk [tilespmem:v48+s24+$0x0], $0xffff;
	v3 =	vadd.f32 v4, v3;
	v4 =	vmul.f32 v6, v47  }
0x349: {  	v6 =	vld.idx.msk [tilespmem:v48+s0+$0x0], $0xffff  }
0x34a: {  	v53 =	vld.idx.msk [tilespmem:v7+s24+$0x0], $0xffff;
	v3 =	vadd.f32 v4, v3;
	v4 =	vmul.f32 v5, v49  }
0x34b: {  	v5 =	vld.idx.msk [tilespmem:v7+s0+$0x0], $0xffff  }
0x34c: {  	v7 =	vld.idx.msk [tilespmem:v2+s24+$0x0], $0xffff;
	v3 =	vadd.f32 v4, v3;
	v4 =	vmul.f32 v51, v50  }
0x34d: {  	v2 =	vld.idx.msk [tilespmem:v2+s0+$0x0], $0xffff  }
0x34e: {  	v3 =	vadd.f32 v4, v3;
	v4 =	vmul.f32 v6, v52;
	_ =	sdelay $0x1  }
0x34f: {  	v3 =	vadd.f32 v4, v3;
	v4 =	vmul.f32 v5, v53  }
0x350: {  	v1 =	vshll.u32 v1, $0x3  }
0x351: {  	v2 =	vmul.f32 v2, v7;
	v3 =	vadd.f32 v4, v3;
	_ =	sdelay $0x1  }
0x352: {  	v2 =	vadd.f32 v2, v3;
	_ =	sdelay $0x1  }
0x353: {  	s17 =	rddreg [dreg:$0xa];
	[tilespmem:v1+s14+$0x0] =	vst.idx.msk $0xffff, v2  }
0x354: {  	[hbm4b:s17+s1] =	stream.strided.scatter [tilespmem:s24], [sflag:$0x6], $0x4000, s7, s1, $0x38;
	[tilespmem:$0x1C400] =	vst v63  }
0x355: {  	s19 =	rddreg [dreg:$0xb]  }
0x356: {  	[hbm4b:s19+s1] =	stream.strided.scatter [tilespmem:s0], [sflag:$0x6], $0x4000, s7, s1, $0x38;
	[tilespmem:$0x1C400] =	vst v63  }
0x357: {  	s20 =	rddreg [dreg:$0xc]  }
0x358: {  	[hbm4b:s20+s8] =	stream.strided.scatter [tilespmem:s14], [sflag:$0x6], $0x1000, s7, s8, $0x38;
	[tilespmem:$0x1C400] =	vst v63  }
0x359: {  	_ =	swait.ge [sflag:s30], $0x1000  }
0x35a: {  	[sflag:s30] =	ssyncset.done $0x0  }
0x35b: {  	[sflag:s30] =	ssyncadd.s32 $0xFFFFF000  }
0x35c: {  	_ =	swait.ge [sflag:s30], $0x1000  }
0x35d: {  	[sflag:s30] =	ssyncset.done $0x0  }
0x35e: {  	[sflag:s30] =	ssyncadd.s32 $0xFFFFF000  }
0x35f: {  	_ =	swait.ge [sflag:s30], $0x1000  }
0x360: {  	[sflag:s30] =	ssyncset.done $0x0  }
0x361: {  	[sflag:s30] =	ssyncadd.s32 $0xFFFFF000  }
0x362: {  	_ =	swait.ge [sflag:s30], $0x1000  }
0x363: {  	[sflag:s30] =	ssyncset.done $0x0  }
0x364: {  	[sflag:s30] =	ssyncadd.s32 $0xFFFFF000  }
0x365: {  	_ =	swait.ge [sflag:s30], $0x1000  }
0x366: {  	[sflag:s30] =	ssyncset.done $0x0  }
0x367: {  	[sflag:s30] =	ssyncadd.s32 $0xFFFFF000  }
0x368: {  	_ =	swait.ge [sflag:s30], $0x1000  }
0x369: {  	[sflag:s30] =	ssyncset.done $0x0  }
0x36a: {  	s21 =	simm.s32 $0x0;
	[sflag:s30] =	ssyncadd.s32 $0xFFFFF000  }
0x36b: {  	v2 =	vor.u32 s21, v0;
	_ =	swait.ge [sflag:s30], $0x1000  }
0x36c: {  	v1 =	vshll.u32 v2, $0x5;
	[sflag:s30] =	ssyncset.done $0x0  }
0x36d: {  	[sflag:s30] =	ssyncadd.s32 $0xFFFFF000  }
0x36e: {  	v3 =	vor.u32 $0x1, v1;
	_ =	swait.ge [sflag:s30], $0x1000  }
0x36f: {  	[sflag:s30] =	ssyncset.done $0x0  }
0x370: {  	v4 =	vor.u32 $0x2, v1;
	[sflag:s30] =	ssyncadd.s32 $0xFFFFF000  }
0x371: {  	v5 =	vld.idx.msk [tilespmem:v1+s28+$0x0], $0xffff  }
0x372: {  	v7 =	vor.u32 $0x3, v1;
	v6 =	vld.idx.msk [tilespmem:v1+s26+$0x0], $0xffff  }
0x373: {  	v54 =	vld.idx.msk [tilespmem:v3+s26+$0x0], $0xffff  }
0x374: {  	v55 =	vor.u32 $0x4, v1;
	v3 =	vld.idx.msk [tilespmem:v3+s28+$0x0], $0xffff  }
0x375: {  	v56 =	vld.idx.msk [tilespmem:v4+s26+$0x0], $0xffff  }
0x376: {  	v57 =	vor.u32 $0x5, v1;
	v4 =	vld.idx.msk [tilespmem:v4+s28+$0x0], $0xffff  }
0x377: {  	v58 =	vld.idx.msk [tilespmem:v7+s26+$0x0], $0xffff;
	v5 =	vmul.f32 v5, v6  }
0x378: {  	v6 =	vld.idx.msk [tilespmem:v7+s28+$0x0], $0xffff;
	v7 =	vor.u32 $0x6, v1  }
0x379: {  	v59 =	vld.idx.msk [tilespmem:v55+s26+$0x0], $0xffff;
	v3 =	vmul.f32 v3, v54;
	v5 =	vadd.f32 $0.0e+00, v5  }
0x37a: {  	v61 =	vor.u32 $0x7, v1;
	v60 =	vld.idx.msk [tilespmem:v55+s28+$0x0], $0xffff  }
0x37b: {  	v62 =	vld.idx.msk [tilespmem:v57+s26+$0x0], $0xffff;
	v4 =	vmul.f32 v4, v56;
	v3 =	vadd.f32 v3, v5  }
0x37c: {  	v63 =	vor.u32 $0x8, v1;
	v5 =	vld.idx.msk [tilespmem:v57+s28+$0x0], $0xffff  }
0x37d: {  	v16 =	vld.idx.msk [tilespmem:v7+s26+$0x0], $0xffff;
	v3 =	vadd.f32 v4, v3;
	v4 =	vmul.f32 v6, v58  }
0x37e: {  	v6 =	vld.idx.msk [tilespmem:v7+s28+$0x0], $0xffff;
	v7 =	vor.u32 $0x9, v1  }
0x37f: {  	v17 =	vld.idx.msk [tilespmem:v61+s26+$0x0], $0xffff;
	v3 =	vadd.f32 v4, v3;
	v4 =	vmul.f32 v60, v59  }
0x380: {  	v19 =	vor.u32 $0xA, v1;
	v18 =	vld.idx.msk [tilespmem:v61+s28+$0x0], $0xffff  }
0x381: {  	v20 =	vld.idx.msk [tilespmem:v63+s26+$0x0], $0xffff;
	v3 =	vadd.f32 v4, v3;
	v4 =	vmul.f32 v5, v62  }
0x382: {  	v21 =	vor.u32 $0xB, v1;
	v5 =	vld.idx.msk [tilespmem:v63+s28+$0x0], $0xffff  }
0x383: {  	v22 =	vld.idx.msk [tilespmem:v7+s26+$0x0], $0xffff;
	v3 =	vadd.f32 v4, v3;
	v4 =	vmul.f32 v6, v16  }
0x384: {  	v6 =	vld.idx.msk [tilespmem:v7+s28+$0x0], $0xffff;
	v7 =	vor.u32 $0xC, v1  }
0x385: {  	v23 =	vld.idx.msk [tilespmem:v19+s26+$0x0], $0xffff;
	v3 =	vadd.f32 v4, v3;
	v4 =	vmul.f32 v18, v17  }
0x386: {  	v25 =	vor.u32 $0xD, v1;
	v24 =	vld.idx.msk [tilespmem:v19+s28+$0x0], $0xffff  }
0x387: {  	v26 =	vld.idx.msk [tilespmem:v21+s26+$0x0], $0xffff;
	v3 =	vadd.f32 v4, v3;
	v4 =	vmul.f32 v5, v20  }
0x388: {  	v27 =	vor.u32 $0xE, v1;
	v5 =	vld.idx.msk [tilespmem:v21+s28+$0x0], $0xffff  }
0x389: {  	v28 =	vld.idx.msk [tilespmem:v7+s26+$0x0], $0xffff;
	v3 =	vadd.f32 v4, v3;
	v4 =	vmul.f32 v6, v22  }
0x38a: {  	v6 =	vld.idx.msk [tilespmem:v7+s28+$0x0], $0xffff;
	v7 =	vor.u32 $0xF, v1  }
0x38b: {  	v29 =	vld.idx.msk [tilespmem:v25+s26+$0x0], $0xffff;
	v3 =	vadd.f32 v4, v3;
	v4 =	vmul.f32 v24, v23  }
0x38c: {  	v31 =	vor.u32 $0x10, v1;
	v30 =	vld.idx.msk [tilespmem:v25+s28+$0x0], $0xffff  }
0x38d: {  	v32 =	vld.idx.msk [tilespmem:v27+s26+$0x0], $0xffff;
	v3 =	vadd.f32 v4, v3;
	v4 =	vmul.f32 v5, v26  }
0x38e: {  	v33 =	vor.u32 $0x11, v1;
	v5 =	vld.idx.msk [tilespmem:v27+s28+$0x0], $0xffff  }
0x38f: {  	v34 =	vld.idx.msk [tilespmem:v7+s26+$0x0], $0xffff;
	v3 =	vadd.f32 v4, v3;
	v4 =	vmul.f32 v6, v28  }
0x390: {  	v6 =	vld.idx.msk [tilespmem:v7+s28+$0x0], $0xffff;
	v7 =	vor.u32 $0x12, v1  }
0x391: {  	v35 =	vld.idx.msk [tilespmem:v31+s26+$0x0], $0xffff;
	v3 =	vadd.f32 v4, v3;
	v4 =	vmul.f32 v30, v29  }
0x392: {  	v37 =	vor.u32 $0x13, v1;
	v36 =	vld.idx.msk [tilespmem:v31+s28+$0x0], $0xffff  }
0x393: {  	v38 =	vld.idx.msk [tilespmem:v33+s26+$0x0], $0xffff;
	v3 =	vadd.f32 v4, v3;
	v4 =	vmul.f32 v5, v32  }
0x394: {  	v39 =	vor.u32 $0x14, v1;
	v5 =	vld.idx.msk [tilespmem:v33+s28+$0x0], $0xffff  }
0x395: {  	v40 =	vld.idx.msk [tilespmem:v7+s26+$0x0], $0xffff;
	v3 =	vadd.f32 v4, v3;
	v4 =	vmul.f32 v6, v34  }
0x396: {  	v6 =	vld.idx.msk [tilespmem:v7+s28+$0x0], $0xffff;
	v7 =	vor.u32 $0x15, v1  }
0x397: {  	v41 =	vld.idx.msk [tilespmem:v37+s26+$0x0], $0xffff;
	v3 =	vadd.f32 v4, v3;
	v4 =	vmul.f32 v36, v35  }
0x398: {  	v43 =	vor.u32 $0x16, v1;
	v42 =	vld.idx.msk [tilespmem:v37+s28+$0x0], $0xffff  }
0x399: {  	v44 =	vld.idx.msk [tilespmem:v39+s26+$0x0], $0xffff;
	v3 =	vadd.f32 v4, v3;
	v4 =	vmul.f32 v5, v38  }
0x39a: {  	v45 =	vor.u32 $0x17, v1;
	v5 =	vld.idx.msk [tilespmem:v39+s28+$0x0], $0xffff  }
0x39b: {  	v46 =	vld.idx.msk [tilespmem:v7+s26+$0x0], $0xffff;
	v3 =	vadd.f32 v4, v3;
	v4 =	vmul.f32 v6, v40  }
0x39c: {  	v6 =	vld.idx.msk [tilespmem:v7+s28+$0x0], $0xffff;
	v7 =	vor.u32 $0x18, v1  }
0x39d: {  	v47 =	vld.idx.msk [tilespmem:v43+s26+$0x0], $0xffff;
	v3 =	vadd.f32 v4, v3;
	v4 =	vmul.f32 v42, v41  }
0x39e: {  	v49 =	vor.u32 $0x19, v1;
	v48 =	vld.idx.msk [tilespmem:v43+s28+$0x0], $0xffff  }
0x39f: {  	v50 =	vld.idx.msk [tilespmem:v45+s26+$0x0], $0xffff;
	v3 =	vadd.f32 v4, v3;
	v4 =	vmul.f32 v5, v44  }
0x3a0: {  	v51 =	vor.u32 $0x1A, v1;
	v5 =	vld.idx.msk [tilespmem:v45+s28+$0x0], $0xffff  }
0x3a1: {  	v52 =	vld.idx.msk [tilespmem:v7+s26+$0x0], $0xffff;
	v3 =	vadd.f32 v4, v3;
	v4 =	vmul.f32 v6, v46  }
0x3a2: {  	v6 =	vld.idx.msk [tilespmem:v7+s28+$0x0], $0xffff;
	v7 =	vor.u32 $0x1B, v1  }
0x3a3: {  	v53 =	vld.idx.msk [tilespmem:v49+s26+$0x0], $0xffff;
	v3 =	vadd.f32 v4, v3;
	v4 =	vmul.f32 v48, v47  }
0x3a4: {  	v55 =	vor.u32 $0x1C, v1;
	v54 =	vld.idx.msk [tilespmem:v49+s28+$0x0], $0xffff  }
0x3a5: {  	v56 =	vld.idx.msk [tilespmem:v51+s26+$0x0], $0xffff;
	v3 =	vadd.f32 v4, v3;
	v4 =	vmul.f32 v5, v50  }
0x3a6: {  	v57 =	vor.u32 $0x1D, v1;
	v5 =	vld.idx.msk [tilespmem:v51+s28+$0x0], $0xffff  }
0x3a7: {  	v58 =	vld.idx.msk [tilespmem:v7+s26+$0x0], $0xffff;
	v3 =	vadd.f32 v4, v3;
	v4 =	vmul.f32 v6, v52  }
0x3a8: {  	v6 =	vld.idx.msk [tilespmem:v7+s28+$0x0], $0xffff;
	v7 =	vor.u32 $0x1E, v1  }
0x3a9: {  	v59 =	vld.idx.msk [tilespmem:v55+s26+$0x0], $0xffff;
	v3 =	vadd.f32 v4, v3;
	v4 =	vmul.f32 v54, v53  }
0x3aa: {  	v60 =	vld.idx.msk [tilespmem:v55+s28+$0x0], $0xffff;
	v1 =	vor.u32 $0x1F, v1  }
0x3ab: {  	v61 =	vld.idx.msk [tilespmem:v57+s26+$0x0], $0xffff;
	v3 =	vadd.f32 v4, v3;
	v4 =	vmul.f32 v5, v56  }
0x3ac: {  	v5 =	vld.idx.msk [tilespmem:v57+s28+$0x0], $0xffff  }
0x3ad: {  	v62 =	vld.idx.msk [tilespmem:v7+s26+$0x0], $0xffff;
	v3 =	vadd.f32 v4, v3;
	v4 =	vmul.f32 v6, v58  }
0x3ae: {  	v6 =	vld.idx.msk [tilespmem:v7+s28+$0x0], $0xffff  }
0x3af: {  	v63 =	vld.idx.msk [tilespmem:v1+s28+$0x0], $0xffff;
	v3 =	vadd.f32 v4, v3;
	v4 =	vmul.f32 v60, v59  }
0x3b0: {  	v7 =	vld.idx.msk [tilespmem:v1+s26+$0x0], $0xffff  }
0x3b1: {  	v1 =	vadd.f32 v4, v3;
	v3 =	vmul.f32 v5, v61;
	_ =	sdelay $0x1  }
0x3b2: {  	s22 =	simm.s32 $0x10;
	v5 =	vmul.f32 v6, v62;
	v4 =	vadd.f32 v3, v1  }
0x3b3: {  	v1 =	vor.u32 s22, v0;
	v3 =	vshll.u32 v2, $0x3  }
0x3b4: {  	s17 =	simm.s32 $0x20;
	v2 =	vshll.u32 v1, $0x5;
	v4 =	vadd.f32 v5, v4;
	v5 =	vmul.f32 v63, v7  }
.LBB2_8:
0x3b5: {  	p0 =	sne.s32 s17, $0x1F0  }
0x3b6: {  	v6 =	vor.u32 $0x1, v2;
	v4 =	vadd.f32 v5, v4;
	_ =	sdelay $0x1  }
0x3b7: {  	v5 =	vor.u32 $0x2, v2;
	[tilespmem:v3+s5+$0x0] =	vst.idx.msk $0xffff, v4  }
0x3b8: {  	v3 =	vld.idx.msk [tilespmem:v2+s28+$0x0], $0xffff  }
0x3b9: {  	v7 =	vor.u32 $0x3, v2;
	v4 =	vld.idx.msk [tilespmem:v2+s26+$0x0], $0xffff  }
0x3ba: {  	v8 =	vld.idx.msk [tilespmem:v6+s26+$0x0], $0xffff  }
0x3bb: {  	v9 =	vor.u32 $0x4, v2;
	v6 =	vld.idx.msk [tilespmem:v6+s28+$0x0], $0xffff  }
0x3bc: {  	v10 =	vld.idx.msk [tilespmem:v5+s26+$0x0], $0xffff  }
0x3bd: {  	v11 =	vor.u32 $0x5, v2;
	v5 =	vld.idx.msk [tilespmem:v5+s28+$0x0], $0xffff  }
0x3be: {  	v12 =	vld.idx.msk [tilespmem:v7+s26+$0x0], $0xffff  }
0x3bf: {  	v3 =	vmul.f32 v3, v4;
	v4 =	vld.idx.msk [tilespmem:v7+s28+$0x0], $0xffff;
	v7 =	vor.u32 $0x6, v2  }
0x3c0: {  	v13 =	vld.idx.msk [tilespmem:v9+s26+$0x0], $0xffff  }
0x3c1: {  	v3 =	vadd.f32 $0.0e+00, v3;
	v6 =	vmul.f32 v6, v8;
	v8 =	vld.idx.msk [tilespmem:v9+s28+$0x0], $0xffff;
	v9 =	vor.u32 $0x7, v2  }
0x3c2: {  	v14 =	vld.idx.msk [tilespmem:v11+s26+$0x0], $0xffff  }
0x3c3: {  	v3 =	vadd.f32 v6, v3;
	v5 =	vmul.f32 v5, v10;
	v10 =	vor.u32 $0x8, v2;
	v6 =	vld.idx.msk [tilespmem:v11+s28+$0x0], $0xffff  }
0x3c4: {  	v11 =	vld.idx.msk [tilespmem:v7+s26+$0x0], $0xffff  }
0x3c5: {  	v3 =	vadd.f32 v5, v3;
	v4 =	vmul.f32 v4, v12;
	v5 =	vld.idx.msk [tilespmem:v7+s28+$0x0], $0xffff;
	v7 =	vor.u32 $0x9, v2  }
0x3c6: {  	v12 =	vld.idx.msk [tilespmem:v9+s26+$0x0], $0xffff  }
0x3c7: {  	v3 =	vadd.f32 v4, v3;
	v4 =	vmul.f32 v8, v13;
	v8 =	vld.idx.msk [tilespmem:v9+s28+$0x0], $0xffff;
	v9 =	vor.u32 $0xA, v2  }
0x3c8: {  	v13 =	vld.idx.msk [tilespmem:v10+s26+$0x0], $0xffff  }
0x3c9: {  	v3 =	vadd.f32 v4, v3;
	v4 =	vmul.f32 v6, v14;
	v6 =	vld.idx.msk [tilespmem:v10+s28+$0x0], $0xffff;
	v10 =	vor.u32 $0xB, v2  }
0x3ca: {  	v14 =	vld.idx.msk [tilespmem:v7+s26+$0x0], $0xffff  }
0x3cb: {  	v3 =	vadd.f32 v4, v3;
	v4 =	vmul.f32 v5, v11;
	v5 =	vld.idx.msk [tilespmem:v7+s28+$0x0], $0xffff;
	v7 =	vor.u32 $0xC, v2  }
0x3cc: {  	v11 =	vld.idx.msk [tilespmem:v9+s26+$0x0], $0xffff  }
0x3cd: {  	v3 =	vadd.f32 v4, v3;
	v4 =	vmul.f32 v8, v12;
	v8 =	vld.idx.msk [tilespmem:v9+s28+$0x0], $0xffff;
	v9 =	vor.u32 $0xD, v2  }
0x3ce: {  	v12 =	vld.idx.msk [tilespmem:v10+s26+$0x0], $0xffff  }
0x3cf: {  	v3 =	vadd.f32 v4, v3;
	v4 =	vmul.f32 v6, v13;
	v6 =	vld.idx.msk [tilespmem:v10+s28+$0x0], $0xffff;
	v10 =	vor.u32 $0xE, v2  }
0x3d0: {  	v13 =	vld.idx.msk [tilespmem:v7+s26+$0x0], $0xffff  }
0x3d1: {  	v3 =	vadd.f32 v4, v3;
	v4 =	vmul.f32 v5, v14;
	v5 =	vld.idx.msk [tilespmem:v7+s28+$0x0], $0xffff;
	v7 =	vor.u32 $0xF, v2  }
0x3d2: {  	v14 =	vld.idx.msk [tilespmem:v9+s26+$0x0], $0xffff  }
0x3d3: {  	v3 =	vadd.f32 v4, v3;
	v4 =	vmul.f32 v8, v11;
	v8 =	vld.idx.msk [tilespmem:v9+s28+$0x0], $0xffff;
	v9 =	vor.u32 $0x10, v2  }
0x3d4: {  	v11 =	vld.idx.msk [tilespmem:v10+s26+$0x0], $0xffff  }
0x3d5: {  	v3 =	vadd.f32 v4, v3;
	v4 =	vmul.f32 v6, v12;
	v6 =	vld.idx.msk [tilespmem:v10+s28+$0x0], $0xffff;
	v10 =	vor.u32 $0x11, v2  }
0x3d6: {  	v12 =	vld.idx.msk [tilespmem:v7+s26+$0x0], $0xffff  }
0x3d7: {  	v3 =	vadd.f32 v4, v3;
	v4 =	vmul.f32 v5, v13;
	v5 =	vld.idx.msk [tilespmem:v7+s28+$0x0], $0xffff;
	v7 =	vor.u32 $0x12, v2  }
0x3d8: {  	v13 =	vld.idx.msk [tilespmem:v9+s26+$0x0], $0xffff  }
0x3d9: {  	v3 =	vadd.f32 v4, v3;
	v4 =	vmul.f32 v8, v14;
	v8 =	vld.idx.msk [tilespmem:v9+s28+$0x0], $0xffff;
	v9 =	vor.u32 $0x13, v2  }
0x3da: {  	v14 =	vld.idx.msk [tilespmem:v10+s26+$0x0], $0xffff  }
0x3db: {  	v3 =	vadd.f32 v4, v3;
	v4 =	vmul.f32 v6, v11;
	v6 =	vld.idx.msk [tilespmem:v10+s28+$0x0], $0xffff;
	v10 =	vor.u32 $0x14, v2  }
0x3dc: {  	v11 =	vld.idx.msk [tilespmem:v7+s26+$0x0], $0xffff  }
0x3dd: {  	v3 =	vadd.f32 v4, v3;
	v4 =	vmul.f32 v5, v12;
	v5 =	vld.idx.msk [tilespmem:v7+s28+$0x0], $0xffff;
	v7 =	vor.u32 $0x15, v2  }
0x3de: {  	v12 =	vld.idx.msk [tilespmem:v9+s26+$0x0], $0xffff  }
0x3df: {  	v3 =	vadd.f32 v4, v3;
	v4 =	vmul.f32 v8, v13;
	v8 =	vld.idx.msk [tilespmem:v9+s28+$0x0], $0xffff;
	v9 =	vor.u32 $0x16, v2  }
0x3e0: {  	v13 =	vld.idx.msk [tilespmem:v10+s26+$0x0], $0xffff  }
0x3e1: {  	v3 =	vadd.f32 v4, v3;
	v4 =	vmul.f32 v6, v14;
	v6 =	vld.idx.msk [tilespmem:v10+s28+$0x0], $0xffff;
	v10 =	vor.u32 $0x17, v2  }
0x3e2: {  	v14 =	vld.idx.msk [tilespmem:v7+s26+$0x0], $0xffff  }
0x3e3: {  	v3 =	vadd.f32 v4, v3;
	v4 =	vmul.f32 v5, v11;
	v5 =	vld.idx.msk [tilespmem:v7+s28+$0x0], $0xffff;
	v7 =	vor.u32 $0x18, v2  }
0x3e4: {  	v11 =	vld.idx.msk [tilespmem:v9+s26+$0x0], $0xffff  }
0x3e5: {  	v3 =	vadd.f32 v4, v3;
	v4 =	vmul.f32 v8, v12;
	v8 =	vld.idx.msk [tilespmem:v9+s28+$0x0], $0xffff;
	v9 =	vor.u32 $0x19, v2  }
0x3e6: {  	v12 =	vld.idx.msk [tilespmem:v10+s26+$0x0], $0xffff  }
0x3e7: {  	v3 =	vadd.f32 v4, v3;
	v4 =	vmul.f32 v6, v13;
	v6 =	vld.idx.msk [tilespmem:v10+s28+$0x0], $0xffff;
	v10 =	vor.u32 $0x1A, v2  }
0x3e8: {  	v13 =	vld.idx.msk [tilespmem:v7+s26+$0x0], $0xffff  }
0x3e9: {  	v3 =	vadd.f32 v4, v3;
	v4 =	vmul.f32 v5, v14;
	v5 =	vld.idx.msk [tilespmem:v7+s28+$0x0], $0xffff;
	v7 =	vor.u32 $0x1B, v2  }
0x3ea: {  	v14 =	vld.idx.msk [tilespmem:v9+s26+$0x0], $0xffff  }
0x3eb: {  	v3 =	vadd.f32 v4, v3;
	v4 =	vmul.f32 v8, v11;
	v8 =	vld.idx.msk [tilespmem:v9+s28+$0x0], $0xffff;
	v9 =	vor.u32 $0x1C, v2  }
0x3ec: {  	v11 =	vld.idx.msk [tilespmem:v10+s26+$0x0], $0xffff  }
0x3ed: {  	v3 =	vadd.f32 v4, v3;
	v4 =	vmul.f32 v6, v12;
	v6 =	vld.idx.msk [tilespmem:v10+s28+$0x0], $0xffff;
	v10 =	vor.u32 $0x1D, v2  }
0x3ee: {  	v12 =	vld.idx.msk [tilespmem:v7+s26+$0x0], $0xffff  }
0x3ef: {  	v3 =	vadd.f32 v4, v3;
	v4 =	vmul.f32 v5, v13;
	v5 =	vld.idx.msk [tilespmem:v7+s28+$0x0], $0xffff;
	v7 =	vor.u32 $0x1E, v2  }
0x3f0: {  	v13 =	vld.idx.msk [tilespmem:v9+s26+$0x0], $0xffff  }
0x3f1: {  	v2 =	vor.u32 $0x1F, v2;
	v3 =	vadd.f32 v4, v3;
	v4 =	vmul.f32 v8, v14;
	v8 =	vld.idx.msk [tilespmem:v9+s28+$0x0], $0xffff  }
0x3f2: {  	v9 =	vld.idx.msk [tilespmem:v10+s26+$0x0], $0xffff  }
0x3f3: {  	v3 =	vadd.f32 v4, v3;
	v4 =	vmul.f32 v6, v11;
	v6 =	vld.idx.msk [tilespmem:v10+s28+$0x0], $0xffff  }
0x3f4: {  	v10 =	vld.idx.msk [tilespmem:v7+s26+$0x0], $0xffff  }
0x3f5: {  	v3 =	vadd.f32 v4, v3;
	v4 =	vmul.f32 v5, v12;
	v5 =	vld.idx.msk [tilespmem:v7+s28+$0x0], $0xffff  }
0x3f6: {  	v7 =	vld.idx.msk [tilespmem:v2+s26+$0x0], $0xffff  }
0x3f7: {  	v3 =	vadd.f32 v4, v3;
	v4 =	vmul.f32 v8, v13;
	v8 =	vld.idx.msk [tilespmem:v2+s28+$0x0], $0xffff;
	_ =	sdelay $0x1  }
.Ltmp3:
0x3f8: {  	v2 =	vadd.f32 v4, v3;
	v3 =	vmul.f32 v6, v9;
	(pc) =	sbr.rel @p0 .LBB2_8-.Ltmp3, $4  }
0x3f9: {  	_ = 	snop  }
0x3fa: {  	v4 =	vadd.f32 v3, v2;
	v5 =	vmul.f32 v5, v10  }
0x3fb: {  	v3 =	vshll.u32 v1, $0x3;
	v1 =	vor.u32 s17, v0  }
0x3fc: {  	s17 =	sadd.s32 $0x10, s17;
	v2 =	vshll.u32 v1, $0x5;
	v4 =	vadd.f32 v5, v4;
	v5 =	vmul.f32 v8, v7  }
0x3fd: {  	_ =	sdelay $0x1  }
0x3fe: {  	v6 =	vor.u32 $0x1, v2;
	v4 =	vadd.f32 v5, v4;
	_ =	sdelay $0x1  }
0x3ff: {  	v5 =	vor.u32 $0x2, v2;
	[tilespmem:v3+s5+$0x0] =	vst.idx.msk $0xffff, v4  }
0x400: {  	v3 =	vld.idx.msk [tilespmem:v2+s28+$0x0], $0xffff  }
0x401: {  	v7 =	vor.u32 $0x3, v2;
	v4 =	vld.idx.msk [tilespmem:v2+s26+$0x0], $0xffff  }
0x402: {  	v8 =	vld.idx.msk [tilespmem:v6+s26+$0x0], $0xffff  }
0x403: {  	v9 =	vor.u32 $0x4, v2;
	v6 =	vld.idx.msk [tilespmem:v6+s28+$0x0], $0xffff  }
0x404: {  	v10 =	vld.idx.msk [tilespmem:v5+s26+$0x0], $0xffff  }
0x405: {  	v11 =	vor.u32 $0x5, v2;
	v5 =	vld.idx.msk [tilespmem:v5+s28+$0x0], $0xffff  }
0x406: {  	v12 =	vld.idx.msk [tilespmem:v7+s26+$0x0], $0xffff;
	v3 =	vmul.f32 v3, v4  }
0x407: {  	v4 =	vld.idx.msk [tilespmem:v7+s28+$0x0], $0xffff;
	v7 =	vor.u32 $0x6, v2  }
0x408: {  	v13 =	vld.idx.msk [tilespmem:v9+s26+$0x0], $0xffff;
	v6 =	vmul.f32 v6, v8;
	v3 =	vadd.f32 $0.0e+00, v3  }
0x409: {  	v53 =	vor.u32 $0x7, v2;
	v52 =	vld.idx.msk [tilespmem:v9+s28+$0x0], $0xffff  }
0x40a: {  	v14 =	vld.idx.msk [tilespmem:v11+s26+$0x0], $0xffff;
	v5 =	vmul.f32 v5, v10;
	v3 =	vadd.f32 v6, v3  }
0x40b: {  	v54 =	vor.u32 $0x8, v2;
	v6 =	vld.idx.msk [tilespmem:v11+s28+$0x0], $0xffff  }
0x40c: {  	v55 =	vld.idx.msk [tilespmem:v7+s26+$0x0], $0xffff;
	v4 =	vmul.f32 v4, v12;
	v3 =	vadd.f32 v5, v3  }
0x40d: {  	v5 =	vld.idx.msk [tilespmem:v7+s28+$0x0], $0xffff;
	v7 =	vor.u32 $0x9, v2  }
0x40e: {  	v56 =	vld.idx.msk [tilespmem:v53+s26+$0x0], $0xffff;
	v3 =	vadd.f32 v4, v3;
	v4 =	vmul.f32 v52, v13  }
0x40f: {  	v58 =	vor.u32 $0xA, v2;
	v57 =	vld.idx.msk [tilespmem:v53+s28+$0x0], $0xffff  }
0x410: {  	v59 =	vld.idx.msk [tilespmem:v54+s26+$0x0], $0xffff;
	v3 =	vadd.f32 v4, v3;
	v4 =	vmul.f32 v6, v14  }
0x411: {  	v60 =	vor.u32 $0xB, v2;
	v6 =	vld.idx.msk [tilespmem:v54+s28+$0x0], $0xffff  }
0x412: {  	v61 =	vld.idx.msk [tilespmem:v7+s26+$0x0], $0xffff;
	v3 =	vadd.f32 v4, v3;
	v4 =	vmul.f32 v5, v55  }
0x413: {  	v5 =	vld.idx.msk [tilespmem:v7+s28+$0x0], $0xffff;
	v7 =	vor.u32 $0xC, v2  }
0x414: {  	v62 =	vld.idx.msk [tilespmem:v58+s26+$0x0], $0xffff;
	v3 =	vadd.f32 v4, v3;
	v4 =	vmul.f32 v57, v56  }
0x415: {  	v16 =	vor.u32 $0xD, v2;
	v63 =	vld.idx.msk [tilespmem:v58+s28+$0x0], $0xffff  }
0x416: {  	v17 =	vld.idx.msk [tilespmem:v60+s26+$0x0], $0xffff;
	v3 =	vadd.f32 v4, v3;
	v4 =	vmul.f32 v6, v59  }
0x417: {  	v18 =	vor.u32 $0xE, v2;
	v6 =	vld.idx.msk [tilespmem:v60+s28+$0x0], $0xffff  }
0x418: {  	v19 =	vld.idx.msk [tilespmem:v7+s26+$0x0], $0xffff;
	v3 =	vadd.f32 v4, v3;
	v4 =	vmul.f32 v5, v61  }
0x419: {  	v5 =	vld.idx.msk [tilespmem:v7+s28+$0x0], $0xffff;
	v7 =	vor.u32 $0xF, v2  }
0x41a: {  	v20 =	vld.idx.msk [tilespmem:v16+s26+$0x0], $0xffff;
	v3 =	vadd.f32 v4, v3;
	v4 =	vmul.f32 v63, v62  }
0x41b: {  	v22 =	vor.u32 $0x10, v2;
	v21 =	vld.idx.msk [tilespmem:v16+s28+$0x0], $0xffff  }
0x41c: {  	v23 =	vld.idx.msk [tilespmem:v18+s26+$0x0], $0xffff;
	v3 =	vadd.f32 v4, v3;
	v4 =	vmul.f32 v6, v17  }
0x41d: {  	v24 =	vor.u32 $0x11, v2;
	v6 =	vld.idx.msk [tilespmem:v18+s28+$0x0], $0xffff  }
0x41e: {  	v25 =	vld.idx.msk [tilespmem:v7+s26+$0x0], $0xffff;
	v3 =	vadd.f32 v4, v3;
	v4 =	vmul.f32 v5, v19  }
0x41f: {  	v5 =	vld.idx.msk [tilespmem:v7+s28+$0x0], $0xffff;
	v7 =	vor.u32 $0x12, v2  }
0x420: {  	v26 =	vld.idx.msk [tilespmem:v22+s26+$0x0], $0xffff;
	v3 =	vadd.f32 v4, v3;
	v4 =	vmul.f32 v21, v20  }
0x421: {  	v28 =	vor.u32 $0x13, v2;
	v27 =	vld.idx.msk [tilespmem:v22+s28+$0x0], $0xffff  }
0x422: {  	v29 =	vld.idx.msk [tilespmem:v24+s26+$0x0], $0xffff;
	v3 =	vadd.f32 v4, v3;
	v4 =	vmul.f32 v6, v23  }
0x423: {  	v30 =	vor.u32 $0x14, v2;
	v6 =	vld.idx.msk [tilespmem:v24+s28+$0x0], $0xffff  }
0x424: {  	v31 =	vld.idx.msk [tilespmem:v7+s26+$0x0], $0xffff;
	v3 =	vadd.f32 v4, v3;
	v4 =	vmul.f32 v5, v25  }
0x425: {  	v5 =	vld.idx.msk [tilespmem:v7+s28+$0x0], $0xffff;
	v7 =	vor.u32 $0x15, v2  }
0x426: {  	v32 =	vld.idx.msk [tilespmem:v28+s26+$0x0], $0xffff;
	v3 =	vadd.f32 v4, v3;
	v4 =	vmul.f32 v27, v26  }
0x427: {  	v34 =	vor.u32 $0x16, v2;
	v33 =	vld.idx.msk [tilespmem:v28+s28+$0x0], $0xffff  }
0x428: {  	v35 =	vld.idx.msk [tilespmem:v30+s26+$0x0], $0xffff;
	v3 =	vadd.f32 v4, v3;
	v4 =	vmul.f32 v6, v29  }
0x429: {  	v36 =	vor.u32 $0x17, v2;
	v6 =	vld.idx.msk [tilespmem:v30+s28+$0x0], $0xffff  }
0x42a: {  	v37 =	vld.idx.msk [tilespmem:v7+s26+$0x0], $0xffff;
	v3 =	vadd.f32 v4, v3;
	v4 =	vmul.f32 v5, v31  }
0x42b: {  	v5 =	vld.idx.msk [tilespmem:v7+s28+$0x0], $0xffff;
	v7 =	vor.u32 $0x18, v2  }
0x42c: {  	v38 =	vld.idx.msk [tilespmem:v34+s26+$0x0], $0xffff;
	v3 =	vadd.f32 v4, v3;
	v4 =	vmul.f32 v33, v32  }
0x42d: {  	v40 =	vor.u32 $0x19, v2;
	v39 =	vld.idx.msk [tilespmem:v34+s28+$0x0], $0xffff  }
0x42e: {  	v41 =	vld.idx.msk [tilespmem:v36+s26+$0x0], $0xffff;
	v3 =	vadd.f32 v4, v3;
	v4 =	vmul.f32 v6, v35  }
0x42f: {  	v42 =	vor.u32 $0x1A, v2;
	v6 =	vld.idx.msk [tilespmem:v36+s28+$0x0], $0xffff  }
0x430: {  	v43 =	vld.idx.msk [tilespmem:v7+s26+$0x0], $0xffff;
	v3 =	vadd.f32 v4, v3;
	v4 =	vmul.f32 v5, v37  }
0x431: {  	v5 =	vld.idx.msk [tilespmem:v7+s28+$0x0], $0xffff;
	v7 =	vor.u32 $0x1B, v2  }
0x432: {  	v44 =	vld.idx.msk [tilespmem:v40+s26+$0x0], $0xffff;
	v3 =	vadd.f32 v4, v3;
	v4 =	vmul.f32 v39, v38  }
0x433: {  	v46 =	vor.u32 $0x1C, v2;
	v45 =	vld.idx.msk [tilespmem:v40+s28+$0x0], $0xffff  }
0x434: {  	v47 =	vld.idx.msk [tilespmem:v42+s26+$0x0], $0xffff;
	v3 =	vadd.f32 v4, v3;
	v4 =	vmul.f32 v6, v41  }
0x435: {  	v48 =	vor.u32 $0x1D, v2;
	v6 =	vld.idx.msk [tilespmem:v42+s28+$0x0], $0xffff  }
0x436: {  	v49 =	vld.idx.msk [tilespmem:v7+s26+$0x0], $0xffff;
	v3 =	vadd.f32 v4, v3;
	v4 =	vmul.f32 v5, v43  }
0x437: {  	v5 =	vld.idx.msk [tilespmem:v7+s28+$0x0], $0xffff;
	v7 =	vor.u32 $0x1E, v2  }
0x438: {  	v50 =	vld.idx.msk [tilespmem:v46+s26+$0x0], $0xffff;
	v3 =	vadd.f32 v4, v3;
	v4 =	vmul.f32 v45, v44  }
0x439: {  	v51 =	vld.idx.msk [tilespmem:v46+s28+$0x0], $0xffff;
	v2 =	vor.u32 $0x1F, v2  }
0x43a: {  	v52 =	vld.idx.msk [tilespmem:v48+s26+$0x0], $0xffff;
	v3 =	vadd.f32 v4, v3;
	v4 =	vmul.f32 v6, v47  }
0x43b: {  	v6 =	vld.idx.msk [tilespmem:v48+s28+$0x0], $0xffff  }
0x43c: {  	v53 =	vld.idx.msk [tilespmem:v7+s26+$0x0], $0xffff;
	v3 =	vadd.f32 v4, v3;
	v4 =	vmul.f32 v5, v49  }
0x43d: {  	v5 =	vld.idx.msk [tilespmem:v7+s28+$0x0], $0xffff  }
0x43e: {  	v7 =	vld.idx.msk [tilespmem:v2+s26+$0x0], $0xffff;
	v3 =	vadd.f32 v4, v3;
	v4 =	vmul.f32 v51, v50  }
0x43f: {  	v2 =	vld.idx.msk [tilespmem:v2+s28+$0x0], $0xffff  }
0x440: {  	v3 =	vadd.f32 v4, v3;
	v4 =	vmul.f32 v6, v52;
	_ =	sdelay $0x1  }
0x441: {  	v3 =	vadd.f32 v4, v3;
	v4 =	vmul.f32 v5, v53  }
0x442: {  	v1 =	vshll.u32 v1, $0x3  }
0x443: {  	v2 =	vmul.f32 v2, v7;
	v3 =	vadd.f32 v4, v3;
	_ =	sdelay $0x1  }
0x444: {  	v2 =	vadd.f32 v2, v3;
	_ =	sdelay $0x1  }
0x445: {  	s17 =	rddreg [dreg:$0xd];
	[tilespmem:v1+s5+$0x0] =	vst.idx.msk $0xffff, v2  }
0x446: {  	[hbm4b:s17+s1] =	stream.strided.scatter [tilespmem:s26], [sflag:$0x4], $0x4000, s7, s1, $0x38;
	[tilespmem:$0x1C400] =	vst v63  }
0x447: {  	s19 =	rddreg [dreg:$0xe]  }
0x448: {  	[hbm4b:s19+s1] =	stream.strided.scatter [tilespmem:s28], [sflag:$0x4], $0x4000, s7, s1, $0x38;
	[tilespmem:$0x1C400] =	vst v63  }
0x449: {  	s20 =	rddreg [dreg:$0xf]  }
0x44a: {  	[hbm4b:s20+s8] =	stream.strided.scatter [tilespmem:s5], [sflag:$0x4], $0x1000, s7, s8, $0x38;
	[tilespmem:$0x1C400] =	vst v63  }
0x44b: {  	_ =	swait.ge [sflag:s9], $0x1000  }
0x44c: {  	[sflag:s9] =	ssyncset.done $0x0  }
0x44d: {  	[sflag:s9] =	ssyncadd.s32 $0xFFFFF000  }
0x44e: {  	_ =	swait.ge [sflag:s9], $0x1000  }
0x44f: {  	[sflag:s9] =	ssyncset.done $0x0  }
0x450: {  	[sflag:s9] =	ssyncadd.s32 $0xFFFFF000  }
0x451: {  	_ =	swait.ge [sflag:s9], $0x1000  }
0x452: {  	[sflag:s9] =	ssyncset.done $0x0  }
0x453: {  	[sflag:s9] =	ssyncadd.s32 $0xFFFFF000  }
0x454: {  	_ =	swait.ge [sflag:s9], $0x1000  }
0x455: {  	[sflag:s9] =	ssyncset.done $0x0  }
0x456: {  	[sflag:s9] =	ssyncadd.s32 $0xFFFFF000  }
0x457: {  	_ =	swait.ge [sflag:s9], $0x1000  }
0x458: {  	[sflag:s9] =	ssyncset.done $0x0  }
0x459: {  	[sflag:s9] =	ssyncadd.s32 $0xFFFFF000  }
0x45a: {  	_ =	swait.ge [sflag:s9], $0x1000  }
0x45b: {  	[sflag:s9] =	ssyncset.done $0x0  }
0x45c: {  	s21 =	simm.s32 $0x0;
	[sflag:s9] =	ssyncadd.s32 $0xFFFFF000  }
0x45d: {  	v2 =	vor.u32 s21, v0;
	_ =	swait.ge [sflag:s9], $0x1000  }
0x45e: {  	v1 =	vshll.u32 v2, $0x5;
	[sflag:s9] =	ssyncset.done $0x0  }
0x45f: {  	[sflag:s9] =	ssyncadd.s32 $0xFFFFF000  }
0x460: {  	v3 =	vor.u32 $0x1, v1;
	_ =	swait.ge [sflag:s9], $0x1000  }
0x461: {  	[sflag:s9] =	ssyncset.done $0x0  }
0x462: {  	v4 =	vor.u32 $0x2, v1;
	[sflag:s9] =	ssyncadd.s32 $0xFFFFF000  }
0x463: {  	v5 =	vld.idx.msk [tilespmem:v1+s31+$0x0], $0xffff  }
0x464: {  	v7 =	vor.u32 $0x3, v1;
	v6 =	vld.idx.msk [tilespmem:v1+s29+$0x0], $0xffff  }
0x465: {  	v54 =	vld.idx.msk [tilespmem:v3+s29+$0x0], $0xffff  }
0x466: {  	v55 =	vor.u32 $0x4, v1;
	v3 =	vld.idx.msk [tilespmem:v3+s31+$0x0], $0xffff  }
0x467: {  	v56 =	vld.idx.msk [tilespmem:v4+s29+$0x0], $0xffff  }
0x468: {  	v57 =	vor.u32 $0x5, v1;
	v4 =	vld.idx.msk [tilespmem:v4+s31+$0x0], $0xffff  }
0x469: {  	v58 =	vld.idx.msk [tilespmem:v7+s29+$0x0], $0xffff;
	v5 =	vmul.f32 v5, v6  }
0x46a: {  	v6 =	vld.idx.msk [tilespmem:v7+s31+$0x0], $0xffff;
	v7 =	vor.u32 $0x6, v1  }
0x46b: {  	v59 =	vld.idx.msk [tilespmem:v55+s29+$0x0], $0xffff;
	v3 =	vmul.f32 v3, v54;
	v5 =	vadd.f32 $0.0e+00, v5  }
0x46c: {  	v61 =	vor.u32 $0x7, v1;
	v60 =	vld.idx.msk [tilespmem:v55+s31+$0x0], $0xffff  }
0x46d: {  	v62 =	vld.idx.msk [tilespmem:v57+s29+$0x0], $0xffff;
	v4 =	vmul.f32 v4, v56;
	v3 =	vadd.f32 v3, v5  }
0x46e: {  	v63 =	vor.u32 $0x8, v1;
	v5 =	vld.idx.msk [tilespmem:v57+s31+$0x0], $0xffff  }
0x46f: {  	v16 =	vld.idx.msk [tilespmem:v7+s29+$0x0], $0xffff;
	v3 =	vadd.f32 v4, v3;
	v4 =	vmul.f32 v6, v58  }
0x470: {  	v6 =	vld.idx.msk [tilespmem:v7+s31+$0x0], $0xffff;
	v7 =	vor.u32 $0x9, v1  }
0x471: {  	v17 =	vld.idx.msk [tilespmem:v61+s29+$0x0], $0xffff;
	v3 =	vadd.f32 v4, v3;
	v4 =	vmul.f32 v60, v59  }
0x472: {  	v19 =	vor.u32 $0xA, v1;
	v18 =	vld.idx.msk [tilespmem:v61+s31+$0x0], $0xffff  }
0x473: {  	v20 =	vld.idx.msk [tilespmem:v63+s29+$0x0], $0xffff;
	v3 =	vadd.f32 v4, v3;
	v4 =	vmul.f32 v5, v62  }
0x474: {  	v21 =	vor.u32 $0xB, v1;
	v5 =	vld.idx.msk [tilespmem:v63+s31+$0x0], $0xffff  }
0x475: {  	v22 =	vld.idx.msk [tilespmem:v7+s29+$0x0], $0xffff;
	v3 =	vadd.f32 v4, v3;
	v4 =	vmul.f32 v6, v16  }
0x476: {  	v6 =	vld.idx.msk [tilespmem:v7+s31+$0x0], $0xffff;
	v7 =	vor.u32 $0xC, v1  }
0x477: {  	v23 =	vld.idx.msk [tilespmem:v19+s29+$0x0], $0xffff;
	v3 =	vadd.f32 v4, v3;
	v4 =	vmul.f32 v18, v17  }
0x478: {  	v25 =	vor.u32 $0xD, v1;
	v24 =	vld.idx.msk [tilespmem:v19+s31+$0x0], $0xffff  }
0x479: {  	v26 =	vld.idx.msk [tilespmem:v21+s29+$0x0], $0xffff;
	v3 =	vadd.f32 v4, v3;
	v4 =	vmul.f32 v5, v20  }
0x47a: {  	v27 =	vor.u32 $0xE, v1;
	v5 =	vld.idx.msk [tilespmem:v21+s31+$0x0], $0xffff  }
0x47b: {  	v28 =	vld.idx.msk [tilespmem:v7+s29+$0x0], $0xffff;
	v3 =	vadd.f32 v4, v3;
	v4 =	vmul.f32 v6, v22  }
0x47c: {  	v6 =	vld.idx.msk [tilespmem:v7+s31+$0x0], $0xffff;
	v7 =	vor.u32 $0xF, v1  }
0x47d: {  	v29 =	vld.idx.msk [tilespmem:v25+s29+$0x0], $0xffff;
	v3 =	vadd.f32 v4, v3;
	v4 =	vmul.f32 v24, v23  }
0x47e: {  	v31 =	vor.u32 $0x10, v1;
	v30 =	vld.idx.msk [tilespmem:v25+s31+$0x0], $0xffff  }
0x47f: {  	v32 =	vld.idx.msk [tilespmem:v27+s29+$0x0], $0xffff;
	v3 =	vadd.f32 v4, v3;
	v4 =	vmul.f32 v5, v26  }
0x480: {  	v33 =	vor.u32 $0x11, v1;
	v5 =	vld.idx.msk [tilespmem:v27+s31+$0x0], $0xffff  }
0x481: {  	v34 =	vld.idx.msk [tilespmem:v7+s29+$0x0], $0xffff;
	v3 =	vadd.f32 v4, v3;
	v4 =	vmul.f32 v6, v28  }
0x482: {  	v6 =	vld.idx.msk [tilespmem:v7+s31+$0x0], $0xffff;
	v7 =	vor.u32 $0x12, v1  }
0x483: {  	v35 =	vld.idx.msk [tilespmem:v31+s29+$0x0], $0xffff;
	v3 =	vadd.f32 v4, v3;
	v4 =	vmul.f32 v30, v29  }
0x484: {  	v37 =	vor.u32 $0x13, v1;
	v36 =	vld.idx.msk [tilespmem:v31+s31+$0x0], $0xffff  }
0x485: {  	v38 =	vld.idx.msk [tilespmem:v33+s29+$0x0], $0xffff;
	v3 =	vadd.f32 v4, v3;
	v4 =	vmul.f32 v5, v32  }
0x486: {  	v39 =	vor.u32 $0x14, v1;
	v5 =	vld.idx.msk [tilespmem:v33+s31+$0x0], $0xffff  }
0x487: {  	v40 =	vld.idx.msk [tilespmem:v7+s29+$0x0], $0xffff;
	v3 =	vadd.f32 v4, v3;
	v4 =	vmul.f32 v6, v34  }
0x488: {  	v6 =	vld.idx.msk [tilespmem:v7+s31+$0x0], $0xffff;
	v7 =	vor.u32 $0x15, v1  }
0x489: {  	v41 =	vld.idx.msk [tilespmem:v37+s29+$0x0], $0xffff;
	v3 =	vadd.f32 v4, v3;
	v4 =	vmul.f32 v36, v35  }
0x48a: {  	v43 =	vor.u32 $0x16, v1;
	v42 =	vld.idx.msk [tilespmem:v37+s31+$0x0], $0xffff  }
0x48b: {  	v44 =	vld.idx.msk [tilespmem:v39+s29+$0x0], $0xffff;
	v3 =	vadd.f32 v4, v3;
	v4 =	vmul.f32 v5, v38  }
0x48c: {  	v45 =	vor.u32 $0x17, v1;
	v5 =	vld.idx.msk [tilespmem:v39+s31+$0x0], $0xffff  }
0x48d: {  	v46 =	vld.idx.msk [tilespmem:v7+s29+$0x0], $0xffff;
	v3 =	vadd.f32 v4, v3;
	v4 =	vmul.f32 v6, v40  }
0x48e: {  	v6 =	vld.idx.msk [tilespmem:v7+s31+$0x0], $0xffff;
	v7 =	vor.u32 $0x18, v1  }
0x48f: {  	v47 =	vld.idx.msk [tilespmem:v43+s29+$0x0], $0xffff;
	v3 =	vadd.f32 v4, v3;
	v4 =	vmul.f32 v42, v41  }
0x490: {  	v49 =	vor.u32 $0x19, v1;
	v48 =	vld.idx.msk [tilespmem:v43+s31+$0x0], $0xffff  }
0x491: {  	v50 =	vld.idx.msk [tilespmem:v45+s29+$0x0], $0xffff;
	v3 =	vadd.f32 v4, v3;
	v4 =	vmul.f32 v5, v44  }
0x492: {  	v51 =	vor.u32 $0x1A, v1;
	v5 =	vld.idx.msk [tilespmem:v45+s31+$0x0], $0xffff  }
0x493: {  	v52 =	vld.idx.msk [tilespmem:v7+s29+$0x0], $0xffff;
	v3 =	vadd.f32 v4, v3;
	v4 =	vmul.f32 v6, v46  }
0x494: {  	v6 =	vld.idx.msk [tilespmem:v7+s31+$0x0], $0xffff;
	v7 =	vor.u32 $0x1B, v1  }
0x495: {  	v53 =	vld.idx.msk [tilespmem:v49+s29+$0x0], $0xffff;
	v3 =	vadd.f32 v4, v3;
	v4 =	vmul.f32 v48, v47  }
0x496: {  	v55 =	vor.u32 $0x1C, v1;
	v54 =	vld.idx.msk [tilespmem:v49+s31+$0x0], $0xffff  }
0x497: {  	v56 =	vld.idx.msk [tilespmem:v51+s29+$0x0], $0xffff;
	v3 =	vadd.f32 v4, v3;
	v4 =	vmul.f32 v5, v50  }
0x498: {  	v57 =	vor.u32 $0x1D, v1;
	v5 =	vld.idx.msk [tilespmem:v51+s31+$0x0], $0xffff  }
0x499: {  	v58 =	vld.idx.msk [tilespmem:v7+s29+$0x0], $0xffff;
	v3 =	vadd.f32 v4, v3;
	v4 =	vmul.f32 v6, v52  }
0x49a: {  	v6 =	vld.idx.msk [tilespmem:v7+s31+$0x0], $0xffff;
	v7 =	vor.u32 $0x1E, v1  }
0x49b: {  	v59 =	vld.idx.msk [tilespmem:v55+s29+$0x0], $0xffff;
	v3 =	vadd.f32 v4, v3;
	v4 =	vmul.f32 v54, v53  }
0x49c: {  	v60 =	vld.idx.msk [tilespmem:v55+s31+$0x0], $0xffff;
	v1 =	vor.u32 $0x1F, v1  }
0x49d: {  	v61 =	vld.idx.msk [tilespmem:v57+s29+$0x0], $0xffff;
	v3 =	vadd.f32 v4, v3;
	v4 =	vmul.f32 v5, v56  }
0x49e: {  	v5 =	vld.idx.msk [tilespmem:v57+s31+$0x0], $0xffff  }
0x49f: {  	v62 =	vld.idx.msk [tilespmem:v7+s29+$0x0], $0xffff;
	v3 =	vadd.f32 v4, v3;
	v4 =	vmul.f32 v6, v58  }
0x4a0: {  	v6 =	vld.idx.msk [tilespmem:v7+s31+$0x0], $0xffff  }
0x4a1: {  	v63 =	vld.idx.msk [tilespmem:v1+s31+$0x0], $0xffff;
	v3 =	vadd.f32 v4, v3;
	v4 =	vmul.f32 v60, v59  }
0x4a2: {  	v7 =	vld.idx.msk [tilespmem:v1+s29+$0x0], $0xffff  }
0x4a3: {  	v1 =	vadd.f32 v4, v3;
	v3 =	vmul.f32 v5, v61;
	_ =	sdelay $0x1  }
0x4a4: {  	s22 =	simm.s32 $0x10;
	v5 =	vmul.f32 v6, v62;
	v4 =	vadd.f32 v3, v1  }
0x4a5: {  	v1 =	vor.u32 s22, v0;
	v3 =	vshll.u32 v2, $0x3  }
0x4a6: {  	s17 =	simm.s32 $0x20;
	v2 =	vshll.u32 v1, $0x5;
	v4 =	vadd.f32 v5, v4;
	v5 =	vmul.f32 v63, v7  }
.LBB2_10:
0x4a7: {  	p0 =	sne.s32 s17, $0x1F0  }
0x4a8: {  	v6 =	vor.u32 $0x1, v2;
	v4 =	vadd.f32 v5, v4;
	_ =	sdelay $0x1  }
0x4a9: {  	v5 =	vor.u32 $0x2, v2;
	[tilespmem:v3+s11+$0x0] =	vst.idx.msk $0xffff, v4  }
0x4aa: {  	v3 =	vld.idx.msk [tilespmem:v2+s31+$0x0], $0xffff  }
0x4ab: {  	v7 =	vor.u32 $0x3, v2;
	v4 =	vld.idx.msk [tilespmem:v2+s29+$0x0], $0xffff  }
0x4ac: {  	v8 =	vld.idx.msk [tilespmem:v6+s29+$0x0], $0xffff  }
0x4ad: {  	v9 =	vor.u32 $0x4, v2;
	v6 =	vld.idx.msk [tilespmem:v6+s31+$0x0], $0xffff  }
0x4ae: {  	v10 =	vld.idx.msk [tilespmem:v5+s29+$0x0], $0xffff  }
0x4af: {  	v11 =	vor.u32 $0x5, v2;
	v5 =	vld.idx.msk [tilespmem:v5+s31+$0x0], $0xffff  }
0x4b0: {  	v12 =	vld.idx.msk [tilespmem:v7+s29+$0x0], $0xffff  }
0x4b1: {  	v3 =	vmul.f32 v3, v4;
	v4 =	vld.idx.msk [tilespmem:v7+s31+$0x0], $0xffff;
	v7 =	vor.u32 $0x6, v2  }
0x4b2: {  	v13 =	vld.idx.msk [tilespmem:v9+s29+$0x0], $0xffff  }
0x4b3: {  	v3 =	vadd.f32 $0.0e+00, v3;
	v6 =	vmul.f32 v6, v8;
	v8 =	vld.idx.msk [tilespmem:v9+s31+$0x0], $0xffff;
	v9 =	vor.u32 $0x7, v2  }
0x4b4: {  	v14 =	vld.idx.msk [tilespmem:v11+s29+$0x0], $0xffff  }
0x4b5: {  	v3 =	vadd.f32 v6, v3;
	v5 =	vmul.f32 v5, v10;
	v10 =	vor.u32 $0x8, v2;
	v6 =	vld.idx.msk [tilespmem:v11+s31+$0x0], $0xffff  }
0x4b6: {  	v11 =	vld.idx.msk [tilespmem:v7+s29+$0x0], $0xffff  }
0x4b7: {  	v3 =	vadd.f32 v5, v3;
	v4 =	vmul.f32 v4, v12;
	v5 =	vld.idx.msk [tilespmem:v7+s31+$0x0], $0xffff;
	v7 =	vor.u32 $0x9, v2  }
0x4b8: {  	v12 =	vld.idx.msk [tilespmem:v9+s29+$0x0], $0xffff  }
0x4b9: {  	v3 =	vadd.f32 v4, v3;
	v4 =	vmul.f32 v8, v13;
	v8 =	vld.idx.msk [tilespmem:v9+s31+$0x0], $0xffff;
	v9 =	vor.u32 $0xA, v2  }
0x4ba: {  	v13 =	vld.idx.msk [tilespmem:v10+s29+$0x0], $0xffff  }
0x4bb: {  	v3 =	vadd.f32 v4, v3;
	v4 =	vmul.f32 v6, v14;
	v6 =	vld.idx.msk [tilespmem:v10+s31+$0x0], $0xffff;
	v10 =	vor.u32 $0xB, v2  }
0x4bc: {  	v14 =	vld.idx.msk [tilespmem:v7+s29+$0x0], $0xffff  }
0x4bd: {  	v3 =	vadd.f32 v4, v3;
	v4 =	vmul.f32 v5, v11;
	v5 =	vld.idx.msk [tilespmem:v7+s31+$0x0], $0xffff;
	v7 =	vor.u32 $0xC, v2  }
0x4be: {  	v11 =	vld.idx.msk [tilespmem:v9+s29+$0x0], $0xffff  }
0x4bf: {  	v3 =	vadd.f32 v4, v3;
	v4 =	vmul.f32 v8, v12;
	v8 =	vld.idx.msk [tilespmem:v9+s31+$0x0], $0xffff;
	v9 =	vor.u32 $0xD, v2  }
0x4c0: {  	v12 =	vld.idx.msk [tilespmem:v10+s29+$0x0], $0xffff  }
0x4c1: {  	v3 =	vadd.f32 v4, v3;
	v4 =	vmul.f32 v6, v13;
	v6 =	vld.idx.msk [tilespmem:v10+s31+$0x0], $0xffff;
	v10 =	vor.u32 $0xE, v2  }
0x4c2: {  	v13 =	vld.idx.msk [tilespmem:v7+s29+$0x0], $0xffff  }
0x4c3: {  	v3 =	vadd.f32 v4, v3;
	v4 =	vmul.f32 v5, v14;
	v5 =	vld.idx.msk [tilespmem:v7+s31+$0x0], $0xffff;
	v7 =	vor.u32 $0xF, v2  }
0x4c4: {  	v14 =	vld.idx.msk [tilespmem:v9+s29+$0x0], $0xffff  }
0x4c5: {  	v3 =	vadd.f32 v4, v3;
	v4 =	vmul.f32 v8, v11;
	v8 =	vld.idx.msk [tilespmem:v9+s31+$0x0], $0xffff;
	v9 =	vor.u32 $0x10, v2  }
0x4c6: {  	v11 =	vld.idx.msk [tilespmem:v10+s29+$0x0], $0xffff  }
0x4c7: {  	v3 =	vadd.f32 v4, v3;
	v4 =	vmul.f32 v6, v12;
	v6 =	vld.idx.msk [tilespmem:v10+s31+$0x0], $0xffff;
	v10 =	vor.u32 $0x11, v2  }
0x4c8: {  	v12 =	vld.idx.msk [tilespmem:v7+s29+$0x0], $0xffff  }
0x4c9: {  	v3 =	vadd.f32 v4, v3;
	v4 =	vmul.f32 v5, v13;
	v5 =	vld.idx.msk [tilespmem:v7+s31+$0x0], $0xffff;
	v7 =	vor.u32 $0x12, v2  }
0x4ca: {  	v13 =	vld.idx.msk [tilespmem:v9+s29+$0x0], $0xffff  }
0x4cb: {  	v3 =	vadd.f32 v4, v3;
	v4 =	vmul.f32 v8, v14;
	v8 =	vld.idx.msk [tilespmem:v9+s31+$0x0], $0xffff;
	v9 =	vor.u32 $0x13, v2  }
0x4cc: {  	v14 =	vld.idx.msk [tilespmem:v10+s29+$0x0], $0xffff  }
0x4cd: {  	v3 =	vadd.f32 v4, v3;
	v4 =	vmul.f32 v6, v11;
	v6 =	vld.idx.msk [tilespmem:v10+s31+$0x0], $0xffff;
	v10 =	vor.u32 $0x14, v2  }
0x4ce: {  	v11 =	vld.idx.msk [tilespmem:v7+s29+$0x0], $0xffff  }
0x4cf: {  	v3 =	vadd.f32 v4, v3;
	v4 =	vmul.f32 v5, v12;
	v5 =	vld.idx.msk [tilespmem:v7+s31+$0x0], $0xffff;
	v7 =	vor.u32 $0x15, v2  }
0x4d0: {  	v12 =	vld.idx.msk [tilespmem:v9+s29+$0x0], $0xffff  }
0x4d1: {  	v3 =	vadd.f32 v4, v3;
	v4 =	vmul.f32 v8, v13;
	v8 =	vld.idx.msk [tilespmem:v9+s31+$0x0], $0xffff;
	v9 =	vor.u32 $0x16, v2  }
0x4d2: {  	v13 =	vld.idx.msk [tilespmem:v10+s29+$0x0], $0xffff  }
0x4d3: {  	v3 =	vadd.f32 v4, v3;
	v4 =	vmul.f32 v6, v14;
	v6 =	vld.idx.msk [tilespmem:v10+s31+$0x0], $0xffff;
	v10 =	vor.u32 $0x17, v2  }
0x4d4: {  	v14 =	vld.idx.msk [tilespmem:v7+s29+$0x0], $0xffff  }
0x4d5: {  	v3 =	vadd.f32 v4, v3;
	v4 =	vmul.f32 v5, v11;
	v5 =	vld.idx.msk [tilespmem:v7+s31+$0x0], $0xffff;
	v7 =	vor.u32 $0x18, v2  }
0x4d6: {  	v11 =	vld.idx.msk [tilespmem:v9+s29+$0x0], $0xffff  }
0x4d7: {  	v3 =	vadd.f32 v4, v3;
	v4 =	vmul.f32 v8, v12;
	v8 =	vld.idx.msk [tilespmem:v9+s31+$0x0], $0xffff;
	v9 =	vor.u32 $0x19, v2  }
0x4d8: {  	v12 =	vld.idx.msk [tilespmem:v10+s29+$0x0], $0xffff  }
0x4d9: {  	v3 =	vadd.f32 v4, v3;
	v4 =	vmul.f32 v6, v13;
	v6 =	vld.idx.msk [tilespmem:v10+s31+$0x0], $0xffff;
	v10 =	vor.u32 $0x1A, v2  }
0x4da: {  	v13 =	vld.idx.msk [tilespmem:v7+s29+$0x0], $0xffff  }
0x4db: {  	v3 =	vadd.f32 v4, v3;
	v4 =	vmul.f32 v5, v14;
	v5 =	vld.idx.msk [tilespmem:v7+s31+$0x0], $0xffff;
	v7 =	vor.u32 $0x1B, v2  }
0x4dc: {  	v14 =	vld.idx.msk [tilespmem:v9+s29+$0x0], $0xffff  }
0x4dd: {  	v3 =	vadd.f32 v4, v3;
	v4 =	vmul.f32 v8, v11;
	v8 =	vld.idx.msk [tilespmem:v9+s31+$0x0], $0xffff;
	v9 =	vor.u32 $0x1C, v2  }
0x4de: {  	v11 =	vld.idx.msk [tilespmem:v10+s29+$0x0], $0xffff  }
0x4df: {  	v3 =	vadd.f32 v4, v3;
	v4 =	vmul.f32 v6, v12;
	v6 =	vld.idx.msk [tilespmem:v10+s31+$0x0], $0xffff;
	v10 =	vor.u32 $0x1D, v2  }
0x4e0: {  	v12 =	vld.idx.msk [tilespmem:v7+s29+$0x0], $0xffff  }
0x4e1: {  	v3 =	vadd.f32 v4, v3;
	v4 =	vmul.f32 v5, v13;
	v5 =	vld.idx.msk [tilespmem:v7+s31+$0x0], $0xffff;
	v7 =	vor.u32 $0x1E, v2  }
0x4e2: {  	v13 =	vld.idx.msk [tilespmem:v9+s29+$0x0], $0xffff  }
0x4e3: {  	v2 =	vor.u32 $0x1F, v2;
	v3 =	vadd.f32 v4, v3;
	v4 =	vmul.f32 v8, v14;
	v8 =	vld.idx.msk [tilespmem:v9+s31+$0x0], $0xffff  }
0x4e4: {  	v9 =	vld.idx.msk [tilespmem:v10+s29+$0x0], $0xffff  }
0x4e5: {  	v3 =	vadd.f32 v4, v3;
	v4 =	vmul.f32 v6, v11;
	v6 =	vld.idx.msk [tilespmem:v10+s31+$0x0], $0xffff  }
0x4e6: {  	v10 =	vld.idx.msk [tilespmem:v7+s29+$0x0], $0xffff  }
0x4e7: {  	v3 =	vadd.f32 v4, v3;
	v4 =	vmul.f32 v5, v12;
	v5 =	vld.idx.msk [tilespmem:v7+s31+$0x0], $0xffff  }
0x4e8: {  	v7 =	vld.idx.msk [tilespmem:v2+s29+$0x0], $0xffff  }
0x4e9: {  	v3 =	vadd.f32 v4, v3;
	v4 =	vmul.f32 v8, v13;
	v8 =	vld.idx.msk [tilespmem:v2+s31+$0x0], $0xffff;
	_ =	sdelay $0x1  }
.Ltmp4:
0x4ea: {  	v2 =	vadd.f32 v4, v3;
	v3 =	vmul.f32 v6, v9;
	(pc) =	sbr.rel @p0 .LBB2_10-.Ltmp4, $4  }
0x4eb: {  	_ = 	snop  }
0x4ec: {  	v4 =	vadd.f32 v3, v2;
	v5 =	vmul.f32 v5, v10  }
0x4ed: {  	v3 =	vshll.u32 v1, $0x3;
	v1 =	vor.u32 s17, v0  }
0x4ee: {  	s17 =	sadd.s32 $0x10, s17;
	v2 =	vshll.u32 v1, $0x5;
	v4 =	vadd.f32 v5, v4;
	v5 =	vmul.f32 v8, v7  }
0x4ef: {  	_ =	sdelay $0x1  }
0x4f0: {  	v6 =	vor.u32 $0x1, v2;
	v4 =	vadd.f32 v5, v4;
	_ =	sdelay $0x1  }
0x4f1: {  	v53 =	vor.u32 $0x2, v2;
	[tilespmem:v3+s11+$0x0] =	vst.idx.msk $0xffff, v4  }
0x4f2: {  	v3 =	vld.idx.msk [tilespmem:v2+s31+$0x0], $0xffff  }
0x4f3: {  	v7 =	vor.u32 $0x3, v2;
	v4 =	vld.idx.msk [tilespmem:v2+s29+$0x0], $0xffff  }
0x4f4: {  	v8 =	vld.idx.msk [tilespmem:v6+s29+$0x0], $0xffff  }
0x4f5: {  	v9 =	vor.u32 $0x4, v2;
	v6 =	vld.idx.msk [tilespmem:v6+s31+$0x0], $0xffff  }
0x4f6: {  	v10 =	vld.idx.msk [tilespmem:v53+s29+$0x0], $0xffff  }
0x4f7: {  	v11 =	vor.u32 $0x5, v2;
	v5 =	vld.idx.msk [tilespmem:v53+s31+$0x0], $0xffff  }
0x4f8: {  	v12 =	vld.idx.msk [tilespmem:v7+s29+$0x0], $0xffff;
	v3 =	vmul.f32 v3, v4  }
0x4f9: {  	v55 =	vor.u32 $0x6, v2;
	v54 =	vld.idx.msk [tilespmem:v7+s31+$0x0], $0xffff  }
0x4fa: {  	v13 =	vld.idx.msk [tilespmem:v9+s29+$0x0], $0xffff;
	v6 =	vmul.f32 v6, v8;
	v3 =	vadd.f32 $0.0e+00, v3  }
0x4fb: {  	v57 =	vor.u32 $0x7, v2;
	v56 =	vld.idx.msk [tilespmem:v9+s31+$0x0], $0xffff  }
0x4fc: {  	v14 =	vld.idx.msk [tilespmem:v11+s29+$0x0], $0xffff;
	v5 =	vmul.f32 v5, v10;
	v3 =	vadd.f32 v6, v3  }
0x4fd: {  	v59 =	vor.u32 $0x8, v2;
	v58 =	vld.idx.msk [tilespmem:v11+s31+$0x0], $0xffff  }
0x4fe: {  	v60 =	vld.idx.msk [tilespmem:v55+s29+$0x0], $0xffff;
	v4 =	vmul.f32 v54, v12;
	v3 =	vadd.f32 v5, v3  }
0x4ff: {  	v62 =	vor.u32 $0x9, v2;
	v61 =	vld.idx.msk [tilespmem:v55+s31+$0x0], $0xffff  }
0x500: {  	v63 =	vld.idx.msk [tilespmem:v57+s29+$0x0], $0xffff;
	v16 =	vmul.f32 v56, v13;
	v3 =	vadd.f32 v4, v3  }
0x501: {  	v18 =	vor.u32 $0xA, v2;
	v17 =	vld.idx.msk [tilespmem:v57+s31+$0x0], $0xffff  }
0x502: {  	v19 =	vld.idx.msk [tilespmem:v59+s29+$0x0], $0xffff;
	v20 =	vmul.f32 v58, v14;
	v3 =	vadd.f32 v16, v3  }
0x503: {  	v22 =	vor.u32 $0xB, v2;
	v21 =	vld.idx.msk [tilespmem:v59+s31+$0x0], $0xffff  }
0x504: {  	v23 =	vld.idx.msk [tilespmem:v62+s29+$0x0], $0xffff;
	v24 =	vmul.f32 v61, v60;
	v3 =	vadd.f32 v20, v3  }
0x505: {  	v26 =	vor.u32 $0xC, v2;
	v25 =	vld.idx.msk [tilespmem:v62+s31+$0x0], $0xffff  }
0x506: {  	v27 =	vld.idx.msk [tilespmem:v18+s29+$0x0], $0xffff;
	v28 =	vmul.f32 v17, v63;
	v3 =	vadd.f32 v24, v3  }
0x507: {  	v30 =	vor.u32 $0xD, v2;
	v29 =	vld.idx.msk [tilespmem:v18+s31+$0x0], $0xffff  }
0x508: {  	v31 =	vld.idx.msk [tilespmem:v22+s29+$0x0], $0xffff;
	v32 =	vmul.f32 v21, v19;
	v3 =	vadd.f32 v28, v3  }
0x509: {  	v34 =	vor.u32 $0xE, v2;
	v33 =	vld.idx.msk [tilespmem:v22+s31+$0x0], $0xffff  }
0x50a: {  	v35 =	vld.idx.msk [tilespmem:v26+s29+$0x0], $0xffff;
	v36 =	vmul.f32 v25, v23;
	v3 =	vadd.f32 v32, v3  }
0x50b: {  	v38 =	vor.u32 $0xF, v2;
	v37 =	vld.idx.msk [tilespmem:v26+s31+$0x0], $0xffff  }
0x50c: {  	v39 =	vld.idx.msk [tilespmem:v30+s29+$0x0], $0xffff;
	v40 =	vmul.f32 v29, v27;
	v3 =	vadd.f32 v36, v3  }
0x50d: {  	v42 =	vor.u32 $0x10, v2;
	v41 =	vld.idx.msk [tilespmem:v30+s31+$0x0], $0xffff  }
0x50e: {  	v43 =	vld.idx.msk [tilespmem:v34+s29+$0x0], $0xffff;
	v44 =	vmul.f32 v33, v31;
	v3 =	vadd.f32 v40, v3  }
0x50f: {  	v46 =	vor.u32 $0x11, v2;
	v45 =	vld.idx.msk [tilespmem:v34+s31+$0x0], $0xffff  }
0x510: {  	v47 =	vld.idx.msk [tilespmem:v38+s29+$0x0], $0xffff;
	v48 =	vmul.f32 v37, v35;
	v3 =	vadd.f32 v44, v3  }
0x511: {  	v50 =	vor.u32 $0x12, v2;
	v49 =	vld.idx.msk [tilespmem:v38+s31+$0x0], $0xffff  }
0x512: {  	v51 =	vld.idx.msk [tilespmem:v42+s29+$0x0], $0xffff;
	v52 =	vmul.f32 v41, v39;
	v3 =	vadd.f32 v48, v3  }
0x513: {  	v53 =	vld.idx.msk [tilespmem:v42+s31+$0x0], $0xffff;
	v54 =	vor.u32 $0x13, v2  }
0x514: {  	v55 =	vld.idx.msk [tilespmem:v46+s29+$0x0], $0xffff;
	v56 =	vmul.f32 v45, v43;
	v3 =	vadd.f32 v52, v3  }
0x515: {  	v57 =	vld.idx.msk [tilespmem:v46+s31+$0x0], $0xffff;
	v58 =	vor.u32 $0x14, v2  }
0x516: {  	v59 =	vld.idx.msk [tilespmem:v50+s29+$0x0], $0xffff;
	v60 =	vmul.f32 v49, v47;
	v3 =	vadd.f32 v56, v3  }
0x517: {  	v62 =	vor.u32 $0x15, v2;
	v61 =	vld.idx.msk [tilespmem:v50+s31+$0x0], $0xffff  }
0x518: {  	v63 =	vld.idx.msk [tilespmem:v54+s29+$0x0], $0xffff;
	v16 =	vmul.f32 v53, v51;
	v3 =	vadd.f32 v60, v3  }
0x519: {  	v18 =	vor.u32 $0x16, v2;
	v17 =	vld.idx.msk [tilespmem:v54+s31+$0x0], $0xffff  }
0x51a: {  	v19 =	vld.idx.msk [tilespmem:v58+s29+$0x0], $0xffff;
	v20 =	vmul.f32 v57, v55;
	v3 =	vadd.f32 v16, v3  }
0x51b: {  	v22 =	vor.u32 $0x17, v2;
	v21 =	vld.idx.msk [tilespmem:v58+s31+$0x0], $0xffff  }
0x51c: {  	v23 =	vld.idx.msk [tilespmem:v62+s29+$0x0], $0xffff;
	v24 =	vmul.f32 v61, v59;
	v3 =	vadd.f32 v20, v3  }
0x51d: {  	v26 =	vor.u32 $0x18, v2;
	v25 =	vld.idx.msk [tilespmem:v62+s31+$0x0], $0xffff  }
0x51e: {  	v27 =	vld.idx.msk [tilespmem:v18+s29+$0x0], $0xffff;
	v28 =	vmul.f32 v17, v63;
	v3 =	vadd.f32 v24, v3  }
0x51f: {  	v30 =	vor.u32 $0x19, v2;
	v29 =	vld.idx.msk [tilespmem:v18+s31+$0x0], $0xffff  }
0x520: {  	v31 =	vld.idx.msk [tilespmem:v22+s29+$0x0], $0xffff;
	v32 =	vmul.f32 v21, v19;
	v3 =	vadd.f32 v28, v3  }
0x521: {  	v34 =	vor.u32 $0x1A, v2;
	v33 =	vld.idx.msk [tilespmem:v22+s31+$0x0], $0xffff  }
0x522: {  	v35 =	vld.idx.msk [tilespmem:v26+s29+$0x0], $0xffff;
	v36 =	vmul.f32 v25, v23;
	v3 =	vadd.f32 v32, v3  }
0x523: {  	v38 =	vor.u32 $0x1B, v2;
	v37 =	vld.idx.msk [tilespmem:v26+s31+$0x0], $0xffff  }
0x524: {  	v39 =	vld.idx.msk [tilespmem:v30+s29+$0x0], $0xffff;
	v40 =	vmul.f32 v29, v27;
	v3 =	vadd.f32 v36, v3  }
0x525: {  	v42 =	vor.u32 $0x1C, v2;
	v41 =	vld.idx.msk [tilespmem:v30+s31+$0x0], $0xffff  }
0x526: {  	v43 =	vld.idx.msk [tilespmem:v34+s29+$0x0], $0xffff;
	v44 =	vmul.f32 v33, v31;
	v3 =	vadd.f32 v40, v3  }
0x527: {  	v46 =	vor.u32 $0x1D, v2;
	v45 =	vld.idx.msk [tilespmem:v34+s31+$0x0], $0xffff  }
0x528: {  	v47 =	vld.idx.msk [tilespmem:v38+s29+$0x0], $0xffff;
	v48 =	vmul.f32 v37, v35;
	v3 =	vadd.f32 v44, v3  }
0x529: {  	v49 =	vld.idx.msk [tilespmem:v38+s31+$0x0], $0xffff;
	v50 =	vor.u32 $0x1E, v2  }
0x52a: {  	v51 =	vld.idx.msk [tilespmem:v42+s29+$0x0], $0xffff;
	v52 =	vmul.f32 v41, v39;
	v3 =	vadd.f32 v48, v3  }
0x52b: {  	v2 =	vor.u32 $0x1F, v2;
	v53 =	vld.idx.msk [tilespmem:v42+s31+$0x0], $0xffff  }
0x52c: {  	v54 =	vld.idx.msk [tilespmem:v46+s29+$0x0], $0xffff;
	v55 =	vmul.f32 v45, v43;
	v3 =	vadd.f32 v52, v3  }
0x52d: {  	v56 =	vld.idx.msk [tilespmem:v46+s31+$0x0], $0xffff  }
0x52e: {  	v58 =	vmul.f32 v49, v47;
	v57 =	vld.idx.msk [tilespmem:v50+s29+$0x0], $0xffff;
	v3 =	vadd.f32 v55, v3  }
0x52f: {  	v59 =	vld.idx.msk [tilespmem:v50+s31+$0x0], $0xffff  }
0x530: {  	v61 =	vmul.f32 v53, v51;
	v60 =	vld.idx.msk [tilespmem:v2+s29+$0x0], $0xffff;
	v3 =	vadd.f32 v58, v3  }
0x531: {  	v2 =	vld.idx.msk [tilespmem:v2+s31+$0x0], $0xffff  }
0x532: {  	v62 =	vmul.f32 v56, v54;
	v3 =	vadd.f32 v61, v3;
	_ =	sdelay $0x1  }
0x533: {  	v63 =	vmul.f32 v59, v57;
	v3 =	vadd.f32 v62, v3  }
0x534: {  	v1 =	vshll.u32 v1, $0x3  }
0x535: {  	v2 =	vmul.f32 v2, v60;
	v3 =	vadd.f32 v63, v3;
	_ =	sdelay $0x1  }
0x536: {  	v2 =	vadd.f32 v2, v3;
	_ =	sdelay $0x1  }
0x537: {  	s17 =	rddreg [dreg:$0x10];
	[tilespmem:v1+s11+$0x0] =	vst.idx.msk $0xffff, v2  }
0x538: {  	[hbm4b:s17+s1] =	stream.strided.scatter [tilespmem:s29], [sflag:$0x5], $0x4000, s7, s1, $0x38;
	[tilespmem:$0x1C400] =	vst v63  }
0x539: {  	s20 =	rddreg [dreg:$0x11]  }
0x53a: {  	[hbm4b:s20+s1] =	stream.strided.scatter [tilespmem:s31], [sflag:$0x5], $0x4000, s7, s1, $0x38;
	[tilespmem:$0x1C400] =	vst v63  }
0x53b: {  	s21 =	rddreg [dreg:$0x12]  }
0x53c: {  	[hbm4b:s21+s8] =	stream.strided.scatter [tilespmem:s11], [sflag:$0x5], $0x1000, s7, s8, $0x38;
	[tilespmem:$0x1C400] =	vst v63  }
0x53d: {  	_ =	swait.ge [sflag:s15], $0x4000  }
0x53e: {  	[sflag:s15] =	ssyncset.done $0x0  }
0x53f: {  	[sflag:s15] =	ssyncadd.s32 $0xFFFFC000  }
0x540: {  	_ =	swait.ge [sflag:s15], $0x4000  }
0x541: {  	[sflag:s15] =	ssyncset.done $0x0  }
0x542: {  	[sflag:s15] =	ssyncadd.s32 $0xFFFFC000  }
0x543: {  	_ =	swait.ge [sflag:s15], $0x1000  }
0x544: {  	[sflag:s15] =	ssyncset.done $0x0  }
0x545: {  	[sflag:s15] =	ssyncadd.s32 $0xFFFFF000  }
0x546: {  	_ =	swait.ge [sflag:s10], $0x4000  }
0x547: {  	[sflag:s10] =	ssyncset.done $0x0  }
0x548: {  	[sflag:s10] =	ssyncadd.s32 $0xFFFFC000  }
0x549: {  	_ =	swait.ge [sflag:s10], $0x4000  }
0x54a: {  	[sflag:s10] =	ssyncset.done $0x0  }
0x54b: {  	[sflag:s10] =	ssyncadd.s32 $0xFFFFC000  }
0x54c: {  	_ =	swait.ge [sflag:s10], $0x1000  }
0x54d: {  	[sflag:s10] =	ssyncset.done $0x0  }
0x54e: {  	[sflag:s10] =	ssyncadd.s32 $0xFFFFF000  }
0x54f: {  	_ =	swait.ge [sflag:s13], $0x4000  }
0x550: {  	[sflag:s13] =	ssyncset.done $0x0  }
0x551: {  	[sflag:s13] =	ssyncadd.s32 $0xFFFFC000  }
0x552: {  	_ =	swait.ge [sflag:s13], $0x4000  }
0x553: {  	[sflag:s13] =	ssyncset.done $0x0  }
0x554: {  	[sflag:s13] =	ssyncadd.s32 $0xFFFFC000  }
0x555: {  	_ =	swait.ge [sflag:s13], $0x1000  }
0x556: {  	s16 =	sadd.s32 $0x1, s16;
	s22 =	rddreg [dreg:$0x13]  }
0x557: {  	p0 =	sne.s32 s16, s22  }
.Ltmp5:
0x558: {  	_ = 	snop;
	(pc) =	sbr.rel @p0 .LBB2_1-.Ltmp5, $3  }
0x559: {  	_ =	sdelay $0x1  }
0x55a: {  	[sflag:s13] =	ssyncset.done $0x0  }
0x55b: {  	[sflag:s13] =	ssyncadd.s32 $0xFFFFF000  }
0x55c: {  	_ =	sfence.sel $0x180000  }
0x55d: {  	[bflag:$0x0] =	sbarrier.arrive $0xFFFF  }
0x55e: {  	_ =	strace $0x90000047  }
0x55f: {  	s0 =	stileid.u32;
	[bflag:$0x2] =	sbarrier.arrive $0xFFFF  }
0x560: {  	p0 =	sne.s32 s0, $0x0;
	s0 =	rddreg [dreg:$0x2]  }
0x561: {  	s0 =	sadd.s32 @!p0 $0x100000, s0  }
0x562: {  	[sflag:s0] =	ssyncadd.tile.s32 @!p0 $0x1;
	_ =	shalt  }
.Lfunc_end2:
_tile_overlayer_lowered:
.L_overlay_start_2:
0x563: {  	(tag) =	ssettag $0x2  }
0x564: {  	s0 =	rddreg [dreg:$0x0];
	s2 =	stileid.u32  }
0x565: {  	s1 =	rddreg [dreg:$0x1];
	p0 =	sne.s32 s2, $0x0  }
0x566: {  	s3 =	rddreg [dreg:$0x2];
	[bflag:$0x3] =	sbarrier.arrive $0xFFFF;
	s2 =	simm.s32 @!p0 $0x1C07  }
0x567: {  	[timem:s3], [sflag:s2] =	dma.local @!p0 [hbm:s0], s1  }
0x568: {  	s0 =	simm.s32 @!p0 $0x7  }
0x569: {  	_ =	swait.ge @!p0 [sflag:s0], s1  }
0x56a: {  	s1 =	ssub.s32 @!p0 $0x0, s1;
	[sflag:s0] =	ssyncset.done @!p0 $0x0  }
0x56b: {  	[sflag:s0] =	ssyncadd.s32 @!p0 s1  }
0x56c: {  	[bflag:$0x3] =	sbarrier.arrive $0xFFFF  }
0x56d: {  	_ =	shalt  }

</sc_bundles>
